<compile_context>
chip_gen: v7x
topology: tpu7x:2x2x1
jax: 0.10.2.dev20260603
libtpu: 0.0.44.dev20260713+nightly
codegen_flags: <defaults>
</compile_context>

<pallas_src>
import functools

import jax
import jax.numpy as jnp
from jax import lax
from jax.experimental import pallas as pl
from jax.experimental.pallas import tpu as pltpu
from jax.experimental.pallas import tpu_sc as plsc

N = 10000
E = 320000
D = 128

NC, NS = 2, 16
CH = 128
PC = 40
NPH = 4
NCHUNK = PC * NPH
EPW = NCHUNK * CH
EP = EPW * NS
NPAD = 10240
STR = NPAD // NS

BR = 1000
G = N // BR



def _make_sc_body(with_counts):
    def body(*args):
        if with_counts:
            (sx, srcr, dstr, part, cnt,
             acc_sh, cnt_sh, srcv, dstv, rows, zcnt, ones_v,
             sem0, sem1, sem2) = args
        else:
            (sx, srcr, dstr, part, acc_sh, srcv, dstv, rows, sem0, sem1) = args
        c = lax.axis_index("c")
        s = lax.axis_index("s")
        sems = (sem0, sem1)

        zb = rows.at[0]

        def _zrow(r, carry):
            for k in range(D // 16):
                zb[r, pl.ds(k * 16, 16)] = jnp.zeros((16,), jnp.float32)
            return carry

        lax.fori_loop(0, CH, _zrow, 0)
        base = s * STR
        for k in range(STR // CH):
            pltpu.sync_copy(zb, acc_sh.at[pl.ds(base + k * CH, CH)])
        if with_counts:
            def _zc(i, carry):
                zcnt[pl.ds(i * 16, 16)] = jnp.zeros((16,), jnp.float32)
                return carry

            lax.fori_loop(0, STR // 16, _zc, 0)
            for k in range(CH // 16):
                ones_v[pl.ds(k * 16, 16)] = jnp.ones((16,), jnp.float32)
            pltpu.sync_copy(zcnt, cnt_sh.at[pl.ds(base, STR)])
        plsc.subcore_barrier()

        def _scatter(j, b):
            pltpu.make_async_copy(sx.at[pl.ds(0, CH)], rows.at[b],
                                  sems[b]).wait()
            if with_counts:
                pltpu.async_copy(ones_v, cnt_sh.at[dstv.at[j]], sem2, add=True)
            pltpu.sync_copy(rows.at[b], acc_sh.at[dstv.at[j]], add=True)

        for p in range(NPH):
            off = p * PC
            pltpu.sync_copy(srcr.at[c, s, pl.ds(off, PC)], srcv)
            pltpu.sync_copy(dstr.at[c, s, pl.ds(off, PC)], dstv)
            pltpu.async_copy(sx.at[srcv.at[0]], rows.at[0], sem0)
            pltpu.async_copy(sx.at[srcv.at[1]], rows.at[1], sem1)

            def _pair(jj, carry):
                for b in range(2):
                    j = jj * 2 + b
                    _scatter(j, b)
                    nxt = j + 2

                    @pl.when(nxt < PC)
                    def _():
                        pltpu.async_copy(sx.at[srcv.at[nxt]], rows.at[b],
                                         sems[b])
                return carry

            lax.fori_loop(0, PC // 2, _pair, 0)
            if with_counts:
                pltpu.make_async_copy(srcr.at[c, s, pl.ds(0, PC)],
                                      srcv, sem2).wait()

        plsc.subcore_barrier()

        pltpu.sync_copy(acc_sh.at[pl.ds(base, STR)],
                        part.at[c, pl.ds(base, STR)])
        if with_counts:
            pltpu.sync_copy(cnt_sh.at[pl.ds(base, STR)],
                            cnt.at[c, pl.ds(base, STR)])

    return body


@functools.cache
def _sc_scatter_kernel(with_counts):
    out_type = [jax.ShapeDtypeStruct((NC, NPAD, D), jnp.float32)]
    scratch = [pltpu.VMEM_SHARED((NPAD, D), jnp.float32)]
    if with_counts:
        out_type.append(jax.ShapeDtypeStruct((NC, NPAD), jnp.float32))
        scratch.append(pltpu.VMEM_SHARED((NPAD,), jnp.float32))
    scratch += [
        pltpu.VMEM((PC, CH), jnp.int32),
        pltpu.VMEM((PC, CH), jnp.int32),
        pltpu.VMEM((2, CH, D), jnp.float32),
    ]
    if with_counts:
        scratch += [
            pltpu.VMEM((STR,), jnp.float32),
            pltpu.VMEM((CH,), jnp.float32),
        ]
    scratch += [pltpu.SemaphoreType.DMA, pltpu.SemaphoreType.DMA]
    if with_counts:
        scratch.append(pltpu.SemaphoreType.DMA)
    return pl.kernel(
        _make_sc_body(with_counts),
        out_type=tuple(out_type),
        mesh=plsc.VectorSubcoreMesh(core_axis_name="c", subcore_axis_name="s",
                                    num_cores=NC, num_subcores=NS),
        scratch_types=tuple(scratch),
    )


def _sc_scatter(sx, src, dst):
    return _sc_scatter_kernel(True)(sx, src, dst)


def _sc_scatter_nc(sx, src, dst):
    return _sc_scatter_kernel(False)(sx, src, dst)[0]



def _lin1_body(xa, xb, wsab, wtab, wsba, wtba, sxp, txab, txba):
    a = xa[...]
    b = xb[...]
    sxp[0] = jnp.dot(a, wsab[...], preferred_element_type=jnp.float32)
    sxp[1] = jnp.dot(b, wsba[...], preferred_element_type=jnp.float32)
    txab[...] = jnp.dot(b, wtab[...], preferred_element_type=jnp.float32)
    txba[...] = jnp.dot(a, wtba[...], preferred_element_type=jnp.float32)


def _comb_body(part, cnt, txab, txba, wsab, wtab, wsba, wtba,
               sxp2, tx2ab, tx2ba):
    hb = jnp.maximum(
        txab[...] + part[0] / jnp.maximum(cnt[0], 1.0), 0.0)
    ha = jnp.maximum(
        txba[...] + part[1] / jnp.maximum(cnt[1], 1.0), 0.0)
    sxp2[0] = jnp.dot(ha, wsab[...], preferred_element_type=jnp.float32)
    sxp2[1] = jnp.dot(hb, wsba[...], preferred_element_type=jnp.float32)
    tx2ab[...] = jnp.dot(hb, wtab[...], preferred_element_type=jnp.float32)
    tx2ba[...] = jnp.dot(ha, wtba[...], preferred_element_type=jnp.float32)


def _fin_body(part, cnt, txab, txba, wla, wlb, ha_o, hb_o, oa, ob):
    hb = jnp.maximum(
        txab[...] + part[0] / jnp.maximum(cnt[0], 1.0), 0.0)
    ha = jnp.maximum(
        txba[...] + part[1] / jnp.maximum(cnt[1], 1.0), 0.0)
    ha_o[...] = ha
    hb_o[...] = hb
    oa[...] = jnp.dot(ha, wla[...], preferred_element_type=jnp.float32)
    ob[...] = jnp.dot(hb, wlb[...], preferred_element_type=jnp.float32)


_row_spec = pl.BlockSpec((BR, D), lambda i: (i, 0))
_w_spec = pl.BlockSpec((D, D), lambda i: (0, 0))
_pair_spec = pl.BlockSpec((NC, BR, D), lambda i: (0, i, 0))
_cnt_spec = pl.BlockSpec((NC, BR, 1), lambda i: (0, i, 0))

_lin1 = pl.pallas_call(
    _lin1_body,
    grid=(G,),
    in_specs=[_row_spec, _row_spec, _w_spec, _w_spec, _w_spec, _w_spec],
    out_specs=[_pair_spec, _row_spec, _row_spec],
    out_shape=[jax.ShapeDtypeStruct((NC, N, D), jnp.float32),
               jax.ShapeDtypeStruct((N, D), jnp.float32),
               jax.ShapeDtypeStruct((N, D), jnp.float32)],
)

_comb = pl.pallas_call(
    _comb_body,
    grid=(G,),
    in_specs=[_pair_spec, _cnt_spec, _row_spec, _row_spec,
              _w_spec, _w_spec, _w_spec, _w_spec],
    out_specs=[_pair_spec, _row_spec, _row_spec],
    out_shape=[jax.ShapeDtypeStruct((NC, N, D), jnp.float32),
               jax.ShapeDtypeStruct((N, D), jnp.float32),
               jax.ShapeDtypeStruct((N, D), jnp.float32)],
)

_fin = pl.pallas_call(
    _fin_body,
    grid=(G,),
    in_specs=[_pair_spec, _cnt_spec, _row_spec, _row_spec,
              pl.BlockSpec((D, 1), lambda i: (0, 0)),
              pl.BlockSpec((D, 1), lambda i: (0, 0))],
    out_specs=[_row_spec, _row_spec,
               pl.BlockSpec((BR, 1), lambda i: (i, 0)),
               pl.BlockSpec((BR, 1), lambda i: (i, 0))],
    out_shape=[jax.ShapeDtypeStruct((N, D), jnp.float32),
               jax.ShapeDtypeStruct((N, D), jnp.float32),
               jax.ShapeDtypeStruct((N, 1), jnp.float32),
               jax.ShapeDtypeStruct((N, 1), jnp.float32)],
)


def _prep_edges(edge_ab, edge_ba):
    npad = EP - E

    def one(edge, sbase):
        pad_src = sbase + lax.iota(jnp.int32, npad) % N
        pad_dst = N + (lax.iota(jnp.int32, npad) % 16)
        src = jnp.concatenate([edge[0] + sbase, pad_src])
        dst = jnp.concatenate([edge[1], pad_dst])
        return (src.reshape(NS, NCHUNK, CH), dst.reshape(NS, NCHUNK, CH))

    sab, dab = one(edge_ab, 0)
    sba, dba = one(edge_ba, N)
    return jnp.stack([sab, sba]), jnp.stack([dab, dba])


def kernel(x_a, x_b, edge_ab, edge_ba, W_src1_ab, W_tgt1_ab, W_src1_ba,
           W_tgt1_ba, W_src2_ab, W_tgt2_ab, W_src2_ba, W_tgt2_ba,
           W_lin_a, W_lin_b, b_lin_a, b_lin_b):
    srcr, dstr = _prep_edges(edge_ab, edge_ba)

    sxp1, tx1ab, tx1ba = _lin1(
        x_a, x_b, W_src1_ab, W_tgt1_ab, W_src1_ba, W_tgt1_ba)
    part1, cnt = _sc_scatter(sxp1.reshape(NC * N, D), srcr, dstr)
    cnt3 = cnt.reshape(NC, NPAD, 1)

    sxp2, tx2ab, tx2ba = _comb(part1, cnt3, tx1ab, tx1ba,
                               W_src2_ab, W_tgt2_ab, W_src2_ba, W_tgt2_ba)
    part2 = _sc_scatter_nc(sxp2.reshape(NC * N, D), srcr, dstr)

    ha, hb, oa, ob = _fin(part2, cnt3, tx2ab, tx2ba, W_lin_a, W_lin_b)
    return ha, hb, oa + b_lin_a, ob + b_lin_b

# --- scband reference (transcript-rebuilt; emitter-appended) ---
"""Pipeline reference for scband-hetero-sage-16767552323881 (READ-ONLY COPY).

The authoritative reference and input builder live on the scoring server;
editing this copy changes nothing except your own understanding.
"""

import jax, jax.numpy as jnp
import numpy as np

N_A = 10000
N_B = 10000
E = 320000
D = 128
H = 128

def _glorot(key, shape):
    fan_in, fan_out = shape[0], shape[1]
    lim = (6.0 / (fan_in + fan_out)) ** 0.5
    return jax.random.uniform(key, shape, minval=-lim, maxval=lim, dtype=jnp.float32)

def setup_inputs(seed: int = 0):
    key = jax.random.key(seed)
    ks = jax.random.split(key, 20)
    inp = {}
    inp['x_a'] = jax.random.normal(ks[0], (N_A, D), dtype=jnp.float32)
    inp['x_b'] = jax.random.normal(ks[1], (N_B, D), dtype=jnp.float32)
    inp['edge_ab'] = jax.random.randint(ks[2], (2, E), 0, N_A, dtype=jnp.int32)
    inp['edge_ba'] = jax.random.randint(ks[3], (2, E), 0, N_B, dtype=jnp.int32)
    names = ['W_src1_ab', 'W_tgt1_ab', 'W_src1_ba', 'W_tgt1_ba', 'W_src2_ab', 'W_tgt2_ab', 'W_src2_ba', 'W_tgt2_ba']
    dims = [(D, H), (D, H), (D, H), (D, H), (H, H), (H, H), (H, H), (H, H)]
    for i, (n, s) in enumerate(zip(names, dims)):
        inp[n] = _glorot(ks[4 + i], s)
    inp['W_lin_a'] = _glorot(ks[12], (H, 1))
    inp['W_lin_b'] = _glorot(ks[13], (H, 1))
    inp['b_lin_a'] = jnp.zeros((1,), dtype=jnp.float32)
    inp['b_lin_b'] = jnp.zeros((1,), dtype=jnp.float32)
    return inp

def _segment_mean(vals, idx, n):
    s = jax.ops.segment_sum(vals, idx, num_segments=n)
    cnt = jax.ops.segment_sum(jnp.ones((idx.shape[0],), dtype=vals.dtype), idx, num_segments=n)
    return s / jnp.maximum(cnt, 1.0)[:, None]

def _conv(xa, xb, edge_ab, edge_ba, Wsab, Wtab, Wsba, Wtba):
    # relation a -> b (source=a, target=b)
    sx_ab = xa @ Wsab
    tx_ab = xb @ Wtab
    msg_ab = jnp.take(sx_ab, edge_ab[0], axis=0)
    hb = tx_ab + _segment_mean(msg_ab, edge_ab[1], xb.shape[0])
    # relation b -> a (source=b, target=a)
    sx_ba = xb @ Wsba
    tx_ba = xa @ Wtba
    msg_ba = jnp.take(sx_ba, edge_ba[0], axis=0)
    ha = tx_ba + _segment_mean(msg_ba, edge_ba[1], xa.shape[0])
    # div[k] == 1 for each target type; (v / 1).relu(); ReLU flag is False so no second relu
    return jax.nn.relu(ha), jax.nn.relu(hb)

def reference(x_a, x_b, edge_ab, edge_ba, W_src1_ab, W_tgt1_ab, W_src1_ba, W_tgt1_ba, W_src2_ab, W_tgt2_ab, W_src2_ba, W_tgt2_ba, W_lin_a, W_lin_b, b_lin_a, b_lin_b):
    ha, hb = _conv(x_a, x_b, edge_ab, edge_ba, W_src1_ab, W_tgt1_ab, W_src1_ba, W_tgt1_ba)
    ha, hb = _conv(ha, hb, edge_ab, edge_ba, W_src2_ab, W_tgt2_ab, W_src2_ba, W_tgt2_ba)
    out_a = ha @ W_lin_a + b_lin_a
    out_b = hb @ W_lin_b + b_lin_b
    return (ha, hb, out_a, out_b)

if __name__ == "__main__":
    import jax
    _d = setup_inputs()
    print(jax.jit(kernel)(*tuple(_d.values())))

</pallas_src>

<mosaic_0001>
#map = affine_map<(d0, d1) -> (0, 0)>
#map1 = affine_map<(d0, d1) -> (0, 0, 0, 0)>
#map2 = affine_map<(d0, d1) -> (0, 0, 0)>
module attributes {stable_mosaic.version = 14 : i64} {
  func.func @body(%arg0: i32, %arg1: i32, %arg2: memref<20000x128xf32, #tpu.memory_space<hbm>>, %arg3: memref<2x16x160x128xi32, #tpu.memory_space<hbm>>, %arg4: memref<2x16x160x128xi32, #tpu.memory_space<hbm>>, %arg5: memref<2x10240x128xf32, #tpu.memory_space<hbm>>, %arg6: memref<2x10240xf32, #tpu.memory_space<hbm>>, %arg7: memref<10240x128xf32, #tpu.memory_space<vmem_shared>>, %arg8: memref<10240xf32, #tpu.memory_space<vmem_shared>>, %arg9: memref<40x128xi32, #tpu.memory_space<vmem>>, %arg10: memref<40x128xi32, #tpu.memory_space<vmem>>, %arg11: memref<2x128x128xf32, #tpu.memory_space<vmem>>, %arg12: memref<640xf32, #tpu.memory_space<vmem>>, %arg13: memref<128xf32, #tpu.memory_space<vmem>>, %arg14: memref<!tpu.dma_semaphore, #tpu.memory_space<semaphore_mem>>, %arg15: memref<!tpu.dma_semaphore, #tpu.memory_space<semaphore_mem>>, %arg16: memref<!tpu.dma_semaphore, #tpu.memory_space<semaphore_mem>>) attributes {dimension_semantics = [#tpu.dimension_semantics<core_parallel>, #tpu.dimension_semantics<subcore_parallel>], iteration_bounds = array<i64: 2, 16>, scalar_prefetch = 0 : i64, scratch_operands = 10 : i64, tpu.core_type = #tpu.core_type<sc_vector_subcore>, window_params = [{transform_indices = #map}, {transform_indices = #map1}, {transform_indices = #map1}, {transform_indices = #map2}, {transform_indices = #map}]} {
    %scan3A = arith.constant 0 : i32
    %scan3A_0 = arith.constant 0 : i32
    %scan3A_1 = arith.constant 0 : i32
    %scan3A_2 = arith.constant 128 : i32
    %scan3A_3 = arith.addi %scan3A_1, %scan3A_2 : i32
    %scan3A_4 = arith.constant 1 : i32
    scf.for %scan3A_223 = %scan3A_1 to %scan3A_3 step %scan3A_4  : i32 {
      %broadcast_in_dim3A_224 = arith.constant 0.000000e+00 : f32
      %broadcast_in_dim3A_225 = vector.broadcast %broadcast_in_dim3A_224 : f32 to vector<16xf32>
      %swap3A_226 = arith.constant 0 : i32
      %swap3A_227 = arith.constant 0 : i32
      %swap3A_228 = tpu.memref_slice %arg11[%scan3A_0, %swap3A_226, %swap3A_227] : memref<2x128x128xf32, #tpu.memory_space<vmem>> -> memref<1x128x128xf32, #tpu.memory_space<vmem>>
      %swap3A_229 = tpu.memref_squeeze %swap3A_228 : memref<1x128x128xf32, #tpu.memory_space<vmem>> -> memref<128x128xf32, #tpu.memory_space<vmem>>
      %swap3A_230 = arith.index_cast %scan3A_223 : i32 to index
      %swap3A_231 = arith.constant 0 : index
      %swap3A_232 = tpu.vector_load %swap3A_229[%swap3A_230, %swap3A_231] {strides = array<i32>} : memref<128x128xf32, #tpu.memory_space<vmem>>, vector<1x16xf32>,
      %swap3A_233 = vector.shape_cast %swap3A_232 : vector<1x16xf32> to vector<16xf32>
      %swap3A_234 = vector.shape_cast %broadcast_in_dim3A_225 : vector<16xf32> to vector<1x16xf32>
      tpu.vector_store %swap3A_229[%swap3A_230, %swap3A_231], %swap3A_234 {strides = array<i32>} : memref<128x128xf32, #tpu.memory_space<vmem>>, vector<1x16xf32>,
      %broadcast_in_dim3A_235 = arith.constant 0.000000e+00 : f32
      %broadcast_in_dim3A_236 = vector.broadcast %broadcast_in_dim3A_235 : f32 to vector<16xf32>
      %swap3A_237 = arith.constant 0 : i32
      %swap3A_238 = arith.constant 0 : i32
      %swap3A_239 = tpu.memref_slice %arg11[%scan3A_0, %swap3A_237, %swap3A_238] : memref<2x128x128xf32, #tpu.memory_space<vmem>> -> memref<1x128x128xf32, #tpu.memory_space<vmem>>
      %swap3A_240 = tpu.memref_squeeze %swap3A_239 : memref<1x128x128xf32, #tpu.memory_space<vmem>> -> memref<128x128xf32, #tpu.memory_space<vmem>>
      %swap3A_241 = arith.index_cast %scan3A_223 : i32 to index
      %swap3A_242 = arith.constant 16 : index
      %swap3A_243 = tpu.vector_load %swap3A_240[%swap3A_241, %swap3A_242] {strides = array<i32>} : memref<128x128xf32, #tpu.memory_space<vmem>>, vector<1x16xf32>,
      %swap3A_244 = vector.shape_cast %swap3A_243 : vector<1x16xf32> to vector<16xf32>
      %swap3A_245 = vector.shape_cast %broadcast_in_dim3A_236 : vector<16xf32> to vector<1x16xf32>
      tpu.vector_store %swap3A_240[%swap3A_241, %swap3A_242], %swap3A_245 {strides = array<i32>} : memref<128x128xf32, #tpu.memory_space<vmem>>, vector<1x16xf32>,
      %broadcast_in_dim3A_246 = arith.constant 0.000000e+00 : f32
      %broadcast_in_dim3A_247 = vector.broadcast %broadcast_in_dim3A_246 : f32 to vector<16xf32>
      %swap3A_248 = arith.constant 0 : i32
      %swap3A_249 = arith.constant 0 : i32
      %swap3A_250 = tpu.memref_slice %arg11[%scan3A_0, %swap3A_248, %swap3A_249] : memref<2x128x128xf32, #tpu.memory_space<vmem>> -> memref<1x128x128xf32, #tpu.memory_space<vmem>>
      %swap3A_251 = tpu.memref_squeeze %swap3A_250 : memref<1x128x128xf32, #tpu.memory_space<vmem>> -> memref<128x128xf32, #tpu.memory_space<vmem>>
      %swap3A_252 = arith.index_cast %scan3A_223 : i32 to index
      %swap3A_253 = arith.constant 32 : index
      %swap3A_254 = tpu.vector_load %swap3A_251[%swap3A_252, %swap3A_253] {strides = array<i32>} : memref<128x128xf32, #tpu.memory_space<vmem>>, vector<1x16xf32>,
      %swap3A_255 = vector.shape_cast %swap3A_254 : vector<1x16xf32> to vector<16xf32>
      %swap3A_256 = vector.shape_cast %broadcast_in_dim3A_247 : vector<16xf32> to vector<1x16xf32>
      tpu.vector_store %swap3A_251[%swap3A_252, %swap3A_253], %swap3A_256 {strides = array<i32>} : memref<128x128xf32, #tpu.memory_space<vmem>>, vector<1x16xf32>,
      %broadcast_in_dim3A_257 = arith.constant 0.000000e+00 : f32
      %broadcast_in_dim3A_258 = vector.broadcast %broadcast_in_dim3A_257 : f32 to vector<16xf32>
      %swap3A_259 = arith.constant 0 : i32
      %swap3A_260 = arith.constant 0 : i32
      %swap3A_261 = tpu.memref_slice %arg11[%scan3A_0, %swap3A_259, %swap3A_260] : memref<2x128x128xf32, #tpu.memory_space<vmem>> -> memref<1x128x128xf32, #tpu.memory_space<vmem>>
      %swap3A_262 = tpu.memref_squeeze %swap3A_261 : memref<1x128x128xf32, #tpu.memory_space<vmem>> -> memref<128x128xf32, #tpu.memory_space<vmem>>
      %swap3A_263 = arith.index_cast %scan3A_223 : i32 to index
      %swap3A_264 = arith.constant 48 : index
      %swap3A_265 = tpu.vector_load %swap3A_262[%swap3A_263, %swap3A_264] {strides = array<i32>} : memref<128x128xf32, #tpu.memory_space<vmem>>, vector<1x16xf32>,
      %swap3A_266 = vector.shape_cast %swap3A_265 : vector<1x16xf32> to vector<16xf32>
      %swap3A_267 = vector.shape_cast %broadcast_in_dim3A_258 : vector<16xf32> to vector<1x16xf32>
      tpu.vector_store %swap3A_262[%swap3A_263, %swap3A_264], %swap3A_267 {strides = array<i32>} : memref<128x128xf32, #tpu.memory_space<vmem>>, vector<1x16xf32>,
      %broadcast_in_dim3A_268 = arith.constant 0.000000e+00 : f32
      %broadcast_in_dim3A_269 = vector.broadcast %broadcast_in_dim3A_268 : f32 to vector<16xf32>
      %swap3A_270 = arith.constant 0 : i32
      %swap3A_271 = arith.constant 0 : i32
      %swap3A_272 = tpu.memref_slice %arg11[%scan3A_0, %swap3A_270, %swap3A_271] : memref<2x128x128xf32, #tpu.memory_space<vmem>> -> memref<1x128x128xf32, #tpu.memory_space<vmem>>
      %swap3A_273 = tpu.memref_squeeze %swap3A_272 : memref<1x128x128xf32, #tpu.memory_space<vmem>> -> memref<128x128xf32, #tpu.memory_space<vmem>>
      %swap3A_274 = arith.index_cast %scan3A_223 : i32 to index
      %swap3A_275 = arith.constant 64 : index
      %swap3A_276 = tpu.vector_load %swap3A_273[%swap3A_274, %swap3A_275] {strides = array<i32>} : memref<128x128xf32, #tpu.memory_space<vmem>>, vector<1x16xf32>,
      %swap3A_277 = vector.shape_cast %swap3A_276 : vector<1x16xf32> to vector<16xf32>
      %swap3A_278 = vector.shape_cast %broadcast_in_dim3A_269 : vector<16xf32> to vector<1x16xf32>
      tpu.vector_store %swap3A_273[%swap3A_274, %swap3A_275], %swap3A_278 {strides = array<i32>} : memref<128x128xf32, #tpu.memory_space<vmem>>, vector<1x16xf32>,
      %broadcast_in_dim3A_279 = arith.constant 0.000000e+00 : f32
      %broadcast_in_dim3A_280 = vector.broadcast %broadcast_in_dim3A_279 : f32 to vector<16xf32>
      %swap3A_281 = arith.constant 0 : i32
      %swap3A_282 = arith.constant 0 : i32
      %swap3A_283 = tpu.memref_slice %arg11[%scan3A_0, %swap3A_281, %swap3A_282] : memref<2x128x128xf32, #tpu.memory_space<vmem>> -> memref<1x128x128xf32, #tpu.memory_space<vmem>>
      %swap3A_284 = tpu.memref_squeeze %swap3A_283 : memref<1x128x128xf32, #tpu.memory_space<vmem>> -> memref<128x128xf32, #tpu.memory_space<vmem>>
      %swap3A_285 = arith.index_cast %scan3A_223 : i32 to index
      %swap3A_286 = arith.constant 80 : index
      %swap3A_287 = tpu.vector_load %swap3A_284[%swap3A_285, %swap3A_286] {strides = array<i32>} : memref<128x128xf32, #tpu.memory_space<vmem>>, vector<1x16xf32>,
      %swap3A_288 = vector.shape_cast %swap3A_287 : vector<1x16xf32> to vector<16xf32>
      %swap3A_289 = vector.shape_cast %broadcast_in_dim3A_280 : vector<16xf32> to vector<1x16xf32>
      tpu.vector_store %swap3A_284[%swap3A_285, %swap3A_286], %swap3A_289 {strides = array<i32>} : memref<128x128xf32, #tpu.memory_space<vmem>>, vector<1x16xf32>,
      %broadcast_in_dim3A_290 = arith.constant 0.000000e+00 : f32
      %broadcast_in_dim3A_291 = vector.broadcast %broadcast_in_dim3A_290 : f32 to vector<16xf32>
      %swap3A_292 = arith.constant 0 : i32
      %swap3A_293 = arith.constant 0 : i32
      %swap3A_294 = tpu.memref_slice %arg11[%scan3A_0, %swap3A_292, %swap3A_293] : memref<2x128x128xf32, #tpu.memory_space<vmem>> -> memref<1x128x128xf32, #tpu.memory_space<vmem>>
      %swap3A_295 = tpu.memref_squeeze %swap3A_294 : memref<1x128x128xf32, #tpu.memory_space<vmem>> -> memref<128x128xf32, #tpu.memory_space<vmem>>
      %swap3A_296 = arith.index_cast %scan3A_223 : i32 to index
      %swap3A_297 = arith.constant 96 : index
      %swap3A_298 = tpu.vector_load %swap3A_295[%swap3A_296, %swap3A_297] {strides = array<i32>} : memref<128x128xf32, #tpu.memory_space<vmem>>, vector<1x16xf32>,
      %swap3A_299 = vector.shape_cast %swap3A_298 : vector<1x16xf32> to vector<16xf32>
      %swap3A_300 = vector.shape_cast %broadcast_in_dim3A_291 : vector<16xf32> to vector<1x16xf32>
      tpu.vector_store %swap3A_295[%swap3A_296, %swap3A_297], %swap3A_300 {strides = array<i32>} : memref<128x128xf32, #tpu.memory_space<vmem>>, vector<1x16xf32>,
      %broadcast_in_dim3A_301 = arith.constant 0.000000e+00 : f32
      %broadcast_in_dim3A_302 = vector.broadcast %broadcast_in_dim3A_301 : f32 to vector<16xf32>
      %swap3A_303 = arith.constant 0 : i32
      %swap3A_304 = arith.constant 0 : i32
      %swap3A_305 = tpu.memref_slice %arg11[%scan3A_0, %swap3A_303, %swap3A_304] : memref<2x128x128xf32, #tpu.memory_space<vmem>> -> memref<1x128x128xf32, #tpu.memory_space<vmem>>
      %swap3A_306 = tpu.memref_squeeze %swap3A_305 : memref<1x128x128xf32, #tpu.memory_space<vmem>> -> memref<128x128xf32, #tpu.memory_space<vmem>>
      %swap3A_307 = arith.index_cast %scan3A_223 : i32 to index
      %swap3A_308 = arith.constant 112 : index
      %swap3A_309 = tpu.vector_load %swap3A_306[%swap3A_307, %swap3A_308] {strides = array<i32>} : memref<128x128xf32, #tpu.memory_space<vmem>>, vector<1x16xf32>,
      %swap3A_310 = vector.shape_cast %swap3A_309 : vector<1x16xf32> to vector<16xf32>
      %swap3A_311 = vector.shape_cast %broadcast_in_dim3A_302 : vector<16xf32> to vector<1x16xf32>
      tpu.vector_store %swap3A_306[%swap3A_307, %swap3A_308], %swap3A_311 {strides = array<i32>} : memref<128x128xf32, #tpu.memory_space<vmem>>, vector<1x16xf32>,
    }
    %scan3A_5 = arith.constant 128 : i32
    %mul3A = arith.constant 640 : i32
    %mul3A_6 = arith.muli %arg1, %mul3A : i32
    %add3A = arith.constant 0 : i32
    %add3A_7 = arith.addi %mul3A_6, %add3A : i32
    %run_scoped3A = arith.constant 0 : i32
    "tpu.region"() ({
      %run_scoped3A_223 = tpu.sem_alloc : memref<!tpu.dma_semaphore, #tpu.memory_space<semaphore_mem>>
      %dma_start3A_224 = arith.constant 0 : i32
      %dma_start3A_225 = arith.constant 0 : i32
      %dma_start3A_226 = tpu.memref_slice %arg11[%run_scoped3A, %dma_start3A_224, %dma_start3A_225] : memref<2x128x128xf32, #tpu.memory_space<vmem>> -> memref<1x128x128xf32, #tpu.memory_space<vmem>>
      %dma_start3A_227 = tpu.memref_squeeze %dma_start3A_226 : memref<1x128x128xf32, #tpu.memory_space<vmem>> -> memref<128x128xf32, #tpu.memory_space<vmem>>
      %dma_start3A_228 = arith.constant 0 : i32
      %dma_start3A_229 = tpu.memref_slice %arg7[%add3A_7, %dma_start3A_228] : memref<10240x128xf32, #tpu.memory_space<vmem_shared>> -> memref<128x128xf32, #tpu.memory_space<vmem_shared>>
      %dma_start3A_230 = arith.constant 0 : i32
      %dma_start3A_231 = tpu.memref_slice %arg7[%add3A_7, %dma_start3A_230] : memref<10240x128xf32, #tpu.memory_space<vmem_shared>> -> memref<128x128xf32, #tpu.memory_space<vmem_shared>>
      %dma_start3A_232 = arith.constant 0 : i32
      %dma_start3A_233 = arith.constant 0 : i32
      %dma_start3A_234 = tpu.memref_slice %arg11[%run_scoped3A, %dma_start3A_232, %dma_start3A_233] : memref<2x128x128xf32, #tpu.memory_space<vmem>> -> memref<1x128x128xf32, #tpu.memory_space<vmem>>
      %dma_start3A_235 = tpu.memref_squeeze %dma_start3A_234 : memref<1x128x128xf32, #tpu.memory_space<vmem>> -> memref<128x128xf32, #tpu.memory_space<vmem>>
      tpu.enqueue_dma source(%dma_start3A_235 : memref<128x128xf32, #tpu.memory_space<vmem>>) target(%dma_start3A_231 : memref<128x128xf32, #tpu.memory_space<vmem_shared>>) target_semaphore(%run_scoped3A_223 : memref<!tpu.dma_semaphore, #tpu.memory_space<semaphore_mem>>)
      %dma_wait3A_236 = arith.constant 0 : i32
      %dma_wait3A_237 = arith.constant 0 : i32
      %dma_wait3A_238 = tpu.memref_slice %arg11[%run_scoped3A, %dma_wait3A_236, %dma_wait3A_237] : memref<2x128x128xf32, #tpu.memory_space<vmem>> -> memref<1x128x128xf32, #tpu.memory_space<vmem>>
      %dma_wait3A_239 = tpu.memref_squeeze %dma_wait3A_238 : memref<1x128x128xf32, #tpu.memory_space<vmem>> -> memref<128x128xf32, #tpu.memory_space<vmem>>
      %dma_wait3A_240 = arith.constant 0 : i32
      %dma_wait3A_241 = tpu.memref_slice %arg7[%add3A_7, %dma_wait3A_240] : memref<10240x128xf32, #tpu.memory_space<vmem_shared>> -> memref<128x128xf32, #tpu.memory_space<vmem_shared>>
      %dma_wait3A_242 = arith.constant 0 : i32
      %dma_wait3A_243 = tpu.memref_slice %arg7[%add3A_7, %dma_wait3A_242] : memref<10240x128xf32, #tpu.memory_space<vmem_shared>> -> memref<128x128xf32, #tpu.memory_space<vmem_shared>>
      %dma_wait3A_244 = arith.constant 0 : i32
      %dma_wait3A_245 = arith.constant 0 : i32
      %dma_wait3A_246 = tpu.memref_slice %arg11[%run_scoped3A, %dma_wait3A_244, %dma_wait3A_245] : memref<2x128x128xf32, #tpu.memory_space<vmem>> -> memref<1x128x128xf32, #tpu.memory_space<vmem>>
      %dma_wait3A_247 = tpu.memref_squeeze %dma_wait3A_246 : memref<1x128x128xf32, #tpu.memory_space<vmem>> -> memref<128x128xf32, #tpu.memory_space<vmem>>
      tpu.wait_dma2 semaphore(%run_scoped3A_223 : memref<!tpu.dma_semaphore, #tpu.memory_space<semaphore_mem>>) src(%dma_wait3A_247 : memref<128x128xf32, #tpu.memory_space<vmem>>) dst(%dma_wait3A_243 : memref<128x128xf32, #tpu.memory_space<vmem_shared>>)
      tpu.yield
    }) : () -> ()
    %add3A_8 = arith.constant 128 : i32
    %add3A_9 = arith.addi %mul3A_6, %add3A_8 : i32
    %run_scoped3A_10 = arith.constant 0 : i32
    "tpu.region"() ({
      %run_scoped3A_223 = tpu.sem_alloc : memref<!tpu.dma_semaphore, #tpu.memory_space<semaphore_mem>>
      %dma_start3A_224 = arith.constant 0 : i32
      %dma_start3A_225 = arith.constant 0 : i32
      %dma_start3A_226 = tpu.memref_slice %arg11[%run_scoped3A_10, %dma_start3A_224, %dma_start3A_225] : memref<2x128x128xf32, #tpu.memory_space<vmem>> -> memref<1x128x128xf32, #tpu.memory_space<vmem>>
      %dma_start3A_227 = tpu.memref_squeeze %dma_start3A_226 : memref<1x128x128xf32, #tpu.memory_space<vmem>> -> memref<128x128xf32, #tpu.memory_space<vmem>>
      %dma_start3A_228 = arith.constant 0 : i32
      %dma_start3A_229 = tpu.memref_slice %arg7[%add3A_9, %dma_start3A_228] : memref<10240x128xf32, #tpu.memory_space<vmem_shared>> -> memref<128x128xf32, #tpu.memory_space<vmem_shared>>
      %dma_start3A_230 = arith.constant 0 : i32
      %dma_start3A_231 = tpu.memref_slice %arg7[%add3A_9, %dma_start3A_230] : memref<10240x128xf32, #tpu.memory_space<vmem_shared>> -> memref<128x128xf32, #tpu.memory_space<vmem_shared>>
      %dma_start3A_232 = arith.constant 0 : i32
      %dma_start3A_233 = arith.constant 0 : i32
      %dma_start3A_234 = tpu.memref_slice %arg11[%run_scoped3A_10, %dma_start3A_232, %dma_start3A_233] : memref<2x128x128xf32, #tpu.memory_space<vmem>> -> memref<1x128x128xf32, #tpu.memory_space<vmem>>
      %dma_start3A_235 = tpu.memref_squeeze %dma_start3A_234 : memref<1x128x128xf32, #tpu.memory_space<vmem>> -> memref<128x128xf32, #tpu.memory_space<vmem>>
      tpu.enqueue_dma source(%dma_start3A_235 : memref<128x128xf32, #tpu.memory_space<vmem>>) target(%dma_start3A_231 : memref<128x128xf32, #tpu.memory_space<vmem_shared>>) target_semaphore(%run_scoped3A_223 : memref<!tpu.dma_semaphore, #tpu.memory_space<semaphore_mem>>)
      %dma_wait3A_236 = arith.constant 0 : i32
      %dma_wait3A_237 = arith.constant 0 : i32
      %dma_wait3A_238 = tpu.memref_slice %arg11[%run_scoped3A_10, %dma_wait3A_236, %dma_wait3A_237] : memref<2x128x128xf32, #tpu.memory_space<vmem>> -> memref<1x128x128xf32, #tpu.memory_space<vmem>>
      %dma_wait3A_239 = tpu.memref_squeeze %dma_wait3A_238 : memref<1x128x128xf32, #tpu.memory_space<vmem>> -> memref<128x128xf32, #tpu.memory_space<vmem>>
      %dma_wait3A_240 = arith.constant 0 : i32
      %dma_wait3A_241 = tpu.memref_slice %arg7[%add3A_9, %dma_wait3A_240] : memref<10240x128xf32, #tpu.memory_space<vmem_shared>> -> memref<128x128xf32, #tpu.memory_space<vmem_shared>>
      %dma_wait3A_242 = arith.constant 0 : i32
      %dma_wait3A_243 = tpu.memref_slice %arg7[%add3A_9, %dma_wait3A_242] : memref<10240x128xf32, #tpu.memory_space<vmem_shared>> -> memref<128x128xf32, #tpu.memory_space<vmem_shared>>
      %dma_wait3A_244 = arith.constant 0 : i32
      %dma_wait3A_245 = arith.constant 0 : i32
      %dma_wait3A_246 = tpu.memref_slice %arg11[%run_scoped3A_10, %dma_wait3A_244, %dma_wait3A_245] : memref<2x128x128xf32, #tpu.memory_space<vmem>> -> memref<1x128x128xf32, #tpu.memory_space<vmem>>
      %dma_wait3A_247 = tpu.memref_squeeze %dma_wait3A_246 : memref<1x128x128xf32, #tpu.memory_space<vmem>> -> memref<128x128xf32, #tpu.memory_space<vmem>>
      tpu.wait_dma2 semaphore(%run_scoped3A_223 : memref<!tpu.dma_semaphore, #tpu.memory_space<semaphore_mem>>) src(%dma_wait3A_247 : memref<128x128xf32, #tpu.memory_space<vmem>>) dst(%dma_wait3A_243 : memref<128x128xf32, #tpu.memory_space<vmem_shared>>)
      tpu.yield
    }) : () -> ()
    %add3A_11 = arith.constant 256 : i32
    %add3A_12 = arith.addi %mul3A_6, %add3A_11 : i32
    %run_scoped3A_13 = arith.constant 0 : i32
    "tpu.region"() ({
      %run_scoped3A_223 = tpu.sem_alloc : memref<!tpu.dma_semaphore, #tpu.memory_space<semaphore_mem>>
      %dma_start3A_224 = arith.constant 0 : i32
      %dma_start3A_225 = arith.constant 0 : i32
      %dma_start3A_226 = tpu.memref_slice %arg11[%run_scoped3A_13, %dma_start3A_224, %dma_start3A_225] : memref<2x128x128xf32, #tpu.memory_space<vmem>> -> memref<1x128x128xf32, #tpu.memory_space<vmem>>
      %dma_start3A_227 = tpu.memref_squeeze %dma_start3A_226 : memref<1x128x128xf32, #tpu.memory_space<vmem>> -> memref<128x128xf32, #tpu.memory_space<vmem>>
      %dma_start3A_228 = arith.constant 0 : i32
      %dma_start3A_229 = tpu.memref_slice %arg7[%add3A_12, %dma_start3A_228] : memref<10240x128xf32, #tpu.memory_space<vmem_shared>> -> memref<128x128xf32, #tpu.memory_space<vmem_shared>>
      %dma_start3A_230 = arith.constant 0 : i32
      %dma_start3A_231 = tpu.memref_slice %arg7[%add3A_12, %dma_start3A_230] : memref<10240x128xf32, #tpu.memory_space<vmem_shared>> -> memref<128x128xf32, #tpu.memory_space<vmem_shared>>
      %dma_start3A_232 = arith.constant 0 : i32
      %dma_start3A_233 = arith.constant 0 : i32
      %dma_start3A_234 = tpu.memref_slice %arg11[%run_scoped3A_13, %dma_start3A_232, %dma_start3A_233] : memref<2x128x128xf32, #tpu.memory_space<vmem>> -> memref<1x128x128xf32, #tpu.memory_space<vmem>>
      %dma_start3A_235 = tpu.memref_squeeze %dma_start3A_234 : memref<1x128x128xf32, #tpu.memory_space<vmem>> -> memref<128x128xf32, #tpu.memory_space<vmem>>
      tpu.enqueue_dma source(%dma_start3A_235 : memref<128x128xf32, #tpu.memory_space<vmem>>) target(%dma_start3A_231 : memref<128x128xf32, #tpu.memory_space<vmem_shared>>) target_semaphore(%run_scoped3A_223 : memref<!tpu.dma_semaphore, #tpu.memory_space<semaphore_mem>>)
      %dma_wait3A_236 = arith.constant 0 : i32
      %dma_wait3A_237 = arith.constant 0 : i32
      %dma_wait3A_238 = tpu.memref_slice %arg11[%run_scoped3A_13, %dma_wait3A_236, %dma_wait3A_237] : memref<2x128x128xf32, #tpu.memory_space<vmem>> -> memref<1x128x128xf32, #tpu.memory_space<vmem>>
      %dma_wait3A_239 = tpu.memref_squeeze %dma_wait3A_238 : memref<1x128x128xf32, #tpu.memory_space<vmem>> -> memref<128x128xf32, #tpu.memory_space<vmem>>
      %dma_wait3A_240 = arith.constant 0 : i32
      %dma_wait3A_241 = tpu.memref_slice %arg7[%add3A_12, %dma_wait3A_240] : memref<10240x128xf32, #tpu.memory_space<vmem_shared>> -> memref<128x128xf32, #tpu.memory_space<vmem_shared>>
      %dma_wait3A_242 = arith.constant 0 : i32
      %dma_wait3A_243 = tpu.memref_slice %arg7[%add3A_12, %dma_wait3A_242] : memref<10240x128xf32, #tpu.memory_space<vmem_shared>> -> memref<128x128xf32, #tpu.memory_space<vmem_shared>>
      %dma_wait3A_244 = arith.constant 0 : i32
      %dma_wait3A_245 = arith.constant 0 : i32
      %dma_wait3A_246 = tpu.memref_slice %arg11[%run_scoped3A_13, %dma_wait3A_244, %dma_wait3A_245] : memref<2x128x128xf32, #tpu.memory_space<vmem>> -> memref<1x128x128xf32, #tpu.memory_space<vmem>>
      %dma_wait3A_247 = tpu.memref_squeeze %dma_wait3A_246 : memref<1x128x128xf32, #tpu.memory_space<vmem>> -> memref<128x128xf32, #tpu.memory_space<vmem>>
      tpu.wait_dma2 semaphore(%run_scoped3A_223 : memref<!tpu.dma_semaphore, #tpu.memory_space<semaphore_mem>>) src(%dma_wait3A_247 : memref<128x128xf32, #tpu.memory_space<vmem>>) dst(%dma_wait3A_243 : memref<128x128xf32, #tpu.memory_space<vmem_shared>>)
      tpu.yield
    }) : () -> ()
    %add3A_14 = arith.constant 384 : i32
    %add3A_15 = arith.addi %mul3A_6, %add3A_14 : i32
    %run_scoped3A_16 = arith.constant 0 : i32
    "tpu.region"() ({
      %run_scoped3A_223 = tpu.sem_alloc : memref<!tpu.dma_semaphore, #tpu.memory_space<semaphore_mem>>
      %dma_start3A_224 = arith.constant 0 : i32
      %dma_start3A_225 = arith.constant 0 : i32
      %dma_start3A_226 = tpu.memref_slice %arg11[%run_scoped3A_16, %dma_start3A_224, %dma_start3A_225] : memref<2x128x128xf32, #tpu.memory_space<vmem>> -> memref<1x128x128xf32, #tpu.memory_space<vmem>>
      %dma_start3A_227 = tpu.memref_squeeze %dma_start3A_226 : memref<1x128x128xf32, #tpu.memory_space<vmem>> -> memref<128x128xf32, #tpu.memory_space<vmem>>
      %dma_start3A_228 = arith.constant 0 : i32
      %dma_start3A_229 = tpu.memref_slice %arg7[%add3A_15, %dma_start3A_228] : memref<10240x128xf32, #tpu.memory_space<vmem_shared>> -> memref<128x128xf32, #tpu.memory_space<vmem_shared>>
      %dma_start3A_230 = arith.constant 0 : i32
      %dma_start3A_231 = tpu.memref_slice %arg7[%add3A_15, %dma_start3A_230] : memref<10240x128xf32, #tpu.memory_space<vmem_shared>> -> memref<128x128xf32, #tpu.memory_space<vmem_shared>>
      %dma_start3A_232 = arith.constant 0 : i32
      %dma_start3A_233 = arith.constant 0 : i32
      %dma_start3A_234 = tpu.memref_slice %arg11[%run_scoped3A_16, %dma_start3A_232, %dma_start3A_233] : memref<2x128x128xf32, #tpu.memory_space<vmem>> -> memref<1x128x128xf32, #tpu.memory_space<vmem>>
      %dma_start3A_235 = tpu.memref_squeeze %dma_start3A_234 : memref<1x128x128xf32, #tpu.memory_space<vmem>> -> memref<128x128xf32, #tpu.memory_space<vmem>>
      tpu.enqueue_dma source(%dma_start3A_235 : memref<128x128xf32, #tpu.memory_space<vmem>>) target(%dma_start3A_231 : memref<128x128xf32, #tpu.memory_space<vmem_shared>>) target_semaphore(%run_scoped3A_223 : memref<!tpu.dma_semaphore, #tpu.memory_space<semaphore_mem>>)
      %dma_wait3A_236 = arith.constant 0 : i32
      %dma_wait3A_237 = arith.constant 0 : i32
      %dma_wait3A_238 = tpu.memref_slice %arg11[%run_scoped3A_16, %dma_wait3A_236, %dma_wait3A_237] : memref<2x128x128xf32, #tpu.memory_space<vmem>> -> memref<1x128x128xf32, #tpu.memory_space<vmem>>
      %dma_wait3A_239 = tpu.memref_squeeze %dma_wait3A_238 : memref<1x128x128xf32, #tpu.memory_space<vmem>> -> memref<128x128xf32, #tpu.memory_space<vmem>>
      %dma_wait3A_240 = arith.constant 0 : i32
      %dma_wait3A_241 = tpu.memref_slice %arg7[%add3A_15, %dma_wait3A_240] : memref<10240x128xf32, #tpu.memory_space<vmem_shared>> -> memref<128x128xf32, #tpu.memory_space<vmem_shared>>
      %dma_wait3A_242 = arith.constant 0 : i32
      %dma_wait3A_243 = tpu.memref_slice %arg7[%add3A_15, %dma_wait3A_242] : memref<10240x128xf32, #tpu.memory_space<vmem_shared>> -> memref<128x128xf32, #tpu.memory_space<vmem_shared>>
      %dma_wait3A_244 = arith.constant 0 : i32
      %dma_wait3A_245 = arith.constant 0 : i32
      %dma_wait3A_246 = tpu.memref_slice %arg11[%run_scoped3A_16, %dma_wait3A_244, %dma_wait3A_245] : memref<2x128x128xf32, #tpu.memory_space<vmem>> -> memref<1x128x128xf32, #tpu.memory_space<vmem>>
      %dma_wait3A_247 = tpu.memref_squeeze %dma_wait3A_246 : memref<1x128x128xf32, #tpu.memory_space<vmem>> -> memref<128x128xf32, #tpu.memory_space<vmem>>
      tpu.wait_dma2 semaphore(%run_scoped3A_223 : memref<!tpu.dma_semaphore, #tpu.memory_space<semaphore_mem>>) src(%dma_wait3A_247 : memref<128x128xf32, #tpu.memory_space<vmem>>) dst(%dma_wait3A_243 : memref<128x128xf32, #tpu.memory_space<vmem_shared>>)
      tpu.yield
    }) : () -> ()
    %add3A_17 = arith.constant 512 : i32
    %add3A_18 = arith.addi %mul3A_6, %add3A_17 : i32
    %run_scoped3A_19 = arith.constant 0 : i32
    "tpu.region"() ({
      %run_scoped3A_223 = tpu.sem_alloc : memref<!tpu.dma_semaphore, #tpu.memory_space<semaphore_mem>>
      %dma_start3A_224 = arith.constant 0 : i32
      %dma_start3A_225 = arith.constant 0 : i32
      %dma_start3A_226 = tpu.memref_slice %arg11[%run_scoped3A_19, %dma_start3A_224, %dma_start3A_225] : memref<2x128x128xf32, #tpu.memory_space<vmem>> -> memref<1x128x128xf32, #tpu.memory_space<vmem>>
      %dma_start3A_227 = tpu.memref_squeeze %dma_start3A_226 : memref<1x128x128xf32, #tpu.memory_space<vmem>> -> memref<128x128xf32, #tpu.memory_space<vmem>>
      %dma_start3A_228 = arith.constant 0 : i32
      %dma_start3A_229 = tpu.memref_slice %arg7[%add3A_18, %dma_start3A_228] : memref<10240x128xf32, #tpu.memory_space<vmem_shared>> -> memref<128x128xf32, #tpu.memory_space<vmem_shared>>
      %dma_start3A_230 = arith.constant 0 : i32
      %dma_start3A_231 = tpu.memref_slice %arg7[%add3A_18, %dma_start3A_230] : memref<10240x128xf32, #tpu.memory_space<vmem_shared>> -> memref<128x128xf32, #tpu.memory_space<vmem_shared>>
      %dma_start3A_232 = arith.constant 0 : i32
      %dma_start3A_233 = arith.constant 0 : i32
      %dma_start3A_234 = tpu.memref_slice %arg11[%run_scoped3A_19, %dma_start3A_232, %dma_start3A_233] : memref<2x128x128xf32, #tpu.memory_space<vmem>> -> memref<1x128x128xf32, #tpu.memory_space<vmem>>
      %dma_start3A_235 = tpu.memref_squeeze %dma_start3A_234 : memref<1x128x128xf32, #tpu.memory_space<vmem>> -> memref<128x128xf32, #tpu.memory_space<vmem>>
      tpu.enqueue_dma source(%dma_start3A_235 : memref<128x128xf32, #tpu.memory_space<vmem>>) target(%dma_start3A_231 : memref<128x128xf32, #tpu.memory_space<vmem_shared>>) target_semaphore(%run_scoped3A_223 : memref<!tpu.dma_semaphore, #tpu.memory_space<semaphore_mem>>)
      %dma_wait3A_236 = arith.constant 0 : i32
      %dma_wait3A_237 = arith.constant 0 : i32
      %dma_wait3A_238 = tpu.memref_slice %arg11[%run_scoped3A_19, %dma_wait3A_236, %dma_wait3A_237] : memref<2x128x128xf32, #tpu.memory_space<vmem>> -> memref<1x128x128xf32, #tpu.memory_space<vmem>>
      %dma_wait3A_239 = tpu.memref_squeeze %dma_wait3A_238 : memref<1x128x128xf32, #tpu.memory_space<vmem>> -> memref<128x128xf32, #tpu.memory_space<vmem>>
      %dma_wait3A_240 = arith.constant 0 : i32
      %dma_wait3A_241 = tpu.memref_slice %arg7[%add3A_18, %dma_wait3A_240] : memref<10240x128xf32, #tpu.memory_space<vmem_shared>> -> memref<128x128xf32, #tpu.memory_space<vmem_shared>>
      %dma_wait3A_242 = arith.constant 0 : i32
      %dma_wait3A_243 = tpu.memref_slice %arg7[%add3A_18, %dma_wait3A_242] : memref<10240x128xf32, #tpu.memory_space<vmem_shared>> -> memref<128x128xf32, #tpu.memory_space<vmem_shared>>
      %dma_wait3A_244 = arith.constant 0 : i32
      %dma_wait3A_245 = arith.constant 0 : i32
      %dma_wait3A_246 = tpu.memref_slice %arg11[%run_scoped3A_19, %dma_wait3A_244, %dma_wait3A_245] : memref<2x128x128xf32, #tpu.memory_space<vmem>> -> memref<1x128x128xf32, #tpu.memory_space<vmem>>
      %dma_wait3A_247 = tpu.memref_squeeze %dma_wait3A_246 : memref<1x128x128xf32, #tpu.memory_space<vmem>> -> memref<128x128xf32, #tpu.memory_space<vmem>>
      tpu.wait_dma2 semaphore(%run_scoped3A_223 : memref<!tpu.dma_semaphore, #tpu.memory_space<semaphore_mem>>) src(%dma_wait3A_247 : memref<128x128xf32, #tpu.memory_space<vmem>>) dst(%dma_wait3A_243 : memref<128x128xf32, #tpu.memory_space<vmem_shared>>)
      tpu.yield
    }) : () -> ()
    %scan3A_20 = arith.constant 0 : i32
    %scan3A_21 = arith.constant 0 : i32
    %scan3A_22 = arith.constant 40 : i32
    %scan3A_23 = arith.addi %scan3A_21, %scan3A_22 : i32
    %scan3A_24 = arith.constant 1 : i32
    scf.for %scan3A_223 = %scan3A_21 to %scan3A_23 step %scan3A_24  : i32 {
      %broadcast_in_dim3A_224 = arith.constant 0.000000e+00 : f32
      %broadcast_in_dim3A_225 = vector.broadcast %broadcast_in_dim3A_224 : f32 to vector<16xf32>
      %mul3A_226 = arith.constant 16 : i32
      %mul3A_227 = arith.muli %scan3A_223, %mul3A_226 : i32
      %swap3A_228 = arith.index_cast %mul3A_227 : i32 to index
      %swap3A_229 = tpu.vector_load %arg12[%swap3A_228] {strides = array<i32>} : memref<640xf32, #tpu.memory_space<vmem>>, vector<16xf32>,
      %swap3A_230 = vector.shape_cast %swap3A_229 : vector<16xf32> to vector<16xf32>
      %swap3A_231 = vector.shape_cast %broadcast_in_dim3A_225 : vector<16xf32> to vector<16xf32>
      tpu.vector_store %arg12[%swap3A_228], %swap3A_231 {strides = array<i32>} : memref<640xf32, #tpu.memory_space<vmem>>, vector<16xf32>,
    }
    %scan3A_25 = arith.constant 40 : i32
    %broadcast_in_dim3A = arith.constant 1.000000e+00 : f32
    %broadcast_in_dim3A_26 = vector.broadcast %broadcast_in_dim3A : f32 to vector<16xf32>
    %swap3A = arith.constant 0 : index
    %swap3A_27 = tpu.vector_load %arg13[%swap3A] {strides = array<i32>} : memref<128xf32, #tpu.memory_space<vmem>>, vector<16xf32>,
    %swap3A_28 = vector.shape_cast %swap3A_27 : vector<16xf32> to vector<16xf32>
    %swap3A_29 = vector.shape_cast %broadcast_in_dim3A_26 : vector<16xf32> to vector<16xf32>
    tpu.vector_store %arg13[%swap3A], %swap3A_29 {strides = array<i32>} : memref<128xf32, #tpu.memory_space<vmem>>, vector<16xf32>,
    %broadcast_in_dim3A_30 = arith.constant 1.000000e+00 : f32
    %broadcast_in_dim3A_31 = vector.broadcast %broadcast_in_dim3A_30 : f32 to vector<16xf32>
    %swap3A_32 = arith.constant 16 : index
    %swap3A_33 = tpu.vector_load %arg13[%swap3A_32] {strides = array<i32>} : memref<128xf32, #tpu.memory_space<vmem>>, vector<16xf32>,
    %swap3A_34 = vector.shape_cast %swap3A_33 : vector<16xf32> to vector<16xf32>
    %swap3A_35 = vector.shape_cast %broadcast_in_dim3A_31 : vector<16xf32> to vector<16xf32>
    tpu.vector_store %arg13[%swap3A_32], %swap3A_35 {strides = array<i32>} : memref<128xf32, #tpu.memory_space<vmem>>, vector<16xf32>,
    %broadcast_in_dim3A_36 = arith.constant 1.000000e+00 : f32
    %broadcast_in_dim3A_37 = vector.broadcast %broadcast_in_dim3A_36 : f32 to vector<16xf32>
    %swap3A_38 = arith.constant 32 : index
    %swap3A_39 = tpu.vector_load %arg13[%swap3A_38] {strides = array<i32>} : memref<128xf32, #tpu.memory_space<vmem>>, vector<16xf32>,
    %swap3A_40 = vector.shape_cast %swap3A_39 : vector<16xf32> to vector<16xf32>
    %swap3A_41 = vector.shape_cast %broadcast_in_dim3A_37 : vector<16xf32> to vector<16xf32>
    tpu.vector_store %arg13[%swap3A_38], %swap3A_41 {strides = array<i32>} : memref<128xf32, #tpu.memory_space<vmem>>, vector<16xf32>,
    %broadcast_in_dim3A_42 = arith.constant 1.000000e+00 : f32
    %broadcast_in_dim3A_43 = vector.broadcast %broadcast_in_dim3A_42 : f32 to vector<16xf32>
    %swap3A_44 = arith.constant 48 : index
    %swap3A_45 = tpu.vector_load %arg13[%swap3A_44] {strides = array<i32>} : memref<128xf32, #tpu.memory_space<vmem>>, vector<16xf32>,
    %swap3A_46 = vector.shape_cast %swap3A_45 : vector<16xf32> to vector<16xf32>
    %swap3A_47 = vector.shape_cast %broadcast_in_dim3A_43 : vector<16xf32> to vector<16xf32>
    tpu.vector_store %arg13[%swap3A_44], %swap3A_47 {strides = array<i32>} : memref<128xf32, #tpu.memory_space<vmem>>, vector<16xf32>,
    %broadcast_in_dim3A_48 = arith.constant 1.000000e+00 : f32
    %broadcast_in_dim3A_49 = vector.broadcast %broadcast_in_dim3A_48 : f32 to vector<16xf32>
    %swap3A_50 = arith.constant 64 : index
    %swap3A_51 = tpu.vector_load %arg13[%swap3A_50] {strides = array<i32>} : memref<128xf32, #tpu.memory_space<vmem>>, vector<16xf32>,
    %swap3A_52 = vector.shape_cast %swap3A_51 : vector<16xf32> to vector<16xf32>
    %swap3A_53 = vector.shape_cast %broadcast_in_dim3A_49 : vector<16xf32> to vector<16xf32>
    tpu.vector_store %arg13[%swap3A_50], %swap3A_53 {strides = array<i32>} : memref<128xf32, #tpu.memory_space<vmem>>, vector<16xf32>,
    %broadcast_in_dim3A_54 = arith.constant 1.000000e+00 : f32
    %broadcast_in_dim3A_55 = vector.broadcast %broadcast_in_dim3A_54 : f32 to vector<16xf32>
    %swap3A_56 = arith.constant 80 : index
    %swap3A_57 = tpu.vector_load %arg13[%swap3A_56] {strides = array<i32>} : memref<128xf32, #tpu.memory_space<vmem>>, vector<16xf32>,
    %swap3A_58 = vector.shape_cast %swap3A_57 : vector<16xf32> to vector<16xf32>
    %swap3A_59 = vector.shape_cast %broadcast_in_dim3A_55 : vector<16xf32> to vector<16xf32>
    tpu.vector_store %arg13[%swap3A_56], %swap3A_59 {strides = array<i32>} : memref<128xf32, #tpu.memory_space<vmem>>, vector<16xf32>,
    %broadcast_in_dim3A_60 = arith.constant 1.000000e+00 : f32
    %broadcast_in_dim3A_61 = vector.broadcast %broadcast_in_dim3A_60 : f32 to vector<16xf32>
    %swap3A_62 = arith.constant 96 : index
    %swap3A_63 = tpu.vector_load %arg13[%swap3A_62] {strides = array<i32>} : memref<128xf32, #tpu.memory_space<vmem>>, vector<16xf32>,
    %swap3A_64 = vector.shape_cast %swap3A_63 : vector<16xf32> to vector<16xf32>
    %swap3A_65 = vector.shape_cast %broadcast_in_dim3A_61 : vector<16xf32> to vector<16xf32>
    tpu.vector_store %arg13[%swap3A_62], %swap3A_65 {strides = array<i32>} : memref<128xf32, #tpu.memory_space<vmem>>, vector<16xf32>,
    %broadcast_in_dim3A_66 = arith.constant 1.000000e+00 : f32
    %broadcast_in_dim3A_67 = vector.broadcast %broadcast_in_dim3A_66 : f32 to vector<16xf32>
    %swap3A_68 = arith.constant 112 : index
    %swap3A_69 = tpu.vector_load %arg13[%swap3A_68] {strides = array<i32>} : memref<128xf32, #tpu.memory_space<vmem>>, vector<16xf32>,
    %swap3A_70 = vector.shape_cast %swap3A_69 : vector<16xf32> to vector<16xf32>
    %swap3A_71 = vector.shape_cast %broadcast_in_dim3A_67 : vector<16xf32> to vector<16xf32>
    tpu.vector_store %arg13[%swap3A_68], %swap3A_71 {strides = array<i32>} : memref<128xf32, #tpu.memory_space<vmem>>, vector<16xf32>,
    "tpu.region"() ({
      %run_scoped3A_223 = tpu.sem_alloc : memref<!tpu.dma_semaphore, #tpu.memory_space<semaphore_mem>>
      %dma_start3A_224 = tpu.memref_slice %arg8[%mul3A_6] : memref<10240xf32, #tpu.memory_space<vmem_shared>> -> memref<640xf32, #tpu.memory_space<vmem_shared>>
      %dma_start3A_225 = tpu.memref_slice %arg8[%mul3A_6] : memref<10240xf32, #tpu.memory_space<vmem_shared>> -> memref<640xf32, #tpu.memory_space<vmem_shared>>
      tpu.enqueue_dma source(%arg12 : memref<640xf32, #tpu.memory_space<vmem>>) target(%dma_start3A_225 : memref<640xf32, #tpu.memory_space<vmem_shared>>) target_semaphore(%run_scoped3A_223 : memref<!tpu.dma_semaphore, #tpu.memory_space<semaphore_mem>>)
      %dma_wait3A_226 = tpu.memref_slice %arg8[%mul3A_6] : memref<10240xf32, #tpu.memory_space<vmem_shared>> -> memref<640xf32, #tpu.memory_space<vmem_shared>>
      %dma_wait3A_227 = tpu.memref_slice %arg8[%mul3A_6] : memref<10240xf32, #tpu.memory_space<vmem_shared>> -> memref<640xf32, #tpu.memory_space<vmem_shared>>
      tpu.wait_dma2 semaphore(%run_scoped3A_223 : memref<!tpu.dma_semaphore, #tpu.memory_space<semaphore_mem>>) src(%arg12 : memref<640xf32, #tpu.memory_space<vmem>>) dst(%dma_wait3A_227 : memref<640xf32, #tpu.memory_space<vmem_shared>>)
      tpu.yield
    }) : () -> ()
    %barrier3A = arith.constant 0 : index
    tpu.barrier barrier_id(%barrier3A)
    "tpu.region"() ({
      %run_scoped3A_223 = tpu.sem_alloc : memref<!tpu.dma_semaphore, #tpu.memory_space<semaphore_mem>>
      %dma_start3A_224 = arith.constant 0 : i32
      %dma_start3A_225 = arith.constant 0 : i32
      %dma_start3A_226 = tpu.memref_slice %arg3[%arg0, %arg1, %dma_start3A_224, %dma_start3A_225] : memref<2x16x160x128xi32, #tpu.memory_space<hbm>> -> memref<1x1x40x128xi32, #tpu.memory_space<hbm>>
      %dma_start3A_227 = tpu.memref_squeeze %dma_start3A_226 : memref<1x1x40x128xi32, #tpu.memory_space<hbm>> -> memref<40x128xi32, #tpu.memory_space<hbm>>
      %dma_start3A_228 = arith.constant 0 : i32
      %dma_start3A_229 = arith.constant 0 : i32
      %dma_start3A_230 = tpu.memref_slice %arg3[%arg0, %arg1, %dma_start3A_228, %dma_start3A_229] : memref<2x16x160x128xi32, #tpu.memory_space<hbm>> -> memref<1x1x40x128xi32, #tpu.memory_space<hbm>>
      %dma_start3A_231 = tpu.memref_squeeze %dma_start3A_230 : memref<1x1x40x128xi32, #tpu.memory_space<hbm>> -> memref<40x128xi32, #tpu.memory_space<hbm>>
      tpu.enqueue_dma source(%dma_start3A_231 : memref<40x128xi32, #tpu.memory_space<hbm>>) target(%arg9 : memref<40x128xi32, #tpu.memory_space<vmem>>) target_semaphore(%run_scoped3A_223 : memref<!tpu.dma_semaphore, #tpu.memory_space<semaphore_mem>>)
      %dma_wait3A_232 = arith.constant 0 : i32
      %dma_wait3A_233 = arith.constant 0 : i32
      %dma_wait3A_234 = tpu.memref_slice %arg3[%arg0, %arg1, %dma_wait3A_232, %dma_wait3A_233] : memref<2x16x160x128xi32, #tpu.memory_space<hbm>> -> memref<1x1x40x128xi32, #tpu.memory_space<hbm>>
      %dma_wait3A_235 = tpu.memref_squeeze %dma_wait3A_234 : memref<1x1x40x128xi32, #tpu.memory_space<hbm>> -> memref<40x128xi32, #tpu.memory_space<hbm>>
      %dma_wait3A_236 = arith.constant 0 : i32
      %dma_wait3A_237 = arith.constant 0 : i32
      %dma_wait3A_238 = tpu.memref_slice %arg3[%arg0, %arg1, %dma_wait3A_236, %dma_wait3A_237] : memref<2x16x160x128xi32, #tpu.memory_space<hbm>> -> memref<1x1x40x128xi32, #tpu.memory_space<hbm>>
      %dma_wait3A_239 = tpu.memref_squeeze %dma_wait3A_238 : memref<1x1x40x128xi32, #tpu.memory_space<hbm>> -> memref<40x128xi32, #tpu.memory_space<hbm>>
      tpu.wait_dma2 semaphore(%run_scoped3A_223 : memref<!tpu.dma_semaphore, #tpu.memory_space<semaphore_mem>>) src(%dma_wait3A_239 : memref<40x128xi32, #tpu.memory_space<hbm>>) dst(%arg9 : memref<40x128xi32, #tpu.memory_space<vmem>>)
      tpu.yield
    }) : () -> ()
    "tpu.region"() ({
      %run_scoped3A_223 = tpu.sem_alloc : memref<!tpu.dma_semaphore, #tpu.memory_space<semaphore_mem>>
      %dma_start3A_224 = arith.constant 0 : i32
      %dma_start3A_225 = arith.constant 0 : i32
      %dma_start3A_226 = tpu.memref_slice %arg4[%arg0, %arg1, %dma_start3A_224, %dma_start3A_225] : memref<2x16x160x128xi32, #tpu.memory_space<hbm>> -> memref<1x1x40x128xi32, #tpu.memory_space<hbm>>
      %dma_start3A_227 = tpu.memref_squeeze %dma_start3A_226 : memref<1x1x40x128xi32, #tpu.memory_space<hbm>> -> memref<40x128xi32, #tpu.memory_space<hbm>>
      %dma_start3A_228 = arith.constant 0 : i32
      %dma_start3A_229 = arith.constant 0 : i32
      %dma_start3A_230 = tpu.memref_slice %arg4[%arg0, %arg1, %dma_start3A_228, %dma_start3A_229] : memref<2x16x160x128xi32, #tpu.memory_space<hbm>> -> memref<1x1x40x128xi32, #tpu.memory_space<hbm>>
      %dma_start3A_231 = tpu.memref_squeeze %dma_start3A_230 : memref<1x1x40x128xi32, #tpu.memory_space<hbm>> -> memref<40x128xi32, #tpu.memory_space<hbm>>
      tpu.enqueue_dma source(%dma_start3A_231 : memref<40x128xi32, #tpu.memory_space<hbm>>) target(%arg10 : memref<40x128xi32, #tpu.memory_space<vmem>>) target_semaphore(%run_scoped3A_223 : memref<!tpu.dma_semaphore, #tpu.memory_space<semaphore_mem>>)
      %dma_wait3A_232 = arith.constant 0 : i32
      %dma_wait3A_233 = arith.constant 0 : i32
      %dma_wait3A_234 = tpu.memref_slice %arg4[%arg0, %arg1, %dma_wait3A_232, %dma_wait3A_233] : memref<2x16x160x128xi32, #tpu.memory_space<hbm>> -> memref<1x1x40x128xi32, #tpu.memory_space<hbm>>
      %dma_wait3A_235 = tpu.memref_squeeze %dma_wait3A_234 : memref<1x1x40x128xi32, #tpu.memory_space<hbm>> -> memref<40x128xi32, #tpu.memory_space<hbm>>
      %dma_wait3A_236 = arith.constant 0 : i32
      %dma_wait3A_237 = arith.constant 0 : i32
      %dma_wait3A_238 = tpu.memref_slice %arg4[%arg0, %arg1, %dma_wait3A_236, %dma_wait3A_237] : memref<2x16x160x128xi32, #tpu.memory_space<hbm>> -> memref<1x1x40x128xi32, #tpu.memory_space<hbm>>
      %dma_wait3A_239 = tpu.memref_squeeze %dma_wait3A_238 : memref<1x1x40x128xi32, #tpu.memory_space<hbm>> -> memref<40x128xi32, #tpu.memory_space<hbm>>
      tpu.wait_dma2 semaphore(%run_scoped3A_223 : memref<!tpu.dma_semaphore, #tpu.memory_space<semaphore_mem>>) src(%dma_wait3A_239 : memref<40x128xi32, #tpu.memory_space<hbm>>) dst(%arg10 : memref<40x128xi32, #tpu.memory_space<vmem>>)
      tpu.yield
    }) : () -> ()
    %dma_start3A = arith.constant 0 : i32
    %dma_start3A_72 = arith.constant 0 : i32
    %dma_start3A_73 = arith.constant 0 : i32
    %dma_start3A_74 = arith.constant 0 : i32
    %dma_start3A_75 = tpu.memref_slice %arg11[%dma_start3A_72, %dma_start3A_73, %dma_start3A_74] : memref<2x128x128xf32, #tpu.memory_space<vmem>> -> memref<1x128x128xf32, #tpu.memory_space<vmem>>
    %dma_start3A_76 = tpu.memref_squeeze %dma_start3A_75 : memref<1x128x128xf32, #tpu.memory_space<vmem>> -> memref<128x128xf32, #tpu.memory_space<vmem>>
    %dma_start3A_77 = arith.constant 0 : i32
    %dma_start3A_78 = tpu.memref_slice %arg9[%dma_start3A, %dma_start3A_77] : memref<40x128xi32, #tpu.memory_space<vmem>> -> memref<1x128xi32, #tpu.memory_space<vmem>>
    %dma_start3A_79 = tpu.memref_squeeze %dma_start3A_78 : memref<1x128xi32, #tpu.memory_space<vmem>> -> memref<128xi32, #tpu.memory_space<vmem>>
    %dma_start3A_80 = arith.constant 0 : i32
    %dma_start3A_81 = arith.constant 0 : i32
    %dma_start3A_82 = tpu.memref_slice %arg2[%dma_start3A_80, %dma_start3A_81] : memref<20000x128xf32, #tpu.memory_space<hbm>> -> memref<20000x128xf32, #tpu.memory_space<hbm>>
    tpu.enqueue_indirect_dma source(%dma_start3A_82 : memref<20000x128xf32, #tpu.memory_space<hbm>>) target(%dma_start3A_76 : memref<128x128xf32, #tpu.memory_space<vmem>>) offsets(%dma_start3A_79 : memref<128xi32, #tpu.memory_space<vmem>>) semaphore(%arg14 : memref<!tpu.dma_semaphore, #tpu.memory_space<semaphore_mem>>)
    %dma_start3A_83 = arith.constant 1 : i32
    %dma_start3A_84 = arith.constant 1 : i32
    %dma_start3A_85 = arith.constant 0 : i32
    %dma_start3A_86 = arith.constant 0 : i32
    %dma_start3A_87 = tpu.memref_slice %arg11[%dma_start3A_84, %dma_start3A_85, %dma_start3A_86] : memref<2x128x128xf32, #tpu.memory_space<vmem>> -> memref<1x128x128xf32, #tpu.memory_space<vmem>>
    %dma_start3A_88 = tpu.memref_squeeze %dma_start3A_87 : memref<1x128x128xf32, #tpu.memory_space<vmem>> -> memref<128x128xf32, #tpu.memory_space<vmem>>
    %dma_start3A_89 = arith.constant 0 : i32
    %dma_start3A_90 = tpu.memref_slice %arg9[%dma_start3A_83, %dma_start3A_89] : memref<40x128xi32, #tpu.memory_space<vmem>> -> memref<1x128xi32, #tpu.memory_space<vmem>>
    %dma_start3A_91 = tpu.memref_squeeze %dma_start3A_90 : memref<1x128xi32, #tpu.memory_space<vmem>> -> memref<128xi32, #tpu.memory_space<vmem>>
    %dma_start3A_92 = arith.constant 0 : i32
    %dma_start3A_93 = arith.constant 0 : i32
    %dma_start3A_94 = tpu.memref_slice %arg2[%dma_start3A_92, %dma_start3A_93] : memref<20000x128xf32, #tpu.memory_space<hbm>> -> memref<20000x128xf32, #tpu.memory_space<hbm>>
    tpu.enqueue_indirect_dma source(%dma_start3A_94 : memref<20000x128xf32, #tpu.memory_space<hbm>>) target(%dma_start3A_88 : memref<128x128xf32, #tpu.memory_space<vmem>>) offsets(%dma_start3A_91 : memref<128xi32, #tpu.memory_space<vmem>>) semaphore(%arg15 : memref<!tpu.dma_semaphore, #tpu.memory_space<semaphore_mem>>)
    %scan3A_95 = arith.constant 0 : i32
    %scan3A_96 = arith.constant 0 : i32
    %scan3A_97 = arith.constant 20 : i32
    %scan3A_98 = arith.addi %scan3A_96, %scan3A_97 : i32
    %scan3A_99 = arith.constant 1 : i32
    scf.for %scan3A_223 = %scan3A_96 to %scan3A_98 step %scan3A_99  : i32 {
      %mul3A_224 = arith.constant 2 : i32
      %mul3A_225 = arith.muli %scan3A_223, %mul3A_224 : i32
      %add3A_226 = arith.constant 0 : i32
      %add3A_227 = arith.addi %mul3A_225, %add3A_226 : i32
      %dma_wait3A_228 = arith.constant 0 : i32
      %dma_wait3A_229 = arith.constant 0 : i32
      %dma_wait3A_230 = arith.constant 0 : i32
      %dma_wait3A_231 = tpu.memref_slice %arg11[%dma_wait3A_228, %dma_wait3A_229, %dma_wait3A_230] : memref<2x128x128xf32, #tpu.memory_space<vmem>> -> memref<1x128x128xf32, #tpu.memory_space<vmem>>
      %dma_wait3A_232 = tpu.memref_squeeze %dma_wait3A_231 : memref<1x128x128xf32, #tpu.memory_space<vmem>> -> memref<128x128xf32, #tpu.memory_space<vmem>>
      %dma_wait3A_233 = arith.constant 0 : i32
      %dma_wait3A_234 = arith.constant 0 : i32
      %dma_wait3A_235 = tpu.memref_slice %arg2[%dma_wait3A_233, %dma_wait3A_234] : memref<20000x128xf32, #tpu.memory_space<hbm>> -> memref<128x128xf32, #tpu.memory_space<hbm>>
      %dma_wait3A_236 = arith.constant 0 : i32
      %dma_wait3A_237 = arith.constant 0 : i32
      %dma_wait3A_238 = tpu.memref_slice %arg11[%dma_wait3A_228, %dma_wait3A_236, %dma_wait3A_237] : memref<2x128x128xf32, #tpu.memory_space<vmem>> -> memref<1x128x128xf32, #tpu.memory_space<vmem>>
      %dma_wait3A_239 = tpu.memref_squeeze %dma_wait3A_238 : memref<1x128x128xf32, #tpu.memory_space<vmem>> -> memref<128x128xf32, #tpu.memory_space<vmem>>
      %dma_wait3A_240 = arith.constant 0 : i32
      %dma_wait3A_241 = arith.constant 0 : i32
      %dma_wait3A_242 = tpu.memref_slice %arg2[%dma_wait3A_240, %dma_wait3A_241] : memref<20000x128xf32, #tpu.memory_space<hbm>> -> memref<128x128xf32, #tpu.memory_space<hbm>>
      tpu.wait_dma2 semaphore(%arg14 : memref<!tpu.dma_semaphore, #tpu.memory_space<semaphore_mem>>) src(%dma_wait3A_242 : memref<128x128xf32, #tpu.memory_space<hbm>>) dst(%dma_wait3A_239 : memref<128x128xf32, #tpu.memory_space<vmem>>)
      %dma_start3A_243 = arith.constant 0 : i32
      %dma_start3A_244 = tpu.memref_slice %arg10[%add3A_227, %dma_start3A_243] : memref<40x128xi32, #tpu.memory_space<vmem>> -> memref<1x128xi32, #tpu.memory_space<vmem>>
      %dma_start3A_245 = tpu.memref_squeeze %dma_start3A_244 : memref<1x128xi32, #tpu.memory_space<vmem>> -> memref<128xi32, #tpu.memory_space<vmem>>
      %dma_start3A_246 = arith.constant 0 : i32
      %dma_start3A_247 = tpu.memref_slice %arg8[%dma_start3A_246] : memref<10240xf32, #tpu.memory_space<vmem_shared>> -> memref<10240xf32, #tpu.memory_space<vmem_shared>>
      tpu.enqueue_indirect_dma source(%arg13 : memref<128xf32, #tpu.memory_space<vmem>>) target(%dma_start3A_247 : memref<10240xf32, #tpu.memory_space<vmem_shared>>) offsets(%dma_start3A_245 : memref<128xi32, #tpu.memory_space<vmem>>) semaphore(%arg16 : memref<!tpu.dma_semaphore, #tpu.memory_space<semaphore_mem>>) {add = true}
      %run_scoped3A_248 = arith.constant 0 : i32
      "tpu.region"() ({
        %run_scoped3A_285 = tpu.sem_alloc : memref<!tpu.dma_semaphore, #tpu.memory_space<semaphore_mem>>
        %dma_start3A_286 = arith.constant 0 : i32
        %dma_start3A_287 = arith.constant 0 : i32
        %dma_start3A_288 = tpu.memref_slice %arg11[%run_scoped3A_248, %dma_start3A_286, %dma_start3A_287] : memref<2x128x128xf32, #tpu.memory_space<vmem>> -> memref<1x128x128xf32, #tpu.memory_space<vmem>>
        %dma_start3A_289 = tpu.memref_squeeze %dma_start3A_288 : memref<1x128x128xf32, #tpu.memory_space<vmem>> -> memref<128x128xf32, #tpu.memory_space<vmem>>
        %dma_start3A_290 = arith.constant 0 : i32
        %dma_start3A_291 = tpu.memref_slice %arg10[%add3A_227, %dma_start3A_290] : memref<40x128xi32, #tpu.memory_space<vmem>> -> memref<1x128xi32, #tpu.memory_space<vmem>>
        %dma_start3A_292 = tpu.memref_squeeze %dma_start3A_291 : memref<1x128xi32, #tpu.memory_space<vmem>> -> memref<128xi32, #tpu.memory_space<vmem>>
        %dma_start3A_293 = arith.constant 0 : i32
        %dma_start3A_294 = arith.constant 0 : i32
        %dma_start3A_295 = tpu.memref_slice %arg7[%dma_start3A_293, %dma_start3A_294] : memref<10240x128xf32, #tpu.memory_space<vmem_shared>> -> memref<10240x128xf32, #tpu.memory_space<vmem_shared>>
        tpu.enqueue_indirect_dma source(%dma_start3A_289 : memref<128x128xf32, #tpu.memory_space<vmem>>) target(%dma_start3A_295 : memref<10240x128xf32, #tpu.memory_space<vmem_shared>>) offsets(%dma_start3A_292 : memref<128xi32, #tpu.memory_space<vmem>>) semaphore(%run_scoped3A_285 : memref<!tpu.dma_semaphore, #tpu.memory_space<semaphore_mem>>) {add = true}
        %dma_wait3A_296 = arith.constant 0 : i32
        %dma_wait3A_297 = arith.constant 0 : i32
        %dma_wait3A_298 = tpu.memref_slice %arg11[%run_scoped3A_248, %dma_wait3A_296, %dma_wait3A_297] : memref<2x128x128xf32, #tpu.memory_space<vmem>> -> memref<1x128x128xf32, #tpu.memory_space<vmem>>
        %dma_wait3A_299 = tpu.memref_squeeze %dma_wait3A_298 : memref<1x128x128xf32, #tpu.memory_space<vmem>> -> memref<128x128xf32, #tpu.memory_space<vmem>>
        %dma_wait3A_300 = arith.constant 0 : i32
        %dma_wait3A_301 = tpu.memref_slice %arg10[%add3A_227, %dma_wait3A_300] : memref<40x128xi32, #tpu.memory_space<vmem>> -> memref<1x128xi32, #tpu.memory_space<vmem>>
        %dma_wait3A_302 = tpu.memref_squeeze %dma_wait3A_301 : memref<1x128xi32, #tpu.memory_space<vmem>> -> memref<128xi32, #tpu.memory_space<vmem>>
        %dma_wait3A_303 = arith.constant 0 : i32
        %dma_wait3A_304 = arith.constant 0 : i32
        %dma_wait3A_305 = tpu.memref_slice %arg7[%dma_wait3A_303, %dma_wait3A_304] : memref<10240x128xf32, #tpu.memory_space<vmem_shared>> -> memref<10240x128xf32, #tpu.memory_space<vmem_shared>>
        tpu.wait_indirect_dma semaphore(%run_scoped3A_285 : memref<!tpu.dma_semaphore, #tpu.memory_space<semaphore_mem>>) src(%dma_wait3A_299 : memref<128x128xf32, #tpu.memory_space<vmem>>) dst(%dma_wait3A_305 : memref<10240x128xf32, #tpu.memory_space<vmem_shared>>)
        tpu.yield
      }) : () -> ()
      %add3A_249 = arith.constant 2 : i32
      %add3A_250 = arith.addi %add3A_227, %add3A_249 : i32
      %lt3A = arith.constant 40 : i32
      %lt3A_251 = arith.cmpi slt, %add3A_250, %lt3A : i32
      %convert_element_type3A = arith.extui %lt3A_251 : i1 to i32
      %cond3A = arith.constant 0 : i32
      %cond3A_252 = arith.cmpi ne, %convert_element_type3A, %cond3A : i32
      scf.if %cond3A_252 {
        %dma_start3A_285 = arith.constant 0 : i32
        %dma_start3A_286 = arith.constant 0 : i32
        %dma_start3A_287 = arith.constant 0 : i32
        %dma_start3A_288 = tpu.memref_slice %arg11[%dma_start3A_285, %dma_start3A_286, %dma_start3A_287] : memref<2x128x128xf32, #tpu.memory_space<vmem>> -> memref<1x128x128xf32, #tpu.memory_space<vmem>>
        %dma_start3A_289 = tpu.memref_squeeze %dma_start3A_288 : memref<1x128x128xf32, #tpu.memory_space<vmem>> -> memref<128x128xf32, #tpu.memory_space<vmem>>
        %dma_start3A_290 = arith.constant 0 : i32
        %dma_start3A_291 = tpu.memref_slice %arg9[%add3A_250, %dma_start3A_290] : memref<40x128xi32, #tpu.memory_space<vmem>> -> memref<1x128xi32, #tpu.memory_space<vmem>>
        %dma_start3A_292 = tpu.memref_squeeze %dma_start3A_291 : memref<1x128xi32, #tpu.memory_space<vmem>> -> memref<128xi32, #tpu.memory_space<vmem>>
        %dma_start3A_293 = arith.constant 0 : i32
        %dma_start3A_294 = arith.constant 0 : i32
        %dma_start3A_295 = tpu.memref_slice %arg2[%dma_start3A_293, %dma_start3A_294] : memref<20000x128xf32, #tpu.memory_space<hbm>> -> memref<20000x128xf32, #tpu.memory_space<hbm>>
        tpu.enqueue_indirect_dma source(%dma_start3A_295 : memref<20000x128xf32, #tpu.memory_space<hbm>>) target(%dma_start3A_289 : memref<128x128xf32, #tpu.memory_space<vmem>>) offsets(%dma_start3A_292 : memref<128xi32, #tpu.memory_space<vmem>>) semaphore(%arg14 : memref<!tpu.dma_semaphore, #tpu.memory_space<semaphore_mem>>)
      } else {
      }
      %mul3A_253 = arith.constant 2 : i32
      %mul3A_254 = arith.muli %scan3A_223, %mul3A_253 : i32
      %add3A_255 = arith.constant 1 : i32
      %add3A_256 = arith.addi %mul3A_254, %add3A_255 : i32
      %dma_wait3A_257 = arith.constant 1 : i32
      %dma_wait3A_258 = arith.constant 0 : i32
      %dma_wait3A_259 = arith.constant 0 : i32
      %dma_wait3A_260 = tpu.memref_slice %arg11[%dma_wait3A_257, %dma_wait3A_258, %dma_wait3A_259] : memref<2x128x128xf32, #tpu.memory_space<vmem>> -> memref<1x128x128xf32, #tpu.memory_space<vmem>>
      %dma_wait3A_261 = tpu.memref_squeeze %dma_wait3A_260 : memref<1x128x128xf32, #tpu.memory_space<vmem>> -> memref<128x128xf32, #tpu.memory_space<vmem>>
      %dma_wait3A_262 = arith.constant 0 : i32
      %dma_wait3A_263 = arith.constant 0 : i32
      %dma_wait3A_264 = tpu.memref_slice %arg2[%dma_wait3A_262, %dma_wait3A_263] : memref<20000x128xf32, #tpu.memory_space<hbm>> -> memref<128x128xf32, #tpu.memory_space<hbm>>
      %dma_wait3A_265 = arith.constant 0 : i32
      %dma_wait3A_266 = arith.constant 0 : i32
      %dma_wait3A_267 = tpu.memref_slice %arg11[%dma_wait3A_257, %dma_wait3A_265, %dma_wait3A_266] : memref<2x128x128xf32, #tpu.memory_space<vmem>> -> memref<1x128x128xf32, #tpu.memory_space<vmem>>
      %dma_wait3A_268 = tpu.memref_squeeze %dma_wait3A_267 : memref<1x128x128xf32, #tpu.memory_space<vmem>> -> memref<128x128xf32, #tpu.memory_space<vmem>>
      %dma_wait3A_269 = arith.constant 0 : i32
      %dma_wait3A_270 = arith.constant 0 : i32
      %dma_wait3A_271 = tpu.memref_slice %arg2[%dma_wait3A_269, %dma_wait3A_270] : memref<20000x128xf32, #tpu.memory_space<hbm>> -> memref<128x128xf32, #tpu.memory_space<hbm>>
      tpu.wait_dma2 semaphore(%arg15 : memref<!tpu.dma_semaphore, #tpu.memory_space<semaphore_mem>>) src(%dma_wait3A_271 : memref<128x128xf32, #tpu.memory_space<hbm>>) dst(%dma_wait3A_268 : memref<128x128xf32, #tpu.memory_space<vmem>>)
      %dma_start3A_272 = arith.constant 0 : i32
      %dma_start3A_273 = tpu.memref_slice %arg10[%add3A_256, %dma_start3A_272] : memref<40x128xi32, #tpu.memory_space<vmem>> -> memref<1x128xi32, #tpu.memory_space<vmem>>
      %dma_start3A_274 = tpu.memref_squeeze %dma_start3A_273 : memref<1x128xi32, #tpu.memory_space<vmem>> -> memref<128xi32, #tpu.memory_space<vmem>>
      %dma_start3A_275 = arith.constant 0 : i32
      %dma_start3A_276 = tpu.memref_slice %arg8[%dma_start3A_275] : memref<10240xf32, #tpu.memory_space<vmem_shared>> -> memref<10240xf32, #tpu.memory_space<vmem_shared>>
      tpu.enqueue_indirect_dma source(%arg13 : memref<128xf32, #tpu.memory_space<vmem>>) target(%dma_start3A_276 : memref<10240xf32, #tpu.memory_space<vmem_shared>>) offsets(%dma_start3A_274 : memref<128xi32, #tpu.memory_space<vmem>>) semaphore(%arg16 : memref<!tpu.dma_semaphore, #tpu.memory_space<semaphore_mem>>) {add = true}
      %run_scoped3A_277 = arith.constant 1 : i32
      "tpu.region"() ({
        %run_scoped3A_285 = tpu.sem_alloc : memref<!tpu.dma_semaphore, #tpu.memory_space<semaphore_mem>>
        %dma_start3A_286 = arith.constant 0 : i32
        %dma_start3A_287 = arith.constant 0 : i32
        %dma_start3A_288 = tpu.memref_slice %arg11[%run_scoped3A_277, %dma_start3A_286, %dma_start3A_287] : memref<2x128x128xf32, #tpu.memory_space<vmem>> -> memref<1x128x128xf32, #tpu.memory_space<vmem>>
        %dma_start3A_289 = tpu.memref_squeeze %dma_start3A_288 : memref<1x128x128xf32, #tpu.memory_space<vmem>> -> memref<128x128xf32, #tpu.memory_space<vmem>>
        %dma_start3A_290 = arith.constant 0 : i32
        %dma_start3A_291 = tpu.memref_slice %arg10[%add3A_256, %dma_start3A_290] : memref<40x128xi32, #tpu.memory_space<vmem>> -> memref<1x128xi32, #tpu.memory_space<vmem>>
        %dma_start3A_292 = tpu.memref_squeeze %dma_start3A_291 : memref<1x128xi32, #tpu.memory_space<vmem>> -> memref<128xi32, #tpu.memory_space<vmem>>
        %dma_start3A_293 = arith.constant 0 : i32
        %dma_start3A_294 = arith.constant 0 : i32
        %dma_start3A_295 = tpu.memref_slice %arg7[%dma_start3A_293, %dma_start3A_294] : memref<10240x128xf32, #tpu.memory_space<vmem_shared>> -> memref<10240x128xf32, #tpu.memory_space<vmem_shared>>
        tpu.enqueue_indirect_dma source(%dma_start3A_289 : memref<128x128xf32, #tpu.memory_space<vmem>>) target(%dma_start3A_295 : memref<10240x128xf32, #tpu.memory_space<vmem_shared>>) offsets(%dma_start3A_292 : memref<128xi32, #tpu.memory_space<vmem>>) semaphore(%run_scoped3A_285 : memref<!tpu.dma_semaphore, #tpu.memory_space<semaphore_mem>>) {add = true}
        %dma_wait3A_296 = arith.constant 0 : i32
        %dma_wait3A_297 = arith.constant 0 : i32
        %dma_wait3A_298 = tpu.memref_slice %arg11[%run_scoped3A_277, %dma_wait3A_296, %dma_wait3A_297] : memref<2x128x128xf32, #tpu.memory_space<vmem>> -> memref<1x128x128xf32, #tpu.memory_space<vmem>>
        %dma_wait3A_299 = tpu.memref_squeeze %dma_wait3A_298 : memref<1x128x128xf32, #tpu.memory_space<vmem>> -> memref<128x128xf32, #tpu.memory_space<vmem>>
        %dma_wait3A_300 = arith.constant 0 : i32
        %dma_wait3A_301 = tpu.memref_slice %arg10[%add3A_256, %dma_wait3A_300] : memref<40x128xi32, #tpu.memory_space<vmem>> -> memref<1x128xi32, #tpu.memory_space<vmem>>
        %dma_wait3A_302 = tpu.memref_squeeze %dma_wait3A_301 : memref<1x128xi32, #tpu.memory_space<vmem>> -> memref<128xi32, #tpu.memory_space<vmem>>
        %dma_wait3A_303 = arith.constant 0 : i32
        %dma_wait3A_304 = arith.constant 0 : i32
        %dma_wait3A_305 = tpu.memref_slice %arg7[%dma_wait3A_303, %dma_wait3A_304] : memref<10240x128xf32, #tpu.memory_space<vmem_shared>> -> memref<10240x128xf32, #tpu.memory_space<vmem_shared>>
        tpu.wait_indirect_dma semaphore(%run_scoped3A_285 : memref<!tpu.dma_semaphore, #tpu.memory_space<semaphore_mem>>) src(%dma_wait3A_299 : memref<128x128xf32, #tpu.memory_space<vmem>>) dst(%dma_wait3A_305 : memref<10240x128xf32, #tpu.memory_space<vmem_shared>>)
        tpu.yield
      }) : () -> ()
      %add3A_278 = arith.constant 2 : i32
      %add3A_279 = arith.addi %add3A_256, %add3A_278 : i32
      %lt3A_280 = arith.constant 40 : i32
      %lt3A_281 = arith.cmpi slt, %add3A_279, %lt3A_280 : i32
      %convert_element_type3A_282 = arith.extui %lt3A_281 : i1 to i32
      %cond3A_283 = arith.constant 0 : i32
      %cond3A_284 = arith.cmpi ne, %convert_element_type3A_282, %cond3A_283 : i32
      scf.if %cond3A_284 {
        %dma_start3A_285 = arith.constant 1 : i32
        %dma_start3A_286 = arith.constant 0 : i32
        %dma_start3A_287 = arith.constant 0 : i32
        %dma_start3A_288 = tpu.memref_slice %arg11[%dma_start3A_285, %dma_start3A_286, %dma_start3A_287] : memref<2x128x128xf32, #tpu.memory_space<vmem>> -> memref<1x128x128xf32, #tpu.memory_space<vmem>>
        %dma_start3A_289 = tpu.memref_squeeze %dma_start3A_288 : memref<1x128x128xf32, #tpu.memory_space<vmem>> -> memref<128x128xf32, #tpu.memory_space<vmem>>
        %dma_start3A_290 = arith.constant 0 : i32
        %dma_start3A_291 = tpu.memref_slice %arg9[%add3A_279, %dma_start3A_290] : memref<40x128xi32, #tpu.memory_space<vmem>> -> memref<1x128xi32, #tpu.memory_space<vmem>>
        %dma_start3A_292 = tpu.memref_squeeze %dma_start3A_291 : memref<1x128xi32, #tpu.memory_space<vmem>> -> memref<128xi32, #tpu.memory_space<vmem>>
        %dma_start3A_293 = arith.constant 0 : i32
        %dma_start3A_294 = arith.constant 0 : i32
        %dma_start3A_295 = tpu.memref_slice %arg2[%dma_start3A_293, %dma_start3A_294] : memref<20000x128xf32, #tpu.memory_space<hbm>> -> memref<20000x128xf32, #tpu.memory_space<hbm>>
        tpu.enqueue_indirect_dma source(%dma_start3A_295 : memref<20000x128xf32, #tpu.memory_space<hbm>>) target(%dma_start3A_289 : memref<128x128xf32, #tpu.memory_space<vmem>>) offsets(%dma_start3A_292 : memref<128xi32, #tpu.memory_space<vmem>>) semaphore(%arg15 : memref<!tpu.dma_semaphore, #tpu.memory_space<semaphore_mem>>)
      } else {
      }
    }
    %scan3A_100 = arith.constant 20 : i32
    %dma_wait3A = arith.constant 0 : i32
    %dma_wait3A_101 = arith.constant 0 : i32
    %dma_wait3A_102 = tpu.memref_slice %arg3[%arg0, %arg1, %dma_wait3A, %dma_wait3A_101] : memref<2x16x160x128xi32, #tpu.memory_space<hbm>> -> memref<1x1x40x128xi32, #tpu.memory_space<hbm>>
    %dma_wait3A_103 = tpu.memref_squeeze %dma_wait3A_102 : memref<1x1x40x128xi32, #tpu.memory_space<hbm>> -> memref<40x128xi32, #tpu.memory_space<hbm>>
    %dma_wait3A_104 = arith.constant 0 : i32
    %dma_wait3A_105 = arith.constant 0 : i32
    %dma_wait3A_106 = tpu.memref_slice %arg3[%arg0, %arg1, %dma_wait3A_104, %dma_wait3A_105] : memref<2x16x160x128xi32, #tpu.memory_space<hbm>> -> memref<1x1x40x128xi32, #tpu.memory_space<hbm>>
    %dma_wait3A_107 = tpu.memref_squeeze %dma_wait3A_106 : memref<1x1x40x128xi32, #tpu.memory_space<hbm>> -> memref<40x128xi32, #tpu.memory_space<hbm>>
    tpu.wait_dma2 semaphore(%arg16 : memref<!tpu.dma_semaphore, #tpu.memory_space<semaphore_mem>>) src(%dma_wait3A_107 : memref<40x128xi32, #tpu.memory_space<hbm>>) dst(%arg9 : memref<40x128xi32, #tpu.memory_space<vmem>>)
    "tpu.region"() ({
      %run_scoped3A_223 = tpu.sem_alloc : memref<!tpu.dma_semaphore, #tpu.memory_space<semaphore_mem>>
      %dma_start3A_224 = arith.constant 40 : i32
      %dma_start3A_225 = arith.constant 0 : i32
      %dma_start3A_226 = tpu.memref_slice %arg3[%arg0, %arg1, %dma_start3A_224, %dma_start3A_225] : memref<2x16x160x128xi32, #tpu.memory_space<hbm>> -> memref<1x1x40x128xi32, #tpu.memory_space<hbm>>
      %dma_start3A_227 = tpu.memref_squeeze %dma_start3A_226 : memref<1x1x40x128xi32, #tpu.memory_space<hbm>> -> memref<40x128xi32, #tpu.memory_space<hbm>>
      %dma_start3A_228 = arith.constant 40 : i32
      %dma_start3A_229 = arith.constant 0 : i32
      %dma_start3A_230 = tpu.memref_slice %arg3[%arg0, %arg1, %dma_start3A_228, %dma_start3A_229] : memref<2x16x160x128xi32, #tpu.memory_space<hbm>> -> memref<1x1x40x128xi32, #tpu.memory_space<hbm>>
      %dma_start3A_231 = tpu.memref_squeeze %dma_start3A_230 : memref<1x1x40x128xi32, #tpu.memory_space<hbm>> -> memref<40x128xi32, #tpu.memory_space<hbm>>
      tpu.enqueue_dma source(%dma_start3A_231 : memref<40x128xi32, #tpu.memory_space<hbm>>) target(%arg9 : memref<40x128xi32, #tpu.memory_space<vmem>>) target_semaphore(%run_scoped3A_223 : memref<!tpu.dma_semaphore, #tpu.memory_space<semaphore_mem>>)
      %dma_wait3A_232 = arith.constant 40 : i32
      %dma_wait3A_233 = arith.constant 0 : i32
      %dma_wait3A_234 = tpu.memref_slice %arg3[%arg0, %arg1, %dma_wait3A_232, %dma_wait3A_233] : memref<2x16x160x128xi32, #tpu.memory_space<hbm>> -> memref<1x1x40x128xi32, #tpu.memory_space<hbm>>
      %dma_wait3A_235 = tpu.memref_squeeze %dma_wait3A_234 : memref<1x1x40x128xi32, #tpu.memory_space<hbm>> -> memref<40x128xi32, #tpu.memory_space<hbm>>
      %dma_wait3A_236 = arith.constant 40 : i32
      %dma_wait3A_237 = arith.constant 0 : i32
      %dma_wait3A_238 = tpu.memref_slice %arg3[%arg0, %arg1, %dma_wait3A_236, %dma_wait3A_237] : memref<2x16x160x128xi32, #tpu.memory_space<hbm>> -> memref<1x1x40x128xi32, #tpu.memory_space<hbm>>
      %dma_wait3A_239 = tpu.memref_squeeze %dma_wait3A_238 : memref<1x1x40x128xi32, #tpu.memory_space<hbm>> -> memref<40x128xi32, #tpu.memory_space<hbm>>
      tpu.wait_dma2 semaphore(%run_scoped3A_223 : memref<!tpu.dma_semaphore, #tpu.memory_space<semaphore_mem>>) src(%dma_wait3A_239 : memref<40x128xi32, #tpu.memory_space<hbm>>) dst(%arg9 : memref<40x128xi32, #tpu.memory_space<vmem>>)
      tpu.yield
    }) : () -> ()
    "tpu.region"() ({
      %run_scoped3A_223 = tpu.sem_alloc : memref<!tpu.dma_semaphore, #tpu.memory_space<semaphore_mem>>
      %dma_start3A_224 = arith.constant 40 : i32
      %dma_start3A_225 = arith.constant 0 : i32
      %dma_start3A_226 = tpu.memref_slice %arg4[%arg0, %arg1, %dma_start3A_224, %dma_start3A_225] : memref<2x16x160x128xi32, #tpu.memory_space<hbm>> -> memref<1x1x40x128xi32, #tpu.memory_space<hbm>>
      %dma_start3A_227 = tpu.memref_squeeze %dma_start3A_226 : memref<1x1x40x128xi32, #tpu.memory_space<hbm>> -> memref<40x128xi32, #tpu.memory_space<hbm>>
      %dma_start3A_228 = arith.constant 40 : i32
      %dma_start3A_229 = arith.constant 0 : i32
      %dma_start3A_230 = tpu.memref_slice %arg4[%arg0, %arg1, %dma_start3A_228, %dma_start3A_229] : memref<2x16x160x128xi32, #tpu.memory_space<hbm>> -> memref<1x1x40x128xi32, #tpu.memory_space<hbm>>
      %dma_start3A_231 = tpu.memref_squeeze %dma_start3A_230 : memref<1x1x40x128xi32, #tpu.memory_space<hbm>> -> memref<40x128xi32, #tpu.memory_space<hbm>>
      tpu.enqueue_dma source(%dma_start3A_231 : memref<40x128xi32, #tpu.memory_space<hbm>>) target(%arg10 : memref<40x128xi32, #tpu.memory_space<vmem>>) target_semaphore(%run_scoped3A_223 : memref<!tpu.dma_semaphore, #tpu.memory_space<semaphore_mem>>)
      %dma_wait3A_232 = arith.constant 40 : i32
      %dma_wait3A_233 = arith.constant 0 : i32
      %dma_wait3A_234 = tpu.memref_slice %arg4[%arg0, %arg1, %dma_wait3A_232, %dma_wait3A_233] : memref<2x16x160x128xi32, #tpu.memory_space<hbm>> -> memref<1x1x40x128xi32, #tpu.memory_space<hbm>>
      %dma_wait3A_235 = tpu.memref_squeeze %dma_wait3A_234 : memref<1x1x40x128xi32, #tpu.memory_space<hbm>> -> memref<40x128xi32, #tpu.memory_space<hbm>>
      %dma_wait3A_236 = arith.constant 40 : i32
      %dma_wait3A_237 = arith.constant 0 : i32
      %dma_wait3A_238 = tpu.memref_slice %arg4[%arg0, %arg1, %dma_wait3A_236, %dma_wait3A_237] : memref<2x16x160x128xi32, #tpu.memory_space<hbm>> -> memref<1x1x40x128xi32, #tpu.memory_space<hbm>>
      %dma_wait3A_239 = tpu.memref_squeeze %dma_wait3A_238 : memref<1x1x40x128xi32, #tpu.memory_space<hbm>> -> memref<40x128xi32, #tpu.memory_space<hbm>>
      tpu.wait_dma2 semaphore(%run_scoped3A_223 : memref<!tpu.dma_semaphore, #tpu.memory_space<semaphore_mem>>) src(%dma_wait3A_239 : memref<40x128xi32, #tpu.memory_space<hbm>>) dst(%arg10 : memref<40x128xi32, #tpu.memory_space<vmem>>)
      tpu.yield
    }) : () -> ()
    %dma_start3A_108 = arith.constant 0 : i32
    %dma_start3A_109 = arith.constant 0 : i32
    %dma_start3A_110 = arith.constant 0 : i32
    %dma_start3A_111 = arith.constant 0 : i32
    %dma_start3A_112 = tpu.memref_slice %arg11[%dma_start3A_109, %dma_start3A_110, %dma_start3A_111] : memref<2x128x128xf32, #tpu.memory_space<vmem>> -> memref<1x128x128xf32, #tpu.memory_space<vmem>>
    %dma_start3A_113 = tpu.memref_squeeze %dma_start3A_112 : memref<1x128x128xf32, #tpu.memory_space<vmem>> -> memref<128x128xf32, #tpu.memory_space<vmem>>
    %dma_start3A_114 = arith.constant 0 : i32
    %dma_start3A_115 = tpu.memref_slice %arg9[%dma_start3A_108, %dma_start3A_114] : memref<40x128xi32, #tpu.memory_space<vmem>> -> memref<1x128xi32, #tpu.memory_space<vmem>>
    %dma_start3A_116 = tpu.memref_squeeze %dma_start3A_115 : memref<1x128xi32, #tpu.memory_space<vmem>> -> memref<128xi32, #tpu.memory_space<vmem>>
    %dma_start3A_117 = arith.constant 0 : i32
    %dma_start3A_118 = arith.constant 0 : i32
    %dma_start3A_119 = tpu.memref_slice %arg2[%dma_start3A_117, %dma_start3A_118] : memref<20000x128xf32, #tpu.memory_space<hbm>> -> memref<20000x128xf32, #tpu.memory_space<hbm>>
    tpu.enqueue_indirect_dma source(%dma_start3A_119 : memref<20000x128xf32, #tpu.memory_space<hbm>>) target(%dma_start3A_113 : memref<128x128xf32, #tpu.memory_space<vmem>>) offsets(%dma_start3A_116 : memref<128xi32, #tpu.memory_space<vmem>>) semaphore(%arg14 : memref<!tpu.dma_semaphore, #tpu.memory_space<semaphore_mem>>)
    %dma_start3A_120 = arith.constant 1 : i32
    %dma_start3A_121 = arith.constant 1 : i32
    %dma_start3A_122 = arith.constant 0 : i32
    %dma_start3A_123 = arith.constant 0 : i32
    %dma_start3A_124 = tpu.memref_slice %arg11[%dma_start3A_121, %dma_start3A_122, %dma_start3A_123] : memref<2x128x128xf32, #tpu.memory_space<vmem>> -> memref<1x128x128xf32, #tpu.memory_space<vmem>>
    %dma_start3A_125 = tpu.memref_squeeze %dma_start3A_124 : memref<1x128x128xf32, #tpu.memory_space<vmem>> -> memref<128x128xf32, #tpu.memory_space<vmem>>
    %dma_start3A_126 = arith.constant 0 : i32
    %dma_start3A_127 = tpu.memref_slice %arg9[%dma_start3A_120, %dma_start3A_126] : memref<40x128xi32, #tpu.memory_space<vmem>> -> memref<1x128xi32, #tpu.memory_space<vmem>>
    %dma_start3A_128 = tpu.memref_squeeze %dma_start3A_127 : memref<1x128xi32, #tpu.memory_space<vmem>> -> memref<128xi32, #tpu.memory_space<vmem>>
    %dma_start3A_129 = arith.constant 0 : i32
    %dma_start3A_130 = arith.constant 0 : i32
    %dma_start3A_131 = tpu.memref_slice %arg2[%dma_start3A_129, %dma_start3A_130] : memref<20000x128xf32, #tpu.memory_space<hbm>> -> memref<20000x128xf32, #tpu.memory_space<hbm>>
    tpu.enqueue_indirect_dma source(%dma_start3A_131 : memref<20000x128xf32, #tpu.memory_space<hbm>>) target(%dma_start3A_125 : memref<128x128xf32, #tpu.memory_space<vmem>>) offsets(%dma_start3A_128 : memref<128xi32, #tpu.memory_space<vmem>>) semaphore(%arg15 : memref<!tpu.dma_semaphore, #tpu.memory_space<semaphore_mem>>)
    %scan3A_132 = arith.constant 0 : i32
    %scan3A_133 = arith.constant 0 : i32
    %scan3A_134 = arith.constant 20 : i32
    %scan3A_135 = arith.addi %scan3A_133, %scan3A_134 : i32
    %scan3A_136 = arith.constant 1 : i32
    scf.for %scan3A_223 = %scan3A_133 to %scan3A_135 step %scan3A_136  : i32 {
      %mul3A_224 = arith.constant 2 : i32
      %mul3A_225 = arith.muli %scan3A_223, %mul3A_224 : i32
      %add3A_226 = arith.constant 0 : i32
      %add3A_227 = arith.addi %mul3A_225, %add3A_226 : i32
      %dma_wait3A_228 = arith.constant 0 : i32
      %dma_wait3A_229 = arith.constant 0 : i32
      %dma_wait3A_230 = arith.constant 0 : i32
      %dma_wait3A_231 = tpu.memref_slice %arg11[%dma_wait3A_228, %dma_wait3A_229, %dma_wait3A_230] : memref<2x128x128xf32, #tpu.memory_space<vmem>> -> memref<1x128x128xf32, #tpu.memory_space<vmem>>
      %dma_wait3A_232 = tpu.memref_squeeze %dma_wait3A_231 : memref<1x128x128xf32, #tpu.memory_space<vmem>> -> memref<128x128xf32, #tpu.memory_space<vmem>>
      %dma_wait3A_233 = arith.constant 0 : i32
      %dma_wait3A_234 = arith.constant 0 : i32
      %dma_wait3A_235 = tpu.memref_slice %arg2[%dma_wait3A_233, %dma_wait3A_234] : memref<20000x128xf32, #tpu.memory_space<hbm>> -> memref<128x128xf32, #tpu.memory_space<hbm>>
      %dma_wait3A_236 = arith.constant 0 : i32
      %dma_wait3A_237 = arith.constant 0 : i32
      %dma_wait3A_238 = tpu.memref_slice %arg11[%dma_wait3A_228, %dma_wait3A_236, %dma_wait3A_237] : memref<2x128x128xf32, #tpu.memory_space<vmem>> -> memref<1x128x128xf32, #tpu.memory_space<vmem>>
      %dma_wait3A_239 = tpu.memref_squeeze %dma_wait3A_238 : memref<1x128x128xf32, #tpu.memory_space<vmem>> -> memref<128x128xf32, #tpu.memory_space<vmem>>
      %dma_wait3A_240 = arith.constant 0 : i32
      %dma_wait3A_241 = arith.constant 0 : i32
      %dma_wait3A_242 = tpu.memref_slice %arg2[%dma_wait3A_240, %dma_wait3A_241] : memref<20000x128xf32, #tpu.memory_space<hbm>> -> memref<128x128xf32, #tpu.memory_space<hbm>>
      tpu.wait_dma2 semaphore(%arg14 : memref<!tpu.dma_semaphore, #tpu.memory_space<semaphore_mem>>) src(%dma_wait3A_242 : memref<128x128xf32, #tpu.memory_space<hbm>>) dst(%dma_wait3A_239 : memref<128x128xf32, #tpu.memory_space<vmem>>)
      %dma_start3A_243 = arith.constant 0 : i32
      %dma_start3A_244 = tpu.memref_slice %arg10[%add3A_227, %dma_start3A_243] : memref<40x128xi32, #tpu.memory_space<vmem>> -> memref<1x128xi32, #tpu.memory_space<vmem>>
      %dma_start3A_245 = tpu.memref_squeeze %dma_start3A_244 : memref<1x128xi32, #tpu.memory_space<vmem>> -> memref<128xi32, #tpu.memory_space<vmem>>
      %dma_start3A_246 = arith.constant 0 : i32
      %dma_start3A_247 = tpu.memref_slice %arg8[%dma_start3A_246] : memref<10240xf32, #tpu.memory_space<vmem_shared>> -> memref<10240xf32, #tpu.memory_space<vmem_shared>>
      tpu.enqueue_indirect_dma source(%arg13 : memref<128xf32, #tpu.memory_space<vmem>>) target(%dma_start3A_247 : memref<10240xf32, #tpu.memory_space<vmem_shared>>) offsets(%dma_start3A_245 : memref<128xi32, #tpu.memory_space<vmem>>) semaphore(%arg16 : memref<!tpu.dma_semaphore, #tpu.memory_space<semaphore_mem>>) {add = true}
      %run_scoped3A_248 = arith.constant 0 : i32
      "tpu.region"() ({
        %run_scoped3A_285 = tpu.sem_alloc : memref<!tpu.dma_semaphore, #tpu.memory_space<semaphore_mem>>
        %dma_start3A_286 = arith.constant 0 : i32
        %dma_start3A_287 = arith.constant 0 : i32
        %dma_start3A_288 = tpu.memref_slice %arg11[%run_scoped3A_248, %dma_start3A_286, %dma_start3A_287] : memref<2x128x128xf32, #tpu.memory_space<vmem>> -> memref<1x128x128xf32, #tpu.memory_space<vmem>>
        %dma_start3A_289 = tpu.memref_squeeze %dma_start3A_288 : memref<1x128x128xf32, #tpu.memory_space<vmem>> -> memref<128x128xf32, #tpu.memory_space<vmem>>
        %dma_start3A_290 = arith.constant 0 : i32
        %dma_start3A_291 = tpu.memref_slice %arg10[%add3A_227, %dma_start3A_290] : memref<40x128xi32, #tpu.memory_space<vmem>> -> memref<1x128xi32, #tpu.memory_space<vmem>>
        %dma_start3A_292 = tpu.memref_squeeze %dma_start3A_291 : memref<1x128xi32, #tpu.memory_space<vmem>> -> memref<128xi32, #tpu.memory_space<vmem>>
        %dma_start3A_293 = arith.constant 0 : i32
        %dma_start3A_294 = arith.constant 0 : i32
        %dma_start3A_295 = tpu.memref_slice %arg7[%dma_start3A_293, %dma_start3A_294] : memref<10240x128xf32, #tpu.memory_space<vmem_shared>> -> memref<10240x128xf32, #tpu.memory_space<vmem_shared>>
        tpu.enqueue_indirect_dma source(%dma_start3A_289 : memref<128x128xf32, #tpu.memory_space<vmem>>) target(%dma_start3A_295 : memref<10240x128xf32, #tpu.memory_space<vmem_shared>>) offsets(%dma_start3A_292 : memref<128xi32, #tpu.memory_space<vmem>>) semaphore(%run_scoped3A_285 : memref<!tpu.dma_semaphore, #tpu.memory_space<semaphore_mem>>) {add = true}
        %dma_wait3A_296 = arith.constant 0 : i32
        %dma_wait3A_297 = arith.constant 0 : i32
        %dma_wait3A_298 = tpu.memref_slice %arg11[%run_scoped3A_248, %dma_wait3A_296, %dma_wait3A_297] : memref<2x128x128xf32, #tpu.memory_space<vmem>> -> memref<1x128x128xf32, #tpu.memory_space<vmem>>
        %dma_wait3A_299 = tpu.memref_squeeze %dma_wait3A_298 : memref<1x128x128xf32, #tpu.memory_space<vmem>> -> memref<128x128xf32, #tpu.memory_space<vmem>>
        %dma_wait3A_300 = arith.constant 0 : i32
        %dma_wait3A_301 = tpu.memref_slice %arg10[%add3A_227, %dma_wait3A_300] : memref<40x128xi32, #tpu.memory_space<vmem>> -> memref<1x128xi32, #tpu.memory_space<vmem>>
        %dma_wait3A_302 = tpu.memref_squeeze %dma_wait3A_301 : memref<1x128xi32, #tpu.memory_space<vmem>> -> memref<128xi32, #tpu.memory_space<vmem>>
        %dma_wait3A_303 = arith.constant 0 : i32
        %dma_wait3A_304 = arith.constant 0 : i32
        %dma_wait3A_305 = tpu.memref_slice %arg7[%dma_wait3A_303, %dma_wait3A_304] : memref<10240x128xf32, #tpu.memory_space<vmem_shared>> -> memref<10240x128xf32, #tpu.memory_space<vmem_shared>>
        tpu.wait_indirect_dma semaphore(%run_scoped3A_285 : memref<!tpu.dma_semaphore, #tpu.memory_space<semaphore_mem>>) src(%dma_wait3A_299 : memref<128x128xf32, #tpu.memory_space<vmem>>) dst(%dma_wait3A_305 : memref<10240x128xf32, #tpu.memory_space<vmem_shared>>)
        tpu.yield
      }) : () -> ()
      %add3A_249 = arith.constant 2 : i32
      %add3A_250 = arith.addi %add3A_227, %add3A_249 : i32
      %lt3A = arith.constant 40 : i32
      %lt3A_251 = arith.cmpi slt, %add3A_250, %lt3A : i32
      %convert_element_type3A = arith.extui %lt3A_251 : i1 to i32
      %cond3A = arith.constant 0 : i32
      %cond3A_252 = arith.cmpi ne, %convert_element_type3A, %cond3A : i32
      scf.if %cond3A_252 {
        %dma_start3A_285 = arith.constant 0 : i32
        %dma_start3A_286 = arith.constant 0 : i32
        %dma_start3A_287 = arith.constant 0 : i32
        %dma_start3A_288 = tpu.memref_slice %arg11[%dma_start3A_285, %dma_start3A_286, %dma_start3A_287] : memref<2x128x128xf32, #tpu.memory_space<vmem>> -> memref<1x128x128xf32, #tpu.memory_space<vmem>>
        %dma_start3A_289 = tpu.memref_squeeze %dma_start3A_288 : memref<1x128x128xf32, #tpu.memory_space<vmem>> -> memref<128x128xf32, #tpu.memory_space<vmem>>
        %dma_start3A_290 = arith.constant 0 : i32
        %dma_start3A_291 = tpu.memref_slice %arg9[%add3A_250, %dma_start3A_290] : memref<40x128xi32, #tpu.memory_space<vmem>> -> memref<1x128xi32, #tpu.memory_space<vmem>>
        %dma_start3A_292 = tpu.memref_squeeze %dma_start3A_291 : memref<1x128xi32, #tpu.memory_space<vmem>> -> memref<128xi32, #tpu.memory_space<vmem>>
        %dma_start3A_293 = arith.constant 0 : i32
        %dma_start3A_294 = arith.constant 0 : i32
        %dma_start3A_295 = tpu.memref_slice %arg2[%dma_start3A_293, %dma_start3A_294] : memref<20000x128xf32, #tpu.memory_space<hbm>> -> memref<20000x128xf32, #tpu.memory_space<hbm>>
        tpu.enqueue_indirect_dma source(%dma_start3A_295 : memref<20000x128xf32, #tpu.memory_space<hbm>>) target(%dma_start3A_289 : memref<128x128xf32, #tpu.memory_space<vmem>>) offsets(%dma_start3A_292 : memref<128xi32, #tpu.memory_space<vmem>>) semaphore(%arg14 : memref<!tpu.dma_semaphore, #tpu.memory_space<semaphore_mem>>)
      } else {
      }
      %mul3A_253 = arith.constant 2 : i32
      %mul3A_254 = arith.muli %scan3A_223, %mul3A_253 : i32
      %add3A_255 = arith.constant 1 : i32
      %add3A_256 = arith.addi %mul3A_254, %add3A_255 : i32
      %dma_wait3A_257 = arith.constant 1 : i32
      %dma_wait3A_258 = arith.constant 0 : i32
      %dma_wait3A_259 = arith.constant 0 : i32
      %dma_wait3A_260 = tpu.memref_slice %arg11[%dma_wait3A_257, %dma_wait3A_258, %dma_wait3A_259] : memref<2x128x128xf32, #tpu.memory_space<vmem>> -> memref<1x128x128xf32, #tpu.memory_space<vmem>>
      %dma_wait3A_261 = tpu.memref_squeeze %dma_wait3A_260 : memref<1x128x128xf32, #tpu.memory_space<vmem>> -> memref<128x128xf32, #tpu.memory_space<vmem>>
      %dma_wait3A_262 = arith.constant 0 : i32
      %dma_wait3A_263 = arith.constant 0 : i32
      %dma_wait3A_264 = tpu.memref_slice %arg2[%dma_wait3A_262, %dma_wait3A_263] : memref<20000x128xf32, #tpu.memory_space<hbm>> -> memref<128x128xf32, #tpu.memory_space<hbm>>
      %dma_wait3A_265 = arith.constant 0 : i32
      %dma_wait3A_266 = arith.constant 0 : i32
      %dma_wait3A_267 = tpu.memref_slice %arg11[%dma_wait3A_257, %dma_wait3A_265, %dma_wait3A_266] : memref<2x128x128xf32, #tpu.memory_space<vmem>> -> memref<1x128x128xf32, #tpu.memory_space<vmem>>
      %dma_wait3A_268 = tpu.memref_squeeze %dma_wait3A_267 : memref<1x128x128xf32, #tpu.memory_space<vmem>> -> memref<128x128xf32, #tpu.memory_space<vmem>>
      %dma_wait3A_269 = arith.constant 0 : i32
      %dma_wait3A_270 = arith.constant 0 : i32
      %dma_wait3A_271 = tpu.memref_slice %arg2[%dma_wait3A_269, %dma_wait3A_270] : memref<20000x128xf32, #tpu.memory_space<hbm>> -> memref<128x128xf32, #tpu.memory_space<hbm>>
      tpu.wait_dma2 semaphore(%arg15 : memref<!tpu.dma_semaphore, #tpu.memory_space<semaphore_mem>>) src(%dma_wait3A_271 : memref<128x128xf32, #tpu.memory_space<hbm>>) dst(%dma_wait3A_268 : memref<128x128xf32, #tpu.memory_space<vmem>>)
      %dma_start3A_272 = arith.constant 0 : i32
      %dma_start3A_273 = tpu.memref_slice %arg10[%add3A_256, %dma_start3A_272] : memref<40x128xi32, #tpu.memory_space<vmem>> -> memref<1x128xi32, #tpu.memory_space<vmem>>
      %dma_start3A_274 = tpu.memref_squeeze %dma_start3A_273 : memref<1x128xi32, #tpu.memory_space<vmem>> -> memref<128xi32, #tpu.memory_space<vmem>>
      %dma_start3A_275 = arith.constant 0 : i32
      %dma_start3A_276 = tpu.memref_slice %arg8[%dma_start3A_275] : memref<10240xf32, #tpu.memory_space<vmem_shared>> -> memref<10240xf32, #tpu.memory_space<vmem_shared>>
      tpu.enqueue_indirect_dma source(%arg13 : memref<128xf32, #tpu.memory_space<vmem>>) target(%dma_start3A_276 : memref<10240xf32, #tpu.memory_space<vmem_shared>>) offsets(%dma_start3A_274 : memref<128xi32, #tpu.memory_space<vmem>>) semaphore(%arg16 : memref<!tpu.dma_semaphore, #tpu.memory_space<semaphore_mem>>) {add = true}
      %run_scoped3A_277 = arith.constant 1 : i32
      "tpu.region"() ({
        %run_scoped3A_285 = tpu.sem_alloc : memref<!tpu.dma_semaphore, #tpu.memory_space<semaphore_mem>>
        %dma_start3A_286 = arith.constant 0 : i32
        %dma_start3A_287 = arith.constant 0 : i32
        %dma_start3A_288 = tpu.memref_slice %arg11[%run_scoped3A_277, %dma_start3A_286, %dma_start3A_287] : memref<2x128x128xf32, #tpu.memory_space<vmem>> -> memref<1x128x128xf32, #tpu.memory_space<vmem>>
        %dma_start3A_289 = tpu.memref_squeeze %dma_start3A_288 : memref<1x128x128xf32, #tpu.memory_space<vmem>> -> memref<128x128xf32, #tpu.memory_space<vmem>>
        %dma_start3A_290 = arith.constant 0 : i32
        %dma_start3A_291 = tpu.memref_slice %arg10[%add3A_256, %dma_start3A_290] : memref<40x128xi32, #tpu.memory_space<vmem>> -> memref<1x128xi32, #tpu.memory_space<vmem>>
        %dma_start3A_292 = tpu.memref_squeeze %dma_start3A_291 : memref<1x128xi32, #tpu.memory_space<vmem>> -> memref<128xi32, #tpu.memory_space<vmem>>
        %dma_start3A_293 = arith.constant 0 : i32
        %dma_start3A_294 = arith.constant 0 : i32
        %dma_start3A_295 = tpu.memref_slice %arg7[%dma_start3A_293, %dma_start3A_294] : memref<10240x128xf32, #tpu.memory_space<vmem_shared>> -> memref<10240x128xf32, #tpu.memory_space<vmem_shared>>
        tpu.enqueue_indirect_dma source(%dma_start3A_289 : memref<128x128xf32, #tpu.memory_space<vmem>>) target(%dma_start3A_295 : memref<10240x128xf32, #tpu.memory_space<vmem_shared>>) offsets(%dma_start3A_292 : memref<128xi32, #tpu.memory_space<vmem>>) semaphore(%run_scoped3A_285 : memref<!tpu.dma_semaphore, #tpu.memory_space<semaphore_mem>>) {add = true}
        %dma_wait3A_296 = arith.constant 0 : i32
        %dma_wait3A_297 = arith.constant 0 : i32
        %dma_wait3A_298 = tpu.memref_slice %arg11[%run_scoped3A_277, %dma_wait3A_296, %dma_wait3A_297] : memref<2x128x128xf32, #tpu.memory_space<vmem>> -> memref<1x128x128xf32, #tpu.memory_space<vmem>>
        %dma_wait3A_299 = tpu.memref_squeeze %dma_wait3A_298 : memref<1x128x128xf32, #tpu.memory_space<vmem>> -> memref<128x128xf32, #tpu.memory_space<vmem>>
        %dma_wait3A_300 = arith.constant 0 : i32
        %dma_wait3A_301 = tpu.memref_slice %arg10[%add3A_256, %dma_wait3A_300] : memref<40x128xi32, #tpu.memory_space<vmem>> -> memref<1x128xi32, #tpu.memory_space<vmem>>
        %dma_wait3A_302 = tpu.memref_squeeze %dma_wait3A_301 : memref<1x128xi32, #tpu.memory_space<vmem>> -> memref<128xi32, #tpu.memory_space<vmem>>
        %dma_wait3A_303 = arith.constant 0 : i32
        %dma_wait3A_304 = arith.constant 0 : i32
        %dma_wait3A_305 = tpu.memref_slice %arg7[%dma_wait3A_303, %dma_wait3A_304] : memref<10240x128xf32, #tpu.memory_space<vmem_shared>> -> memref<10240x128xf32, #tpu.memory_space<vmem_shared>>
        tpu.wait_indirect_dma semaphore(%run_scoped3A_285 : memref<!tpu.dma_semaphore, #tpu.memory_space<semaphore_mem>>) src(%dma_wait3A_299 : memref<128x128xf32, #tpu.memory_space<vmem>>) dst(%dma_wait3A_305 : memref<10240x128xf32, #tpu.memory_space<vmem_shared>>)
        tpu.yield
      }) : () -> ()
      %add3A_278 = arith.constant 2 : i32
      %add3A_279 = arith.addi %add3A_256, %add3A_278 : i32
      %lt3A_280 = arith.constant 40 : i32
      %lt3A_281 = arith.cmpi slt, %add3A_279, %lt3A_280 : i32
      %convert_element_type3A_282 = arith.extui %lt3A_281 : i1 to i32
      %cond3A_283 = arith.constant 0 : i32
      %cond3A_284 = arith.cmpi ne, %convert_element_type3A_282, %cond3A_283 : i32
      scf.if %cond3A_284 {
        %dma_start3A_285 = arith.constant 1 : i32
        %dma_start3A_286 = arith.constant 0 : i32
        %dma_start3A_287 = arith.constant 0 : i32
        %dma_start3A_288 = tpu.memref_slice %arg11[%dma_start3A_285, %dma_start3A_286, %dma_start3A_287] : memref<2x128x128xf32, #tpu.memory_space<vmem>> -> memref<1x128x128xf32, #tpu.memory_space<vmem>>
        %dma_start3A_289 = tpu.memref_squeeze %dma_start3A_288 : memref<1x128x128xf32, #tpu.memory_space<vmem>> -> memref<128x128xf32, #tpu.memory_space<vmem>>
        %dma_start3A_290 = arith.constant 0 : i32
        %dma_start3A_291 = tpu.memref_slice %arg9[%add3A_279, %dma_start3A_290] : memref<40x128xi32, #tpu.memory_space<vmem>> -> memref<1x128xi32, #tpu.memory_space<vmem>>
        %dma_start3A_292 = tpu.memref_squeeze %dma_start3A_291 : memref<1x128xi32, #tpu.memory_space<vmem>> -> memref<128xi32, #tpu.memory_space<vmem>>
        %dma_start3A_293 = arith.constant 0 : i32
        %dma_start3A_294 = arith.constant 0 : i32
        %dma_start3A_295 = tpu.memref_slice %arg2[%dma_start3A_293, %dma_start3A_294] : memref<20000x128xf32, #tpu.memory_space<hbm>> -> memref<20000x128xf32, #tpu.memory_space<hbm>>
        tpu.enqueue_indirect_dma source(%dma_start3A_295 : memref<20000x128xf32, #tpu.memory_space<hbm>>) target(%dma_start3A_289 : memref<128x128xf32, #tpu.memory_space<vmem>>) offsets(%dma_start3A_292 : memref<128xi32, #tpu.memory_space<vmem>>) semaphore(%arg15 : memref<!tpu.dma_semaphore, #tpu.memory_space<semaphore_mem>>)
      } else {
      }
    }
    %scan3A_137 = arith.constant 20 : i32
    %dma_wait3A_138 = arith.constant 0 : i32
    %dma_wait3A_139 = arith.constant 0 : i32
    %dma_wait3A_140 = tpu.memref_slice %arg3[%arg0, %arg1, %dma_wait3A_138, %dma_wait3A_139] : memref<2x16x160x128xi32, #tpu.memory_space<hbm>> -> memref<1x1x40x128xi32, #tpu.memory_space<hbm>>
    %dma_wait3A_141 = tpu.memref_squeeze %dma_wait3A_140 : memref<1x1x40x128xi32, #tpu.memory_space<hbm>> -> memref<40x128xi32, #tpu.memory_space<hbm>>
    %dma_wait3A_142 = arith.constant 0 : i32
    %dma_wait3A_143 = arith.constant 0 : i32
    %dma_wait3A_144 = tpu.memref_slice %arg3[%arg0, %arg1, %dma_wait3A_142, %dma_wait3A_143] : memref<2x16x160x128xi32, #tpu.memory_space<hbm>> -> memref<1x1x40x128xi32, #tpu.memory_space<hbm>>
    %dma_wait3A_145 = tpu.memref_squeeze %dma_wait3A_144 : memref<1x1x40x128xi32, #tpu.memory_space<hbm>> -> memref<40x128xi32, #tpu.memory_space<hbm>>
    tpu.wait_dma2 semaphore(%arg16 : memref<!tpu.dma_semaphore, #tpu.memory_space<semaphore_mem>>) src(%dma_wait3A_145 : memref<40x128xi32, #tpu.memory_space<hbm>>) dst(%arg9 : memref<40x128xi32, #tpu.memory_space<vmem>>)
    "tpu.region"() ({
      %run_scoped3A_223 = tpu.sem_alloc : memref<!tpu.dma_semaphore, #tpu.memory_space<semaphore_mem>>
      %dma_start3A_224 = arith.constant 80 : i32
      %dma_start3A_225 = arith.constant 0 : i32
      %dma_start3A_226 = tpu.memref_slice %arg3[%arg0, %arg1, %dma_start3A_224, %dma_start3A_225] : memref<2x16x160x128xi32, #tpu.memory_space<hbm>> -> memref<1x1x40x128xi32, #tpu.memory_space<hbm>>
      %dma_start3A_227 = tpu.memref_squeeze %dma_start3A_226 : memref<1x1x40x128xi32, #tpu.memory_space<hbm>> -> memref<40x128xi32, #tpu.memory_space<hbm>>
      %dma_start3A_228 = arith.constant 80 : i32
      %dma_start3A_229 = arith.constant 0 : i32
      %dma_start3A_230 = tpu.memref_slice %arg3[%arg0, %arg1, %dma_start3A_228, %dma_start3A_229] : memref<2x16x160x128xi32, #tpu.memory_space<hbm>> -> memref<1x1x40x128xi32, #tpu.memory_space<hbm>>
      %dma_start3A_231 = tpu.memref_squeeze %dma_start3A_230 : memref<1x1x40x128xi32, #tpu.memory_space<hbm>> -> memref<40x128xi32, #tpu.memory_space<hbm>>
      tpu.enqueue_dma source(%dma_start3A_231 : memref<40x128xi32, #tpu.memory_space<hbm>>) target(%arg9 : memref<40x128xi32, #tpu.memory_space<vmem>>) target_semaphore(%run_scoped3A_223 : memref<!tpu.dma_semaphore, #tpu.memory_space<semaphore_mem>>)
      %dma_wait3A_232 = arith.constant 80 : i32
      %dma_wait3A_233 = arith.constant 0 : i32
      %dma_wait3A_234 = tpu.memref_slice %arg3[%arg0, %arg1, %dma_wait3A_232, %dma_wait3A_233] : memref<2x16x160x128xi32, #tpu.memory_space<hbm>> -> memref<1x1x40x128xi32, #tpu.memory_space<hbm>>
      %dma_wait3A_235 = tpu.memref_squeeze %dma_wait3A_234 : memref<1x1x40x128xi32, #tpu.memory_space<hbm>> -> memref<40x128xi32, #tpu.memory_space<hbm>>
      %dma_wait3A_236 = arith.constant 80 : i32
      %dma_wait3A_237 = arith.constant 0 : i32
      %dma_wait3A_238 = tpu.memref_slice %arg3[%arg0, %arg1, %dma_wait3A_236, %dma_wait3A_237] : memref<2x16x160x128xi32, #tpu.memory_space<hbm>> -> memref<1x1x40x128xi32, #tpu.memory_space<hbm>>
      %dma_wait3A_239 = tpu.memref_squeeze %dma_wait3A_238 : memref<1x1x40x128xi32, #tpu.memory_space<hbm>> -> memref<40x128xi32, #tpu.memory_space<hbm>>
      tpu.wait_dma2 semaphore(%run_scoped3A_223 : memref<!tpu.dma_semaphore, #tpu.memory_space<semaphore_mem>>) src(%dma_wait3A_239 : memref<40x128xi32, #tpu.memory_space<hbm>>) dst(%arg9 : memref<40x128xi32, #tpu.memory_space<vmem>>)
      tpu.yield
    }) : () -> ()
    "tpu.region"() ({
      %run_scoped3A_223 = tpu.sem_alloc : memref<!tpu.dma_semaphore, #tpu.memory_space<semaphore_mem>>
      %dma_start3A_224 = arith.constant 80 : i32
      %dma_start3A_225 = arith.constant 0 : i32
      %dma_start3A_226 = tpu.memref_slice %arg4[%arg0, %arg1, %dma_start3A_224, %dma_start3A_225] : memref<2x16x160x128xi32, #tpu.memory_space<hbm>> -> memref<1x1x40x128xi32, #tpu.memory_space<hbm>>
      %dma_start3A_227 = tpu.memref_squeeze %dma_start3A_226 : memref<1x1x40x128xi32, #tpu.memory_space<hbm>> -> memref<40x128xi32, #tpu.memory_space<hbm>>
      %dma_start3A_228 = arith.constant 80 : i32
      %dma_start3A_229 = arith.constant 0 : i32
      %dma_start3A_230 = tpu.memref_slice %arg4[%arg0, %arg1, %dma_start3A_228, %dma_start3A_229] : memref<2x16x160x128xi32, #tpu.memory_space<hbm>> -> memref<1x1x40x128xi32, #tpu.memory_space<hbm>>
      %dma_start3A_231 = tpu.memref_squeeze %dma_start3A_230 : memref<1x1x40x128xi32, #tpu.memory_space<hbm>> -> memref<40x128xi32, #tpu.memory_space<hbm>>
      tpu.enqueue_dma source(%dma_start3A_231 : memref<40x128xi32, #tpu.memory_space<hbm>>) target(%arg10 : memref<40x128xi32, #tpu.memory_space<vmem>>) target_semaphore(%run_scoped3A_223 : memref<!tpu.dma_semaphore, #tpu.memory_space<semaphore_mem>>)
      %dma_wait3A_232 = arith.constant 80 : i32
      %dma_wait3A_233 = arith.constant 0 : i32
      %dma_wait3A_234 = tpu.memref_slice %arg4[%arg0, %arg1, %dma_wait3A_232, %dma_wait3A_233] : memref<2x16x160x128xi32, #tpu.memory_space<hbm>> -> memref<1x1x40x128xi32, #tpu.memory_space<hbm>>
      %dma_wait3A_235 = tpu.memref_squeeze %dma_wait3A_234 : memref<1x1x40x128xi32, #tpu.memory_space<hbm>> -> memref<40x128xi32, #tpu.memory_space<hbm>>
      %dma_wait3A_236 = arith.constant 80 : i32
      %dma_wait3A_237 = arith.constant 0 : i32
      %dma_wait3A_238 = tpu.memref_slice %arg4[%arg0, %arg1, %dma_wait3A_236, %dma_wait3A_237] : memref<2x16x160x128xi32, #tpu.memory_space<hbm>> -> memref<1x1x40x128xi32, #tpu.memory_space<hbm>>
      %dma_wait3A_239 = tpu.memref_squeeze %dma_wait3A_238 : memref<1x1x40x128xi32, #tpu.memory_space<hbm>> -> memref<40x128xi32, #tpu.memory_space<hbm>>
      tpu.wait_dma2 semaphore(%run_scoped3A_223 : memref<!tpu.dma_semaphore, #tpu.memory_space<semaphore_mem>>) src(%dma_wait3A_239 : memref<40x128xi32, #tpu.memory_space<hbm>>) dst(%arg10 : memref<40x128xi32, #tpu.memory_space<vmem>>)
      tpu.yield
    }) : () -> ()
    %dma_start3A_146 = arith.constant 0 : i32
    %dma_start3A_147 = arith.constant 0 : i32
    %dma_start3A_148 = arith.constant 0 : i32
    %dma_start3A_149 = arith.constant 0 : i32
    %dma_start3A_150 = tpu.memref_slice %arg11[%dma_start3A_147, %dma_start3A_148, %dma_start3A_149] : memref<2x128x128xf32, #tpu.memory_space<vmem>> -> memref<1x128x128xf32, #tpu.memory_space<vmem>>
    %dma_start3A_151 = tpu.memref_squeeze %dma_start3A_150 : memref<1x128x128xf32, #tpu.memory_space<vmem>> -> memref<128x128xf32, #tpu.memory_space<vmem>>
    %dma_start3A_152 = arith.constant 0 : i32
    %dma_start3A_153 = tpu.memref_slice %arg9[%dma_start3A_146, %dma_start3A_152] : memref<40x128xi32, #tpu.memory_space<vmem>> -> memref<1x128xi32, #tpu.memory_space<vmem>>
    %dma_start3A_154 = tpu.memref_squeeze %dma_start3A_153 : memref<1x128xi32, #tpu.memory_space<vmem>> -> memref<128xi32, #tpu.memory_space<vmem>>
    %dma_start3A_155 = arith.constant 0 : i32
    %dma_start3A_156 = arith.constant 0 : i32
    %dma_start3A_157 = tpu.memref_slice %arg2[%dma_start3A_155, %dma_start3A_156] : memref<20000x128xf32, #tpu.memory_space<hbm>> -> memref<20000x128xf32, #tpu.memory_space<hbm>>
    tpu.enqueue_indirect_dma source(%dma_start3A_157 : memref<20000x128xf32, #tpu.memory_space<hbm>>) target(%dma_start3A_151 : memref<128x128xf32, #tpu.memory_space<vmem>>) offsets(%dma_start3A_154 : memref<128xi32, #tpu.memory_space<vmem>>) semaphore(%arg14 : memref<!tpu.dma_semaphore, #tpu.memory_space<semaphore_mem>>)
    %dma_start3A_158 = arith.constant 1 : i32
    %dma_start3A_159 = arith.constant 1 : i32
    %dma_start3A_160 = arith.constant 0 : i32
    %dma_start3A_161 = arith.constant 0 : i32
    %dma_start3A_162 = tpu.memref_slice %arg11[%dma_start3A_159, %dma_start3A_160, %dma_start3A_161] : memref<2x128x128xf32, #tpu.memory_space<vmem>> -> memref<1x128x128xf32, #tpu.memory_space<vmem>>
    %dma_start3A_163 = tpu.memref_squeeze %dma_start3A_162 : memref<1x128x128xf32, #tpu.memory_space<vmem>> -> memref<128x128xf32, #tpu.memory_space<vmem>>
    %dma_start3A_164 = arith.constant 0 : i32
    %dma_start3A_165 = tpu.memref_slice %arg9[%dma_start3A_158, %dma_start3A_164] : memref<40x128xi32, #tpu.memory_space<vmem>> -> memref<1x128xi32, #tpu.memory_space<vmem>>
    %dma_start3A_166 = tpu.memref_squeeze %dma_start3A_165 : memref<1x128xi32, #tpu.memory_space<vmem>> -> memref<128xi32, #tpu.memory_space<vmem>>
    %dma_start3A_167 = arith.constant 0 : i32
    %dma_start3A_168 = arith.constant 0 : i32
    %dma_start3A_169 = tpu.memref_slice %arg2[%dma_start3A_167, %dma_start3A_168] : memref<20000x128xf32, #tpu.memory_space<hbm>> -> memref<20000x128xf32, #tpu.memory_space<hbm>>
    tpu.enqueue_indirect_dma source(%dma_start3A_169 : memref<20000x128xf32, #tpu.memory_space<hbm>>) target(%dma_start3A_163 : memref<128x128xf32, #tpu.memory_space<vmem>>) offsets(%dma_start3A_166 : memref<128xi32, #tpu.memory_space<vmem>>) semaphore(%arg15 : memref<!tpu.dma_semaphore, #tpu.memory_space<semaphore_mem>>)
    %scan3A_170 = arith.constant 0 : i32
    %scan3A_171 = arith.constant 0 : i32
    %scan3A_172 = arith.constant 20 : i32
    %scan3A_173 = arith.addi %scan3A_171, %scan3A_172 : i32
    %scan3A_174 = arith.constant 1 : i32
    scf.for %scan3A_223 = %scan3A_171 to %scan3A_173 step %scan3A_174  : i32 {
      %mul3A_224 = arith.constant 2 : i32
      %mul3A_225 = arith.muli %scan3A_223, %mul3A_224 : i32
      %add3A_226 = arith.constant 0 : i32
      %add3A_227 = arith.addi %mul3A_225, %add3A_226 : i32
      %dma_wait3A_228 = arith.constant 0 : i32
      %dma_wait3A_229 = arith.constant 0 : i32
      %dma_wait3A_230 = arith.constant 0 : i32
      %dma_wait3A_231 = tpu.memref_slice %arg11[%dma_wait3A_228, %dma_wait3A_229, %dma_wait3A_230] : memref<2x128x128xf32, #tpu.memory_space<vmem>> -> memref<1x128x128xf32, #tpu.memory_space<vmem>>
      %dma_wait3A_232 = tpu.memref_squeeze %dma_wait3A_231 : memref<1x128x128xf32, #tpu.memory_space<vmem>> -> memref<128x128xf32, #tpu.memory_space<vmem>>
      %dma_wait3A_233 = arith.constant 0 : i32
      %dma_wait3A_234 = arith.constant 0 : i32
      %dma_wait3A_235 = tpu.memref_slice %arg2[%dma_wait3A_233, %dma_wait3A_234] : memref<20000x128xf32, #tpu.memory_space<hbm>> -> memref<128x128xf32, #tpu.memory_space<hbm>>
      %dma_wait3A_236 = arith.constant 0 : i32
      %dma_wait3A_237 = arith.constant 0 : i32
      %dma_wait3A_238 = tpu.memref_slice %arg11[%dma_wait3A_228, %dma_wait3A_236, %dma_wait3A_237] : memref<2x128x128xf32, #tpu.memory_space<vmem>> -> memref<1x128x128xf32, #tpu.memory_space<vmem>>
      %dma_wait3A_239 = tpu.memref_squeeze %dma_wait3A_238 : memref<1x128x128xf32, #tpu.memory_space<vmem>> -> memref<128x128xf32, #tpu.memory_space<vmem>>
      %dma_wait3A_240 = arith.constant 0 : i32
      %dma_wait3A_241 = arith.constant 0 : i32
      %dma_wait3A_242 = tpu.memref_slice %arg2[%dma_wait3A_240, %dma_wait3A_241] : memref<20000x128xf32, #tpu.memory_space<hbm>> -> memref<128x128xf32, #tpu.memory_space<hbm>>
      tpu.wait_dma2 semaphore(%arg14 : memref<!tpu.dma_semaphore, #tpu.memory_space<semaphore_mem>>) src(%dma_wait3A_242 : memref<128x128xf32, #tpu.memory_space<hbm>>) dst(%dma_wait3A_239 : memref<128x128xf32, #tpu.memory_space<vmem>>)
      %dma_start3A_243 = arith.constant 0 : i32
      %dma_start3A_244 = tpu.memref_slice %arg10[%add3A_227, %dma_start3A_243] : memref<40x128xi32, #tpu.memory_space<vmem>> -> memref<1x128xi32, #tpu.memory_space<vmem>>
      %dma_start3A_245 = tpu.memref_squeeze %dma_start3A_244 : memref<1x128xi32, #tpu.memory_space<vmem>> -> memref<128xi32, #tpu.memory_space<vmem>>
      %dma_start3A_246 = arith.constant 0 : i32
      %dma_start3A_247 = tpu.memref_slice %arg8[%dma_start3A_246] : memref<10240xf32, #tpu.memory_space<vmem_shared>> -> memref<10240xf32, #tpu.memory_space<vmem_shared>>
      tpu.enqueue_indirect_dma source(%arg13 : memref<128xf32, #tpu.memory_space<vmem>>) target(%dma_start3A_247 : memref<10240xf32, #tpu.memory_space<vmem_shared>>) offsets(%dma_start3A_245 : memref<128xi32, #tpu.memory_space<vmem>>) semaphore(%arg16 : memref<!tpu.dma_semaphore, #tpu.memory_space<semaphore_mem>>) {add = true}
      %run_scoped3A_248 = arith.constant 0 : i32
      "tpu.region"() ({
        %run_scoped3A_285 = tpu.sem_alloc : memref<!tpu.dma_semaphore, #tpu.memory_space<semaphore_mem>>
        %dma_start3A_286 = arith.constant 0 : i32
        %dma_start3A_287 = arith.constant 0 : i32
        %dma_start3A_288 = tpu.memref_slice %arg11[%run_scoped3A_248, %dma_start3A_286, %dma_start3A_287] : memref<2x128x128xf32, #tpu.memory_space<vmem>> -> memref<1x128x128xf32, #tpu.memory_space<vmem>>
        %dma_start3A_289 = tpu.memref_squeeze %dma_start3A_288 : memref<1x128x128xf32, #tpu.memory_space<vmem>> -> memref<128x128xf32, #tpu.memory_space<vmem>>
        %dma_start3A_290 = arith.constant 0 : i32
        %dma_start3A_291 = tpu.memref_slice %arg10[%add3A_227, %dma_start3A_290] : memref<40x128xi32, #tpu.memory_space<vmem>> -> memref<1x128xi32, #tpu.memory_space<vmem>>
        %dma_start3A_292 = tpu.memref_squeeze %dma_start3A_291 : memref<1x128xi32, #tpu.memory_space<vmem>> -> memref<128xi32, #tpu.memory_space<vmem>>
        %dma_start3A_293 = arith.constant 0 : i32
        %dma_start3A_294 = arith.constant 0 : i32
        %dma_start3A_295 = tpu.memref_slice %arg7[%dma_start3A_293, %dma_start3A_294] : memref<10240x128xf32, #tpu.memory_space<vmem_shared>> -> memref<10240x128xf32, #tpu.memory_space<vmem_shared>>
        tpu.enqueue_indirect_dma source(%dma_start3A_289 : memref<128x128xf32, #tpu.memory_space<vmem>>) target(%dma_start3A_295 : memref<10240x128xf32, #tpu.memory_space<vmem_shared>>) offsets(%dma_start3A_292 : memref<128xi32, #tpu.memory_space<vmem>>) semaphore(%run_scoped3A_285 : memref<!tpu.dma_semaphore, #tpu.memory_space<semaphore_mem>>) {add = true}
        %dma_wait3A_296 = arith.constant 0 : i32
        %dma_wait3A_297 = arith.constant 0 : i32
        %dma_wait3A_298 = tpu.memref_slice %arg11[%run_scoped3A_248, %dma_wait3A_296, %dma_wait3A_297] : memref<2x128x128xf32, #tpu.memory_space<vmem>> -> memref<1x128x128xf32, #tpu.memory_space<vmem>>
        %dma_wait3A_299 = tpu.memref_squeeze %dma_wait3A_298 : memref<1x128x128xf32, #tpu.memory_space<vmem>> -> memref<128x128xf32, #tpu.memory_space<vmem>>
        %dma_wait3A_300 = arith.constant 0 : i32
        %dma_wait3A_301 = tpu.memref_slice %arg10[%add3A_227, %dma_wait3A_300] : memref<40x128xi32, #tpu.memory_space<vmem>> -> memref<1x128xi32, #tpu.memory_space<vmem>>
        %dma_wait3A_302 = tpu.memref_squeeze %dma_wait3A_301 : memref<1x128xi32, #tpu.memory_space<vmem>> -> memref<128xi32, #tpu.memory_space<vmem>>
        %dma_wait3A_303 = arith.constant 0 : i32
        %dma_wait3A_304 = arith.constant 0 : i32
        %dma_wait3A_305 = tpu.memref_slice %arg7[%dma_wait3A_303, %dma_wait3A_304] : memref<10240x128xf32, #tpu.memory_space<vmem_shared>> -> memref<10240x128xf32, #tpu.memory_space<vmem_shared>>
        tpu.wait_indirect_dma semaphore(%run_scoped3A_285 : memref<!tpu.dma_semaphore, #tpu.memory_space<semaphore_mem>>) src(%dma_wait3A_299 : memref<128x128xf32, #tpu.memory_space<vmem>>) dst(%dma_wait3A_305 : memref<10240x128xf32, #tpu.memory_space<vmem_shared>>)
        tpu.yield
      }) : () -> ()
      %add3A_249 = arith.constant 2 : i32
      %add3A_250 = arith.addi %add3A_227, %add3A_249 : i32
      %lt3A = arith.constant 40 : i32
      %lt3A_251 = arith.cmpi slt, %add3A_250, %lt3A : i32
      %convert_element_type3A = arith.extui %lt3A_251 : i1 to i32
      %cond3A = arith.constant 0 : i32
      %cond3A_252 = arith.cmpi ne, %convert_element_type3A, %cond3A : i32
      scf.if %cond3A_252 {
        %dma_start3A_285 = arith.constant 0 : i32
        %dma_start3A_286 = arith.constant 0 : i32
        %dma_start3A_287 = arith.constant 0 : i32
        %dma_start3A_288 = tpu.memref_slice %arg11[%dma_start3A_285, %dma_start3A_286, %dma_start3A_287] : memref<2x128x128xf32, #tpu.memory_space<vmem>> -> memref<1x128x128xf32, #tpu.memory_space<vmem>>
        %dma_start3A_289 = tpu.memref_squeeze %dma_start3A_288 : memref<1x128x128xf32, #tpu.memory_space<vmem>> -> memref<128x128xf32, #tpu.memory_space<vmem>>
        %dma_start3A_290 = arith.constant 0 : i32
        %dma_start3A_291 = tpu.memref_slice %arg9[%add3A_250, %dma_start3A_290] : memref<40x128xi32, #tpu.memory_space<vmem>> -> memref<1x128xi32, #tpu.memory_space<vmem>>
        %dma_start3A_292 = tpu.memref_squeeze %dma_start3A_291 : memref<1x128xi32, #tpu.memory_space<vmem>> -> memref<128xi32, #tpu.memory_space<vmem>>
        %dma_start3A_293 = arith.constant 0 : i32
        %dma_start3A_294 = arith.constant 0 : i32
        %dma_start3A_295 = tpu.memref_slice %arg2[%dma_start3A_293, %dma_start3A_294] : memref<20000x128xf32, #tpu.memory_space<hbm>> -> memref<20000x128xf32, #tpu.memory_space<hbm>>
        tpu.enqueue_indirect_dma source(%dma_start3A_295 : memref<20000x128xf32, #tpu.memory_space<hbm>>) target(%dma_start3A_289 : memref<128x128xf32, #tpu.memory_space<vmem>>) offsets(%dma_start3A_292 : memref<128xi32, #tpu.memory_space<vmem>>) semaphore(%arg14 : memref<!tpu.dma_semaphore, #tpu.memory_space<semaphore_mem>>)
      } else {
      }
      %mul3A_253 = arith.constant 2 : i32
      %mul3A_254 = arith.muli %scan3A_223, %mul3A_253 : i32
      %add3A_255 = arith.constant 1 : i32
      %add3A_256 = arith.addi %mul3A_254, %add3A_255 : i32
      %dma_wait3A_257 = arith.constant 1 : i32
      %dma_wait3A_258 = arith.constant 0 : i32
      %dma_wait3A_259 = arith.constant 0 : i32
      %dma_wait3A_260 = tpu.memref_slice %arg11[%dma_wait3A_257, %dma_wait3A_258, %dma_wait3A_259] : memref<2x128x128xf32, #tpu.memory_space<vmem>> -> memref<1x128x128xf32, #tpu.memory_space<vmem>>
      %dma_wait3A_261 = tpu.memref_squeeze %dma_wait3A_260 : memref<1x128x128xf32, #tpu.memory_space<vmem>> -> memref<128x128xf32, #tpu.memory_space<vmem>>
      %dma_wait3A_262 = arith.constant 0 : i32
      %dma_wait3A_263 = arith.constant 0 : i32
      %dma_wait3A_264 = tpu.memref_slice %arg2[%dma_wait3A_262, %dma_wait3A_263] : memref<20000x128xf32, #tpu.memory_space<hbm>> -> memref<128x128xf32, #tpu.memory_space<hbm>>
      %dma_wait3A_265 = arith.constant 0 : i32
      %dma_wait3A_266 = arith.constant 0 : i32
      %dma_wait3A_267 = tpu.memref_slice %arg11[%dma_wait3A_257, %dma_wait3A_265, %dma_wait3A_266] : memref<2x128x128xf32, #tpu.memory_space<vmem>> -> memref<1x128x128xf32, #tpu.memory_space<vmem>>
      %dma_wait3A_268 = tpu.memref_squeeze %dma_wait3A_267 : memref<1x128x128xf32, #tpu.memory_space<vmem>> -> memref<128x128xf32, #tpu.memory_space<vmem>>
      %dma_wait3A_269 = arith.constant 0 : i32
      %dma_wait3A_270 = arith.constant 0 : i32
      %dma_wait3A_271 = tpu.memref_slice %arg2[%dma_wait3A_269, %dma_wait3A_270] : memref<20000x128xf32, #tpu.memory_space<hbm>> -> memref<128x128xf32, #tpu.memory_space<hbm>>
      tpu.wait_dma2 semaphore(%arg15 : memref<!tpu.dma_semaphore, #tpu.memory_space<semaphore_mem>>) src(%dma_wait3A_271 : memref<128x128xf32, #tpu.memory_space<hbm>>) dst(%dma_wait3A_268 : memref<128x128xf32, #tpu.memory_space<vmem>>)
      %dma_start3A_272 = arith.constant 0 : i32
      %dma_start3A_273 = tpu.memref_slice %arg10[%add3A_256, %dma_start3A_272] : memref<40x128xi32, #tpu.memory_space<vmem>> -> memref<1x128xi32, #tpu.memory_space<vmem>>
      %dma_start3A_274 = tpu.memref_squeeze %dma_start3A_273 : memref<1x128xi32, #tpu.memory_space<vmem>> -> memref<128xi32, #tpu.memory_space<vmem>>
      %dma_start3A_275 = arith.constant 0 : i32
      %dma_start3A_276 = tpu.memref_slice %arg8[%dma_start3A_275] : memref<10240xf32, #tpu.memory_space<vmem_shared>> -> memref<10240xf32, #tpu.memory_space<vmem_shared>>
      tpu.enqueue_indirect_dma source(%arg13 : memref<128xf32, #tpu.memory_space<vmem>>) target(%dma_start3A_276 : memref<10240xf32, #tpu.memory_space<vmem_shared>>) offsets(%dma_start3A_274 : memref<128xi32, #tpu.memory_space<vmem>>) semaphore(%arg16 : memref<!tpu.dma_semaphore, #tpu.memory_space<semaphore_mem>>) {add = true}
      %run_scoped3A_277 = arith.constant 1 : i32
      "tpu.region"() ({
        %run_scoped3A_285 = tpu.sem_alloc : memref<!tpu.dma_semaphore, #tpu.memory_space<semaphore_mem>>
        %dma_start3A_286 = arith.constant 0 : i32
        %dma_start3A_287 = arith.constant 0 : i32
        %dma_start3A_288 = tpu.memref_slice %arg11[%run_scoped3A_277, %dma_start3A_286, %dma_start3A_287] : memref<2x128x128xf32, #tpu.memory_space<vmem>> -> memref<1x128x128xf32, #tpu.memory_space<vmem>>
        %dma_start3A_289 = tpu.memref_squeeze %dma_start3A_288 : memref<1x128x128xf32, #tpu.memory_space<vmem>> -> memref<128x128xf32, #tpu.memory_space<vmem>>
        %dma_start3A_290 = arith.constant 0 : i32
        %dma_start3A_291 = tpu.memref_slice %arg10[%add3A_256, %dma_start3A_290] : memref<40x128xi32, #tpu.memory_space<vmem>> -> memref<1x128xi32, #tpu.memory_space<vmem>>
        %dma_start3A_292 = tpu.memref_squeeze %dma_start3A_291 : memref<1x128xi32, #tpu.memory_space<vmem>> -> memref<128xi32, #tpu.memory_space<vmem>>
        %dma_start3A_293 = arith.constant 0 : i32
        %dma_start3A_294 = arith.constant 0 : i32
        %dma_start3A_295 = tpu.memref_slice %arg7[%dma_start3A_293, %dma_start3A_294] : memref<10240x128xf32, #tpu.memory_space<vmem_shared>> -> memref<10240x128xf32, #tpu.memory_space<vmem_shared>>
        tpu.enqueue_indirect_dma source(%dma_start3A_289 : memref<128x128xf32, #tpu.memory_space<vmem>>) target(%dma_start3A_295 : memref<10240x128xf32, #tpu.memory_space<vmem_shared>>) offsets(%dma_start3A_292 : memref<128xi32, #tpu.memory_space<vmem>>) semaphore(%run_scoped3A_285 : memref<!tpu.dma_semaphore, #tpu.memory_space<semaphore_mem>>) {add = true}
        %dma_wait3A_296 = arith.constant 0 : i32
        %dma_wait3A_297 = arith.constant 0 : i32
        %dma_wait3A_298 = tpu.memref_slice %arg11[%run_scoped3A_277, %dma_wait3A_296, %dma_wait3A_297] : memref<2x128x128xf32, #tpu.memory_space<vmem>> -> memref<1x128x128xf32, #tpu.memory_space<vmem>>
        %dma_wait3A_299 = tpu.memref_squeeze %dma_wait3A_298 : memref<1x128x128xf32, #tpu.memory_space<vmem>> -> memref<128x128xf32, #tpu.memory_space<vmem>>
        %dma_wait3A_300 = arith.constant 0 : i32
        %dma_wait3A_301 = tpu.memref_slice %arg10[%add3A_256, %dma_wait3A_300] : memref<40x128xi32, #tpu.memory_space<vmem>> -> memref<1x128xi32, #tpu.memory_space<vmem>>
        %dma_wait3A_302 = tpu.memref_squeeze %dma_wait3A_301 : memref<1x128xi32, #tpu.memory_space<vmem>> -> memref<128xi32, #tpu.memory_space<vmem>>
        %dma_wait3A_303 = arith.constant 0 : i32
        %dma_wait3A_304 = arith.constant 0 : i32
        %dma_wait3A_305 = tpu.memref_slice %arg7[%dma_wait3A_303, %dma_wait3A_304] : memref<10240x128xf32, #tpu.memory_space<vmem_shared>> -> memref<10240x128xf32, #tpu.memory_space<vmem_shared>>
        tpu.wait_indirect_dma semaphore(%run_scoped3A_285 : memref<!tpu.dma_semaphore, #tpu.memory_space<semaphore_mem>>) src(%dma_wait3A_299 : memref<128x128xf32, #tpu.memory_space<vmem>>) dst(%dma_wait3A_305 : memref<10240x128xf32, #tpu.memory_space<vmem_shared>>)
        tpu.yield
      }) : () -> ()
      %add3A_278 = arith.constant 2 : i32
      %add3A_279 = arith.addi %add3A_256, %add3A_278 : i32
      %lt3A_280 = arith.constant 40 : i32
      %lt3A_281 = arith.cmpi slt, %add3A_279, %lt3A_280 : i32
      %convert_element_type3A_282 = arith.extui %lt3A_281 : i1 to i32
      %cond3A_283 = arith.constant 0 : i32
      %cond3A_284 = arith.cmpi ne, %convert_element_type3A_282, %cond3A_283 : i32
      scf.if %cond3A_284 {
        %dma_start3A_285 = arith.constant 1 : i32
        %dma_start3A_286 = arith.constant 0 : i32
        %dma_start3A_287 = arith.constant 0 : i32
        %dma_start3A_288 = tpu.memref_slice %arg11[%dma_start3A_285, %dma_start3A_286, %dma_start3A_287] : memref<2x128x128xf32, #tpu.memory_space<vmem>> -> memref<1x128x128xf32, #tpu.memory_space<vmem>>
        %dma_start3A_289 = tpu.memref_squeeze %dma_start3A_288 : memref<1x128x128xf32, #tpu.memory_space<vmem>> -> memref<128x128xf32, #tpu.memory_space<vmem>>
        %dma_start3A_290 = arith.constant 0 : i32
        %dma_start3A_291 = tpu.memref_slice %arg9[%add3A_279, %dma_start3A_290] : memref<40x128xi32, #tpu.memory_space<vmem>> -> memref<1x128xi32, #tpu.memory_space<vmem>>
        %dma_start3A_292 = tpu.memref_squeeze %dma_start3A_291 : memref<1x128xi32, #tpu.memory_space<vmem>> -> memref<128xi32, #tpu.memory_space<vmem>>
        %dma_start3A_293 = arith.constant 0 : i32
        %dma_start3A_294 = arith.constant 0 : i32
        %dma_start3A_295 = tpu.memref_slice %arg2[%dma_start3A_293, %dma_start3A_294] : memref<20000x128xf32, #tpu.memory_space<hbm>> -> memref<20000x128xf32, #tpu.memory_space<hbm>>
        tpu.enqueue_indirect_dma source(%dma_start3A_295 : memref<20000x128xf32, #tpu.memory_space<hbm>>) target(%dma_start3A_289 : memref<128x128xf32, #tpu.memory_space<vmem>>) offsets(%dma_start3A_292 : memref<128xi32, #tpu.memory_space<vmem>>) semaphore(%arg15 : memref<!tpu.dma_semaphore, #tpu.memory_space<semaphore_mem>>)
      } else {
      }
    }
    %scan3A_175 = arith.constant 20 : i32
    %dma_wait3A_176 = arith.constant 0 : i32
    %dma_wait3A_177 = arith.constant 0 : i32
    %dma_wait3A_178 = tpu.memref_slice %arg3[%arg0, %arg1, %dma_wait3A_176, %dma_wait3A_177] : memref<2x16x160x128xi32, #tpu.memory_space<hbm>> -> memref<1x1x40x128xi32, #tpu.memory_space<hbm>>
    %dma_wait3A_179 = tpu.memref_squeeze %dma_wait3A_178 : memref<1x1x40x128xi32, #tpu.memory_space<hbm>> -> memref<40x128xi32, #tpu.memory_space<hbm>>
    %dma_wait3A_180 = arith.constant 0 : i32
    %dma_wait3A_181 = arith.constant 0 : i32
    %dma_wait3A_182 = tpu.memref_slice %arg3[%arg0, %arg1, %dma_wait3A_180, %dma_wait3A_181] : memref<2x16x160x128xi32, #tpu.memory_space<hbm>> -> memref<1x1x40x128xi32, #tpu.memory_space<hbm>>
    %dma_wait3A_183 = tpu.memref_squeeze %dma_wait3A_182 : memref<1x1x40x128xi32, #tpu.memory_space<hbm>> -> memref<40x128xi32, #tpu.memory_space<hbm>>
    tpu.wait_dma2 semaphore(%arg16 : memref<!tpu.dma_semaphore, #tpu.memory_space<semaphore_mem>>) src(%dma_wait3A_183 : memref<40x128xi32, #tpu.memory_space<hbm>>) dst(%arg9 : memref<40x128xi32, #tpu.memory_space<vmem>>)
    "tpu.region"() ({
      %run_scoped3A_223 = tpu.sem_alloc : memref<!tpu.dma_semaphore, #tpu.memory_space<semaphore_mem>>
      %dma_start3A_224 = arith.constant 120 : i32
      %dma_start3A_225 = arith.constant 0 : i32
      %dma_start3A_226 = tpu.memref_slice %arg3[%arg0, %arg1, %dma_start3A_224, %dma_start3A_225] : memref<2x16x160x128xi32, #tpu.memory_space<hbm>> -> memref<1x1x40x128xi32, #tpu.memory_space<hbm>>
      %dma_start3A_227 = tpu.memref_squeeze %dma_start3A_226 : memref<1x1x40x128xi32, #tpu.memory_space<hbm>> -> memref<40x128xi32, #tpu.memory_space<hbm>>
      %dma_start3A_228 = arith.constant 120 : i32
      %dma_start3A_229 = arith.constant 0 : i32
      %dma_start3A_230 = tpu.memref_slice %arg3[%arg0, %arg1, %dma_start3A_228, %dma_start3A_229] : memref<2x16x160x128xi32, #tpu.memory_space<hbm>> -> memref<1x1x40x128xi32, #tpu.memory_space<hbm>>
      %dma_start3A_231 = tpu.memref_squeeze %dma_start3A_230 : memref<1x1x40x128xi32, #tpu.memory_space<hbm>> -> memref<40x128xi32, #tpu.memory_space<hbm>>
      tpu.enqueue_dma source(%dma_start3A_231 : memref<40x128xi32, #tpu.memory_space<hbm>>) target(%arg9 : memref<40x128xi32, #tpu.memory_space<vmem>>) target_semaphore(%run_scoped3A_223 : memref<!tpu.dma_semaphore, #tpu.memory_space<semaphore_mem>>)
      %dma_wait3A_232 = arith.constant 120 : i32
      %dma_wait3A_233 = arith.constant 0 : i32
      %dma_wait3A_234 = tpu.memref_slice %arg3[%arg0, %arg1, %dma_wait3A_232, %dma_wait3A_233] : memref<2x16x160x128xi32, #tpu.memory_space<hbm>> -> memref<1x1x40x128xi32, #tpu.memory_space<hbm>>
      %dma_wait3A_235 = tpu.memref_squeeze %dma_wait3A_234 : memref<1x1x40x128xi32, #tpu.memory_space<hbm>> -> memref<40x128xi32, #tpu.memory_space<hbm>>
      %dma_wait3A_236 = arith.constant 120 : i32
      %dma_wait3A_237 = arith.constant 0 : i32
      %dma_wait3A_238 = tpu.memref_slice %arg3[%arg0, %arg1, %dma_wait3A_236, %dma_wait3A_237] : memref<2x16x160x128xi32, #tpu.memory_space<hbm>> -> memref<1x1x40x128xi32, #tpu.memory_space<hbm>>
      %dma_wait3A_239 = tpu.memref_squeeze %dma_wait3A_238 : memref<1x1x40x128xi32, #tpu.memory_space<hbm>> -> memref<40x128xi32, #tpu.memory_space<hbm>>
      tpu.wait_dma2 semaphore(%run_scoped3A_223 : memref<!tpu.dma_semaphore, #tpu.memory_space<semaphore_mem>>) src(%dma_wait3A_239 : memref<40x128xi32, #tpu.memory_space<hbm>>) dst(%arg9 : memref<40x128xi32, #tpu.memory_space<vmem>>)
      tpu.yield
    }) : () -> ()
    "tpu.region"() ({
      %run_scoped3A_223 = tpu.sem_alloc : memref<!tpu.dma_semaphore, #tpu.memory_space<semaphore_mem>>
      %dma_start3A_224 = arith.constant 120 : i32
      %dma_start3A_225 = arith.constant 0 : i32
      %dma_start3A_226 = tpu.memref_slice %arg4[%arg0, %arg1, %dma_start3A_224, %dma_start3A_225] : memref<2x16x160x128xi32, #tpu.memory_space<hbm>> -> memref<1x1x40x128xi32, #tpu.memory_space<hbm>>
      %dma_start3A_227 = tpu.memref_squeeze %dma_start3A_226 : memref<1x1x40x128xi32, #tpu.memory_space<hbm>> -> memref<40x128xi32, #tpu.memory_space<hbm>>
      %dma_start3A_228 = arith.constant 120 : i32
      %dma_start3A_229 = arith.constant 0 : i32
      %dma_start3A_230 = tpu.memref_slice %arg4[%arg0, %arg1, %dma_start3A_228, %dma_start3A_229] : memref<2x16x160x128xi32, #tpu.memory_space<hbm>> -> memref<1x1x40x128xi32, #tpu.memory_space<hbm>>
      %dma_start3A_231 = tpu.memref_squeeze %dma_start3A_230 : memref<1x1x40x128xi32, #tpu.memory_space<hbm>> -> memref<40x128xi32, #tpu.memory_space<hbm>>
      tpu.enqueue_dma source(%dma_start3A_231 : memref<40x128xi32, #tpu.memory_space<hbm>>) target(%arg10 : memref<40x128xi32, #tpu.memory_space<vmem>>) target_semaphore(%run_scoped3A_223 : memref<!tpu.dma_semaphore, #tpu.memory_space<semaphore_mem>>)
      %dma_wait3A_232 = arith.constant 120 : i32
      %dma_wait3A_233 = arith.constant 0 : i32
      %dma_wait3A_234 = tpu.memref_slice %arg4[%arg0, %arg1, %dma_wait3A_232, %dma_wait3A_233] : memref<2x16x160x128xi32, #tpu.memory_space<hbm>> -> memref<1x1x40x128xi32, #tpu.memory_space<hbm>>
      %dma_wait3A_235 = tpu.memref_squeeze %dma_wait3A_234 : memref<1x1x40x128xi32, #tpu.memory_space<hbm>> -> memref<40x128xi32, #tpu.memory_space<hbm>>
      %dma_wait3A_236 = arith.constant 120 : i32
      %dma_wait3A_237 = arith.constant 0 : i32
      %dma_wait3A_238 = tpu.memref_slice %arg4[%arg0, %arg1, %dma_wait3A_236, %dma_wait3A_237] : memref<2x16x160x128xi32, #tpu.memory_space<hbm>> -> memref<1x1x40x128xi32, #tpu.memory_space<hbm>>
      %dma_wait3A_239 = tpu.memref_squeeze %dma_wait3A_238 : memref<1x1x40x128xi32, #tpu.memory_space<hbm>> -> memref<40x128xi32, #tpu.memory_space<hbm>>
      tpu.wait_dma2 semaphore(%run_scoped3A_223 : memref<!tpu.dma_semaphore, #tpu.memory_space<semaphore_mem>>) src(%dma_wait3A_239 : memref<40x128xi32, #tpu.memory_space<hbm>>) dst(%arg10 : memref<40x128xi32, #tpu.memory_space<vmem>>)
      tpu.yield
    }) : () -> ()
    %dma_start3A_184 = arith.constant 0 : i32
    %dma_start3A_185 = arith.constant 0 : i32
    %dma_start3A_186 = arith.constant 0 : i32
    %dma_start3A_187 = arith.constant 0 : i32
    %dma_start3A_188 = tpu.memref_slice %arg11[%dma_start3A_185, %dma_start3A_186, %dma_start3A_187] : memref<2x128x128xf32, #tpu.memory_space<vmem>> -> memref<1x128x128xf32, #tpu.memory_space<vmem>>
    %dma_start3A_189 = tpu.memref_squeeze %dma_start3A_188 : memref<1x128x128xf32, #tpu.memory_space<vmem>> -> memref<128x128xf32, #tpu.memory_space<vmem>>
    %dma_start3A_190 = arith.constant 0 : i32
    %dma_start3A_191 = tpu.memref_slice %arg9[%dma_start3A_184, %dma_start3A_190] : memref<40x128xi32, #tpu.memory_space<vmem>> -> memref<1x128xi32, #tpu.memory_space<vmem>>
    %dma_start3A_192 = tpu.memref_squeeze %dma_start3A_191 : memref<1x128xi32, #tpu.memory_space<vmem>> -> memref<128xi32, #tpu.memory_space<vmem>>
    %dma_start3A_193 = arith.constant 0 : i32
    %dma_start3A_194 = arith.constant 0 : i32
    %dma_start3A_195 = tpu.memref_slice %arg2[%dma_start3A_193, %dma_start3A_194] : memref<20000x128xf32, #tpu.memory_space<hbm>> -> memref<20000x128xf32, #tpu.memory_space<hbm>>
    tpu.enqueue_indirect_dma source(%dma_start3A_195 : memref<20000x128xf32, #tpu.memory_space<hbm>>) target(%dma_start3A_189 : memref<128x128xf32, #tpu.memory_space<vmem>>) offsets(%dma_start3A_192 : memref<128xi32, #tpu.memory_space<vmem>>) semaphore(%arg14 : memref<!tpu.dma_semaphore, #tpu.memory_space<semaphore_mem>>)
    %dma_start3A_196 = arith.constant 1 : i32
    %dma_start3A_197 = arith.constant 1 : i32
    %dma_start3A_198 = arith.constant 0 : i32
    %dma_start3A_199 = arith.constant 0 : i32
    %dma_start3A_200 = tpu.memref_slice %arg11[%dma_start3A_197, %dma_start3A_198, %dma_start3A_199] : memref<2x128x128xf32, #tpu.memory_space<vmem>> -> memref<1x128x128xf32, #tpu.memory_space<vmem>>
    %dma_start3A_201 = tpu.memref_squeeze %dma_start3A_200 : memref<1x128x128xf32, #tpu.memory_space<vmem>> -> memref<128x128xf32, #tpu.memory_space<vmem>>
    %dma_start3A_202 = arith.constant 0 : i32
    %dma_start3A_203 = tpu.memref_slice %arg9[%dma_start3A_196, %dma_start3A_202] : memref<40x128xi32, #tpu.memory_space<vmem>> -> memref<1x128xi32, #tpu.memory_space<vmem>>
    %dma_start3A_204 = tpu.memref_squeeze %dma_start3A_203 : memref<1x128xi32, #tpu.memory_space<vmem>> -> memref<128xi32, #tpu.memory_space<vmem>>
    %dma_start3A_205 = arith.constant 0 : i32
    %dma_start3A_206 = arith.constant 0 : i32
    %dma_start3A_207 = tpu.memref_slice %arg2[%dma_start3A_205, %dma_start3A_206] : memref<20000x128xf32, #tpu.memory_space<hbm>> -> memref<20000x128xf32, #tpu.memory_space<hbm>>
    tpu.enqueue_indirect_dma source(%dma_start3A_207 : memref<20000x128xf32, #tpu.memory_space<hbm>>) target(%dma_start3A_201 : memref<128x128xf32, #tpu.memory_space<vmem>>) offsets(%dma_start3A_204 : memref<128xi32, #tpu.memory_space<vmem>>) semaphore(%arg15 : memref<!tpu.dma_semaphore, #tpu.memory_space<semaphore_mem>>)
    %scan3A_208 = arith.constant 0 : i32
    %scan3A_209 = arith.constant 0 : i32
    %scan3A_210 = arith.constant 20 : i32
    %scan3A_211 = arith.addi %scan3A_209, %scan3A_210 : i32
    %scan3A_212 = arith.constant 1 : i32
    scf.for %scan3A_223 = %scan3A_209 to %scan3A_211 step %scan3A_212  : i32 {
      %mul3A_224 = arith.constant 2 : i32
      %mul3A_225 = arith.muli %scan3A_223, %mul3A_224 : i32
      %add3A_226 = arith.constant 0 : i32
      %add3A_227 = arith.addi %mul3A_225, %add3A_226 : i32
      %dma_wait3A_228 = arith.constant 0 : i32
      %dma_wait3A_229 = arith.constant 0 : i32
      %dma_wait3A_230 = arith.constant 0 : i32
      %dma_wait3A_231 = tpu.memref_slice %arg11[%dma_wait3A_228, %dma_wait3A_229, %dma_wait3A_230] : memref<2x128x128xf32, #tpu.memory_space<vmem>> -> memref<1x128x128xf32, #tpu.memory_space<vmem>>
      %dma_wait3A_232 = tpu.memref_squeeze %dma_wait3A_231 : memref<1x128x128xf32, #tpu.memory_space<vmem>> -> memref<128x128xf32, #tpu.memory_space<vmem>>
      %dma_wait3A_233 = arith.constant 0 : i32
      %dma_wait3A_234 = arith.constant 0 : i32
      %dma_wait3A_235 = tpu.memref_slice %arg2[%dma_wait3A_233, %dma_wait3A_234] : memref<20000x128xf32, #tpu.memory_space<hbm>> -> memref<128x128xf32, #tpu.memory_space<hbm>>
      %dma_wait3A_236 = arith.constant 0 : i32
      %dma_wait3A_237 = arith.constant 0 : i32
      %dma_wait3A_238 = tpu.memref_slice %arg11[%dma_wait3A_228, %dma_wait3A_236, %dma_wait3A_237] : memref<2x128x128xf32, #tpu.memory_space<vmem>> -> memref<1x128x128xf32, #tpu.memory_space<vmem>>
      %dma_wait3A_239 = tpu.memref_squeeze %dma_wait3A_238 : memref<1x128x128xf32, #tpu.memory_space<vmem>> -> memref<128x128xf32, #tpu.memory_space<vmem>>
      %dma_wait3A_240 = arith.constant 0 : i32
      %dma_wait3A_241 = arith.constant 0 : i32
      %dma_wait3A_242 = tpu.memref_slice %arg2[%dma_wait3A_240, %dma_wait3A_241] : memref<20000x128xf32, #tpu.memory_space<hbm>> -> memref<128x128xf32, #tpu.memory_space<hbm>>
      tpu.wait_dma2 semaphore(%arg14 : memref<!tpu.dma_semaphore, #tpu.memory_space<semaphore_mem>>) src(%dma_wait3A_242 : memref<128x128xf32, #tpu.memory_space<hbm>>) dst(%dma_wait3A_239 : memref<128x128xf32, #tpu.memory_space<vmem>>)
      %dma_start3A_243 = arith.constant 0 : i32
      %dma_start3A_244 = tpu.memref_slice %arg10[%add3A_227, %dma_start3A_243] : memref<40x128xi32, #tpu.memory_space<vmem>> -> memref<1x128xi32, #tpu.memory_space<vmem>>
      %dma_start3A_245 = tpu.memref_squeeze %dma_start3A_244 : memref<1x128xi32, #tpu.memory_space<vmem>> -> memref<128xi32, #tpu.memory_space<vmem>>
      %dma_start3A_246 = arith.constant 0 : i32
      %dma_start3A_247 = tpu.memref_slice %arg8[%dma_start3A_246] : memref<10240xf32, #tpu.memory_space<vmem_shared>> -> memref<10240xf32, #tpu.memory_space<vmem_shared>>
      tpu.enqueue_indirect_dma source(%arg13 : memref<128xf32, #tpu.memory_space<vmem>>) target(%dma_start3A_247 : memref<10240xf32, #tpu.memory_space<vmem_shared>>) offsets(%dma_start3A_245 : memref<128xi32, #tpu.memory_space<vmem>>) semaphore(%arg16 : memref<!tpu.dma_semaphore, #tpu.memory_space<semaphore_mem>>) {add = true}
      %run_scoped3A_248 = arith.constant 0 : i32
      "tpu.region"() ({
        %run_scoped3A_285 = tpu.sem_alloc : memref<!tpu.dma_semaphore, #tpu.memory_space<semaphore_mem>>
        %dma_start3A_286 = arith.constant 0 : i32
        %dma_start3A_287 = arith.constant 0 : i32
        %dma_start3A_288 = tpu.memref_slice %arg11[%run_scoped3A_248, %dma_start3A_286, %dma_start3A_287] : memref<2x128x128xf32, #tpu.memory_space<vmem>> -> memref<1x128x128xf32, #tpu.memory_space<vmem>>
        %dma_start3A_289 = tpu.memref_squeeze %dma_start3A_288 : memref<1x128x128xf32, #tpu.memory_space<vmem>> -> memref<128x128xf32, #tpu.memory_space<vmem>>
        %dma_start3A_290 = arith.constant 0 : i32
        %dma_start3A_291 = tpu.memref_slice %arg10[%add3A_227, %dma_start3A_290] : memref<40x128xi32, #tpu.memory_space<vmem>> -> memref<1x128xi32, #tpu.memory_space<vmem>>
        %dma_start3A_292 = tpu.memref_squeeze %dma_start3A_291 : memref<1x128xi32, #tpu.memory_space<vmem>> -> memref<128xi32, #tpu.memory_space<vmem>>
        %dma_start3A_293 = arith.constant 0 : i32
        %dma_start3A_294 = arith.constant 0 : i32
        %dma_start3A_295 = tpu.memref_slice %arg7[%dma_start3A_293, %dma_start3A_294] : memref<10240x128xf32, #tpu.memory_space<vmem_shared>> -> memref<10240x128xf32, #tpu.memory_space<vmem_shared>>
        tpu.enqueue_indirect_dma source(%dma_start3A_289 : memref<128x128xf32, #tpu.memory_space<vmem>>) target(%dma_start3A_295 : memref<10240x128xf32, #tpu.memory_space<vmem_shared>>) offsets(%dma_start3A_292 : memref<128xi32, #tpu.memory_space<vmem>>) semaphore(%run_scoped3A_285 : memref<!tpu.dma_semaphore, #tpu.memory_space<semaphore_mem>>) {add = true}
        %dma_wait3A_296 = arith.constant 0 : i32
        %dma_wait3A_297 = arith.constant 0 : i32
        %dma_wait3A_298 = tpu.memref_slice %arg11[%run_scoped3A_248, %dma_wait3A_296, %dma_wait3A_297] : memref<2x128x128xf32, #tpu.memory_space<vmem>> -> memref<1x128x128xf32, #tpu.memory_space<vmem>>
        %dma_wait3A_299 = tpu.memref_squeeze %dma_wait3A_298 : memref<1x128x128xf32, #tpu.memory_space<vmem>> -> memref<128x128xf32, #tpu.memory_space<vmem>>
        %dma_wait3A_300 = arith.constant 0 : i32
        %dma_wait3A_301 = tpu.memref_slice %arg10[%add3A_227, %dma_wait3A_300] : memref<40x128xi32, #tpu.memory_space<vmem>> -> memref<1x128xi32, #tpu.memory_space<vmem>>
        %dma_wait3A_302 = tpu.memref_squeeze %dma_wait3A_301 : memref<1x128xi32, #tpu.memory_space<vmem>> -> memref<128xi32, #tpu.memory_space<vmem>>
        %dma_wait3A_303 = arith.constant 0 : i32
        %dma_wait3A_304 = arith.constant 0 : i32
        %dma_wait3A_305 = tpu.memref_slice %arg7[%dma_wait3A_303, %dma_wait3A_304] : memref<10240x128xf32, #tpu.memory_space<vmem_shared>> -> memref<10240x128xf32, #tpu.memory_space<vmem_shared>>
        tpu.wait_indirect_dma semaphore(%run_scoped3A_285 : memref<!tpu.dma_semaphore, #tpu.memory_space<semaphore_mem>>) src(%dma_wait3A_299 : memref<128x128xf32, #tpu.memory_space<vmem>>) dst(%dma_wait3A_305 : memref<10240x128xf32, #tpu.memory_space<vmem_shared>>)
        tpu.yield
      }) : () -> ()
      %add3A_249 = arith.constant 2 : i32
      %add3A_250 = arith.addi %add3A_227, %add3A_249 : i32
      %lt3A = arith.constant 40 : i32
      %lt3A_251 = arith.cmpi slt, %add3A_250, %lt3A : i32
      %convert_element_type3A = arith.extui %lt3A_251 : i1 to i32
      %cond3A = arith.constant 0 : i32
      %cond3A_252 = arith.cmpi ne, %convert_element_type3A, %cond3A : i32
      scf.if %cond3A_252 {
        %dma_start3A_285 = arith.constant 0 : i32
        %dma_start3A_286 = arith.constant 0 : i32
        %dma_start3A_287 = arith.constant 0 : i32
        %dma_start3A_288 = tpu.memref_slice %arg11[%dma_start3A_285, %dma_start3A_286, %dma_start3A_287] : memref<2x128x128xf32, #tpu.memory_space<vmem>> -> memref<1x128x128xf32, #tpu.memory_space<vmem>>
        %dma_start3A_289 = tpu.memref_squeeze %dma_start3A_288 : memref<1x128x128xf32, #tpu.memory_space<vmem>> -> memref<128x128xf32, #tpu.memory_space<vmem>>
        %dma_start3A_290 = arith.constant 0 : i32
        %dma_start3A_291 = tpu.memref_slice %arg9[%add3A_250, %dma_start3A_290] : memref<40x128xi32, #tpu.memory_space<vmem>> -> memref<1x128xi32, #tpu.memory_space<vmem>>
        %dma_start3A_292 = tpu.memref_squeeze %dma_start3A_291 : memref<1x128xi32, #tpu.memory_space<vmem>> -> memref<128xi32, #tpu.memory_space<vmem>>
        %dma_start3A_293 = arith.constant 0 : i32
        %dma_start3A_294 = arith.constant 0 : i32
        %dma_start3A_295 = tpu.memref_slice %arg2[%dma_start3A_293, %dma_start3A_294] : memref<20000x128xf32, #tpu.memory_space<hbm>> -> memref<20000x128xf32, #tpu.memory_space<hbm>>
        tpu.enqueue_indirect_dma source(%dma_start3A_295 : memref<20000x128xf32, #tpu.memory_space<hbm>>) target(%dma_start3A_289 : memref<128x128xf32, #tpu.memory_space<vmem>>) offsets(%dma_start3A_292 : memref<128xi32, #tpu.memory_space<vmem>>) semaphore(%arg14 : memref<!tpu.dma_semaphore, #tpu.memory_space<semaphore_mem>>)
      } else {
      }
      %mul3A_253 = arith.constant 2 : i32
      %mul3A_254 = arith.muli %scan3A_223, %mul3A_253 : i32
      %add3A_255 = arith.constant 1 : i32
      %add3A_256 = arith.addi %mul3A_254, %add3A_255 : i32
      %dma_wait3A_257 = arith.constant 1 : i32
      %dma_wait3A_258 = arith.constant 0 : i32
      %dma_wait3A_259 = arith.constant 0 : i32
      %dma_wait3A_260 = tpu.memref_slice %arg11[%dma_wait3A_257, %dma_wait3A_258, %dma_wait3A_259] : memref<2x128x128xf32, #tpu.memory_space<vmem>> -> memref<1x128x128xf32, #tpu.memory_space<vmem>>
      %dma_wait3A_261 = tpu.memref_squeeze %dma_wait3A_260 : memref<1x128x128xf32, #tpu.memory_space<vmem>> -> memref<128x128xf32, #tpu.memory_space<vmem>>
      %dma_wait3A_262 = arith.constant 0 : i32
      %dma_wait3A_263 = arith.constant 0 : i32
      %dma_wait3A_264 = tpu.memref_slice %arg2[%dma_wait3A_262, %dma_wait3A_263] : memref<20000x128xf32, #tpu.memory_space<hbm>> -> memref<128x128xf32, #tpu.memory_space<hbm>>
      %dma_wait3A_265 = arith.constant 0 : i32
      %dma_wait3A_266 = arith.constant 0 : i32
      %dma_wait3A_267 = tpu.memref_slice %arg11[%dma_wait3A_257, %dma_wait3A_265, %dma_wait3A_266] : memref<2x128x128xf32, #tpu.memory_space<vmem>> -> memref<1x128x128xf32, #tpu.memory_space<vmem>>
      %dma_wait3A_268 = tpu.memref_squeeze %dma_wait3A_267 : memref<1x128x128xf32, #tpu.memory_space<vmem>> -> memref<128x128xf32, #tpu.memory_space<vmem>>
      %dma_wait3A_269 = arith.constant 0 : i32
      %dma_wait3A_270 = arith.constant 0 : i32
      %dma_wait3A_271 = tpu.memref_slice %arg2[%dma_wait3A_269, %dma_wait3A_270] : memref<20000x128xf32, #tpu.memory_space<hbm>> -> memref<128x128xf32, #tpu.memory_space<hbm>>
      tpu.wait_dma2 semaphore(%arg15 : memref<!tpu.dma_semaphore, #tpu.memory_space<semaphore_mem>>) src(%dma_wait3A_271 : memref<128x128xf32, #tpu.memory_space<hbm>>) dst(%dma_wait3A_268 : memref<128x128xf32, #tpu.memory_space<vmem>>)
      %dma_start3A_272 = arith.constant 0 : i32
      %dma_start3A_273 = tpu.memref_slice %arg10[%add3A_256, %dma_start3A_272] : memref<40x128xi32, #tpu.memory_space<vmem>> -> memref<1x128xi32, #tpu.memory_space<vmem>>
      %dma_start3A_274 = tpu.memref_squeeze %dma_start3A_273 : memref<1x128xi32, #tpu.memory_space<vmem>> -> memref<128xi32, #tpu.memory_space<vmem>>
      %dma_start3A_275 = arith.constant 0 : i32
      %dma_start3A_276 = tpu.memref_slice %arg8[%dma_start3A_275] : memref<10240xf32, #tpu.memory_space<vmem_shared>> -> memref<10240xf32, #tpu.memory_space<vmem_shared>>
      tpu.enqueue_indirect_dma source(%arg13 : memref<128xf32, #tpu.memory_space<vmem>>) target(%dma_start3A_276 : memref<10240xf32, #tpu.memory_space<vmem_shared>>) offsets(%dma_start3A_274 : memref<128xi32, #tpu.memory_space<vmem>>) semaphore(%arg16 : memref<!tpu.dma_semaphore, #tpu.memory_space<semaphore_mem>>) {add = true}
      %run_scoped3A_277 = arith.constant 1 : i32
      "tpu.region"() ({
        %run_scoped3A_285 = tpu.sem_alloc : memref<!tpu.dma_semaphore, #tpu.memory_space<semaphore_mem>>
        %dma_start3A_286 = arith.constant 0 : i32
        %dma_start3A_287 = arith.constant 0 : i32
        %dma_start3A_288 = tpu.memref_slice %arg11[%run_scoped3A_277, %dma_start3A_286, %dma_start3A_287] : memref<2x128x128xf32, #tpu.memory_space<vmem>> -> memref<1x128x128xf32, #tpu.memory_space<vmem>>
        %dma_start3A_289 = tpu.memref_squeeze %dma_start3A_288 : memref<1x128x128xf32, #tpu.memory_space<vmem>> -> memref<128x128xf32, #tpu.memory_space<vmem>>
        %dma_start3A_290 = arith.constant 0 : i32
        %dma_start3A_291 = tpu.memref_slice %arg10[%add3A_256, %dma_start3A_290] : memref<40x128xi32, #tpu.memory_space<vmem>> -> memref<1x128xi32, #tpu.memory_space<vmem>>
        %dma_start3A_292 = tpu.memref_squeeze %dma_start3A_291 : memref<1x128xi32, #tpu.memory_space<vmem>> -> memref<128xi32, #tpu.memory_space<vmem>>
        %dma_start3A_293 = arith.constant 0 : i32
        %dma_start3A_294 = arith.constant 0 : i32
        %dma_start3A_295 = tpu.memref_slice %arg7[%dma_start3A_293, %dma_start3A_294] : memref<10240x128xf32, #tpu.memory_space<vmem_shared>> -> memref<10240x128xf32, #tpu.memory_space<vmem_shared>>
        tpu.enqueue_indirect_dma source(%dma_start3A_289 : memref<128x128xf32, #tpu.memory_space<vmem>>) target(%dma_start3A_295 : memref<10240x128xf32, #tpu.memory_space<vmem_shared>>) offsets(%dma_start3A_292 : memref<128xi32, #tpu.memory_space<vmem>>) semaphore(%run_scoped3A_285 : memref<!tpu.dma_semaphore, #tpu.memory_space<semaphore_mem>>) {add = true}
        %dma_wait3A_296 = arith.constant 0 : i32
        %dma_wait3A_297 = arith.constant 0 : i32
        %dma_wait3A_298 = tpu.memref_slice %arg11[%run_scoped3A_277, %dma_wait3A_296, %dma_wait3A_297] : memref<2x128x128xf32, #tpu.memory_space<vmem>> -> memref<1x128x128xf32, #tpu.memory_space<vmem>>
        %dma_wait3A_299 = tpu.memref_squeeze %dma_wait3A_298 : memref<1x128x128xf32, #tpu.memory_space<vmem>> -> memref<128x128xf32, #tpu.memory_space<vmem>>
        %dma_wait3A_300 = arith.constant 0 : i32
        %dma_wait3A_301 = tpu.memref_slice %arg10[%add3A_256, %dma_wait3A_300] : memref<40x128xi32, #tpu.memory_space<vmem>> -> memref<1x128xi32, #tpu.memory_space<vmem>>
        %dma_wait3A_302 = tpu.memref_squeeze %dma_wait3A_301 : memref<1x128xi32, #tpu.memory_space<vmem>> -> memref<128xi32, #tpu.memory_space<vmem>>
        %dma_wait3A_303 = arith.constant 0 : i32
        %dma_wait3A_304 = arith.constant 0 : i32
        %dma_wait3A_305 = tpu.memref_slice %arg7[%dma_wait3A_303, %dma_wait3A_304] : memref<10240x128xf32, #tpu.memory_space<vmem_shared>> -> memref<10240x128xf32, #tpu.memory_space<vmem_shared>>
        tpu.wait_indirect_dma semaphore(%run_scoped3A_285 : memref<!tpu.dma_semaphore, #tpu.memory_space<semaphore_mem>>) src(%dma_wait3A_299 : memref<128x128xf32, #tpu.memory_space<vmem>>) dst(%dma_wait3A_305 : memref<10240x128xf32, #tpu.memory_space<vmem_shared>>)
        tpu.yield
      }) : () -> ()
      %add3A_278 = arith.constant 2 : i32
      %add3A_279 = arith.addi %add3A_256, %add3A_278 : i32
      %lt3A_280 = arith.constant 40 : i32
      %lt3A_281 = arith.cmpi slt, %add3A_279, %lt3A_280 : i32
      %convert_element_type3A_282 = arith.extui %lt3A_281 : i1 to i32
      %cond3A_283 = arith.constant 0 : i32
      %cond3A_284 = arith.cmpi ne, %convert_element_type3A_282, %cond3A_283 : i32
      scf.if %cond3A_284 {
        %dma_start3A_285 = arith.constant 1 : i32
        %dma_start3A_286 = arith.constant 0 : i32
        %dma_start3A_287 = arith.constant 0 : i32
        %dma_start3A_288 = tpu.memref_slice %arg11[%dma_start3A_285, %dma_start3A_286, %dma_start3A_287] : memref<2x128x128xf32, #tpu.memory_space<vmem>> -> memref<1x128x128xf32, #tpu.memory_space<vmem>>
        %dma_start3A_289 = tpu.memref_squeeze %dma_start3A_288 : memref<1x128x128xf32, #tpu.memory_space<vmem>> -> memref<128x128xf32, #tpu.memory_space<vmem>>
        %dma_start3A_290 = arith.constant 0 : i32
        %dma_start3A_291 = tpu.memref_slice %arg9[%add3A_279, %dma_start3A_290] : memref<40x128xi32, #tpu.memory_space<vmem>> -> memref<1x128xi32, #tpu.memory_space<vmem>>
        %dma_start3A_292 = tpu.memref_squeeze %dma_start3A_291 : memref<1x128xi32, #tpu.memory_space<vmem>> -> memref<128xi32, #tpu.memory_space<vmem>>
        %dma_start3A_293 = arith.constant 0 : i32
        %dma_start3A_294 = arith.constant 0 : i32
        %dma_start3A_295 = tpu.memref_slice %arg2[%dma_start3A_293, %dma_start3A_294] : memref<20000x128xf32, #tpu.memory_space<hbm>> -> memref<20000x128xf32, #tpu.memory_space<hbm>>
        tpu.enqueue_indirect_dma source(%dma_start3A_295 : memref<20000x128xf32, #tpu.memory_space<hbm>>) target(%dma_start3A_289 : memref<128x128xf32, #tpu.memory_space<vmem>>) offsets(%dma_start3A_292 : memref<128xi32, #tpu.memory_space<vmem>>) semaphore(%arg15 : memref<!tpu.dma_semaphore, #tpu.memory_space<semaphore_mem>>)
      } else {
      }
    }
    %scan3A_213 = arith.constant 20 : i32
    %dma_wait3A_214 = arith.constant 0 : i32
    %dma_wait3A_215 = arith.constant 0 : i32
    %dma_wait3A_216 = tpu.memref_slice %arg3[%arg0, %arg1, %dma_wait3A_214, %dma_wait3A_215] : memref<2x16x160x128xi32, #tpu.memory_space<hbm>> -> memref<1x1x40x128xi32, #tpu.memory_space<hbm>>
    %dma_wait3A_217 = tpu.memref_squeeze %dma_wait3A_216 : memref<1x1x40x128xi32, #tpu.memory_space<hbm>> -> memref<40x128xi32, #tpu.memory_space<hbm>>
    %dma_wait3A_218 = arith.constant 0 : i32
    %dma_wait3A_219 = arith.constant 0 : i32
    %dma_wait3A_220 = tpu.memref_slice %arg3[%arg0, %arg1, %dma_wait3A_218, %dma_wait3A_219] : memref<2x16x160x128xi32, #tpu.memory_space<hbm>> -> memref<1x1x40x128xi32, #tpu.memory_space<hbm>>
    %dma_wait3A_221 = tpu.memref_squeeze %dma_wait3A_220 : memref<1x1x40x128xi32, #tpu.memory_space<hbm>> -> memref<40x128xi32, #tpu.memory_space<hbm>>
    tpu.wait_dma2 semaphore(%arg16 : memref<!tpu.dma_semaphore, #tpu.memory_space<semaphore_mem>>) src(%dma_wait3A_221 : memref<40x128xi32, #tpu.memory_space<hbm>>) dst(%arg9 : memref<40x128xi32, #tpu.memory_space<vmem>>)
    %barrier3A_222 = arith.constant 0 : index
    tpu.barrier barrier_id(%barrier3A_222)
    "tpu.region"() ({
      %run_scoped3A_223 = tpu.sem_alloc : memref<!tpu.dma_semaphore, #tpu.memory_space<semaphore_mem>>
      %dma_start3A_224 = arith.constant 0 : i32
      %dma_start3A_225 = tpu.memref_slice %arg5[%arg0, %mul3A_6, %dma_start3A_224] : memref<2x10240x128xf32, #tpu.memory_space<hbm>> -> memref<1x640x128xf32, #tpu.memory_space<hbm>>
      %dma_start3A_226 = tpu.memref_squeeze %dma_start3A_225 : memref<1x640x128xf32, #tpu.memory_space<hbm>> -> memref<640x128xf32, #tpu.memory_space<hbm>>
      %dma_start3A_227 = arith.constant 0 : i32
      %dma_start3A_228 = tpu.memref_slice %arg7[%mul3A_6, %dma_start3A_227] : memref<10240x128xf32, #tpu.memory_space<vmem_shared>> -> memref<640x128xf32, #tpu.memory_space<vmem_shared>>
      tpu.enqueue_dma source(%dma_start3A_228 : memref<640x128xf32, #tpu.memory_space<vmem_shared>>) target(%dma_start3A_226 : memref<640x128xf32, #tpu.memory_space<hbm>>) target_semaphore(%run_scoped3A_223 : memref<!tpu.dma_semaphore, #tpu.memory_space<semaphore_mem>>)
      %dma_wait3A_229 = arith.constant 0 : i32
      %dma_wait3A_230 = tpu.memref_slice %arg5[%arg0, %mul3A_6, %dma_wait3A_229] : memref<2x10240x128xf32, #tpu.memory_space<hbm>> -> memref<1x640x128xf32, #tpu.memory_space<hbm>>
      %dma_wait3A_231 = tpu.memref_squeeze %dma_wait3A_230 : memref<1x640x128xf32, #tpu.memory_space<hbm>> -> memref<640x128xf32, #tpu.memory_space<hbm>>
      %dma_wait3A_232 = arith.constant 0 : i32
      %dma_wait3A_233 = tpu.memref_slice %arg7[%mul3A_6, %dma_wait3A_232] : memref<10240x128xf32, #tpu.memory_space<vmem_shared>> -> memref<640x128xf32, #tpu.memory_space<vmem_shared>>
      tpu.wait_dma2 semaphore(%run_scoped3A_223 : memref<!tpu.dma_semaphore, #tpu.memory_space<semaphore_mem>>) src(%dma_wait3A_233 : memref<640x128xf32, #tpu.memory_space<vmem_shared>>) dst(%dma_wait3A_231 : memref<640x128xf32, #tpu.memory_space<hbm>>)
      tpu.yield
    }) : () -> ()
    "tpu.region"() ({
      %run_scoped3A_223 = tpu.sem_alloc : memref<!tpu.dma_semaphore, #tpu.memory_space<semaphore_mem>>
      %dma_start3A_224 = tpu.memref_slice %arg6[%arg0, %mul3A_6] : memref<2x10240xf32, #tpu.memory_space<hbm>> -> memref<1x640xf32, #tpu.memory_space<hbm>>
      %dma_start3A_225 = tpu.memref_squeeze %dma_start3A_224 : memref<1x640xf32, #tpu.memory_space<hbm>> -> memref<640xf32, #tpu.memory_space<hbm>>
      %dma_start3A_226 = tpu.memref_slice %arg8[%mul3A_6] : memref<10240xf32, #tpu.memory_space<vmem_shared>> -> memref<640xf32, #tpu.memory_space<vmem_shared>>
      tpu.enqueue_dma source(%dma_start3A_226 : memref<640xf32, #tpu.memory_space<vmem_shared>>) target(%dma_start3A_225 : memref<640xf32, #tpu.memory_space<hbm>>) target_semaphore(%run_scoped3A_223 : memref<!tpu.dma_semaphore, #tpu.memory_space<semaphore_mem>>)
      %dma_wait3A_227 = tpu.memref_slice %arg6[%arg0, %mul3A_6] : memref<2x10240xf32, #tpu.memory_space<hbm>> -> memref<1x640xf32, #tpu.memory_space<hbm>>
      %dma_wait3A_228 = tpu.memref_squeeze %dma_wait3A_227 : memref<1x640xf32, #tpu.memory_space<hbm>> -> memref<640xf32, #tpu.memory_space<hbm>>
      %dma_wait3A_229 = tpu.memref_slice %arg8[%mul3A_6] : memref<10240xf32, #tpu.memory_space<vmem_shared>> -> memref<640xf32, #tpu.memory_space<vmem_shared>>
      tpu.wait_dma2 semaphore(%run_scoped3A_223 : memref<!tpu.dma_semaphore, #tpu.memory_space<semaphore_mem>>) src(%dma_wait3A_229 : memref<640xf32, #tpu.memory_space<vmem_shared>>) dst(%dma_wait3A_228 : memref<640xf32, #tpu.memory_space<hbm>>)
      tpu.yield
    }) : () -> ()
    return
  }
}

#map = affine_map<(d0, d1) -> (0, 0)>
#map1 = affine_map<(d0, d1) -> (0, 0, 0, 0)>
#map2 = affine_map<(d0, d1) -> (0, 0, 0)>
module attributes {stable_mosaic.version = 14 : i64} {
  func.func @body(%arg0: i32, %arg1: i32, %arg2: memref<20000x128xf32, #tpu.memory_space<hbm>>, %arg3: memref<2x16x160x128xi32, #tpu.memory_space<hbm>>, %arg4: memref<2x16x160x128xi32, #tpu.memory_space<hbm>>, %arg5: memref<2x10240x128xf32, #tpu.memory_space<hbm>>, %arg6: memref<10240x128xf32, #tpu.memory_space<vmem_shared>>, %arg7: memref<40x128xi32, #tpu.memory_space<vmem>>, %arg8: memref<40x128xi32, #tpu.memory_space<vmem>>, %arg9: memref<2x128x128xf32, #tpu.memory_space<vmem>>, %arg10: memref<!tpu.dma_semaphore, #tpu.memory_space<semaphore_mem>>, %arg11: memref<!tpu.dma_semaphore, #tpu.memory_space<semaphore_mem>>) attributes {dimension_semantics = [#tpu.dimension_semantics<core_parallel>, #tpu.dimension_semantics<subcore_parallel>], iteration_bounds = array<i64: 2, 16>, scalar_prefetch = 0 : i64, scratch_operands = 6 : i64, tpu.core_type = #tpu.core_type<sc_vector_subcore>, window_params = [{transform_indices = #map}, {transform_indices = #map1}, {transform_indices = #map1}, {transform_indices = #map2}]} {
    %scan3A = arith.constant 0 : i32
    %scan3A_0 = arith.constant 0 : i32
    %scan3A_1 = arith.constant 0 : i32
    %scan3A_2 = arith.constant 128 : i32
    %scan3A_3 = arith.addi %scan3A_1, %scan3A_2 : i32
    %scan3A_4 = arith.constant 1 : i32
    scf.for %scan3A_140 = %scan3A_1 to %scan3A_3 step %scan3A_4  : i32 {
      %broadcast_in_dim3A = arith.constant 0.000000e+00 : f32
      %broadcast_in_dim3A_141 = vector.broadcast %broadcast_in_dim3A : f32 to vector<16xf32>
      %swap3A = arith.constant 0 : i32
      %swap3A_142 = arith.constant 0 : i32
      %swap3A_143 = tpu.memref_slice %arg9[%scan3A_0, %swap3A, %swap3A_142] : memref<2x128x128xf32, #tpu.memory_space<vmem>> -> memref<1x128x128xf32, #tpu.memory_space<vmem>>
      %swap3A_144 = tpu.memref_squeeze %swap3A_143 : memref<1x128x128xf32, #tpu.memory_space<vmem>> -> memref<128x128xf32, #tpu.memory_space<vmem>>
      %swap3A_145 = arith.index_cast %scan3A_140 : i32 to index
      %swap3A_146 = arith.constant 0 : index
      %swap3A_147 = tpu.vector_load %swap3A_144[%swap3A_145, %swap3A_146] {strides = array<i32>} : memref<128x128xf32, #tpu.memory_space<vmem>>, vector<1x16xf32>,
      %swap3A_148 = vector.shape_cast %swap3A_147 : vector<1x16xf32> to vector<16xf32>
      %swap3A_149 = vector.shape_cast %broadcast_in_dim3A_141 : vector<16xf32> to vector<1x16xf32>
      tpu.vector_store %swap3A_144[%swap3A_145, %swap3A_146], %swap3A_149 {strides = array<i32>} : memref<128x128xf32, #tpu.memory_space<vmem>>, vector<1x16xf32>,
      %broadcast_in_dim3A_150 = arith.constant 0.000000e+00 : f32
      %broadcast_in_dim3A_151 = vector.broadcast %broadcast_in_dim3A_150 : f32 to vector<16xf32>
      %swap3A_152 = arith.constant 0 : i32
      %swap3A_153 = arith.constant 0 : i32
      %swap3A_154 = tpu.memref_slice %arg9[%scan3A_0, %swap3A_152, %swap3A_153] : memref<2x128x128xf32, #tpu.memory_space<vmem>> -> memref<1x128x128xf32, #tpu.memory_space<vmem>>
      %swap3A_155 = tpu.memref_squeeze %swap3A_154 : memref<1x128x128xf32, #tpu.memory_space<vmem>> -> memref<128x128xf32, #tpu.memory_space<vmem>>
      %swap3A_156 = arith.index_cast %scan3A_140 : i32 to index
      %swap3A_157 = arith.constant 16 : index
      %swap3A_158 = tpu.vector_load %swap3A_155[%swap3A_156, %swap3A_157] {strides = array<i32>} : memref<128x128xf32, #tpu.memory_space<vmem>>, vector<1x16xf32>,
      %swap3A_159 = vector.shape_cast %swap3A_158 : vector<1x16xf32> to vector<16xf32>
      %swap3A_160 = vector.shape_cast %broadcast_in_dim3A_151 : vector<16xf32> to vector<1x16xf32>
      tpu.vector_store %swap3A_155[%swap3A_156, %swap3A_157], %swap3A_160 {strides = array<i32>} : memref<128x128xf32, #tpu.memory_space<vmem>>, vector<1x16xf32>,
      %broadcast_in_dim3A_161 = arith.constant 0.000000e+00 : f32
      %broadcast_in_dim3A_162 = vector.broadcast %broadcast_in_dim3A_161 : f32 to vector<16xf32>
      %swap3A_163 = arith.constant 0 : i32
      %swap3A_164 = arith.constant 0 : i32
      %swap3A_165 = tpu.memref_slice %arg9[%scan3A_0, %swap3A_163, %swap3A_164] : memref<2x128x128xf32, #tpu.memory_space<vmem>> -> memref<1x128x128xf32, #tpu.memory_space<vmem>>
      %swap3A_166 = tpu.memref_squeeze %swap3A_165 : memref<1x128x128xf32, #tpu.memory_space<vmem>> -> memref<128x128xf32, #tpu.memory_space<vmem>>
      %swap3A_167 = arith.index_cast %scan3A_140 : i32 to index
      %swap3A_168 = arith.constant 32 : index
      %swap3A_169 = tpu.vector_load %swap3A_166[%swap3A_167, %swap3A_168] {strides = array<i32>} : memref<128x128xf32, #tpu.memory_space<vmem>>, vector<1x16xf32>,
      %swap3A_170 = vector.shape_cast %swap3A_169 : vector<1x16xf32> to vector<16xf32>
      %swap3A_171 = vector.shape_cast %broadcast_in_dim3A_162 : vector<16xf32> to vector<1x16xf32>
      tpu.vector_store %swap3A_166[%swap3A_167, %swap3A_168], %swap3A_171 {strides = array<i32>} : memref<128x128xf32, #tpu.memory_space<vmem>>, vector<1x16xf32>,
      %broadcast_in_dim3A_172 = arith.constant 0.000000e+00 : f32
      %broadcast_in_dim3A_173 = vector.broadcast %broadcast_in_dim3A_172 : f32 to vector<16xf32>
      %swap3A_174 = arith.constant 0 : i32
      %swap3A_175 = arith.constant 0 : i32
      %swap3A_176 = tpu.memref_slice %arg9[%scan3A_0, %swap3A_174, %swap3A_175] : memref<2x128x128xf32, #tpu.memory_space<vmem>> -> memref<1x128x128xf32, #tpu.memory_space<vmem>>
      %swap3A_177 = tpu.memref_squeeze %swap3A_176 : memref<1x128x128xf32, #tpu.memory_space<vmem>> -> memref<128x128xf32, #tpu.memory_space<vmem>>
      %swap3A_178 = arith.index_cast %scan3A_140 : i32 to index
      %swap3A_179 = arith.constant 48 : index
      %swap3A_180 = tpu.vector_load %swap3A_177[%swap3A_178, %swap3A_179] {strides = array<i32>} : memref<128x128xf32, #tpu.memory_space<vmem>>, vector<1x16xf32>,
      %swap3A_181 = vector.shape_cast %swap3A_180 : vector<1x16xf32> to vector<16xf32>
      %swap3A_182 = vector.shape_cast %broadcast_in_dim3A_173 : vector<16xf32> to vector<1x16xf32>
      tpu.vector_store %swap3A_177[%swap3A_178, %swap3A_179], %swap3A_182 {strides = array<i32>} : memref<128x128xf32, #tpu.memory_space<vmem>>, vector<1x16xf32>,
      %broadcast_in_dim3A_183 = arith.constant 0.000000e+00 : f32
      %broadcast_in_dim3A_184 = vector.broadcast %broadcast_in_dim3A_183 : f32 to vector<16xf32>
      %swap3A_185 = arith.constant 0 : i32
      %swap3A_186 = arith.constant 0 : i32
      %swap3A_187 = tpu.memref_slice %arg9[%scan3A_0, %swap3A_185, %swap3A_186] : memref<2x128x128xf32, #tpu.memory_space<vmem>> -> memref<1x128x128xf32, #tpu.memory_space<vmem>>
      %swap3A_188 = tpu.memref_squeeze %swap3A_187 : memref<1x128x128xf32, #tpu.memory_space<vmem>> -> memref<128x128xf32, #tpu.memory_space<vmem>>
      %swap3A_189 = arith.index_cast %scan3A_140 : i32 to index
      %swap3A_190 = arith.constant 64 : index
      %swap3A_191 = tpu.vector_load %swap3A_188[%swap3A_189, %swap3A_190] {strides = array<i32>} : memref<128x128xf32, #tpu.memory_space<vmem>>, vector<1x16xf32>,
      %swap3A_192 = vector.shape_cast %swap3A_191 : vector<1x16xf32> to vector<16xf32>
      %swap3A_193 = vector.shape_cast %broadcast_in_dim3A_184 : vector<16xf32> to vector<1x16xf32>
      tpu.vector_store %swap3A_188[%swap3A_189, %swap3A_190], %swap3A_193 {strides = array<i32>} : memref<128x128xf32, #tpu.memory_space<vmem>>, vector<1x16xf32>,
      %broadcast_in_dim3A_194 = arith.constant 0.000000e+00 : f32
      %broadcast_in_dim3A_195 = vector.broadcast %broadcast_in_dim3A_194 : f32 to vector<16xf32>
      %swap3A_196 = arith.constant 0 : i32
      %swap3A_197 = arith.constant 0 : i32
      %swap3A_198 = tpu.memref_slice %arg9[%scan3A_0, %swap3A_196, %swap3A_197] : memref<2x128x128xf32, #tpu.memory_space<vmem>> -> memref<1x128x128xf32, #tpu.memory_space<vmem>>
      %swap3A_199 = tpu.memref_squeeze %swap3A_198 : memref<1x128x128xf32, #tpu.memory_space<vmem>> -> memref<128x128xf32, #tpu.memory_space<vmem>>
      %swap3A_200 = arith.index_cast %scan3A_140 : i32 to index
      %swap3A_201 = arith.constant 80 : index
      %swap3A_202 = tpu.vector_load %swap3A_199[%swap3A_200, %swap3A_201] {strides = array<i32>} : memref<128x128xf32, #tpu.memory_space<vmem>>, vector<1x16xf32>,
      %swap3A_203 = vector.shape_cast %swap3A_202 : vector<1x16xf32> to vector<16xf32>
      %swap3A_204 = vector.shape_cast %broadcast_in_dim3A_195 : vector<16xf32> to vector<1x16xf32>
      tpu.vector_store %swap3A_199[%swap3A_200, %swap3A_201], %swap3A_204 {strides = array<i32>} : memref<128x128xf32, #tpu.memory_space<vmem>>, vector<1x16xf32>,
      %broadcast_in_dim3A_205 = arith.constant 0.000000e+00 : f32
      %broadcast_in_dim3A_206 = vector.broadcast %broadcast_in_dim3A_205 : f32 to vector<16xf32>
      %swap3A_207 = arith.constant 0 : i32
      %swap3A_208 = arith.constant 0 : i32
      %swap3A_209 = tpu.memref_slice %arg9[%scan3A_0, %swap3A_207, %swap3A_208] : memref<2x128x128xf32, #tpu.memory_space<vmem>> -> memref<1x128x128xf32, #tpu.memory_space<vmem>>
      %swap3A_210 = tpu.memref_squeeze %swap3A_209 : memref<1x128x128xf32, #tpu.memory_space<vmem>> -> memref<128x128xf32, #tpu.memory_space<vmem>>
      %swap3A_211 = arith.index_cast %scan3A_140 : i32 to index
      %swap3A_212 = arith.constant 96 : index
      %swap3A_213 = tpu.vector_load %swap3A_210[%swap3A_211, %swap3A_212] {strides = array<i32>} : memref<128x128xf32, #tpu.memory_space<vmem>>, vector<1x16xf32>,
      %swap3A_214 = vector.shape_cast %swap3A_213 : vector<1x16xf32> to vector<16xf32>
      %swap3A_215 = vector.shape_cast %broadcast_in_dim3A_206 : vector<16xf32> to vector<1x16xf32>
      tpu.vector_store %swap3A_210[%swap3A_211, %swap3A_212], %swap3A_215 {strides = array<i32>} : memref<128x128xf32, #tpu.memory_space<vmem>>, vector<1x16xf32>,
      %broadcast_in_dim3A_216 = arith.constant 0.000000e+00 : f32
      %broadcast_in_dim3A_217 = vector.broadcast %broadcast_in_dim3A_216 : f32 to vector<16xf32>
      %swap3A_218 = arith.constant 0 : i32
      %swap3A_219 = arith.constant 0 : i32
      %swap3A_220 = tpu.memref_slice %arg9[%scan3A_0, %swap3A_218, %swap3A_219] : memref<2x128x128xf32, #tpu.memory_space<vmem>> -> memref<1x128x128xf32, #tpu.memory_space<vmem>>
      %swap3A_221 = tpu.memref_squeeze %swap3A_220 : memref<1x128x128xf32, #tpu.memory_space<vmem>> -> memref<128x128xf32, #tpu.memory_space<vmem>>
      %swap3A_222 = arith.index_cast %scan3A_140 : i32 to index
      %swap3A_223 = arith.constant 112 : index
      %swap3A_224 = tpu.vector_load %swap3A_221[%swap3A_222, %swap3A_223] {strides = array<i32>} : memref<128x128xf32, #tpu.memory_space<vmem>>, vector<1x16xf32>,
      %swap3A_225 = vector.shape_cast %swap3A_224 : vector<1x16xf32> to vector<16xf32>
      %swap3A_226 = vector.shape_cast %broadcast_in_dim3A_217 : vector<16xf32> to vector<1x16xf32>
      tpu.vector_store %swap3A_221[%swap3A_222, %swap3A_223], %swap3A_226 {strides = array<i32>} : memref<128x128xf32, #tpu.memory_space<vmem>>, vector<1x16xf32>,
    }
    %scan3A_5 = arith.constant 128 : i32
    %mul3A = arith.constant 640 : i32
    %mul3A_6 = arith.muli %arg1, %mul3A : i32
    %add3A = arith.constant 0 : i32
    %add3A_7 = arith.addi %mul3A_6, %add3A : i32
    %run_scoped3A = arith.constant 0 : i32
    "tpu.region"() ({
      %run_scoped3A_140 = tpu.sem_alloc : memref<!tpu.dma_semaphore, #tpu.memory_space<semaphore_mem>>
      %dma_start3A_141 = arith.constant 0 : i32
      %dma_start3A_142 = arith.constant 0 : i32
      %dma_start3A_143 = tpu.memref_slice %arg9[%run_scoped3A, %dma_start3A_141, %dma_start3A_142] : memref<2x128x128xf32, #tpu.memory_space<vmem>> -> memref<1x128x128xf32, #tpu.memory_space<vmem>>
      %dma_start3A_144 = tpu.memref_squeeze %dma_start3A_143 : memref<1x128x128xf32, #tpu.memory_space<vmem>> -> memref<128x128xf32, #tpu.memory_space<vmem>>
      %dma_start3A_145 = arith.constant 0 : i32
      %dma_start3A_146 = tpu.memref_slice %arg6[%add3A_7, %dma_start3A_145] : memref<10240x128xf32, #tpu.memory_space<vmem_shared>> -> memref<128x128xf32, #tpu.memory_space<vmem_shared>>
      %dma_start3A_147 = arith.constant 0 : i32
      %dma_start3A_148 = tpu.memref_slice %arg6[%add3A_7, %dma_start3A_147] : memref<10240x128xf32, #tpu.memory_space<vmem_shared>> -> memref<128x128xf32, #tpu.memory_space<vmem_shared>>
      %dma_start3A_149 = arith.constant 0 : i32
      %dma_start3A_150 = arith.constant 0 : i32
      %dma_start3A_151 = tpu.memref_slice %arg9[%run_scoped3A, %dma_start3A_149, %dma_start3A_150] : memref<2x128x128xf32, #tpu.memory_space<vmem>> -> memref<1x128x128xf32, #tpu.memory_space<vmem>>
      %dma_start3A_152 = tpu.memref_squeeze %dma_start3A_151 : memref<1x128x128xf32, #tpu.memory_space<vmem>> -> memref<128x128xf32, #tpu.memory_space<vmem>>
      tpu.enqueue_dma source(%dma_start3A_152 : memref<128x128xf32, #tpu.memory_space<vmem>>) target(%dma_start3A_148 : memref<128x128xf32, #tpu.memory_space<vmem_shared>>) target_semaphore(%run_scoped3A_140 : memref<!tpu.dma_semaphore, #tpu.memory_space<semaphore_mem>>)
      %dma_wait3A = arith.constant 0 : i32
      %dma_wait3A_153 = arith.constant 0 : i32
      %dma_wait3A_154 = tpu.memref_slice %arg9[%run_scoped3A, %dma_wait3A, %dma_wait3A_153] : memref<2x128x128xf32, #tpu.memory_space<vmem>> -> memref<1x128x128xf32, #tpu.memory_space<vmem>>
      %dma_wait3A_155 = tpu.memref_squeeze %dma_wait3A_154 : memref<1x128x128xf32, #tpu.memory_space<vmem>> -> memref<128x128xf32, #tpu.memory_space<vmem>>
      %dma_wait3A_156 = arith.constant 0 : i32
      %dma_wait3A_157 = tpu.memref_slice %arg6[%add3A_7, %dma_wait3A_156] : memref<10240x128xf32, #tpu.memory_space<vmem_shared>> -> memref<128x128xf32, #tpu.memory_space<vmem_shared>>
      %dma_wait3A_158 = arith.constant 0 : i32
      %dma_wait3A_159 = tpu.memref_slice %arg6[%add3A_7, %dma_wait3A_158] : memref<10240x128xf32, #tpu.memory_space<vmem_shared>> -> memref<128x128xf32, #tpu.memory_space<vmem_shared>>
      %dma_wait3A_160 = arith.constant 0 : i32
      %dma_wait3A_161 = arith.constant 0 : i32
      %dma_wait3A_162 = tpu.memref_slice %arg9[%run_scoped3A, %dma_wait3A_160, %dma_wait3A_161] : memref<2x128x128xf32, #tpu.memory_space<vmem>> -> memref<1x128x128xf32, #tpu.memory_space<vmem>>
      %dma_wait3A_163 = tpu.memref_squeeze %dma_wait3A_162 : memref<1x128x128xf32, #tpu.memory_space<vmem>> -> memref<128x128xf32, #tpu.memory_space<vmem>>
      tpu.wait_dma2 semaphore(%run_scoped3A_140 : memref<!tpu.dma_semaphore, #tpu.memory_space<semaphore_mem>>) src(%dma_wait3A_163 : memref<128x128xf32, #tpu.memory_space<vmem>>) dst(%dma_wait3A_159 : memref<128x128xf32, #tpu.memory_space<vmem_shared>>)
      tpu.yield
    }) : () -> ()
    %add3A_8 = arith.constant 128 : i32
    %add3A_9 = arith.addi %mul3A_6, %add3A_8 : i32
    %run_scoped3A_10 = arith.constant 0 : i32
    "tpu.region"() ({
      %run_scoped3A_140 = tpu.sem_alloc : memref<!tpu.dma_semaphore, #tpu.memory_space<semaphore_mem>>
      %dma_start3A_141 = arith.constant 0 : i32
      %dma_start3A_142 = arith.constant 0 : i32
      %dma_start3A_143 = tpu.memref_slice %arg9[%run_scoped3A_10, %dma_start3A_141, %dma_start3A_142] : memref<2x128x128xf32, #tpu.memory_space<vmem>> -> memref<1x128x128xf32, #tpu.memory_space<vmem>>
      %dma_start3A_144 = tpu.memref_squeeze %dma_start3A_143 : memref<1x128x128xf32, #tpu.memory_space<vmem>> -> memref<128x128xf32, #tpu.memory_space<vmem>>
      %dma_start3A_145 = arith.constant 0 : i32
      %dma_start3A_146 = tpu.memref_slice %arg6[%add3A_9, %dma_start3A_145] : memref<10240x128xf32, #tpu.memory_space<vmem_shared>> -> memref<128x128xf32, #tpu.memory_space<vmem_shared>>
      %dma_start3A_147 = arith.constant 0 : i32
      %dma_start3A_148 = tpu.memref_slice %arg6[%add3A_9, %dma_start3A_147] : memref<10240x128xf32, #tpu.memory_space<vmem_shared>> -> memref<128x128xf32, #tpu.memory_space<vmem_shared>>
      %dma_start3A_149 = arith.constant 0 : i32
      %dma_start3A_150 = arith.constant 0 : i32
      %dma_start3A_151 = tpu.memref_slice %arg9[%run_scoped3A_10, %dma_start3A_149, %dma_start3A_150] : memref<2x128x128xf32, #tpu.memory_space<vmem>> -> memref<1x128x128xf32, #tpu.memory_space<vmem>>
      %dma_start3A_152 = tpu.memref_squeeze %dma_start3A_151 : memref<1x128x128xf32, #tpu.memory_space<vmem>> -> memref<128x128xf32, #tpu.memory_space<vmem>>
      tpu.enqueue_dma source(%dma_start3A_152 : memref<128x128xf32, #tpu.memory_space<vmem>>) target(%dma_start3A_148 : memref<128x128xf32, #tpu.memory_space<vmem_shared>>) target_semaphore(%run_scoped3A_140 : memref<!tpu.dma_semaphore, #tpu.memory_space<semaphore_mem>>)
      %dma_wait3A = arith.constant 0 : i32
      %dma_wait3A_153 = arith.constant 0 : i32
      %dma_wait3A_154 = tpu.memref_slice %arg9[%run_scoped3A_10, %dma_wait3A, %dma_wait3A_153] : memref<2x128x128xf32, #tpu.memory_space<vmem>> -> memref<1x128x128xf32, #tpu.memory_space<vmem>>
      %dma_wait3A_155 = tpu.memref_squeeze %dma_wait3A_154 : memref<1x128x128xf32, #tpu.memory_space<vmem>> -> memref<128x128xf32, #tpu.memory_space<vmem>>
      %dma_wait3A_156 = arith.constant 0 : i32
      %dma_wait3A_157 = tpu.memref_slice %arg6[%add3A_9, %dma_wait3A_156] : memref<10240x128xf32, #tpu.memory_space<vmem_shared>> -> memref<128x128xf32, #tpu.memory_space<vmem_shared>>
      %dma_wait3A_158 = arith.constant 0 : i32
      %dma_wait3A_159 = tpu.memref_slice %arg6[%add3A_9, %dma_wait3A_158] : memref<10240x128xf32, #tpu.memory_space<vmem_shared>> -> memref<128x128xf32, #tpu.memory_space<vmem_shared>>
      %dma_wait3A_160 = arith.constant 0 : i32
      %dma_wait3A_161 = arith.constant 0 : i32
      %dma_wait3A_162 = tpu.memref_slice %arg9[%run_scoped3A_10, %dma_wait3A_160, %dma_wait3A_161] : memref<2x128x128xf32, #tpu.memory_space<vmem>> -> memref<1x128x128xf32, #tpu.memory_space<vmem>>
      %dma_wait3A_163 = tpu.memref_squeeze %dma_wait3A_162 : memref<1x128x128xf32, #tpu.memory_space<vmem>> -> memref<128x128xf32, #tpu.memory_space<vmem>>
      tpu.wait_dma2 semaphore(%run_scoped3A_140 : memref<!tpu.dma_semaphore, #tpu.memory_space<semaphore_mem>>) src(%dma_wait3A_163 : memref<128x128xf32, #tpu.memory_space<vmem>>) dst(%dma_wait3A_159 : memref<128x128xf32, #tpu.memory_space<vmem_shared>>)
      tpu.yield
    }) : () -> ()
    %add3A_11 = arith.constant 256 : i32
    %add3A_12 = arith.addi %mul3A_6, %add3A_11 : i32
    %run_scoped3A_13 = arith.constant 0 : i32
    "tpu.region"() ({
      %run_scoped3A_140 = tpu.sem_alloc : memref<!tpu.dma_semaphore, #tpu.memory_space<semaphore_mem>>
      %dma_start3A_141 = arith.constant 0 : i32
      %dma_start3A_142 = arith.constant 0 : i32
      %dma_start3A_143 = tpu.memref_slice %arg9[%run_scoped3A_13, %dma_start3A_141, %dma_start3A_142] : memref<2x128x128xf32, #tpu.memory_space<vmem>> -> memref<1x128x128xf32, #tpu.memory_space<vmem>>
      %dma_start3A_144 = tpu.memref_squeeze %dma_start3A_143 : memref<1x128x128xf32, #tpu.memory_space<vmem>> -> memref<128x128xf32, #tpu.memory_space<vmem>>
      %dma_start3A_145 = arith.constant 0 : i32
      %dma_start3A_146 = tpu.memref_slice %arg6[%add3A_12, %dma_start3A_145] : memref<10240x128xf32, #tpu.memory_space<vmem_shared>> -> memref<128x128xf32, #tpu.memory_space<vmem_shared>>
      %dma_start3A_147 = arith.constant 0 : i32
      %dma_start3A_148 = tpu.memref_slice %arg6[%add3A_12, %dma_start3A_147] : memref<10240x128xf32, #tpu.memory_space<vmem_shared>> -> memref<128x128xf32, #tpu.memory_space<vmem_shared>>
      %dma_start3A_149 = arith.constant 0 : i32
      %dma_start3A_150 = arith.constant 0 : i32
      %dma_start3A_151 = tpu.memref_slice %arg9[%run_scoped3A_13, %dma_start3A_149, %dma_start3A_150] : memref<2x128x128xf32, #tpu.memory_space<vmem>> -> memref<1x128x128xf32, #tpu.memory_space<vmem>>
      %dma_start3A_152 = tpu.memref_squeeze %dma_start3A_151 : memref<1x128x128xf32, #tpu.memory_space<vmem>> -> memref<128x128xf32, #tpu.memory_space<vmem>>
      tpu.enqueue_dma source(%dma_start3A_152 : memref<128x128xf32, #tpu.memory_space<vmem>>) target(%dma_start3A_148 : memref<128x128xf32, #tpu.memory_space<vmem_shared>>) target_semaphore(%run_scoped3A_140 : memref<!tpu.dma_semaphore, #tpu.memory_space<semaphore_mem>>)
      %dma_wait3A = arith.constant 0 : i32
      %dma_wait3A_153 = arith.constant 0 : i32
      %dma_wait3A_154 = tpu.memref_slice %arg9[%run_scoped3A_13, %dma_wait3A, %dma_wait3A_153] : memref<2x128x128xf32, #tpu.memory_space<vmem>> -> memref<1x128x128xf32, #tpu.memory_space<vmem>>
      %dma_wait3A_155 = tpu.memref_squeeze %dma_wait3A_154 : memref<1x128x128xf32, #tpu.memory_space<vmem>> -> memref<128x128xf32, #tpu.memory_space<vmem>>
      %dma_wait3A_156 = arith.constant 0 : i32
      %dma_wait3A_157 = tpu.memref_slice %arg6[%add3A_12, %dma_wait3A_156] : memref<10240x128xf32, #tpu.memory_space<vmem_shared>> -> memref<128x128xf32, #tpu.memory_space<vmem_shared>>
      %dma_wait3A_158 = arith.constant 0 : i32
      %dma_wait3A_159 = tpu.memref_slice %arg6[%add3A_12, %dma_wait3A_158] : memref<10240x128xf32, #tpu.memory_space<vmem_shared>> -> memref<128x128xf32, #tpu.memory_space<vmem_shared>>
      %dma_wait3A_160 = arith.constant 0 : i32
      %dma_wait3A_161 = arith.constant 0 : i32
      %dma_wait3A_162 = tpu.memref_slice %arg9[%run_scoped3A_13, %dma_wait3A_160, %dma_wait3A_161] : memref<2x128x128xf32, #tpu.memory_space<vmem>> -> memref<1x128x128xf32, #tpu.memory_space<vmem>>
      %dma_wait3A_163 = tpu.memref_squeeze %dma_wait3A_162 : memref<1x128x128xf32, #tpu.memory_space<vmem>> -> memref<128x128xf32, #tpu.memory_space<vmem>>
      tpu.wait_dma2 semaphore(%run_scoped3A_140 : memref<!tpu.dma_semaphore, #tpu.memory_space<semaphore_mem>>) src(%dma_wait3A_163 : memref<128x128xf32, #tpu.memory_space<vmem>>) dst(%dma_wait3A_159 : memref<128x128xf32, #tpu.memory_space<vmem_shared>>)
      tpu.yield
    }) : () -> ()
    %add3A_14 = arith.constant 384 : i32
    %add3A_15 = arith.addi %mul3A_6, %add3A_14 : i32
    %run_scoped3A_16 = arith.constant 0 : i32
    "tpu.region"() ({
      %run_scoped3A_140 = tpu.sem_alloc : memref<!tpu.dma_semaphore, #tpu.memory_space<semaphore_mem>>
      %dma_start3A_141 = arith.constant 0 : i32
      %dma_start3A_142 = arith.constant 0 : i32
      %dma_start3A_143 = tpu.memref_slice %arg9[%run_scoped3A_16, %dma_start3A_141, %dma_start3A_142] : memref<2x128x128xf32, #tpu.memory_space<vmem>> -> memref<1x128x128xf32, #tpu.memory_space<vmem>>
      %dma_start3A_144 = tpu.memref_squeeze %dma_start3A_143 : memref<1x128x128xf32, #tpu.memory_space<vmem>> -> memref<128x128xf32, #tpu.memory_space<vmem>>
      %dma_start3A_145 = arith.constant 0 : i32
      %dma_start3A_146 = tpu.memref_slice %arg6[%add3A_15, %dma_start3A_145] : memref<10240x128xf32, #tpu.memory_space<vmem_shared>> -> memref<128x128xf32, #tpu.memory_space<vmem_shared>>
      %dma_start3A_147 = arith.constant 0 : i32
      %dma_start3A_148 = tpu.memref_slice %arg6[%add3A_15, %dma_start3A_147] : memref<10240x128xf32, #tpu.memory_space<vmem_shared>> -> memref<128x128xf32, #tpu.memory_space<vmem_shared>>
      %dma_start3A_149 = arith.constant 0 : i32
      %dma_start3A_150 = arith.constant 0 : i32
      %dma_start3A_151 = tpu.memref_slice %arg9[%run_scoped3A_16, %dma_start3A_149, %dma_start3A_150] : memref<2x128x128xf32, #tpu.memory_space<vmem>> -> memref<1x128x128xf32, #tpu.memory_space<vmem>>
      %dma_start3A_152 = tpu.memref_squeeze %dma_start3A_151 : memref<1x128x128xf32, #tpu.memory_space<vmem>> -> memref<128x128xf32, #tpu.memory_space<vmem>>
      tpu.enqueue_dma source(%dma_start3A_152 : memref<128x128xf32, #tpu.memory_space<vmem>>) target(%dma_start3A_148 : memref<128x128xf32, #tpu.memory_space<vmem_shared>>) target_semaphore(%run_scoped3A_140 : memref<!tpu.dma_semaphore, #tpu.memory_space<semaphore_mem>>)
      %dma_wait3A = arith.constant 0 : i32
      %dma_wait3A_153 = arith.constant 0 : i32
      %dma_wait3A_154 = tpu.memref_slice %arg9[%run_scoped3A_16, %dma_wait3A, %dma_wait3A_153] : memref<2x128x128xf32, #tpu.memory_space<vmem>> -> memref<1x128x128xf32, #tpu.memory_space<vmem>>
      %dma_wait3A_155 = tpu.memref_squeeze %dma_wait3A_154 : memref<1x128x128xf32, #tpu.memory_space<vmem>> -> memref<128x128xf32, #tpu.memory_space<vmem>>
      %dma_wait3A_156 = arith.constant 0 : i32
      %dma_wait3A_157 = tpu.memref_slice %arg6[%add3A_15, %dma_wait3A_156] : memref<10240x128xf32, #tpu.memory_space<vmem_shared>> -> memref<128x128xf32, #tpu.memory_space<vmem_shared>>
      %dma_wait3A_158 = arith.constant 0 : i32
      %dma_wait3A_159 = tpu.memref_slice %arg6[%add3A_15, %dma_wait3A_158] : memref<10240x128xf32, #tpu.memory_space<vmem_shared>> -> memref<128x128xf32, #tpu.memory_space<vmem_shared>>
      %dma_wait3A_160 = arith.constant 0 : i32
      %dma_wait3A_161 = arith.constant 0 : i32
      %dma_wait3A_162 = tpu.memref_slice %arg9[%run_scoped3A_16, %dma_wait3A_160, %dma_wait3A_161] : memref<2x128x128xf32, #tpu.memory_space<vmem>> -> memref<1x128x128xf32, #tpu.memory_space<vmem>>
      %dma_wait3A_163 = tpu.memref_squeeze %dma_wait3A_162 : memref<1x128x128xf32, #tpu.memory_space<vmem>> -> memref<128x128xf32, #tpu.memory_space<vmem>>
      tpu.wait_dma2 semaphore(%run_scoped3A_140 : memref<!tpu.dma_semaphore, #tpu.memory_space<semaphore_mem>>) src(%dma_wait3A_163 : memref<128x128xf32, #tpu.memory_space<vmem>>) dst(%dma_wait3A_159 : memref<128x128xf32, #tpu.memory_space<vmem_shared>>)
      tpu.yield
    }) : () -> ()
    %add3A_17 = arith.constant 512 : i32
    %add3A_18 = arith.addi %mul3A_6, %add3A_17 : i32
    %run_scoped3A_19 = arith.constant 0 : i32
    "tpu.region"() ({
      %run_scoped3A_140 = tpu.sem_alloc : memref<!tpu.dma_semaphore, #tpu.memory_space<semaphore_mem>>
      %dma_start3A_141 = arith.constant 0 : i32
      %dma_start3A_142 = arith.constant 0 : i32
      %dma_start3A_143 = tpu.memref_slice %arg9[%run_scoped3A_19, %dma_start3A_141, %dma_start3A_142] : memref<2x128x128xf32, #tpu.memory_space<vmem>> -> memref<1x128x128xf32, #tpu.memory_space<vmem>>
      %dma_start3A_144 = tpu.memref_squeeze %dma_start3A_143 : memref<1x128x128xf32, #tpu.memory_space<vmem>> -> memref<128x128xf32, #tpu.memory_space<vmem>>
      %dma_start3A_145 = arith.constant 0 : i32
      %dma_start3A_146 = tpu.memref_slice %arg6[%add3A_18, %dma_start3A_145] : memref<10240x128xf32, #tpu.memory_space<vmem_shared>> -> memref<128x128xf32, #tpu.memory_space<vmem_shared>>
      %dma_start3A_147 = arith.constant 0 : i32
      %dma_start3A_148 = tpu.memref_slice %arg6[%add3A_18, %dma_start3A_147] : memref<10240x128xf32, #tpu.memory_space<vmem_shared>> -> memref<128x128xf32, #tpu.memory_space<vmem_shared>>
      %dma_start3A_149 = arith.constant 0 : i32
      %dma_start3A_150 = arith.constant 0 : i32
      %dma_start3A_151 = tpu.memref_slice %arg9[%run_scoped3A_19, %dma_start3A_149, %dma_start3A_150] : memref<2x128x128xf32, #tpu.memory_space<vmem>> -> memref<1x128x128xf32, #tpu.memory_space<vmem>>
      %dma_start3A_152 = tpu.memref_squeeze %dma_start3A_151 : memref<1x128x128xf32, #tpu.memory_space<vmem>> -> memref<128x128xf32, #tpu.memory_space<vmem>>
      tpu.enqueue_dma source(%dma_start3A_152 : memref<128x128xf32, #tpu.memory_space<vmem>>) target(%dma_start3A_148 : memref<128x128xf32, #tpu.memory_space<vmem_shared>>) target_semaphore(%run_scoped3A_140 : memref<!tpu.dma_semaphore, #tpu.memory_space<semaphore_mem>>)
      %dma_wait3A = arith.constant 0 : i32
      %dma_wait3A_153 = arith.constant 0 : i32
      %dma_wait3A_154 = tpu.memref_slice %arg9[%run_scoped3A_19, %dma_wait3A, %dma_wait3A_153] : memref<2x128x128xf32, #tpu.memory_space<vmem>> -> memref<1x128x128xf32, #tpu.memory_space<vmem>>
      %dma_wait3A_155 = tpu.memref_squeeze %dma_wait3A_154 : memref<1x128x128xf32, #tpu.memory_space<vmem>> -> memref<128x128xf32, #tpu.memory_space<vmem>>
      %dma_wait3A_156 = arith.constant 0 : i32
      %dma_wait3A_157 = tpu.memref_slice %arg6[%add3A_18, %dma_wait3A_156] : memref<10240x128xf32, #tpu.memory_space<vmem_shared>> -> memref<128x128xf32, #tpu.memory_space<vmem_shared>>
      %dma_wait3A_158 = arith.constant 0 : i32
      %dma_wait3A_159 = tpu.memref_slice %arg6[%add3A_18, %dma_wait3A_158] : memref<10240x128xf32, #tpu.memory_space<vmem_shared>> -> memref<128x128xf32, #tpu.memory_space<vmem_shared>>
      %dma_wait3A_160 = arith.constant 0 : i32
      %dma_wait3A_161 = arith.constant 0 : i32
      %dma_wait3A_162 = tpu.memref_slice %arg9[%run_scoped3A_19, %dma_wait3A_160, %dma_wait3A_161] : memref<2x128x128xf32, #tpu.memory_space<vmem>> -> memref<1x128x128xf32, #tpu.memory_space<vmem>>
      %dma_wait3A_163 = tpu.memref_squeeze %dma_wait3A_162 : memref<1x128x128xf32, #tpu.memory_space<vmem>> -> memref<128x128xf32, #tpu.memory_space<vmem>>
      tpu.wait_dma2 semaphore(%run_scoped3A_140 : memref<!tpu.dma_semaphore, #tpu.memory_space<semaphore_mem>>) src(%dma_wait3A_163 : memref<128x128xf32, #tpu.memory_space<vmem>>) dst(%dma_wait3A_159 : memref<128x128xf32, #tpu.memory_space<vmem_shared>>)
      tpu.yield
    }) : () -> ()
    %barrier3A = arith.constant 0 : index
    tpu.barrier barrier_id(%barrier3A)
    "tpu.region"() ({
      %run_scoped3A_140 = tpu.sem_alloc : memref<!tpu.dma_semaphore, #tpu.memory_space<semaphore_mem>>
      %dma_start3A_141 = arith.constant 0 : i32
      %dma_start3A_142 = arith.constant 0 : i32
      %dma_start3A_143 = tpu.memref_slice %arg3[%arg0, %arg1, %dma_start3A_141, %dma_start3A_142] : memref<2x16x160x128xi32, #tpu.memory_space<hbm>> -> memref<1x1x40x128xi32, #tpu.memory_space<hbm>>
      %dma_start3A_144 = tpu.memref_squeeze %dma_start3A_143 : memref<1x1x40x128xi32, #tpu.memory_space<hbm>> -> memref<40x128xi32, #tpu.memory_space<hbm>>
      %dma_start3A_145 = arith.constant 0 : i32
      %dma_start3A_146 = arith.constant 0 : i32
      %dma_start3A_147 = tpu.memref_slice %arg3[%arg0, %arg1, %dma_start3A_145, %dma_start3A_146] : memref<2x16x160x128xi32, #tpu.memory_space<hbm>> -> memref<1x1x40x128xi32, #tpu.memory_space<hbm>>
      %dma_start3A_148 = tpu.memref_squeeze %dma_start3A_147 : memref<1x1x40x128xi32, #tpu.memory_space<hbm>> -> memref<40x128xi32, #tpu.memory_space<hbm>>
      tpu.enqueue_dma source(%dma_start3A_148 : memref<40x128xi32, #tpu.memory_space<hbm>>) target(%arg7 : memref<40x128xi32, #tpu.memory_space<vmem>>) target_semaphore(%run_scoped3A_140 : memref<!tpu.dma_semaphore, #tpu.memory_space<semaphore_mem>>)
      %dma_wait3A = arith.constant 0 : i32
      %dma_wait3A_149 = arith.constant 0 : i32
      %dma_wait3A_150 = tpu.memref_slice %arg3[%arg0, %arg1, %dma_wait3A, %dma_wait3A_149] : memref<2x16x160x128xi32, #tpu.memory_space<hbm>> -> memref<1x1x40x128xi32, #tpu.memory_space<hbm>>
      %dma_wait3A_151 = tpu.memref_squeeze %dma_wait3A_150 : memref<1x1x40x128xi32, #tpu.memory_space<hbm>> -> memref<40x128xi32, #tpu.memory_space<hbm>>
      %dma_wait3A_152 = arith.constant 0 : i32
      %dma_wait3A_153 = arith.constant 0 : i32
      %dma_wait3A_154 = tpu.memref_slice %arg3[%arg0, %arg1, %dma_wait3A_152, %dma_wait3A_153] : memref<2x16x160x128xi32, #tpu.memory_space<hbm>> -> memref<1x1x40x128xi32, #tpu.memory_space<hbm>>
      %dma_wait3A_155 = tpu.memref_squeeze %dma_wait3A_154 : memref<1x1x40x128xi32, #tpu.memory_space<hbm>> -> memref<40x128xi32, #tpu.memory_space<hbm>>
      tpu.wait_dma2 semaphore(%run_scoped3A_140 : memref<!tpu.dma_semaphore, #tpu.memory_space<semaphore_mem>>) src(%dma_wait3A_155 : memref<40x128xi32, #tpu.memory_space<hbm>>) dst(%arg7 : memref<40x128xi32, #tpu.memory_space<vmem>>)
      tpu.yield
    }) : () -> ()
    "tpu.region"() ({
      %run_scoped3A_140 = tpu.sem_alloc : memref<!tpu.dma_semaphore, #tpu.memory_space<semaphore_mem>>
      %dma_start3A_141 = arith.constant 0 : i32
      %dma_start3A_142 = arith.constant 0 : i32
      %dma_start3A_143 = tpu.memref_slice %arg4[%arg0, %arg1, %dma_start3A_141, %dma_start3A_142] : memref<2x16x160x128xi32, #tpu.memory_space<hbm>> -> memref<1x1x40x128xi32, #tpu.memory_space<hbm>>
      %dma_start3A_144 = tpu.memref_squeeze %dma_start3A_143 : memref<1x1x40x128xi32, #tpu.memory_space<hbm>> -> memref<40x128xi32, #tpu.memory_space<hbm>>
      %dma_start3A_145 = arith.constant 0 : i32
      %dma_start3A_146 = arith.constant 0 : i32
      %dma_start3A_147 = tpu.memref_slice %arg4[%arg0, %arg1, %dma_start3A_145, %dma_start3A_146] : memref<2x16x160x128xi32, #tpu.memory_space<hbm>> -> memref<1x1x40x128xi32, #tpu.memory_space<hbm>>
      %dma_start3A_148 = tpu.memref_squeeze %dma_start3A_147 : memref<1x1x40x128xi32, #tpu.memory_space<hbm>> -> memref<40x128xi32, #tpu.memory_space<hbm>>
      tpu.enqueue_dma source(%dma_start3A_148 : memref<40x128xi32, #tpu.memory_space<hbm>>) target(%arg8 : memref<40x128xi32, #tpu.memory_space<vmem>>) target_semaphore(%run_scoped3A_140 : memref<!tpu.dma_semaphore, #tpu.memory_space<semaphore_mem>>)
      %dma_wait3A = arith.constant 0 : i32
      %dma_wait3A_149 = arith.constant 0 : i32
      %dma_wait3A_150 = tpu.memref_slice %arg4[%arg0, %arg1, %dma_wait3A, %dma_wait3A_149] : memref<2x16x160x128xi32, #tpu.memory_space<hbm>> -> memref<1x1x40x128xi32, #tpu.memory_space<hbm>>
      %dma_wait3A_151 = tpu.memref_squeeze %dma_wait3A_150 : memref<1x1x40x128xi32, #tpu.memory_space<hbm>> -> memref<40x128xi32, #tpu.memory_space<hbm>>
      %dma_wait3A_152 = arith.constant 0 : i32
      %dma_wait3A_153 = arith.constant 0 : i32
      %dma_wait3A_154 = tpu.memref_slice %arg4[%arg0, %arg1, %dma_wait3A_152, %dma_wait3A_153] : memref<2x16x160x128xi32, #tpu.memory_space<hbm>> -> memref<1x1x40x128xi32, #tpu.memory_space<hbm>>
      %dma_wait3A_155 = tpu.memref_squeeze %dma_wait3A_154 : memref<1x1x40x128xi32, #tpu.memory_space<hbm>> -> memref<40x128xi32, #tpu.memory_space<hbm>>
      tpu.wait_dma2 semaphore(%run_scoped3A_140 : memref<!tpu.dma_semaphore, #tpu.memory_space<semaphore_mem>>) src(%dma_wait3A_155 : memref<40x128xi32, #tpu.memory_space<hbm>>) dst(%arg8 : memref<40x128xi32, #tpu.memory_space<vmem>>)
      tpu.yield
    }) : () -> ()
    %dma_start3A = arith.constant 0 : i32
    %dma_start3A_20 = arith.constant 0 : i32
    %dma_start3A_21 = arith.constant 0 : i32
    %dma_start3A_22 = arith.constant 0 : i32
    %dma_start3A_23 = tpu.memref_slice %arg9[%dma_start3A_20, %dma_start3A_21, %dma_start3A_22] : memref<2x128x128xf32, #tpu.memory_space<vmem>> -> memref<1x128x128xf32, #tpu.memory_space<vmem>>
    %dma_start3A_24 = tpu.memref_squeeze %dma_start3A_23 : memref<1x128x128xf32, #tpu.memory_space<vmem>> -> memref<128x128xf32, #tpu.memory_space<vmem>>
    %dma_start3A_25 = arith.constant 0 : i32
    %dma_start3A_26 = tpu.memref_slice %arg7[%dma_start3A, %dma_start3A_25] : memref<40x128xi32, #tpu.memory_space<vmem>> -> memref<1x128xi32, #tpu.memory_space<vmem>>
    %dma_start3A_27 = tpu.memref_squeeze %dma_start3A_26 : memref<1x128xi32, #tpu.memory_space<vmem>> -> memref<128xi32, #tpu.memory_space<vmem>>
    %dma_start3A_28 = arith.constant 0 : i32
    %dma_start3A_29 = arith.constant 0 : i32
    %dma_start3A_30 = tpu.memref_slice %arg2[%dma_start3A_28, %dma_start3A_29] : memref<20000x128xf32, #tpu.memory_space<hbm>> -> memref<20000x128xf32, #tpu.memory_space<hbm>>
    tpu.enqueue_indirect_dma source(%dma_start3A_30 : memref<20000x128xf32, #tpu.memory_space<hbm>>) target(%dma_start3A_24 : memref<128x128xf32, #tpu.memory_space<vmem>>) offsets(%dma_start3A_27 : memref<128xi32, #tpu.memory_space<vmem>>) semaphore(%arg10 : memref<!tpu.dma_semaphore, #tpu.memory_space<semaphore_mem>>)
    %dma_start3A_31 = arith.constant 1 : i32
    %dma_start3A_32 = arith.constant 1 : i32
    %dma_start3A_33 = arith.constant 0 : i32
    %dma_start3A_34 = arith.constant 0 : i32
    %dma_start3A_35 = tpu.memref_slice %arg9[%dma_start3A_32, %dma_start3A_33, %dma_start3A_34] : memref<2x128x128xf32, #tpu.memory_space<vmem>> -> memref<1x128x128xf32, #tpu.memory_space<vmem>>
    %dma_start3A_36 = tpu.memref_squeeze %dma_start3A_35 : memref<1x128x128xf32, #tpu.memory_space<vmem>> -> memref<128x128xf32, #tpu.memory_space<vmem>>
    %dma_start3A_37 = arith.constant 0 : i32
    %dma_start3A_38 = tpu.memref_slice %arg7[%dma_start3A_31, %dma_start3A_37] : memref<40x128xi32, #tpu.memory_space<vmem>> -> memref<1x128xi32, #tpu.memory_space<vmem>>
    %dma_start3A_39 = tpu.memref_squeeze %dma_start3A_38 : memref<1x128xi32, #tpu.memory_space<vmem>> -> memref<128xi32, #tpu.memory_space<vmem>>
    %dma_start3A_40 = arith.constant 0 : i32
    %dma_start3A_41 = arith.constant 0 : i32
    %dma_start3A_42 = tpu.memref_slice %arg2[%dma_start3A_40, %dma_start3A_41] : memref<20000x128xf32, #tpu.memory_space<hbm>> -> memref<20000x128xf32, #tpu.memory_space<hbm>>
    tpu.enqueue_indirect_dma source(%dma_start3A_42 : memref<20000x128xf32, #tpu.memory_space<hbm>>) target(%dma_start3A_36 : memref<128x128xf32, #tpu.memory_space<vmem>>) offsets(%dma_start3A_39 : memref<128xi32, #tpu.memory_space<vmem>>) semaphore(%arg11 : memref<!tpu.dma_semaphore, #tpu.memory_space<semaphore_mem>>)
    %scan3A_43 = arith.constant 0 : i32
    %scan3A_44 = arith.constant 0 : i32
    %scan3A_45 = arith.constant 20 : i32
    %scan3A_46 = arith.addi %scan3A_44, %scan3A_45 : i32
    %scan3A_47 = arith.constant 1 : i32
    scf.for %scan3A_140 = %scan3A_44 to %scan3A_46 step %scan3A_47  : i32 {
      %mul3A_141 = arith.constant 2 : i32
      %mul3A_142 = arith.muli %scan3A_140, %mul3A_141 : i32
      %add3A_143 = arith.constant 0 : i32
      %add3A_144 = arith.addi %mul3A_142, %add3A_143 : i32
      %dma_wait3A = arith.constant 0 : i32
      %dma_wait3A_145 = arith.constant 0 : i32
      %dma_wait3A_146 = arith.constant 0 : i32
      %dma_wait3A_147 = tpu.memref_slice %arg9[%dma_wait3A, %dma_wait3A_145, %dma_wait3A_146] : memref<2x128x128xf32, #tpu.memory_space<vmem>> -> memref<1x128x128xf32, #tpu.memory_space<vmem>>
      %dma_wait3A_148 = tpu.memref_squeeze %dma_wait3A_147 : memref<1x128x128xf32, #tpu.memory_space<vmem>> -> memref<128x128xf32, #tpu.memory_space<vmem>>
      %dma_wait3A_149 = arith.constant 0 : i32
      %dma_wait3A_150 = arith.constant 0 : i32
      %dma_wait3A_151 = tpu.memref_slice %arg2[%dma_wait3A_149, %dma_wait3A_150] : memref<20000x128xf32, #tpu.memory_space<hbm>> -> memref<128x128xf32, #tpu.memory_space<hbm>>
      %dma_wait3A_152 = arith.constant 0 : i32
      %dma_wait3A_153 = arith.constant 0 : i32
      %dma_wait3A_154 = tpu.memref_slice %arg9[%dma_wait3A, %dma_wait3A_152, %dma_wait3A_153] : memref<2x128x128xf32, #tpu.memory_space<vmem>> -> memref<1x128x128xf32, #tpu.memory_space<vmem>>
      %dma_wait3A_155 = tpu.memref_squeeze %dma_wait3A_154 : memref<1x128x128xf32, #tpu.memory_space<vmem>> -> memref<128x128xf32, #tpu.memory_space<vmem>>
      %dma_wait3A_156 = arith.constant 0 : i32
      %dma_wait3A_157 = arith.constant 0 : i32
      %dma_wait3A_158 = tpu.memref_slice %arg2[%dma_wait3A_156, %dma_wait3A_157] : memref<20000x128xf32, #tpu.memory_space<hbm>> -> memref<128x128xf32, #tpu.memory_space<hbm>>
      tpu.wait_dma2 semaphore(%arg10 : memref<!tpu.dma_semaphore, #tpu.memory_space<semaphore_mem>>) src(%dma_wait3A_158 : memref<128x128xf32, #tpu.memory_space<hbm>>) dst(%dma_wait3A_155 : memref<128x128xf32, #tpu.memory_space<vmem>>)
      %run_scoped3A_159 = arith.constant 0 : i32
      "tpu.region"() ({
        %run_scoped3A_191 = tpu.sem_alloc : memref<!tpu.dma_semaphore, #tpu.memory_space<semaphore_mem>>
        %dma_start3A_192 = arith.constant 0 : i32
        %dma_start3A_193 = arith.constant 0 : i32
        %dma_start3A_194 = tpu.memref_slice %arg9[%run_scoped3A_159, %dma_start3A_192, %dma_start3A_193] : memref<2x128x128xf32, #tpu.memory_space<vmem>> -> memref<1x128x128xf32, #tpu.memory_space<vmem>>
        %dma_start3A_195 = tpu.memref_squeeze %dma_start3A_194 : memref<1x128x128xf32, #tpu.memory_space<vmem>> -> memref<128x128xf32, #tpu.memory_space<vmem>>
        %dma_start3A_196 = arith.constant 0 : i32
        %dma_start3A_197 = tpu.memref_slice %arg8[%add3A_144, %dma_start3A_196] : memref<40x128xi32, #tpu.memory_space<vmem>> -> memref<1x128xi32, #tpu.memory_space<vmem>>
        %dma_start3A_198 = tpu.memref_squeeze %dma_start3A_197 : memref<1x128xi32, #tpu.memory_space<vmem>> -> memref<128xi32, #tpu.memory_space<vmem>>
        %dma_start3A_199 = arith.constant 0 : i32
        %dma_start3A_200 = arith.constant 0 : i32
        %dma_start3A_201 = tpu.memref_slice %arg6[%dma_start3A_199, %dma_start3A_200] : memref<10240x128xf32, #tpu.memory_space<vmem_shared>> -> memref<10240x128xf32, #tpu.memory_space<vmem_shared>>
        tpu.enqueue_indirect_dma source(%dma_start3A_195 : memref<128x128xf32, #tpu.memory_space<vmem>>) target(%dma_start3A_201 : memref<10240x128xf32, #tpu.memory_space<vmem_shared>>) offsets(%dma_start3A_198 : memref<128xi32, #tpu.memory_space<vmem>>) semaphore(%run_scoped3A_191 : memref<!tpu.dma_semaphore, #tpu.memory_space<semaphore_mem>>) {add = true}
        %dma_wait3A_202 = arith.constant 0 : i32
        %dma_wait3A_203 = arith.constant 0 : i32
        %dma_wait3A_204 = tpu.memref_slice %arg9[%run_scoped3A_159, %dma_wait3A_202, %dma_wait3A_203] : memref<2x128x128xf32, #tpu.memory_space<vmem>> -> memref<1x128x128xf32, #tpu.memory_space<vmem>>
        %dma_wait3A_205 = tpu.memref_squeeze %dma_wait3A_204 : memref<1x128x128xf32, #tpu.memory_space<vmem>> -> memref<128x128xf32, #tpu.memory_space<vmem>>
        %dma_wait3A_206 = arith.constant 0 : i32
        %dma_wait3A_207 = tpu.memref_slice %arg8[%add3A_144, %dma_wait3A_206] : memref<40x128xi32, #tpu.memory_space<vmem>> -> memref<1x128xi32, #tpu.memory_space<vmem>>
        %dma_wait3A_208 = tpu.memref_squeeze %dma_wait3A_207 : memref<1x128xi32, #tpu.memory_space<vmem>> -> memref<128xi32, #tpu.memory_space<vmem>>
        %dma_wait3A_209 = arith.constant 0 : i32
        %dma_wait3A_210 = arith.constant 0 : i32
        %dma_wait3A_211 = tpu.memref_slice %arg6[%dma_wait3A_209, %dma_wait3A_210] : memref<10240x128xf32, #tpu.memory_space<vmem_shared>> -> memref<10240x128xf32, #tpu.memory_space<vmem_shared>>
        tpu.wait_indirect_dma semaphore(%run_scoped3A_191 : memref<!tpu.dma_semaphore, #tpu.memory_space<semaphore_mem>>) src(%dma_wait3A_205 : memref<128x128xf32, #tpu.memory_space<vmem>>) dst(%dma_wait3A_211 : memref<10240x128xf32, #tpu.memory_space<vmem_shared>>)
        tpu.yield
      }) : () -> ()
      %add3A_160 = arith.constant 2 : i32
      %add3A_161 = arith.addi %add3A_144, %add3A_160 : i32
      %lt3A = arith.constant 40 : i32
      %lt3A_162 = arith.cmpi slt, %add3A_161, %lt3A : i32
      %convert_element_type3A = arith.extui %lt3A_162 : i1 to i32
      %cond3A = arith.constant 0 : i32
      %cond3A_163 = arith.cmpi ne, %convert_element_type3A, %cond3A : i32
      scf.if %cond3A_163 {
        %dma_start3A_191 = arith.constant 0 : i32
        %dma_start3A_192 = arith.constant 0 : i32
        %dma_start3A_193 = arith.constant 0 : i32
        %dma_start3A_194 = tpu.memref_slice %arg9[%dma_start3A_191, %dma_start3A_192, %dma_start3A_193] : memref<2x128x128xf32, #tpu.memory_space<vmem>> -> memref<1x128x128xf32, #tpu.memory_space<vmem>>
        %dma_start3A_195 = tpu.memref_squeeze %dma_start3A_194 : memref<1x128x128xf32, #tpu.memory_space<vmem>> -> memref<128x128xf32, #tpu.memory_space<vmem>>
        %dma_start3A_196 = arith.constant 0 : i32
        %dma_start3A_197 = tpu.memref_slice %arg7[%add3A_161, %dma_start3A_196] : memref<40x128xi32, #tpu.memory_space<vmem>> -> memref<1x128xi32, #tpu.memory_space<vmem>>
        %dma_start3A_198 = tpu.memref_squeeze %dma_start3A_197 : memref<1x128xi32, #tpu.memory_space<vmem>> -> memref<128xi32, #tpu.memory_space<vmem>>
        %dma_start3A_199 = arith.constant 0 : i32
        %dma_start3A_200 = arith.constant 0 : i32
        %dma_start3A_201 = tpu.memref_slice %arg2[%dma_start3A_199, %dma_start3A_200] : memref<20000x128xf32, #tpu.memory_space<hbm>> -> memref<20000x128xf32, #tpu.memory_space<hbm>>
        tpu.enqueue_indirect_dma source(%dma_start3A_201 : memref<20000x128xf32, #tpu.memory_space<hbm>>) target(%dma_start3A_195 : memref<128x128xf32, #tpu.memory_space<vmem>>) offsets(%dma_start3A_198 : memref<128xi32, #tpu.memory_space<vmem>>) semaphore(%arg10 : memref<!tpu.dma_semaphore, #tpu.memory_space<semaphore_mem>>)
      } else {
      }
      %mul3A_164 = arith.constant 2 : i32
      %mul3A_165 = arith.muli %scan3A_140, %mul3A_164 : i32
      %add3A_166 = arith.constant 1 : i32
      %add3A_167 = arith.addi %mul3A_165, %add3A_166 : i32
      %dma_wait3A_168 = arith.constant 1 : i32
      %dma_wait3A_169 = arith.constant 0 : i32
      %dma_wait3A_170 = arith.constant 0 : i32
      %dma_wait3A_171 = tpu.memref_slice %arg9[%dma_wait3A_168, %dma_wait3A_169, %dma_wait3A_170] : memref<2x128x128xf32, #tpu.memory_space<vmem>> -> memref<1x128x128xf32, #tpu.memory_space<vmem>>
      %dma_wait3A_172 = tpu.memref_squeeze %dma_wait3A_171 : memref<1x128x128xf32, #tpu.memory_space<vmem>> -> memref<128x128xf32, #tpu.memory_space<vmem>>
      %dma_wait3A_173 = arith.constant 0 : i32
      %dma_wait3A_174 = arith.constant 0 : i32
      %dma_wait3A_175 = tpu.memref_slice %arg2[%dma_wait3A_173, %dma_wait3A_174] : memref<20000x128xf32, #tpu.memory_space<hbm>> -> memref<128x128xf32, #tpu.memory_space<hbm>>
      %dma_wait3A_176 = arith.constant 0 : i32
      %dma_wait3A_177 = arith.constant 0 : i32
      %dma_wait3A_178 = tpu.memref_slice %arg9[%dma_wait3A_168, %dma_wait3A_176, %dma_wait3A_177] : memref<2x128x128xf32, #tpu.memory_space<vmem>> -> memref<1x128x128xf32, #tpu.memory_space<vmem>>
      %dma_wait3A_179 = tpu.memref_squeeze %dma_wait3A_178 : memref<1x128x128xf32, #tpu.memory_space<vmem>> -> memref<128x128xf32, #tpu.memory_space<vmem>>
      %dma_wait3A_180 = arith.constant 0 : i32
      %dma_wait3A_181 = arith.constant 0 : i32
      %dma_wait3A_182 = tpu.memref_slice %arg2[%dma_wait3A_180, %dma_wait3A_181] : memref<20000x128xf32, #tpu.memory_space<hbm>> -> memref<128x128xf32, #tpu.memory_space<hbm>>
      tpu.wait_dma2 semaphore(%arg11 : memref<!tpu.dma_semaphore, #tpu.memory_space<semaphore_mem>>) src(%dma_wait3A_182 : memref<128x128xf32, #tpu.memory_space<hbm>>) dst(%dma_wait3A_179 : memref<128x128xf32, #tpu.memory_space<vmem>>)
      %run_scoped3A_183 = arith.constant 1 : i32
      "tpu.region"() ({
        %run_scoped3A_191 = tpu.sem_alloc : memref<!tpu.dma_semaphore, #tpu.memory_space<semaphore_mem>>
        %dma_start3A_192 = arith.constant 0 : i32
        %dma_start3A_193 = arith.constant 0 : i32
        %dma_start3A_194 = tpu.memref_slice %arg9[%run_scoped3A_183, %dma_start3A_192, %dma_start3A_193] : memref<2x128x128xf32, #tpu.memory_space<vmem>> -> memref<1x128x128xf32, #tpu.memory_space<vmem>>
        %dma_start3A_195 = tpu.memref_squeeze %dma_start3A_194 : memref<1x128x128xf32, #tpu.memory_space<vmem>> -> memref<128x128xf32, #tpu.memory_space<vmem>>
        %dma_start3A_196 = arith.constant 0 : i32
        %dma_start3A_197 = tpu.memref_slice %arg8[%add3A_167, %dma_start3A_196] : memref<40x128xi32, #tpu.memory_space<vmem>> -> memref<1x128xi32, #tpu.memory_space<vmem>>
        %dma_start3A_198 = tpu.memref_squeeze %dma_start3A_197 : memref<1x128xi32, #tpu.memory_space<vmem>> -> memref<128xi32, #tpu.memory_space<vmem>>
        %dma_start3A_199 = arith.constant 0 : i32
        %dma_start3A_200 = arith.constant 0 : i32
        %dma_start3A_201 = tpu.memref_slice %arg6[%dma_start3A_199, %dma_start3A_200] : memref<10240x128xf32, #tpu.memory_space<vmem_shared>> -> memref<10240x128xf32, #tpu.memory_space<vmem_shared>>
        tpu.enqueue_indirect_dma source(%dma_start3A_195 : memref<128x128xf32, #tpu.memory_space<vmem>>) target(%dma_start3A_201 : memref<10240x128xf32, #tpu.memory_space<vmem_shared>>) offsets(%dma_start3A_198 : memref<128xi32, #tpu.memory_space<vmem>>) semaphore(%run_scoped3A_191 : memref<!tpu.dma_semaphore, #tpu.memory_space<semaphore_mem>>) {add = true}
        %dma_wait3A_202 = arith.constant 0 : i32
        %dma_wait3A_203 = arith.constant 0 : i32
        %dma_wait3A_204 = tpu.memref_slice %arg9[%run_scoped3A_183, %dma_wait3A_202, %dma_wait3A_203] : memref<2x128x128xf32, #tpu.memory_space<vmem>> -> memref<1x128x128xf32, #tpu.memory_space<vmem>>
        %dma_wait3A_205 = tpu.memref_squeeze %dma_wait3A_204 : memref<1x128x128xf32, #tpu.memory_space<vmem>> -> memref<128x128xf32, #tpu.memory_space<vmem>>
        %dma_wait3A_206 = arith.constant 0 : i32
        %dma_wait3A_207 = tpu.memref_slice %arg8[%add3A_167, %dma_wait3A_206] : memref<40x128xi32, #tpu.memory_space<vmem>> -> memref<1x128xi32, #tpu.memory_space<vmem>>
        %dma_wait3A_208 = tpu.memref_squeeze %dma_wait3A_207 : memref<1x128xi32, #tpu.memory_space<vmem>> -> memref<128xi32, #tpu.memory_space<vmem>>
        %dma_wait3A_209 = arith.constant 0 : i32
        %dma_wait3A_210 = arith.constant 0 : i32
        %dma_wait3A_211 = tpu.memref_slice %arg6[%dma_wait3A_209, %dma_wait3A_210] : memref<10240x128xf32, #tpu.memory_space<vmem_shared>> -> memref<10240x128xf32, #tpu.memory_space<vmem_shared>>
        tpu.wait_indirect_dma semaphore(%run_scoped3A_191 : memref<!tpu.dma_semaphore, #tpu.memory_space<semaphore_mem>>) src(%dma_wait3A_205 : memref<128x128xf32, #tpu.memory_space<vmem>>) dst(%dma_wait3A_211 : memref<10240x128xf32, #tpu.memory_space<vmem_shared>>)
        tpu.yield
      }) : () -> ()
      %add3A_184 = arith.constant 2 : i32
      %add3A_185 = arith.addi %add3A_167, %add3A_184 : i32
      %lt3A_186 = arith.constant 40 : i32
      %lt3A_187 = arith.cmpi slt, %add3A_185, %lt3A_186 : i32
      %convert_element_type3A_188 = arith.extui %lt3A_187 : i1 to i32
      %cond3A_189 = arith.constant 0 : i32
      %cond3A_190 = arith.cmpi ne, %convert_element_type3A_188, %cond3A_189 : i32
      scf.if %cond3A_190 {
        %dma_start3A_191 = arith.constant 1 : i32
        %dma_start3A_192 = arith.constant 0 : i32
        %dma_start3A_193 = arith.constant 0 : i32
        %dma_start3A_194 = tpu.memref_slice %arg9[%dma_start3A_191, %dma_start3A_192, %dma_start3A_193] : memref<2x128x128xf32, #tpu.memory_space<vmem>> -> memref<1x128x128xf32, #tpu.memory_space<vmem>>
        %dma_start3A_195 = tpu.memref_squeeze %dma_start3A_194 : memref<1x128x128xf32, #tpu.memory_space<vmem>> -> memref<128x128xf32, #tpu.memory_space<vmem>>
        %dma_start3A_196 = arith.constant 0 : i32
        %dma_start3A_197 = tpu.memref_slice %arg7[%add3A_185, %dma_start3A_196] : memref<40x128xi32, #tpu.memory_space<vmem>> -> memref<1x128xi32, #tpu.memory_space<vmem>>
        %dma_start3A_198 = tpu.memref_squeeze %dma_start3A_197 : memref<1x128xi32, #tpu.memory_space<vmem>> -> memref<128xi32, #tpu.memory_space<vmem>>
        %dma_start3A_199 = arith.constant 0 : i32
        %dma_start3A_200 = arith.constant 0 : i32
        %dma_start3A_201 = tpu.memref_slice %arg2[%dma_start3A_199, %dma_start3A_200] : memref<20000x128xf32, #tpu.memory_space<hbm>> -> memref<20000x128xf32, #tpu.memory_space<hbm>>
        tpu.enqueue_indirect_dma source(%dma_start3A_201 : memref<20000x128xf32, #tpu.memory_space<hbm>>) target(%dma_start3A_195 : memref<128x128xf32, #tpu.memory_space<vmem>>) offsets(%dma_start3A_198 : memref<128xi32, #tpu.memory_space<vmem>>) semaphore(%arg11 : memref<!tpu.dma_semaphore, #tpu.memory_space<semaphore_mem>>)
      } else {
      }
    }
    %scan3A_48 = arith.constant 20 : i32
    "tpu.region"() ({
      %run_scoped3A_140 = tpu.sem_alloc : memref<!tpu.dma_semaphore, #tpu.memory_space<semaphore_mem>>
      %dma_start3A_141 = arith.constant 40 : i32
      %dma_start3A_142 = arith.constant 0 : i32
      %dma_start3A_143 = tpu.memref_slice %arg3[%arg0, %arg1, %dma_start3A_141, %dma_start3A_142] : memref<2x16x160x128xi32, #tpu.memory_space<hbm>> -> memref<1x1x40x128xi32, #tpu.memory_space<hbm>>
      %dma_start3A_144 = tpu.memref_squeeze %dma_start3A_143 : memref<1x1x40x128xi32, #tpu.memory_space<hbm>> -> memref<40x128xi32, #tpu.memory_space<hbm>>
      %dma_start3A_145 = arith.constant 40 : i32
      %dma_start3A_146 = arith.constant 0 : i32
      %dma_start3A_147 = tpu.memref_slice %arg3[%arg0, %arg1, %dma_start3A_145, %dma_start3A_146] : memref<2x16x160x128xi32, #tpu.memory_space<hbm>> -> memref<1x1x40x128xi32, #tpu.memory_space<hbm>>
      %dma_start3A_148 = tpu.memref_squeeze %dma_start3A_147 : memref<1x1x40x128xi32, #tpu.memory_space<hbm>> -> memref<40x128xi32, #tpu.memory_space<hbm>>
      tpu.enqueue_dma source(%dma_start3A_148 : memref<40x128xi32, #tpu.memory_space<hbm>>) target(%arg7 : memref<40x128xi32, #tpu.memory_space<vmem>>) target_semaphore(%run_scoped3A_140 : memref<!tpu.dma_semaphore, #tpu.memory_space<semaphore_mem>>)
      %dma_wait3A = arith.constant 40 : i32
      %dma_wait3A_149 = arith.constant 0 : i32
      %dma_wait3A_150 = tpu.memref_slice %arg3[%arg0, %arg1, %dma_wait3A, %dma_wait3A_149] : memref<2x16x160x128xi32, #tpu.memory_space<hbm>> -> memref<1x1x40x128xi32, #tpu.memory_space<hbm>>
      %dma_wait3A_151 = tpu.memref_squeeze %dma_wait3A_150 : memref<1x1x40x128xi32, #tpu.memory_space<hbm>> -> memref<40x128xi32, #tpu.memory_space<hbm>>
      %dma_wait3A_152 = arith.constant 40 : i32
      %dma_wait3A_153 = arith.constant 0 : i32
      %dma_wait3A_154 = tpu.memref_slice %arg3[%arg0, %arg1, %dma_wait3A_152, %dma_wait3A_153] : memref<2x16x160x128xi32, #tpu.memory_space<hbm>> -> memref<1x1x40x128xi32, #tpu.memory_space<hbm>>
      %dma_wait3A_155 = tpu.memref_squeeze %dma_wait3A_154 : memref<1x1x40x128xi32, #tpu.memory_space<hbm>> -> memref<40x128xi32, #tpu.memory_space<hbm>>
      tpu.wait_dma2 semaphore(%run_scoped3A_140 : memref<!tpu.dma_semaphore, #tpu.memory_space<semaphore_mem>>) src(%dma_wait3A_155 : memref<40x128xi32, #tpu.memory_space<hbm>>) dst(%arg7 : memref<40x128xi32, #tpu.memory_space<vmem>>)
      tpu.yield
    }) : () -> ()
    "tpu.region"() ({
      %run_scoped3A_140 = tpu.sem_alloc : memref<!tpu.dma_semaphore, #tpu.memory_space<semaphore_mem>>
      %dma_start3A_141 = arith.constant 40 : i32
      %dma_start3A_142 = arith.constant 0 : i32
      %dma_start3A_143 = tpu.memref_slice %arg4[%arg0, %arg1, %dma_start3A_141, %dma_start3A_142] : memref<2x16x160x128xi32, #tpu.memory_space<hbm>> -> memref<1x1x40x128xi32, #tpu.memory_space<hbm>>
      %dma_start3A_144 = tpu.memref_squeeze %dma_start3A_143 : memref<1x1x40x128xi32, #tpu.memory_space<hbm>> -> memref<40x128xi32, #tpu.memory_space<hbm>>
      %dma_start3A_145 = arith.constant 40 : i32
      %dma_start3A_146 = arith.constant 0 : i32
      %dma_start3A_147 = tpu.memref_slice %arg4[%arg0, %arg1, %dma_start3A_145, %dma_start3A_146] : memref<2x16x160x128xi32, #tpu.memory_space<hbm>> -> memref<1x1x40x128xi32, #tpu.memory_space<hbm>>
      %dma_start3A_148 = tpu.memref_squeeze %dma_start3A_147 : memref<1x1x40x128xi32, #tpu.memory_space<hbm>> -> memref<40x128xi32, #tpu.memory_space<hbm>>
      tpu.enqueue_dma source(%dma_start3A_148 : memref<40x128xi32, #tpu.memory_space<hbm>>) target(%arg8 : memref<40x128xi32, #tpu.memory_space<vmem>>) target_semaphore(%run_scoped3A_140 : memref<!tpu.dma_semaphore, #tpu.memory_space<semaphore_mem>>)
      %dma_wait3A = arith.constant 40 : i32
      %dma_wait3A_149 = arith.constant 0 : i32
      %dma_wait3A_150 = tpu.memref_slice %arg4[%arg0, %arg1, %dma_wait3A, %dma_wait3A_149] : memref<2x16x160x128xi32, #tpu.memory_space<hbm>> -> memref<1x1x40x128xi32, #tpu.memory_space<hbm>>
      %dma_wait3A_151 = tpu.memref_squeeze %dma_wait3A_150 : memref<1x1x40x128xi32, #tpu.memory_space<hbm>> -> memref<40x128xi32, #tpu.memory_space<hbm>>
      %dma_wait3A_152 = arith.constant 40 : i32
      %dma_wait3A_153 = arith.constant 0 : i32
      %dma_wait3A_154 = tpu.memref_slice %arg4[%arg0, %arg1, %dma_wait3A_152, %dma_wait3A_153] : memref<2x16x160x128xi32, #tpu.memory_space<hbm>> -> memref<1x1x40x128xi32, #tpu.memory_space<hbm>>
      %dma_wait3A_155 = tpu.memref_squeeze %dma_wait3A_154 : memref<1x1x40x128xi32, #tpu.memory_space<hbm>> -> memref<40x128xi32, #tpu.memory_space<hbm>>
      tpu.wait_dma2 semaphore(%run_scoped3A_140 : memref<!tpu.dma_semaphore, #tpu.memory_space<semaphore_mem>>) src(%dma_wait3A_155 : memref<40x128xi32, #tpu.memory_space<hbm>>) dst(%arg8 : memref<40x128xi32, #tpu.memory_space<vmem>>)
      tpu.yield
    }) : () -> ()
    %dma_start3A_49 = arith.constant 0 : i32
    %dma_start3A_50 = arith.constant 0 : i32
    %dma_start3A_51 = arith.constant 0 : i32
    %dma_start3A_52 = arith.constant 0 : i32
    %dma_start3A_53 = tpu.memref_slice %arg9[%dma_start3A_50, %dma_start3A_51, %dma_start3A_52] : memref<2x128x128xf32, #tpu.memory_space<vmem>> -> memref<1x128x128xf32, #tpu.memory_space<vmem>>
    %dma_start3A_54 = tpu.memref_squeeze %dma_start3A_53 : memref<1x128x128xf32, #tpu.memory_space<vmem>> -> memref<128x128xf32, #tpu.memory_space<vmem>>
    %dma_start3A_55 = arith.constant 0 : i32
    %dma_start3A_56 = tpu.memref_slice %arg7[%dma_start3A_49, %dma_start3A_55] : memref<40x128xi32, #tpu.memory_space<vmem>> -> memref<1x128xi32, #tpu.memory_space<vmem>>
    %dma_start3A_57 = tpu.memref_squeeze %dma_start3A_56 : memref<1x128xi32, #tpu.memory_space<vmem>> -> memref<128xi32, #tpu.memory_space<vmem>>
    %dma_start3A_58 = arith.constant 0 : i32
    %dma_start3A_59 = arith.constant 0 : i32
    %dma_start3A_60 = tpu.memref_slice %arg2[%dma_start3A_58, %dma_start3A_59] : memref<20000x128xf32, #tpu.memory_space<hbm>> -> memref<20000x128xf32, #tpu.memory_space<hbm>>
    tpu.enqueue_indirect_dma source(%dma_start3A_60 : memref<20000x128xf32, #tpu.memory_space<hbm>>) target(%dma_start3A_54 : memref<128x128xf32, #tpu.memory_space<vmem>>) offsets(%dma_start3A_57 : memref<128xi32, #tpu.memory_space<vmem>>) semaphore(%arg10 : memref<!tpu.dma_semaphore, #tpu.memory_space<semaphore_mem>>)
    %dma_start3A_61 = arith.constant 1 : i32
    %dma_start3A_62 = arith.constant 1 : i32
    %dma_start3A_63 = arith.constant 0 : i32
    %dma_start3A_64 = arith.constant 0 : i32
    %dma_start3A_65 = tpu.memref_slice %arg9[%dma_start3A_62, %dma_start3A_63, %dma_start3A_64] : memref<2x128x128xf32, #tpu.memory_space<vmem>> -> memref<1x128x128xf32, #tpu.memory_space<vmem>>
    %dma_start3A_66 = tpu.memref_squeeze %dma_start3A_65 : memref<1x128x128xf32, #tpu.memory_space<vmem>> -> memref<128x128xf32, #tpu.memory_space<vmem>>
    %dma_start3A_67 = arith.constant 0 : i32
    %dma_start3A_68 = tpu.memref_slice %arg7[%dma_start3A_61, %dma_start3A_67] : memref<40x128xi32, #tpu.memory_space<vmem>> -> memref<1x128xi32, #tpu.memory_space<vmem>>
    %dma_start3A_69 = tpu.memref_squeeze %dma_start3A_68 : memref<1x128xi32, #tpu.memory_space<vmem>> -> memref<128xi32, #tpu.memory_space<vmem>>
    %dma_start3A_70 = arith.constant 0 : i32
    %dma_start3A_71 = arith.constant 0 : i32
    %dma_start3A_72 = tpu.memref_slice %arg2[%dma_start3A_70, %dma_start3A_71] : memref<20000x128xf32, #tpu.memory_space<hbm>> -> memref<20000x128xf32, #tpu.memory_space<hbm>>
    tpu.enqueue_indirect_dma source(%dma_start3A_72 : memref<20000x128xf32, #tpu.memory_space<hbm>>) target(%dma_start3A_66 : memref<128x128xf32, #tpu.memory_space<vmem>>) offsets(%dma_start3A_69 : memref<128xi32, #tpu.memory_space<vmem>>) semaphore(%arg11 : memref<!tpu.dma_semaphore, #tpu.memory_space<semaphore_mem>>)
    %scan3A_73 = arith.constant 0 : i32
    %scan3A_74 = arith.constant 0 : i32
    %scan3A_75 = arith.constant 20 : i32
    %scan3A_76 = arith.addi %scan3A_74, %scan3A_75 : i32
    %scan3A_77 = arith.constant 1 : i32
    scf.for %scan3A_140 = %scan3A_74 to %scan3A_76 step %scan3A_77  : i32 {
      %mul3A_141 = arith.constant 2 : i32
      %mul3A_142 = arith.muli %scan3A_140, %mul3A_141 : i32
      %add3A_143 = arith.constant 0 : i32
      %add3A_144 = arith.addi %mul3A_142, %add3A_143 : i32
      %dma_wait3A = arith.constant 0 : i32
      %dma_wait3A_145 = arith.constant 0 : i32
      %dma_wait3A_146 = arith.constant 0 : i32
      %dma_wait3A_147 = tpu.memref_slice %arg9[%dma_wait3A, %dma_wait3A_145, %dma_wait3A_146] : memref<2x128x128xf32, #tpu.memory_space<vmem>> -> memref<1x128x128xf32, #tpu.memory_space<vmem>>
      %dma_wait3A_148 = tpu.memref_squeeze %dma_wait3A_147 : memref<1x128x128xf32, #tpu.memory_space<vmem>> -> memref<128x128xf32, #tpu.memory_space<vmem>>
      %dma_wait3A_149 = arith.constant 0 : i32
      %dma_wait3A_150 = arith.constant 0 : i32
      %dma_wait3A_151 = tpu.memref_slice %arg2[%dma_wait3A_149, %dma_wait3A_150] : memref<20000x128xf32, #tpu.memory_space<hbm>> -> memref<128x128xf32, #tpu.memory_space<hbm>>
      %dma_wait3A_152 = arith.constant 0 : i32
      %dma_wait3A_153 = arith.constant 0 : i32
      %dma_wait3A_154 = tpu.memref_slice %arg9[%dma_wait3A, %dma_wait3A_152, %dma_wait3A_153] : memref<2x128x128xf32, #tpu.memory_space<vmem>> -> memref<1x128x128xf32, #tpu.memory_space<vmem>>
      %dma_wait3A_155 = tpu.memref_squeeze %dma_wait3A_154 : memref<1x128x128xf32, #tpu.memory_space<vmem>> -> memref<128x128xf32, #tpu.memory_space<vmem>>
      %dma_wait3A_156 = arith.constant 0 : i32
      %dma_wait3A_157 = arith.constant 0 : i32
      %dma_wait3A_158 = tpu.memref_slice %arg2[%dma_wait3A_156, %dma_wait3A_157] : memref<20000x128xf32, #tpu.memory_space<hbm>> -> memref<128x128xf32, #tpu.memory_space<hbm>>
      tpu.wait_dma2 semaphore(%arg10 : memref<!tpu.dma_semaphore, #tpu.memory_space<semaphore_mem>>) src(%dma_wait3A_158 : memref<128x128xf32, #tpu.memory_space<hbm>>) dst(%dma_wait3A_155 : memref<128x128xf32, #tpu.memory_space<vmem>>)
      %run_scoped3A_159 = arith.constant 0 : i32
      "tpu.region"() ({
        %run_scoped3A_191 = tpu.sem_alloc : memref<!tpu.dma_semaphore, #tpu.memory_space<semaphore_mem>>
        %dma_start3A_192 = arith.constant 0 : i32
        %dma_start3A_193 = arith.constant 0 : i32
        %dma_start3A_194 = tpu.memref_slice %arg9[%run_scoped3A_159, %dma_start3A_192, %dma_start3A_193] : memref<2x128x128xf32, #tpu.memory_space<vmem>> -> memref<1x128x128xf32, #tpu.memory_space<vmem>>
        %dma_start3A_195 = tpu.memref_squeeze %dma_start3A_194 : memref<1x128x128xf32, #tpu.memory_space<vmem>> -> memref<128x128xf32, #tpu.memory_space<vmem>>
        %dma_start3A_196 = arith.constant 0 : i32
        %dma_start3A_197 = tpu.memref_slice %arg8[%add3A_144, %dma_start3A_196] : memref<40x128xi32, #tpu.memory_space<vmem>> -> memref<1x128xi32, #tpu.memory_space<vmem>>
        %dma_start3A_198 = tpu.memref_squeeze %dma_start3A_197 : memref<1x128xi32, #tpu.memory_space<vmem>> -> memref<128xi32, #tpu.memory_space<vmem>>
        %dma_start3A_199 = arith.constant 0 : i32
        %dma_start3A_200 = arith.constant 0 : i32
        %dma_start3A_201 = tpu.memref_slice %arg6[%dma_start3A_199, %dma_start3A_200] : memref<10240x128xf32, #tpu.memory_space<vmem_shared>> -> memref<10240x128xf32, #tpu.memory_space<vmem_shared>>
        tpu.enqueue_indirect_dma source(%dma_start3A_195 : memref<128x128xf32, #tpu.memory_space<vmem>>) target(%dma_start3A_201 : memref<10240x128xf32, #tpu.memory_space<vmem_shared>>) offsets(%dma_start3A_198 : memref<128xi32, #tpu.memory_space<vmem>>) semaphore(%run_scoped3A_191 : memref<!tpu.dma_semaphore, #tpu.memory_space<semaphore_mem>>) {add = true}
        %dma_wait3A_202 = arith.constant 0 : i32
        %dma_wait3A_203 = arith.constant 0 : i32
        %dma_wait3A_204 = tpu.memref_slice %arg9[%run_scoped3A_159, %dma_wait3A_202, %dma_wait3A_203] : memref<2x128x128xf32, #tpu.memory_space<vmem>> -> memref<1x128x128xf32, #tpu.memory_space<vmem>>
        %dma_wait3A_205 = tpu.memref_squeeze %dma_wait3A_204 : memref<1x128x128xf32, #tpu.memory_space<vmem>> -> memref<128x128xf32, #tpu.memory_space<vmem>>
        %dma_wait3A_206 = arith.constant 0 : i32
        %dma_wait3A_207 = tpu.memref_slice %arg8[%add3A_144, %dma_wait3A_206] : memref<40x128xi32, #tpu.memory_space<vmem>> -> memref<1x128xi32, #tpu.memory_space<vmem>>
        %dma_wait3A_208 = tpu.memref_squeeze %dma_wait3A_207 : memref<1x128xi32, #tpu.memory_space<vmem>> -> memref<128xi32, #tpu.memory_space<vmem>>
        %dma_wait3A_209 = arith.constant 0 : i32
        %dma_wait3A_210 = arith.constant 0 : i32
        %dma_wait3A_211 = tpu.memref_slice %arg6[%dma_wait3A_209, %dma_wait3A_210] : memref<10240x128xf32, #tpu.memory_space<vmem_shared>> -> memref<10240x128xf32, #tpu.memory_space<vmem_shared>>
        tpu.wait_indirect_dma semaphore(%run_scoped3A_191 : memref<!tpu.dma_semaphore, #tpu.memory_space<semaphore_mem>>) src(%dma_wait3A_205 : memref<128x128xf32, #tpu.memory_space<vmem>>) dst(%dma_wait3A_211 : memref<10240x128xf32, #tpu.memory_space<vmem_shared>>)
        tpu.yield
      }) : () -> ()
      %add3A_160 = arith.constant 2 : i32
      %add3A_161 = arith.addi %add3A_144, %add3A_160 : i32
      %lt3A = arith.constant 40 : i32
      %lt3A_162 = arith.cmpi slt, %add3A_161, %lt3A : i32
      %convert_element_type3A = arith.extui %lt3A_162 : i1 to i32
      %cond3A = arith.constant 0 : i32
      %cond3A_163 = arith.cmpi ne, %convert_element_type3A, %cond3A : i32
      scf.if %cond3A_163 {
        %dma_start3A_191 = arith.constant 0 : i32
        %dma_start3A_192 = arith.constant 0 : i32
        %dma_start3A_193 = arith.constant 0 : i32
        %dma_start3A_194 = tpu.memref_slice %arg9[%dma_start3A_191, %dma_start3A_192, %dma_start3A_193] : memref<2x128x128xf32, #tpu.memory_space<vmem>> -> memref<1x128x128xf32, #tpu.memory_space<vmem>>
        %dma_start3A_195 = tpu.memref_squeeze %dma_start3A_194 : memref<1x128x128xf32, #tpu.memory_space<vmem>> -> memref<128x128xf32, #tpu.memory_space<vmem>>
        %dma_start3A_196 = arith.constant 0 : i32
        %dma_start3A_197 = tpu.memref_slice %arg7[%add3A_161, %dma_start3A_196] : memref<40x128xi32, #tpu.memory_space<vmem>> -> memref<1x128xi32, #tpu.memory_space<vmem>>
        %dma_start3A_198 = tpu.memref_squeeze %dma_start3A_197 : memref<1x128xi32, #tpu.memory_space<vmem>> -> memref<128xi32, #tpu.memory_space<vmem>>
        %dma_start3A_199 = arith.constant 0 : i32
        %dma_start3A_200 = arith.constant 0 : i32
        %dma_start3A_201 = tpu.memref_slice %arg2[%dma_start3A_199, %dma_start3A_200] : memref<20000x128xf32, #tpu.memory_space<hbm>> -> memref<20000x128xf32, #tpu.memory_space<hbm>>
        tpu.enqueue_indirect_dma source(%dma_start3A_201 : memref<20000x128xf32, #tpu.memory_space<hbm>>) target(%dma_start3A_195 : memref<128x128xf32, #tpu.memory_space<vmem>>) offsets(%dma_start3A_198 : memref<128xi32, #tpu.memory_space<vmem>>) semaphore(%arg10 : memref<!tpu.dma_semaphore, #tpu.memory_space<semaphore_mem>>)
      } else {
      }
      %mul3A_164 = arith.constant 2 : i32
      %mul3A_165 = arith.muli %scan3A_140, %mul3A_164 : i32
      %add3A_166 = arith.constant 1 : i32
      %add3A_167 = arith.addi %mul3A_165, %add3A_166 : i32
      %dma_wait3A_168 = arith.constant 1 : i32
      %dma_wait3A_169 = arith.constant 0 : i32
      %dma_wait3A_170 = arith.constant 0 : i32
      %dma_wait3A_171 = tpu.memref_slice %arg9[%dma_wait3A_168, %dma_wait3A_169, %dma_wait3A_170] : memref<2x128x128xf32, #tpu.memory_space<vmem>> -> memref<1x128x128xf32, #tpu.memory_space<vmem>>
      %dma_wait3A_172 = tpu.memref_squeeze %dma_wait3A_171 : memref<1x128x128xf32, #tpu.memory_space<vmem>> -> memref<128x128xf32, #tpu.memory_space<vmem>>
      %dma_wait3A_173 = arith.constant 0 : i32
      %dma_wait3A_174 = arith.constant 0 : i32
      %dma_wait3A_175 = tpu.memref_slice %arg2[%dma_wait3A_173, %dma_wait3A_174] : memref<20000x128xf32, #tpu.memory_space<hbm>> -> memref<128x128xf32, #tpu.memory_space<hbm>>
      %dma_wait3A_176 = arith.constant 0 : i32
      %dma_wait3A_177 = arith.constant 0 : i32
      %dma_wait3A_178 = tpu.memref_slice %arg9[%dma_wait3A_168, %dma_wait3A_176, %dma_wait3A_177] : memref<2x128x128xf32, #tpu.memory_space<vmem>> -> memref<1x128x128xf32, #tpu.memory_space<vmem>>
      %dma_wait3A_179 = tpu.memref_squeeze %dma_wait3A_178 : memref<1x128x128xf32, #tpu.memory_space<vmem>> -> memref<128x128xf32, #tpu.memory_space<vmem>>
      %dma_wait3A_180 = arith.constant 0 : i32
      %dma_wait3A_181 = arith.constant 0 : i32
      %dma_wait3A_182 = tpu.memref_slice %arg2[%dma_wait3A_180, %dma_wait3A_181] : memref<20000x128xf32, #tpu.memory_space<hbm>> -> memref<128x128xf32, #tpu.memory_space<hbm>>
      tpu.wait_dma2 semaphore(%arg11 : memref<!tpu.dma_semaphore, #tpu.memory_space<semaphore_mem>>) src(%dma_wait3A_182 : memref<128x128xf32, #tpu.memory_space<hbm>>) dst(%dma_wait3A_179 : memref<128x128xf32, #tpu.memory_space<vmem>>)
      %run_scoped3A_183 = arith.constant 1 : i32
      "tpu.region"() ({
        %run_scoped3A_191 = tpu.sem_alloc : memref<!tpu.dma_semaphore, #tpu.memory_space<semaphore_mem>>
        %dma_start3A_192 = arith.constant 0 : i32
        %dma_start3A_193 = arith.constant 0 : i32
        %dma_start3A_194 = tpu.memref_slice %arg9[%run_scoped3A_183, %dma_start3A_192, %dma_start3A_193] : memref<2x128x128xf32, #tpu.memory_space<vmem>> -> memref<1x128x128xf32, #tpu.memory_space<vmem>>
        %dma_start3A_195 = tpu.memref_squeeze %dma_start3A_194 : memref<1x128x128xf32, #tpu.memory_space<vmem>> -> memref<128x128xf32, #tpu.memory_space<vmem>>
        %dma_start3A_196 = arith.constant 0 : i32
        %dma_start3A_197 = tpu.memref_slice %arg8[%add3A_167, %dma_start3A_196] : memref<40x128xi32, #tpu.memory_space<vmem>> -> memref<1x128xi32, #tpu.memory_space<vmem>>
        %dma_start3A_198 = tpu.memref_squeeze %dma_start3A_197 : memref<1x128xi32, #tpu.memory_space<vmem>> -> memref<128xi32, #tpu.memory_space<vmem>>
        %dma_start3A_199 = arith.constant 0 : i32
        %dma_start3A_200 = arith.constant 0 : i32
        %dma_start3A_201 = tpu.memref_slice %arg6[%dma_start3A_199, %dma_start3A_200] : memref<10240x128xf32, #tpu.memory_space<vmem_shared>> -> memref<10240x128xf32, #tpu.memory_space<vmem_shared>>
        tpu.enqueue_indirect_dma source(%dma_start3A_195 : memref<128x128xf32, #tpu.memory_space<vmem>>) target(%dma_start3A_201 : memref<10240x128xf32, #tpu.memory_space<vmem_shared>>) offsets(%dma_start3A_198 : memref<128xi32, #tpu.memory_space<vmem>>) semaphore(%run_scoped3A_191 : memref<!tpu.dma_semaphore, #tpu.memory_space<semaphore_mem>>) {add = true}
        %dma_wait3A_202 = arith.constant 0 : i32
        %dma_wait3A_203 = arith.constant 0 : i32
        %dma_wait3A_204 = tpu.memref_slice %arg9[%run_scoped3A_183, %dma_wait3A_202, %dma_wait3A_203] : memref<2x128x128xf32, #tpu.memory_space<vmem>> -> memref<1x128x128xf32, #tpu.memory_space<vmem>>
        %dma_wait3A_205 = tpu.memref_squeeze %dma_wait3A_204 : memref<1x128x128xf32, #tpu.memory_space<vmem>> -> memref<128x128xf32, #tpu.memory_space<vmem>>
        %dma_wait3A_206 = arith.constant 0 : i32
        %dma_wait3A_207 = tpu.memref_slice %arg8[%add3A_167, %dma_wait3A_206] : memref<40x128xi32, #tpu.memory_space<vmem>> -> memref<1x128xi32, #tpu.memory_space<vmem>>
        %dma_wait3A_208 = tpu.memref_squeeze %dma_wait3A_207 : memref<1x128xi32, #tpu.memory_space<vmem>> -> memref<128xi32, #tpu.memory_space<vmem>>
        %dma_wait3A_209 = arith.constant 0 : i32
        %dma_wait3A_210 = arith.constant 0 : i32
        %dma_wait3A_211 = tpu.memref_slice %arg6[%dma_wait3A_209, %dma_wait3A_210] : memref<10240x128xf32, #tpu.memory_space<vmem_shared>> -> memref<10240x128xf32, #tpu.memory_space<vmem_shared>>
        tpu.wait_indirect_dma semaphore(%run_scoped3A_191 : memref<!tpu.dma_semaphore, #tpu.memory_space<semaphore_mem>>) src(%dma_wait3A_205 : memref<128x128xf32, #tpu.memory_space<vmem>>) dst(%dma_wait3A_211 : memref<10240x128xf32, #tpu.memory_space<vmem_shared>>)
        tpu.yield
      }) : () -> ()
      %add3A_184 = arith.constant 2 : i32
      %add3A_185 = arith.addi %add3A_167, %add3A_184 : i32
      %lt3A_186 = arith.constant 40 : i32
      %lt3A_187 = arith.cmpi slt, %add3A_185, %lt3A_186 : i32
      %convert_element_type3A_188 = arith.extui %lt3A_187 : i1 to i32
      %cond3A_189 = arith.constant 0 : i32
      %cond3A_190 = arith.cmpi ne, %convert_element_type3A_188, %cond3A_189 : i32
      scf.if %cond3A_190 {
        %dma_start3A_191 = arith.constant 1 : i32
        %dma_start3A_192 = arith.constant 0 : i32
        %dma_start3A_193 = arith.constant 0 : i32
        %dma_start3A_194 = tpu.memref_slice %arg9[%dma_start3A_191, %dma_start3A_192, %dma_start3A_193] : memref<2x128x128xf32, #tpu.memory_space<vmem>> -> memref<1x128x128xf32, #tpu.memory_space<vmem>>
        %dma_start3A_195 = tpu.memref_squeeze %dma_start3A_194 : memref<1x128x128xf32, #tpu.memory_space<vmem>> -> memref<128x128xf32, #tpu.memory_space<vmem>>
        %dma_start3A_196 = arith.constant 0 : i32
        %dma_start3A_197 = tpu.memref_slice %arg7[%add3A_185, %dma_start3A_196] : memref<40x128xi32, #tpu.memory_space<vmem>> -> memref<1x128xi32, #tpu.memory_space<vmem>>
        %dma_start3A_198 = tpu.memref_squeeze %dma_start3A_197 : memref<1x128xi32, #tpu.memory_space<vmem>> -> memref<128xi32, #tpu.memory_space<vmem>>
        %dma_start3A_199 = arith.constant 0 : i32
        %dma_start3A_200 = arith.constant 0 : i32
        %dma_start3A_201 = tpu.memref_slice %arg2[%dma_start3A_199, %dma_start3A_200] : memref<20000x128xf32, #tpu.memory_space<hbm>> -> memref<20000x128xf32, #tpu.memory_space<hbm>>
        tpu.enqueue_indirect_dma source(%dma_start3A_201 : memref<20000x128xf32, #tpu.memory_space<hbm>>) target(%dma_start3A_195 : memref<128x128xf32, #tpu.memory_space<vmem>>) offsets(%dma_start3A_198 : memref<128xi32, #tpu.memory_space<vmem>>) semaphore(%arg11 : memref<!tpu.dma_semaphore, #tpu.memory_space<semaphore_mem>>)
      } else {
      }
    }
    %scan3A_78 = arith.constant 20 : i32
    "tpu.region"() ({
      %run_scoped3A_140 = tpu.sem_alloc : memref<!tpu.dma_semaphore, #tpu.memory_space<semaphore_mem>>
      %dma_start3A_141 = arith.constant 80 : i32
      %dma_start3A_142 = arith.constant 0 : i32
      %dma_start3A_143 = tpu.memref_slice %arg3[%arg0, %arg1, %dma_start3A_141, %dma_start3A_142] : memref<2x16x160x128xi32, #tpu.memory_space<hbm>> -> memref<1x1x40x128xi32, #tpu.memory_space<hbm>>
      %dma_start3A_144 = tpu.memref_squeeze %dma_start3A_143 : memref<1x1x40x128xi32, #tpu.memory_space<hbm>> -> memref<40x128xi32, #tpu.memory_space<hbm>>
      %dma_start3A_145 = arith.constant 80 : i32
      %dma_start3A_146 = arith.constant 0 : i32
      %dma_start3A_147 = tpu.memref_slice %arg3[%arg0, %arg1, %dma_start3A_145, %dma_start3A_146] : memref<2x16x160x128xi32, #tpu.memory_space<hbm>> -> memref<1x1x40x128xi32, #tpu.memory_space<hbm>>
      %dma_start3A_148 = tpu.memref_squeeze %dma_start3A_147 : memref<1x1x40x128xi32, #tpu.memory_space<hbm>> -> memref<40x128xi32, #tpu.memory_space<hbm>>
      tpu.enqueue_dma source(%dma_start3A_148 : memref<40x128xi32, #tpu.memory_space<hbm>>) target(%arg7 : memref<40x128xi32, #tpu.memory_space<vmem>>) target_semaphore(%run_scoped3A_140 : memref<!tpu.dma_semaphore, #tpu.memory_space<semaphore_mem>>)
      %dma_wait3A = arith.constant 80 : i32
      %dma_wait3A_149 = arith.constant 0 : i32
      %dma_wait3A_150 = tpu.memref_slice %arg3[%arg0, %arg1, %dma_wait3A, %dma_wait3A_149] : memref<2x16x160x128xi32, #tpu.memory_space<hbm>> -> memref<1x1x40x128xi32, #tpu.memory_space<hbm>>
      %dma_wait3A_151 = tpu.memref_squeeze %dma_wait3A_150 : memref<1x1x40x128xi32, #tpu.memory_space<hbm>> -> memref<40x128xi32, #tpu.memory_space<hbm>>
      %dma_wait3A_152 = arith.constant 80 : i32
      %dma_wait3A_153 = arith.constant 0 : i32
      %dma_wait3A_154 = tpu.memref_slice %arg3[%arg0, %arg1, %dma_wait3A_152, %dma_wait3A_153] : memref<2x16x160x128xi32, #tpu.memory_space<hbm>> -> memref<1x1x40x128xi32, #tpu.memory_space<hbm>>
      %dma_wait3A_155 = tpu.memref_squeeze %dma_wait3A_154 : memref<1x1x40x128xi32, #tpu.memory_space<hbm>> -> memref<40x128xi32, #tpu.memory_space<hbm>>
      tpu.wait_dma2 semaphore(%run_scoped3A_140 : memref<!tpu.dma_semaphore, #tpu.memory_space<semaphore_mem>>) src(%dma_wait3A_155 : memref<40x128xi32, #tpu.memory_space<hbm>>) dst(%arg7 : memref<40x128xi32, #tpu.memory_space<vmem>>)
      tpu.yield
    }) : () -> ()
    "tpu.region"() ({
      %run_scoped3A_140 = tpu.sem_alloc : memref<!tpu.dma_semaphore, #tpu.memory_space<semaphore_mem>>
      %dma_start3A_141 = arith.constant 80 : i32
      %dma_start3A_142 = arith.constant 0 : i32
      %dma_start3A_143 = tpu.memref_slice %arg4[%arg0, %arg1, %dma_start3A_141, %dma_start3A_142] : memref<2x16x160x128xi32, #tpu.memory_space<hbm>> -> memref<1x1x40x128xi32, #tpu.memory_space<hbm>>
      %dma_start3A_144 = tpu.memref_squeeze %dma_start3A_143 : memref<1x1x40x128xi32, #tpu.memory_space<hbm>> -> memref<40x128xi32, #tpu.memory_space<hbm>>
      %dma_start3A_145 = arith.constant 80 : i32
      %dma_start3A_146 = arith.constant 0 : i32
      %dma_start3A_147 = tpu.memref_slice %arg4[%arg0, %arg1, %dma_start3A_145, %dma_start3A_146] : memref<2x16x160x128xi32, #tpu.memory_space<hbm>> -> memref<1x1x40x128xi32, #tpu.memory_space<hbm>>
      %dma_start3A_148 = tpu.memref_squeeze %dma_start3A_147 : memref<1x1x40x128xi32, #tpu.memory_space<hbm>> -> memref<40x128xi32, #tpu.memory_space<hbm>>
      tpu.enqueue_dma source(%dma_start3A_148 : memref<40x128xi32, #tpu.memory_space<hbm>>) target(%arg8 : memref<40x128xi32, #tpu.memory_space<vmem>>) target_semaphore(%run_scoped3A_140 : memref<!tpu.dma_semaphore, #tpu.memory_space<semaphore_mem>>)
      %dma_wait3A = arith.constant 80 : i32
      %dma_wait3A_149 = arith.constant 0 : i32
      %dma_wait3A_150 = tpu.memref_slice %arg4[%arg0, %arg1, %dma_wait3A, %dma_wait3A_149] : memref<2x16x160x128xi32, #tpu.memory_space<hbm>> -> memref<1x1x40x128xi32, #tpu.memory_space<hbm>>
      %dma_wait3A_151 = tpu.memref_squeeze %dma_wait3A_150 : memref<1x1x40x128xi32, #tpu.memory_space<hbm>> -> memref<40x128xi32, #tpu.memory_space<hbm>>
      %dma_wait3A_152 = arith.constant 80 : i32
      %dma_wait3A_153 = arith.constant 0 : i32
      %dma_wait3A_154 = tpu.memref_slice %arg4[%arg0, %arg1, %dma_wait3A_152, %dma_wait3A_153] : memref<2x16x160x128xi32, #tpu.memory_space<hbm>> -> memref<1x1x40x128xi32, #tpu.memory_space<hbm>>
      %dma_wait3A_155 = tpu.memref_squeeze %dma_wait3A_154 : memref<1x1x40x128xi32, #tpu.memory_space<hbm>> -> memref<40x128xi32, #tpu.memory_space<hbm>>
      tpu.wait_dma2 semaphore(%run_scoped3A_140 : memref<!tpu.dma_semaphore, #tpu.memory_space<semaphore_mem>>) src(%dma_wait3A_155 : memref<40x128xi32, #tpu.memory_space<hbm>>) dst(%arg8 : memref<40x128xi32, #tpu.memory_space<vmem>>)
      tpu.yield
    }) : () -> ()
    %dma_start3A_79 = arith.constant 0 : i32
    %dma_start3A_80 = arith.constant 0 : i32
    %dma_start3A_81 = arith.constant 0 : i32
    %dma_start3A_82 = arith.constant 0 : i32
    %dma_start3A_83 = tpu.memref_slice %arg9[%dma_start3A_80, %dma_start3A_81, %dma_start3A_82] : memref<2x128x128xf32, #tpu.memory_space<vmem>> -> memref<1x128x128xf32, #tpu.memory_space<vmem>>
    %dma_start3A_84 = tpu.memref_squeeze %dma_start3A_83 : memref<1x128x128xf32, #tpu.memory_space<vmem>> -> memref<128x128xf32, #tpu.memory_space<vmem>>
    %dma_start3A_85 = arith.constant 0 : i32
    %dma_start3A_86 = tpu.memref_slice %arg7[%dma_start3A_79, %dma_start3A_85] : memref<40x128xi32, #tpu.memory_space<vmem>> -> memref<1x128xi32, #tpu.memory_space<vmem>>
    %dma_start3A_87 = tpu.memref_squeeze %dma_start3A_86 : memref<1x128xi32, #tpu.memory_space<vmem>> -> memref<128xi32, #tpu.memory_space<vmem>>
    %dma_start3A_88 = arith.constant 0 : i32
    %dma_start3A_89 = arith.constant 0 : i32
    %dma_start3A_90 = tpu.memref_slice %arg2[%dma_start3A_88, %dma_start3A_89] : memref<20000x128xf32, #tpu.memory_space<hbm>> -> memref<20000x128xf32, #tpu.memory_space<hbm>>
    tpu.enqueue_indirect_dma source(%dma_start3A_90 : memref<20000x128xf32, #tpu.memory_space<hbm>>) target(%dma_start3A_84 : memref<128x128xf32, #tpu.memory_space<vmem>>) offsets(%dma_start3A_87 : memref<128xi32, #tpu.memory_space<vmem>>) semaphore(%arg10 : memref<!tpu.dma_semaphore, #tpu.memory_space<semaphore_mem>>)
    %dma_start3A_91 = arith.constant 1 : i32
    %dma_start3A_92 = arith.constant 1 : i32
    %dma_start3A_93 = arith.constant 0 : i32
    %dma_start3A_94 = arith.constant 0 : i32
    %dma_start3A_95 = tpu.memref_slice %arg9[%dma_start3A_92, %dma_start3A_93, %dma_start3A_94] : memref<2x128x128xf32, #tpu.memory_space<vmem>> -> memref<1x128x128xf32, #tpu.memory_space<vmem>>
    %dma_start3A_96 = tpu.memref_squeeze %dma_start3A_95 : memref<1x128x128xf32, #tpu.memory_space<vmem>> -> memref<128x128xf32, #tpu.memory_space<vmem>>
    %dma_start3A_97 = arith.constant 0 : i32
    %dma_start3A_98 = tpu.memref_slice %arg7[%dma_start3A_91, %dma_start3A_97] : memref<40x128xi32, #tpu.memory_space<vmem>> -> memref<1x128xi32, #tpu.memory_space<vmem>>
    %dma_start3A_99 = tpu.memref_squeeze %dma_start3A_98 : memref<1x128xi32, #tpu.memory_space<vmem>> -> memref<128xi32, #tpu.memory_space<vmem>>
    %dma_start3A_100 = arith.constant 0 : i32
    %dma_start3A_101 = arith.constant 0 : i32
    %dma_start3A_102 = tpu.memref_slice %arg2[%dma_start3A_100, %dma_start3A_101] : memref<20000x128xf32, #tpu.memory_space<hbm>> -> memref<20000x128xf32, #tpu.memory_space<hbm>>
    tpu.enqueue_indirect_dma source(%dma_start3A_102 : memref<20000x128xf32, #tpu.memory_space<hbm>>) target(%dma_start3A_96 : memref<128x128xf32, #tpu.memory_space<vmem>>) offsets(%dma_start3A_99 : memref<128xi32, #tpu.memory_space<vmem>>) semaphore(%arg11 : memref<!tpu.dma_semaphore, #tpu.memory_space<semaphore_mem>>)
    %scan3A_103 = arith.constant 0 : i32
    %scan3A_104 = arith.constant 0 : i32
    %scan3A_105 = arith.constant 20 : i32
    %scan3A_106 = arith.addi %scan3A_104, %scan3A_105 : i32
    %scan3A_107 = arith.constant 1 : i32
    scf.for %scan3A_140 = %scan3A_104 to %scan3A_106 step %scan3A_107  : i32 {
      %mul3A_141 = arith.constant 2 : i32
      %mul3A_142 = arith.muli %scan3A_140, %mul3A_141 : i32
      %add3A_143 = arith.constant 0 : i32
      %add3A_144 = arith.addi %mul3A_142, %add3A_143 : i32
      %dma_wait3A = arith.constant 0 : i32
      %dma_wait3A_145 = arith.constant 0 : i32
      %dma_wait3A_146 = arith.constant 0 : i32
      %dma_wait3A_147 = tpu.memref_slice %arg9[%dma_wait3A, %dma_wait3A_145, %dma_wait3A_146] : memref<2x128x128xf32, #tpu.memory_space<vmem>> -> memref<1x128x128xf32, #tpu.memory_space<vmem>>
      %dma_wait3A_148 = tpu.memref_squeeze %dma_wait3A_147 : memref<1x128x128xf32, #tpu.memory_space<vmem>> -> memref<128x128xf32, #tpu.memory_space<vmem>>
      %dma_wait3A_149 = arith.constant 0 : i32
      %dma_wait3A_150 = arith.constant 0 : i32
      %dma_wait3A_151 = tpu.memref_slice %arg2[%dma_wait3A_149, %dma_wait3A_150] : memref<20000x128xf32, #tpu.memory_space<hbm>> -> memref<128x128xf32, #tpu.memory_space<hbm>>
      %dma_wait3A_152 = arith.constant 0 : i32
      %dma_wait3A_153 = arith.constant 0 : i32
      %dma_wait3A_154 = tpu.memref_slice %arg9[%dma_wait3A, %dma_wait3A_152, %dma_wait3A_153] : memref<2x128x128xf32, #tpu.memory_space<vmem>> -> memref<1x128x128xf32, #tpu.memory_space<vmem>>
      %dma_wait3A_155 = tpu.memref_squeeze %dma_wait3A_154 : memref<1x128x128xf32, #tpu.memory_space<vmem>> -> memref<128x128xf32, #tpu.memory_space<vmem>>
      %dma_wait3A_156 = arith.constant 0 : i32
      %dma_wait3A_157 = arith.constant 0 : i32
      %dma_wait3A_158 = tpu.memref_slice %arg2[%dma_wait3A_156, %dma_wait3A_157] : memref<20000x128xf32, #tpu.memory_space<hbm>> -> memref<128x128xf32, #tpu.memory_space<hbm>>
      tpu.wait_dma2 semaphore(%arg10 : memref<!tpu.dma_semaphore, #tpu.memory_space<semaphore_mem>>) src(%dma_wait3A_158 : memref<128x128xf32, #tpu.memory_space<hbm>>) dst(%dma_wait3A_155 : memref<128x128xf32, #tpu.memory_space<vmem>>)
      %run_scoped3A_159 = arith.constant 0 : i32
      "tpu.region"() ({
        %run_scoped3A_191 = tpu.sem_alloc : memref<!tpu.dma_semaphore, #tpu.memory_space<semaphore_mem>>
        %dma_start3A_192 = arith.constant 0 : i32
        %dma_start3A_193 = arith.constant 0 : i32
        %dma_start3A_194 = tpu.memref_slice %arg9[%run_scoped3A_159, %dma_start3A_192, %dma_start3A_193] : memref<2x128x128xf32, #tpu.memory_space<vmem>> -> memref<1x128x128xf32, #tpu.memory_space<vmem>>
        %dma_start3A_195 = tpu.memref_squeeze %dma_start3A_194 : memref<1x128x128xf32, #tpu.memory_space<vmem>> -> memref<128x128xf32, #tpu.memory_space<vmem>>
        %dma_start3A_196 = arith.constant 0 : i32
        %dma_start3A_197 = tpu.memref_slice %arg8[%add3A_144, %dma_start3A_196] : memref<40x128xi32, #tpu.memory_space<vmem>> -> memref<1x128xi32, #tpu.memory_space<vmem>>
        %dma_start3A_198 = tpu.memref_squeeze %dma_start3A_197 : memref<1x128xi32, #tpu.memory_space<vmem>> -> memref<128xi32, #tpu.memory_space<vmem>>
        %dma_start3A_199 = arith.constant 0 : i32
        %dma_start3A_200 = arith.constant 0 : i32
        %dma_start3A_201 = tpu.memref_slice %arg6[%dma_start3A_199, %dma_start3A_200] : memref<10240x128xf32, #tpu.memory_space<vmem_shared>> -> memref<10240x128xf32, #tpu.memory_space<vmem_shared>>
        tpu.enqueue_indirect_dma source(%dma_start3A_195 : memref<128x128xf32, #tpu.memory_space<vmem>>) target(%dma_start3A_201 : memref<10240x128xf32, #tpu.memory_space<vmem_shared>>) offsets(%dma_start3A_198 : memref<128xi32, #tpu.memory_space<vmem>>) semaphore(%run_scoped3A_191 : memref<!tpu.dma_semaphore, #tpu.memory_space<semaphore_mem>>) {add = true}
        %dma_wait3A_202 = arith.constant 0 : i32
        %dma_wait3A_203 = arith.constant 0 : i32
        %dma_wait3A_204 = tpu.memref_slice %arg9[%run_scoped3A_159, %dma_wait3A_202, %dma_wait3A_203] : memref<2x128x128xf32, #tpu.memory_space<vmem>> -> memref<1x128x128xf32, #tpu.memory_space<vmem>>
        %dma_wait3A_205 = tpu.memref_squeeze %dma_wait3A_204 : memref<1x128x128xf32, #tpu.memory_space<vmem>> -> memref<128x128xf32, #tpu.memory_space<vmem>>
        %dma_wait3A_206 = arith.constant 0 : i32
        %dma_wait3A_207 = tpu.memref_slice %arg8[%add3A_144, %dma_wait3A_206] : memref<40x128xi32, #tpu.memory_space<vmem>> -> memref<1x128xi32, #tpu.memory_space<vmem>>
        %dma_wait3A_208 = tpu.memref_squeeze %dma_wait3A_207 : memref<1x128xi32, #tpu.memory_space<vmem>> -> memref<128xi32, #tpu.memory_space<vmem>>
        %dma_wait3A_209 = arith.constant 0 : i32
        %dma_wait3A_210 = arith.constant 0 : i32
        %dma_wait3A_211 = tpu.memref_slice %arg6[%dma_wait3A_209, %dma_wait3A_210] : memref<10240x128xf32, #tpu.memory_space<vmem_shared>> -> memref<10240x128xf32, #tpu.memory_space<vmem_shared>>
        tpu.wait_indirect_dma semaphore(%run_scoped3A_191 : memref<!tpu.dma_semaphore, #tpu.memory_space<semaphore_mem>>) src(%dma_wait3A_205 : memref<128x128xf32, #tpu.memory_space<vmem>>) dst(%dma_wait3A_211 : memref<10240x128xf32, #tpu.memory_space<vmem_shared>>)
        tpu.yield
      }) : () -> ()
      %add3A_160 = arith.constant 2 : i32
      %add3A_161 = arith.addi %add3A_144, %add3A_160 : i32
      %lt3A = arith.constant 40 : i32
      %lt3A_162 = arith.cmpi slt, %add3A_161, %lt3A : i32
      %convert_element_type3A = arith.extui %lt3A_162 : i1 to i32
      %cond3A = arith.constant 0 : i32
      %cond3A_163 = arith.cmpi ne, %convert_element_type3A, %cond3A : i32
      scf.if %cond3A_163 {
        %dma_start3A_191 = arith.constant 0 : i32
        %dma_start3A_192 = arith.constant 0 : i32
        %dma_start3A_193 = arith.constant 0 : i32
        %dma_start3A_194 = tpu.memref_slice %arg9[%dma_start3A_191, %dma_start3A_192, %dma_start3A_193] : memref<2x128x128xf32, #tpu.memory_space<vmem>> -> memref<1x128x128xf32, #tpu.memory_space<vmem>>
        %dma_start3A_195 = tpu.memref_squeeze %dma_start3A_194 : memref<1x128x128xf32, #tpu.memory_space<vmem>> -> memref<128x128xf32, #tpu.memory_space<vmem>>
        %dma_start3A_196 = arith.constant 0 : i32
        %dma_start3A_197 = tpu.memref_slice %arg7[%add3A_161, %dma_start3A_196] : memref<40x128xi32, #tpu.memory_space<vmem>> -> memref<1x128xi32, #tpu.memory_space<vmem>>
        %dma_start3A_198 = tpu.memref_squeeze %dma_start3A_197 : memref<1x128xi32, #tpu.memory_space<vmem>> -> memref<128xi32, #tpu.memory_space<vmem>>
        %dma_start3A_199 = arith.constant 0 : i32
        %dma_start3A_200 = arith.constant 0 : i32
        %dma_start3A_201 = tpu.memref_slice %arg2[%dma_start3A_199, %dma_start3A_200] : memref<20000x128xf32, #tpu.memory_space<hbm>> -> memref<20000x128xf32, #tpu.memory_space<hbm>>
        tpu.enqueue_indirect_dma source(%dma_start3A_201 : memref<20000x128xf32, #tpu.memory_space<hbm>>) target(%dma_start3A_195 : memref<128x128xf32, #tpu.memory_space<vmem>>) offsets(%dma_start3A_198 : memref<128xi32, #tpu.memory_space<vmem>>) semaphore(%arg10 : memref<!tpu.dma_semaphore, #tpu.memory_space<semaphore_mem>>)
      } else {
      }
      %mul3A_164 = arith.constant 2 : i32
      %mul3A_165 = arith.muli %scan3A_140, %mul3A_164 : i32
      %add3A_166 = arith.constant 1 : i32
      %add3A_167 = arith.addi %mul3A_165, %add3A_166 : i32
      %dma_wait3A_168 = arith.constant 1 : i32
      %dma_wait3A_169 = arith.constant 0 : i32
      %dma_wait3A_170 = arith.constant 0 : i32
      %dma_wait3A_171 = tpu.memref_slice %arg9[%dma_wait3A_168, %dma_wait3A_169, %dma_wait3A_170] : memref<2x128x128xf32, #tpu.memory_space<vmem>> -> memref<1x128x128xf32, #tpu.memory_space<vmem>>
      %dma_wait3A_172 = tpu.memref_squeeze %dma_wait3A_171 : memref<1x128x128xf32, #tpu.memory_space<vmem>> -> memref<128x128xf32, #tpu.memory_space<vmem>>
      %dma_wait3A_173 = arith.constant 0 : i32
      %dma_wait3A_174 = arith.constant 0 : i32
      %dma_wait3A_175 = tpu.memref_slice %arg2[%dma_wait3A_173, %dma_wait3A_174] : memref<20000x128xf32, #tpu.memory_space<hbm>> -> memref<128x128xf32, #tpu.memory_space<hbm>>
      %dma_wait3A_176 = arith.constant 0 : i32
      %dma_wait3A_177 = arith.constant 0 : i32
      %dma_wait3A_178 = tpu.memref_slice %arg9[%dma_wait3A_168, %dma_wait3A_176, %dma_wait3A_177] : memref<2x128x128xf32, #tpu.memory_space<vmem>> -> memref<1x128x128xf32, #tpu.memory_space<vmem>>
      %dma_wait3A_179 = tpu.memref_squeeze %dma_wait3A_178 : memref<1x128x128xf32, #tpu.memory_space<vmem>> -> memref<128x128xf32, #tpu.memory_space<vmem>>
      %dma_wait3A_180 = arith.constant 0 : i32
      %dma_wait3A_181 = arith.constant 0 : i32
      %dma_wait3A_182 = tpu.memref_slice %arg2[%dma_wait3A_180, %dma_wait3A_181] : memref<20000x128xf32, #tpu.memory_space<hbm>> -> memref<128x128xf32, #tpu.memory_space<hbm>>
      tpu.wait_dma2 semaphore(%arg11 : memref<!tpu.dma_semaphore, #tpu.memory_space<semaphore_mem>>) src(%dma_wait3A_182 : memref<128x128xf32, #tpu.memory_space<hbm>>) dst(%dma_wait3A_179 : memref<128x128xf32, #tpu.memory_space<vmem>>)
      %run_scoped3A_183 = arith.constant 1 : i32
      "tpu.region"() ({
        %run_scoped3A_191 = tpu.sem_alloc : memref<!tpu.dma_semaphore, #tpu.memory_space<semaphore_mem>>
        %dma_start3A_192 = arith.constant 0 : i32
        %dma_start3A_193 = arith.constant 0 : i32
        %dma_start3A_194 = tpu.memref_slice %arg9[%run_scoped3A_183, %dma_start3A_192, %dma_start3A_193] : memref<2x128x128xf32, #tpu.memory_space<vmem>> -> memref<1x128x128xf32, #tpu.memory_space<vmem>>
        %dma_start3A_195 = tpu.memref_squeeze %dma_start3A_194 : memref<1x128x128xf32, #tpu.memory_space<vmem>> -> memref<128x128xf32, #tpu.memory_space<vmem>>
        %dma_start3A_196 = arith.constant 0 : i32
        %dma_start3A_197 = tpu.memref_slice %arg8[%add3A_167, %dma_start3A_196] : memref<40x128xi32, #tpu.memory_space<vmem>> -> memref<1x128xi32, #tpu.memory_space<vmem>>
        %dma_start3A_198 = tpu.memref_squeeze %dma_start3A_197 : memref<1x128xi32, #tpu.memory_space<vmem>> -> memref<128xi32, #tpu.memory_space<vmem>>
        %dma_start3A_199 = arith.constant 0 : i32
        %dma_start3A_200 = arith.constant 0 : i32
        %dma_start3A_201 = tpu.memref_slice %arg6[%dma_start3A_199, %dma_start3A_200] : memref<10240x128xf32, #tpu.memory_space<vmem_shared>> -> memref<10240x128xf32, #tpu.memory_space<vmem_shared>>
        tpu.enqueue_indirect_dma source(%dma_start3A_195 : memref<128x128xf32, #tpu.memory_space<vmem>>) target(%dma_start3A_201 : memref<10240x128xf32, #tpu.memory_space<vmem_shared>>) offsets(%dma_start3A_198 : memref<128xi32, #tpu.memory_space<vmem>>) semaphore(%run_scoped3A_191 : memref<!tpu.dma_semaphore, #tpu.memory_space<semaphore_mem>>) {add = true}
        %dma_wait3A_202 = arith.constant 0 : i32
        %dma_wait3A_203 = arith.constant 0 : i32
        %dma_wait3A_204 = tpu.memref_slice %arg9[%run_scoped3A_183, %dma_wait3A_202, %dma_wait3A_203] : memref<2x128x128xf32, #tpu.memory_space<vmem>> -> memref<1x128x128xf32, #tpu.memory_space<vmem>>
        %dma_wait3A_205 = tpu.memref_squeeze %dma_wait3A_204 : memref<1x128x128xf32, #tpu.memory_space<vmem>> -> memref<128x128xf32, #tpu.memory_space<vmem>>
        %dma_wait3A_206 = arith.constant 0 : i32
        %dma_wait3A_207 = tpu.memref_slice %arg8[%add3A_167, %dma_wait3A_206] : memref<40x128xi32, #tpu.memory_space<vmem>> -> memref<1x128xi32, #tpu.memory_space<vmem>>
        %dma_wait3A_208 = tpu.memref_squeeze %dma_wait3A_207 : memref<1x128xi32, #tpu.memory_space<vmem>> -> memref<128xi32, #tpu.memory_space<vmem>>
        %dma_wait3A_209 = arith.constant 0 : i32
        %dma_wait3A_210 = arith.constant 0 : i32
        %dma_wait3A_211 = tpu.memref_slice %arg6[%dma_wait3A_209, %dma_wait3A_210] : memref<10240x128xf32, #tpu.memory_space<vmem_shared>> -> memref<10240x128xf32, #tpu.memory_space<vmem_shared>>
        tpu.wait_indirect_dma semaphore(%run_scoped3A_191 : memref<!tpu.dma_semaphore, #tpu.memory_space<semaphore_mem>>) src(%dma_wait3A_205 : memref<128x128xf32, #tpu.memory_space<vmem>>) dst(%dma_wait3A_211 : memref<10240x128xf32, #tpu.memory_space<vmem_shared>>)
        tpu.yield
      }) : () -> ()
      %add3A_184 = arith.constant 2 : i32
      %add3A_185 = arith.addi %add3A_167, %add3A_184 : i32
      %lt3A_186 = arith.constant 40 : i32
      %lt3A_187 = arith.cmpi slt, %add3A_185, %lt3A_186 : i32
      %convert_element_type3A_188 = arith.extui %lt3A_187 : i1 to i32
      %cond3A_189 = arith.constant 0 : i32
      %cond3A_190 = arith.cmpi ne, %convert_element_type3A_188, %cond3A_189 : i32
      scf.if %cond3A_190 {
        %dma_start3A_191 = arith.constant 1 : i32
        %dma_start3A_192 = arith.constant 0 : i32
        %dma_start3A_193 = arith.constant 0 : i32
        %dma_start3A_194 = tpu.memref_slice %arg9[%dma_start3A_191, %dma_start3A_192, %dma_start3A_193] : memref<2x128x128xf32, #tpu.memory_space<vmem>> -> memref<1x128x128xf32, #tpu.memory_space<vmem>>
        %dma_start3A_195 = tpu.memref_squeeze %dma_start3A_194 : memref<1x128x128xf32, #tpu.memory_space<vmem>> -> memref<128x128xf32, #tpu.memory_space<vmem>>
        %dma_start3A_196 = arith.constant 0 : i32
        %dma_start3A_197 = tpu.memref_slice %arg7[%add3A_185, %dma_start3A_196] : memref<40x128xi32, #tpu.memory_space<vmem>> -> memref<1x128xi32, #tpu.memory_space<vmem>>
        %dma_start3A_198 = tpu.memref_squeeze %dma_start3A_197 : memref<1x128xi32, #tpu.memory_space<vmem>> -> memref<128xi32, #tpu.memory_space<vmem>>
        %dma_start3A_199 = arith.constant 0 : i32
        %dma_start3A_200 = arith.constant 0 : i32
        %dma_start3A_201 = tpu.memref_slice %arg2[%dma_start3A_199, %dma_start3A_200] : memref<20000x128xf32, #tpu.memory_space<hbm>> -> memref<20000x128xf32, #tpu.memory_space<hbm>>
        tpu.enqueue_indirect_dma source(%dma_start3A_201 : memref<20000x128xf32, #tpu.memory_space<hbm>>) target(%dma_start3A_195 : memref<128x128xf32, #tpu.memory_space<vmem>>) offsets(%dma_start3A_198 : memref<128xi32, #tpu.memory_space<vmem>>) semaphore(%arg11 : memref<!tpu.dma_semaphore, #tpu.memory_space<semaphore_mem>>)
      } else {
      }
    }
    %scan3A_108 = arith.constant 20 : i32
    "tpu.region"() ({
      %run_scoped3A_140 = tpu.sem_alloc : memref<!tpu.dma_semaphore, #tpu.memory_space<semaphore_mem>>
      %dma_start3A_141 = arith.constant 120 : i32
      %dma_start3A_142 = arith.constant 0 : i32
      %dma_start3A_143 = tpu.memref_slice %arg3[%arg0, %arg1, %dma_start3A_141, %dma_start3A_142] : memref<2x16x160x128xi32, #tpu.memory_space<hbm>> -> memref<1x1x40x128xi32, #tpu.memory_space<hbm>>
      %dma_start3A_144 = tpu.memref_squeeze %dma_start3A_143 : memref<1x1x40x128xi32, #tpu.memory_space<hbm>> -> memref<40x128xi32, #tpu.memory_space<hbm>>
      %dma_start3A_145 = arith.constant 120 : i32
      %dma_start3A_146 = arith.constant 0 : i32
      %dma_start3A_147 = tpu.memref_slice %arg3[%arg0, %arg1, %dma_start3A_145, %dma_start3A_146] : memref<2x16x160x128xi32, #tpu.memory_space<hbm>> -> memref<1x1x40x128xi32, #tpu.memory_space<hbm>>
      %dma_start3A_148 = tpu.memref_squeeze %dma_start3A_147 : memref<1x1x40x128xi32, #tpu.memory_space<hbm>> -> memref<40x128xi32, #tpu.memory_space<hbm>>
      tpu.enqueue_dma source(%dma_start3A_148 : memref<40x128xi32, #tpu.memory_space<hbm>>) target(%arg7 : memref<40x128xi32, #tpu.memory_space<vmem>>) target_semaphore(%run_scoped3A_140 : memref<!tpu.dma_semaphore, #tpu.memory_space<semaphore_mem>>)
      %dma_wait3A = arith.constant 120 : i32
      %dma_wait3A_149 = arith.constant 0 : i32
      %dma_wait3A_150 = tpu.memref_slice %arg3[%arg0, %arg1, %dma_wait3A, %dma_wait3A_149] : memref<2x16x160x128xi32, #tpu.memory_space<hbm>> -> memref<1x1x40x128xi32, #tpu.memory_space<hbm>>
      %dma_wait3A_151 = tpu.memref_squeeze %dma_wait3A_150 : memref<1x1x40x128xi32, #tpu.memory_space<hbm>> -> memref<40x128xi32, #tpu.memory_space<hbm>>
      %dma_wait3A_152 = arith.constant 120 : i32
      %dma_wait3A_153 = arith.constant 0 : i32
      %dma_wait3A_154 = tpu.memref_slice %arg3[%arg0, %arg1, %dma_wait3A_152, %dma_wait3A_153] : memref<2x16x160x128xi32, #tpu.memory_space<hbm>> -> memref<1x1x40x128xi32, #tpu.memory_space<hbm>>
      %dma_wait3A_155 = tpu.memref_squeeze %dma_wait3A_154 : memref<1x1x40x128xi32, #tpu.memory_space<hbm>> -> memref<40x128xi32, #tpu.memory_space<hbm>>
      tpu.wait_dma2 semaphore(%run_scoped3A_140 : memref<!tpu.dma_semaphore, #tpu.memory_space<semaphore_mem>>) src(%dma_wait3A_155 : memref<40x128xi32, #tpu.memory_space<hbm>>) dst(%arg7 : memref<40x128xi32, #tpu.memory_space<vmem>>)
      tpu.yield
    }) : () -> ()
    "tpu.region"() ({
      %run_scoped3A_140 = tpu.sem_alloc : memref<!tpu.dma_semaphore, #tpu.memory_space<semaphore_mem>>
      %dma_start3A_141 = arith.constant 120 : i32
      %dma_start3A_142 = arith.constant 0 : i32
      %dma_start3A_143 = tpu.memref_slice %arg4[%arg0, %arg1, %dma_start3A_141, %dma_start3A_142] : memref<2x16x160x128xi32, #tpu.memory_space<hbm>> -> memref<1x1x40x128xi32, #tpu.memory_space<hbm>>
      %dma_start3A_144 = tpu.memref_squeeze %dma_start3A_143 : memref<1x1x40x128xi32, #tpu.memory_space<hbm>> -> memref<40x128xi32, #tpu.memory_space<hbm>>
      %dma_start3A_145 = arith.constant 120 : i32
      %dma_start3A_146 = arith.constant 0 : i32
      %dma_start3A_147 = tpu.memref_slice %arg4[%arg0, %arg1, %dma_start3A_145, %dma_start3A_146] : memref<2x16x160x128xi32, #tpu.memory_space<hbm>> -> memref<1x1x40x128xi32, #tpu.memory_space<hbm>>
      %dma_start3A_148 = tpu.memref_squeeze %dma_start3A_147 : memref<1x1x40x128xi32, #tpu.memory_space<hbm>> -> memref<40x128xi32, #tpu.memory_space<hbm>>
      tpu.enqueue_dma source(%dma_start3A_148 : memref<40x128xi32, #tpu.memory_space<hbm>>) target(%arg8 : memref<40x128xi32, #tpu.memory_space<vmem>>) target_semaphore(%run_scoped3A_140 : memref<!tpu.dma_semaphore, #tpu.memory_space<semaphore_mem>>)
      %dma_wait3A = arith.constant 120 : i32
      %dma_wait3A_149 = arith.constant 0 : i32
      %dma_wait3A_150 = tpu.memref_slice %arg4[%arg0, %arg1, %dma_wait3A, %dma_wait3A_149] : memref<2x16x160x128xi32, #tpu.memory_space<hbm>> -> memref<1x1x40x128xi32, #tpu.memory_space<hbm>>
      %dma_wait3A_151 = tpu.memref_squeeze %dma_wait3A_150 : memref<1x1x40x128xi32, #tpu.memory_space<hbm>> -> memref<40x128xi32, #tpu.memory_space<hbm>>
      %dma_wait3A_152 = arith.constant 120 : i32
      %dma_wait3A_153 = arith.constant 0 : i32
      %dma_wait3A_154 = tpu.memref_slice %arg4[%arg0, %arg1, %dma_wait3A_152, %dma_wait3A_153] : memref<2x16x160x128xi32, #tpu.memory_space<hbm>> -> memref<1x1x40x128xi32, #tpu.memory_space<hbm>>
      %dma_wait3A_155 = tpu.memref_squeeze %dma_wait3A_154 : memref<1x1x40x128xi32, #tpu.memory_space<hbm>> -> memref<40x128xi32, #tpu.memory_space<hbm>>
      tpu.wait_dma2 semaphore(%run_scoped3A_140 : memref<!tpu.dma_semaphore, #tpu.memory_space<semaphore_mem>>) src(%dma_wait3A_155 : memref<40x128xi32, #tpu.memory_space<hbm>>) dst(%arg8 : memref<40x128xi32, #tpu.memory_space<vmem>>)
      tpu.yield
    }) : () -> ()
    %dma_start3A_109 = arith.constant 0 : i32
    %dma_start3A_110 = arith.constant 0 : i32
    %dma_start3A_111 = arith.constant 0 : i32
    %dma_start3A_112 = arith.constant 0 : i32
    %dma_start3A_113 = tpu.memref_slice %arg9[%dma_start3A_110, %dma_start3A_111, %dma_start3A_112] : memref<2x128x128xf32, #tpu.memory_space<vmem>> -> memref<1x128x128xf32, #tpu.memory_space<vmem>>
    %dma_start3A_114 = tpu.memref_squeeze %dma_start3A_113 : memref<1x128x128xf32, #tpu.memory_space<vmem>> -> memref<128x128xf32, #tpu.memory_space<vmem>>
    %dma_start3A_115 = arith.constant 0 : i32
    %dma_start3A_116 = tpu.memref_slice %arg7[%dma_start3A_109, %dma_start3A_115] : memref<40x128xi32, #tpu.memory_space<vmem>> -> memref<1x128xi32, #tpu.memory_space<vmem>>
    %dma_start3A_117 = tpu.memref_squeeze %dma_start3A_116 : memref<1x128xi32, #tpu.memory_space<vmem>> -> memref<128xi32, #tpu.memory_space<vmem>>
    %dma_start3A_118 = arith.constant 0 : i32
    %dma_start3A_119 = arith.constant 0 : i32
    %dma_start3A_120 = tpu.memref_slice %arg2[%dma_start3A_118, %dma_start3A_119] : memref<20000x128xf32, #tpu.memory_space<hbm>> -> memref<20000x128xf32, #tpu.memory_space<hbm>>
    tpu.enqueue_indirect_dma source(%dma_start3A_120 : memref<20000x128xf32, #tpu.memory_space<hbm>>) target(%dma_start3A_114 : memref<128x128xf32, #tpu.memory_space<vmem>>) offsets(%dma_start3A_117 : memref<128xi32, #tpu.memory_space<vmem>>) semaphore(%arg10 : memref<!tpu.dma_semaphore, #tpu.memory_space<semaphore_mem>>)
    %dma_start3A_121 = arith.constant 1 : i32
    %dma_start3A_122 = arith.constant 1 : i32
    %dma_start3A_123 = arith.constant 0 : i32
    %dma_start3A_124 = arith.constant 0 : i32
    %dma_start3A_125 = tpu.memref_slice %arg9[%dma_start3A_122, %dma_start3A_123, %dma_start3A_124] : memref<2x128x128xf32, #tpu.memory_space<vmem>> -> memref<1x128x128xf32, #tpu.memory_space<vmem>>
    %dma_start3A_126 = tpu.memref_squeeze %dma_start3A_125 : memref<1x128x128xf32, #tpu.memory_space<vmem>> -> memref<128x128xf32, #tpu.memory_space<vmem>>
    %dma_start3A_127 = arith.constant 0 : i32
    %dma_start3A_128 = tpu.memref_slice %arg7[%dma_start3A_121, %dma_start3A_127] : memref<40x128xi32, #tpu.memory_space<vmem>> -> memref<1x128xi32, #tpu.memory_space<vmem>>
    %dma_start3A_129 = tpu.memref_squeeze %dma_start3A_128 : memref<1x128xi32, #tpu.memory_space<vmem>> -> memref<128xi32, #tpu.memory_space<vmem>>
    %dma_start3A_130 = arith.constant 0 : i32
    %dma_start3A_131 = arith.constant 0 : i32
    %dma_start3A_132 = tpu.memref_slice %arg2[%dma_start3A_130, %dma_start3A_131] : memref<20000x128xf32, #tpu.memory_space<hbm>> -> memref<20000x128xf32, #tpu.memory_space<hbm>>
    tpu.enqueue_indirect_dma source(%dma_start3A_132 : memref<20000x128xf32, #tpu.memory_space<hbm>>) target(%dma_start3A_126 : memref<128x128xf32, #tpu.memory_space<vmem>>) offsets(%dma_start3A_129 : memref<128xi32, #tpu.memory_space<vmem>>) semaphore(%arg11 : memref<!tpu.dma_semaphore, #tpu.memory_space<semaphore_mem>>)
    %scan3A_133 = arith.constant 0 : i32
    %scan3A_134 = arith.constant 0 : i32
    %scan3A_135 = arith.constant 20 : i32
    %scan3A_136 = arith.addi %scan3A_134, %scan3A_135 : i32
    %scan3A_137 = arith.constant 1 : i32
    scf.for %scan3A_140 = %scan3A_134 to %scan3A_136 step %scan3A_137  : i32 {
      %mul3A_141 = arith.constant 2 : i32
      %mul3A_142 = arith.muli %scan3A_140, %mul3A_141 : i32
      %add3A_143 = arith.constant 0 : i32
      %add3A_144 = arith.addi %mul3A_142, %add3A_143 : i32
      %dma_wait3A = arith.constant 0 : i32
      %dma_wait3A_145 = arith.constant 0 : i32
      %dma_wait3A_146 = arith.constant 0 : i32
      %dma_wait3A_147 = tpu.memref_slice %arg9[%dma_wait3A, %dma_wait3A_145, %dma_wait3A_146] : memref<2x128x128xf32, #tpu.memory_space<vmem>> -> memref<1x128x128xf32, #tpu.memory_space<vmem>>
      %dma_wait3A_148 = tpu.memref_squeeze %dma_wait3A_147 : memref<1x128x128xf32, #tpu.memory_space<vmem>> -> memref<128x128xf32, #tpu.memory_space<vmem>>
      %dma_wait3A_149 = arith.constant 0 : i32
      %dma_wait3A_150 = arith.constant 0 : i32
      %dma_wait3A_151 = tpu.memref_slice %arg2[%dma_wait3A_149, %dma_wait3A_150] : memref<20000x128xf32, #tpu.memory_space<hbm>> -> memref<128x128xf32, #tpu.memory_space<hbm>>
      %dma_wait3A_152 = arith.constant 0 : i32
      %dma_wait3A_153 = arith.constant 0 : i32
      %dma_wait3A_154 = tpu.memref_slice %arg9[%dma_wait3A, %dma_wait3A_152, %dma_wait3A_153] : memref<2x128x128xf32, #tpu.memory_space<vmem>> -> memref<1x128x128xf32, #tpu.memory_space<vmem>>
      %dma_wait3A_155 = tpu.memref_squeeze %dma_wait3A_154 : memref<1x128x128xf32, #tpu.memory_space<vmem>> -> memref<128x128xf32, #tpu.memory_space<vmem>>
      %dma_wait3A_156 = arith.constant 0 : i32
      %dma_wait3A_157 = arith.constant 0 : i32
      %dma_wait3A_158 = tpu.memref_slice %arg2[%dma_wait3A_156, %dma_wait3A_157] : memref<20000x128xf32, #tpu.memory_space<hbm>> -> memref<128x128xf32, #tpu.memory_space<hbm>>
      tpu.wait_dma2 semaphore(%arg10 : memref<!tpu.dma_semaphore, #tpu.memory_space<semaphore_mem>>) src(%dma_wait3A_158 : memref<128x128xf32, #tpu.memory_space<hbm>>) dst(%dma_wait3A_155 : memref<128x128xf32, #tpu.memory_space<vmem>>)
      %run_scoped3A_159 = arith.constant 0 : i32
      "tpu.region"() ({
        %run_scoped3A_191 = tpu.sem_alloc : memref<!tpu.dma_semaphore, #tpu.memory_space<semaphore_mem>>
        %dma_start3A_192 = arith.constant 0 : i32
        %dma_start3A_193 = arith.constant 0 : i32
        %dma_start3A_194 = tpu.memref_slice %arg9[%run_scoped3A_159, %dma_start3A_192, %dma_start3A_193] : memref<2x128x128xf32, #tpu.memory_space<vmem>> -> memref<1x128x128xf32, #tpu.memory_space<vmem>>
        %dma_start3A_195 = tpu.memref_squeeze %dma_start3A_194 : memref<1x128x128xf32, #tpu.memory_space<vmem>> -> memref<128x128xf32, #tpu.memory_space<vmem>>
        %dma_start3A_196 = arith.constant 0 : i32
        %dma_start3A_197 = tpu.memref_slice %arg8[%add3A_144, %dma_start3A_196] : memref<40x128xi32, #tpu.memory_space<vmem>> -> memref<1x128xi32, #tpu.memory_space<vmem>>
        %dma_start3A_198 = tpu.memref_squeeze %dma_start3A_197 : memref<1x128xi32, #tpu.memory_space<vmem>> -> memref<128xi32, #tpu.memory_space<vmem>>
        %dma_start3A_199 = arith.constant 0 : i32
        %dma_start3A_200 = arith.constant 0 : i32
        %dma_start3A_201 = tpu.memref_slice %arg6[%dma_start3A_199, %dma_start3A_200] : memref<10240x128xf32, #tpu.memory_space<vmem_shared>> -> memref<10240x128xf32, #tpu.memory_space<vmem_shared>>
        tpu.enqueue_indirect_dma source(%dma_start3A_195 : memref<128x128xf32, #tpu.memory_space<vmem>>) target(%dma_start3A_201 : memref<10240x128xf32, #tpu.memory_space<vmem_shared>>) offsets(%dma_start3A_198 : memref<128xi32, #tpu.memory_space<vmem>>) semaphore(%run_scoped3A_191 : memref<!tpu.dma_semaphore, #tpu.memory_space<semaphore_mem>>) {add = true}
        %dma_wait3A_202 = arith.constant 0 : i32
        %dma_wait3A_203 = arith.constant 0 : i32
        %dma_wait3A_204 = tpu.memref_slice %arg9[%run_scoped3A_159, %dma_wait3A_202, %dma_wait3A_203] : memref<2x128x128xf32, #tpu.memory_space<vmem>> -> memref<1x128x128xf32, #tpu.memory_space<vmem>>
        %dma_wait3A_205 = tpu.memref_squeeze %dma_wait3A_204 : memref<1x128x128xf32, #tpu.memory_space<vmem>> -> memref<128x128xf32, #tpu.memory_space<vmem>>
        %dma_wait3A_206 = arith.constant 0 : i32
        %dma_wait3A_207 = tpu.memref_slice %arg8[%add3A_144, %dma_wait3A_206] : memref<40x128xi32, #tpu.memory_space<vmem>> -> memref<1x128xi32, #tpu.memory_space<vmem>>
        %dma_wait3A_208 = tpu.memref_squeeze %dma_wait3A_207 : memref<1x128xi32, #tpu.memory_space<vmem>> -> memref<128xi32, #tpu.memory_space<vmem>>
        %dma_wait3A_209 = arith.constant 0 : i32
        %dma_wait3A_210 = arith.constant 0 : i32
        %dma_wait3A_211 = tpu.memref_slice %arg6[%dma_wait3A_209, %dma_wait3A_210] : memref<10240x128xf32, #tpu.memory_space<vmem_shared>> -> memref<10240x128xf32, #tpu.memory_space<vmem_shared>>
        tpu.wait_indirect_dma semaphore(%run_scoped3A_191 : memref<!tpu.dma_semaphore, #tpu.memory_space<semaphore_mem>>) src(%dma_wait3A_205 : memref<128x128xf32, #tpu.memory_space<vmem>>) dst(%dma_wait3A_211 : memref<10240x128xf32, #tpu.memory_space<vmem_shared>>)
        tpu.yield
      }) : () -> ()
      %add3A_160 = arith.constant 2 : i32
      %add3A_161 = arith.addi %add3A_144, %add3A_160 : i32
      %lt3A = arith.constant 40 : i32
      %lt3A_162 = arith.cmpi slt, %add3A_161, %lt3A : i32
      %convert_element_type3A = arith.extui %lt3A_162 : i1 to i32
      %cond3A = arith.constant 0 : i32
      %cond3A_163 = arith.cmpi ne, %convert_element_type3A, %cond3A : i32
      scf.if %cond3A_163 {
        %dma_start3A_191 = arith.constant 0 : i32
        %dma_start3A_192 = arith.constant 0 : i32
        %dma_start3A_193 = arith.constant 0 : i32
        %dma_start3A_194 = tpu.memref_slice %arg9[%dma_start3A_191, %dma_start3A_192, %dma_start3A_193] : memref<2x128x128xf32, #tpu.memory_space<vmem>> -> memref<1x128x128xf32, #tpu.memory_space<vmem>>
        %dma_start3A_195 = tpu.memref_squeeze %dma_start3A_194 : memref<1x128x128xf32, #tpu.memory_space<vmem>> -> memref<128x128xf32, #tpu.memory_space<vmem>>
        %dma_start3A_196 = arith.constant 0 : i32
        %dma_start3A_197 = tpu.memref_slice %arg7[%add3A_161, %dma_start3A_196] : memref<40x128xi32, #tpu.memory_space<vmem>> -> memref<1x128xi32, #tpu.memory_space<vmem>>
        %dma_start3A_198 = tpu.memref_squeeze %dma_start3A_197 : memref<1x128xi32, #tpu.memory_space<vmem>> -> memref<128xi32, #tpu.memory_space<vmem>>
        %dma_start3A_199 = arith.constant 0 : i32
        %dma_start3A_200 = arith.constant 0 : i32
        %dma_start3A_201 = tpu.memref_slice %arg2[%dma_start3A_199, %dma_start3A_200] : memref<20000x128xf32, #tpu.memory_space<hbm>> -> memref<20000x128xf32, #tpu.memory_space<hbm>>
        tpu.enqueue_indirect_dma source(%dma_start3A_201 : memref<20000x128xf32, #tpu.memory_space<hbm>>) target(%dma_start3A_195 : memref<128x128xf32, #tpu.memory_space<vmem>>) offsets(%dma_start3A_198 : memref<128xi32, #tpu.memory_space<vmem>>) semaphore(%arg10 : memref<!tpu.dma_semaphore, #tpu.memory_space<semaphore_mem>>)
      } else {
      }
      %mul3A_164 = arith.constant 2 : i32
      %mul3A_165 = arith.muli %scan3A_140, %mul3A_164 : i32
      %add3A_166 = arith.constant 1 : i32
      %add3A_167 = arith.addi %mul3A_165, %add3A_166 : i32
      %dma_wait3A_168 = arith.constant 1 : i32
      %dma_wait3A_169 = arith.constant 0 : i32
      %dma_wait3A_170 = arith.constant 0 : i32
      %dma_wait3A_171 = tpu.memref_slice %arg9[%dma_wait3A_168, %dma_wait3A_169, %dma_wait3A_170] : memref<2x128x128xf32, #tpu.memory_space<vmem>> -> memref<1x128x128xf32, #tpu.memory_space<vmem>>
      %dma_wait3A_172 = tpu.memref_squeeze %dma_wait3A_171 : memref<1x128x128xf32, #tpu.memory_space<vmem>> -> memref<128x128xf32, #tpu.memory_space<vmem>>
      %dma_wait3A_173 = arith.constant 0 : i32
      %dma_wait3A_174 = arith.constant 0 : i32
      %dma_wait3A_175 = tpu.memref_slice %arg2[%dma_wait3A_173, %dma_wait3A_174] : memref<20000x128xf32, #tpu.memory_space<hbm>> -> memref<128x128xf32, #tpu.memory_space<hbm>>
      %dma_wait3A_176 = arith.constant 0 : i32
      %dma_wait3A_177 = arith.constant 0 : i32
      %dma_wait3A_178 = tpu.memref_slice %arg9[%dma_wait3A_168, %dma_wait3A_176, %dma_wait3A_177] : memref<2x128x128xf32, #tpu.memory_space<vmem>> -> memref<1x128x128xf32, #tpu.memory_space<vmem>>
      %dma_wait3A_179 = tpu.memref_squeeze %dma_wait3A_178 : memref<1x128x128xf32, #tpu.memory_space<vmem>> -> memref<128x128xf32, #tpu.memory_space<vmem>>
      %dma_wait3A_180 = arith.constant 0 : i32
      %dma_wait3A_181 = arith.constant 0 : i32
      %dma_wait3A_182 = tpu.memref_slice %arg2[%dma_wait3A_180, %dma_wait3A_181] : memref<20000x128xf32, #tpu.memory_space<hbm>> -> memref<128x128xf32, #tpu.memory_space<hbm>>
      tpu.wait_dma2 semaphore(%arg11 : memref<!tpu.dma_semaphore, #tpu.memory_space<semaphore_mem>>) src(%dma_wait3A_182 : memref<128x128xf32, #tpu.memory_space<hbm>>) dst(%dma_wait3A_179 : memref<128x128xf32, #tpu.memory_space<vmem>>)
      %run_scoped3A_183 = arith.constant 1 : i32
      "tpu.region"() ({
        %run_scoped3A_191 = tpu.sem_alloc : memref<!tpu.dma_semaphore, #tpu.memory_space<semaphore_mem>>
        %dma_start3A_192 = arith.constant 0 : i32
        %dma_start3A_193 = arith.constant 0 : i32
        %dma_start3A_194 = tpu.memref_slice %arg9[%run_scoped3A_183, %dma_start3A_192, %dma_start3A_193] : memref<2x128x128xf32, #tpu.memory_space<vmem>> -> memref<1x128x128xf32, #tpu.memory_space<vmem>>
        %dma_start3A_195 = tpu.memref_squeeze %dma_start3A_194 : memref<1x128x128xf32, #tpu.memory_space<vmem>> -> memref<128x128xf32, #tpu.memory_space<vmem>>
        %dma_start3A_196 = arith.constant 0 : i32
        %dma_start3A_197 = tpu.memref_slice %arg8[%add3A_167, %dma_start3A_196] : memref<40x128xi32, #tpu.memory_space<vmem>> -> memref<1x128xi32, #tpu.memory_space<vmem>>
        %dma_start3A_198 = tpu.memref_squeeze %dma_start3A_197 : memref<1x128xi32, #tpu.memory_space<vmem>> -> memref<128xi32, #tpu.memory_space<vmem>>
        %dma_start3A_199 = arith.constant 0 : i32
        %dma_start3A_200 = arith.constant 0 : i32
        %dma_start3A_201 = tpu.memref_slice %arg6[%dma_start3A_199, %dma_start3A_200] : memref<10240x128xf32, #tpu.memory_space<vmem_shared>> -> memref<10240x128xf32, #tpu.memory_space<vmem_shared>>
        tpu.enqueue_indirect_dma source(%dma_start3A_195 : memref<128x128xf32, #tpu.memory_space<vmem>>) target(%dma_start3A_201 : memref<10240x128xf32, #tpu.memory_space<vmem_shared>>) offsets(%dma_start3A_198 : memref<128xi32, #tpu.memory_space<vmem>>) semaphore(%run_scoped3A_191 : memref<!tpu.dma_semaphore, #tpu.memory_space<semaphore_mem>>) {add = true}
        %dma_wait3A_202 = arith.constant 0 : i32
        %dma_wait3A_203 = arith.constant 0 : i32
        %dma_wait3A_204 = tpu.memref_slice %arg9[%run_scoped3A_183, %dma_wait3A_202, %dma_wait3A_203] : memref<2x128x128xf32, #tpu.memory_space<vmem>> -> memref<1x128x128xf32, #tpu.memory_space<vmem>>
        %dma_wait3A_205 = tpu.memref_squeeze %dma_wait3A_204 : memref<1x128x128xf32, #tpu.memory_space<vmem>> -> memref<128x128xf32, #tpu.memory_space<vmem>>
        %dma_wait3A_206 = arith.constant 0 : i32
        %dma_wait3A_207 = tpu.memref_slice %arg8[%add3A_167, %dma_wait3A_206] : memref<40x128xi32, #tpu.memory_space<vmem>> -> memref<1x128xi32, #tpu.memory_space<vmem>>
        %dma_wait3A_208 = tpu.memref_squeeze %dma_wait3A_207 : memref<1x128xi32, #tpu.memory_space<vmem>> -> memref<128xi32, #tpu.memory_space<vmem>>
        %dma_wait3A_209 = arith.constant 0 : i32
        %dma_wait3A_210 = arith.constant 0 : i32
        %dma_wait3A_211 = tpu.memref_slice %arg6[%dma_wait3A_209, %dma_wait3A_210] : memref<10240x128xf32, #tpu.memory_space<vmem_shared>> -> memref<10240x128xf32, #tpu.memory_space<vmem_shared>>
        tpu.wait_indirect_dma semaphore(%run_scoped3A_191 : memref<!tpu.dma_semaphore, #tpu.memory_space<semaphore_mem>>) src(%dma_wait3A_205 : memref<128x128xf32, #tpu.memory_space<vmem>>) dst(%dma_wait3A_211 : memref<10240x128xf32, #tpu.memory_space<vmem_shared>>)
        tpu.yield
      }) : () -> ()
      %add3A_184 = arith.constant 2 : i32
      %add3A_185 = arith.addi %add3A_167, %add3A_184 : i32
      %lt3A_186 = arith.constant 40 : i32
      %lt3A_187 = arith.cmpi slt, %add3A_185, %lt3A_186 : i32
      %convert_element_type3A_188 = arith.extui %lt3A_187 : i1 to i32
      %cond3A_189 = arith.constant 0 : i32
      %cond3A_190 = arith.cmpi ne, %convert_element_type3A_188, %cond3A_189 : i32
      scf.if %cond3A_190 {
        %dma_start3A_191 = arith.constant 1 : i32
        %dma_start3A_192 = arith.constant 0 : i32
        %dma_start3A_193 = arith.constant 0 : i32
        %dma_start3A_194 = tpu.memref_slice %arg9[%dma_start3A_191, %dma_start3A_192, %dma_start3A_193] : memref<2x128x128xf32, #tpu.memory_space<vmem>> -> memref<1x128x128xf32, #tpu.memory_space<vmem>>
        %dma_start3A_195 = tpu.memref_squeeze %dma_start3A_194 : memref<1x128x128xf32, #tpu.memory_space<vmem>> -> memref<128x128xf32, #tpu.memory_space<vmem>>
        %dma_start3A_196 = arith.constant 0 : i32
        %dma_start3A_197 = tpu.memref_slice %arg7[%add3A_185, %dma_start3A_196] : memref<40x128xi32, #tpu.memory_space<vmem>> -> memref<1x128xi32, #tpu.memory_space<vmem>>
        %dma_start3A_198 = tpu.memref_squeeze %dma_start3A_197 : memref<1x128xi32, #tpu.memory_space<vmem>> -> memref<128xi32, #tpu.memory_space<vmem>>
        %dma_start3A_199 = arith.constant 0 : i32
        %dma_start3A_200 = arith.constant 0 : i32
        %dma_start3A_201 = tpu.memref_slice %arg2[%dma_start3A_199, %dma_start3A_200] : memref<20000x128xf32, #tpu.memory_space<hbm>> -> memref<20000x128xf32, #tpu.memory_space<hbm>>
        tpu.enqueue_indirect_dma source(%dma_start3A_201 : memref<20000x128xf32, #tpu.memory_space<hbm>>) target(%dma_start3A_195 : memref<128x128xf32, #tpu.memory_space<vmem>>) offsets(%dma_start3A_198 : memref<128xi32, #tpu.memory_space<vmem>>) semaphore(%arg11 : memref<!tpu.dma_semaphore, #tpu.memory_space<semaphore_mem>>)
      } else {
      }
    }
    %scan3A_138 = arith.constant 20 : i32
    %barrier3A_139 = arith.constant 0 : index
    tpu.barrier barrier_id(%barrier3A_139)
    "tpu.region"() ({
      %run_scoped3A_140 = tpu.sem_alloc : memref<!tpu.dma_semaphore, #tpu.memory_space<semaphore_mem>>
      %dma_start3A_141 = arith.constant 0 : i32
      %dma_start3A_142 = tpu.memref_slice %arg5[%arg0, %mul3A_6, %dma_start3A_141] : memref<2x10240x128xf32, #tpu.memory_space<hbm>> -> memref<1x640x128xf32, #tpu.memory_space<hbm>>
      %dma_start3A_143 = tpu.memref_squeeze %dma_start3A_142 : memref<1x640x128xf32, #tpu.memory_space<hbm>> -> memref<640x128xf32, #tpu.memory_space<hbm>>
      %dma_start3A_144 = arith.constant 0 : i32
      %dma_start3A_145 = tpu.memref_slice %arg6[%mul3A_6, %dma_start3A_144] : memref<10240x128xf32, #tpu.memory_space<vmem_shared>> -> memref<640x128xf32, #tpu.memory_space<vmem_shared>>
      tpu.enqueue_dma source(%dma_start3A_145 : memref<640x128xf32, #tpu.memory_space<vmem_shared>>) target(%dma_start3A_143 : memref<640x128xf32, #tpu.memory_space<hbm>>) target_semaphore(%run_scoped3A_140 : memref<!tpu.dma_semaphore, #tpu.memory_space<semaphore_mem>>)
      %dma_wait3A = arith.constant 0 : i32
      %dma_wait3A_146 = tpu.memref_slice %arg5[%arg0, %mul3A_6, %dma_wait3A] : memref<2x10240x128xf32, #tpu.memory_space<hbm>> -> memref<1x640x128xf32, #tpu.memory_space<hbm>>
      %dma_wait3A_147 = tpu.memref_squeeze %dma_wait3A_146 : memref<1x640x128xf32, #tpu.memory_space<hbm>> -> memref<640x128xf32, #tpu.memory_space<hbm>>
      %dma_wait3A_148 = arith.constant 0 : i32
      %dma_wait3A_149 = tpu.memref_slice %arg6[%mul3A_6, %dma_wait3A_148] : memref<10240x128xf32, #tpu.memory_space<vmem_shared>> -> memref<640x128xf32, #tpu.memory_space<vmem_shared>>
      tpu.wait_dma2 semaphore(%run_scoped3A_140 : memref<!tpu.dma_semaphore, #tpu.memory_space<semaphore_mem>>) src(%dma_wait3A_149 : memref<640x128xf32, #tpu.memory_space<vmem_shared>>) dst(%dma_wait3A_147 : memref<640x128xf32, #tpu.memory_space<hbm>>)
      tpu.yield
    }) : () -> ()
    return
  }
}

module attributes {stable_mosaic.version = 14 : i64} {
  func.func @_lin1_body(%arg0: i32, %arg1: memref<1000x128xf32, #tpu.memory_space<vmem>>, %arg2: memref<1000x128xf32, #tpu.memory_space<vmem>>, %arg3: memref<128x128xf32, #tpu.memory_space<vmem>>, %arg4: memref<128x128xf32, #tpu.memory_space<vmem>>, %arg5: memref<128x128xf32, #tpu.memory_space<vmem>>, %arg6: memref<128x128xf32, #tpu.memory_space<vmem>>, %arg7: memref<2x1000x128xf32, #tpu.memory_space<vmem>>, %arg8: memref<1000x128xf32, #tpu.memory_space<vmem>>, %arg9: memref<1000x128xf32, #tpu.memory_space<vmem>>) attributes {dimension_semantics = [#tpu.dimension_semantics<arbitrary>], iteration_bounds = array<i64: 10>, scalar_prefetch = 0 : i64, scratch_operands = 0 : i64, tpu.core_type = #tpu.core_type<tc>, window_params = [{transform_indices = @transform_0, window_bounds = array<i64: 1000, 128>}, {transform_indices = @transform_1, window_bounds = array<i64: 1000, 128>}, {pipeline_mode = #tpu.pipeline_mode<synchronous>, transform_indices = @transform_2, window_bounds = array<i64: 128, 128>}, {pipeline_mode = #tpu.pipeline_mode<synchronous>, transform_indices = @transform_3, window_bounds = array<i64: 128, 128>}, {pipeline_mode = #tpu.pipeline_mode<synchronous>, transform_indices = @transform_4, window_bounds = array<i64: 128, 128>}, {pipeline_mode = #tpu.pipeline_mode<synchronous>, transform_indices = @transform_5, window_bounds = array<i64: 128, 128>}, {transform_indices = @transform_6, window_bounds = array<i64: 2, 1000, 128>}, {transform_indices = @transform_7, window_bounds = array<i64: 1000, 128>}, {transform_indices = @transform_8, window_bounds = array<i64: 1000, 128>}]} {
    %get3A = arith.constant 0 : index
    %get3A_0 = arith.constant 0 : index
    %get3A_1 = vector.load %arg1[%get3A, %get3A_0] : memref<1000x128xf32, #tpu.memory_space<vmem>>, vector<1000x128xf32>
    %get3A_2 = arith.constant 0 : index
    %get3A_3 = arith.constant 0 : index
    %get3A_4 = vector.load %arg2[%get3A_2, %get3A_3] : memref<1000x128xf32, #tpu.memory_space<vmem>>, vector<1000x128xf32>
    %get3A_5 = arith.constant 0 : index
    %get3A_6 = arith.constant 0 : index
    %get3A_7 = vector.load %arg3[%get3A_5, %get3A_6] : memref<128x128xf32, #tpu.memory_space<vmem>>, vector<128x128xf32>
    %dot_general3A = arith.constant dense<0.000000e+00> : vector<1000x128xf32>
    %dot_general3A_8 = tpu.matmul %get3A_1, %get3A_7, %dot_general3A {dimension_numbers = #tpu.dot_dimension_numbers<[1], [0], [0], [1], [0, 0, 1, 1], [], []>, transpose_lhs_hint = false} : vector<1000x128xf32>, vector<128x128xf32>, vector<1000x128xf32> -> vector<1000x128xf32>
    %swap3A = arith.constant 0 : index
    %swap3A_9 = arith.constant 0 : index
    %swap3A_10 = arith.constant 0 : index
    %swap3A_11 = vector.load %arg7[%swap3A, %swap3A_9, %swap3A_10] : memref<2x1000x128xf32, #tpu.memory_space<vmem>>, vector<1x1000x128xf32>
    %swap3A_12 = vector.shape_cast %swap3A_11 : vector<1x1000x128xf32> to vector<1000x128xf32>
    %swap3A_13 = vector.shape_cast %dot_general3A_8 : vector<1000x128xf32> to vector<1x1000x128xf32>
    tpu.vector_store %arg7[%swap3A, %swap3A_9, %swap3A_10], %swap3A_13 {strides = array<i32>} : memref<2x1000x128xf32, #tpu.memory_space<vmem>>, vector<1x1000x128xf32>,
    %get3A_14 = arith.constant 0 : index
    %get3A_15 = arith.constant 0 : index
    %get3A_16 = vector.load %arg5[%get3A_14, %get3A_15] : memref<128x128xf32, #tpu.memory_space<vmem>>, vector<128x128xf32>
    %dot_general3A_17 = arith.constant dense<0.000000e+00> : vector<1000x128xf32>
    %dot_general3A_18 = tpu.matmul %get3A_4, %get3A_16, %dot_general3A_17 {dimension_numbers = #tpu.dot_dimension_numbers<[1], [0], [0], [1], [0, 0, 1, 1], [], []>, transpose_lhs_hint = false} : vector<1000x128xf32>, vector<128x128xf32>, vector<1000x128xf32> -> vector<1000x128xf32>
    %swap3A_19 = arith.constant 1 : index
    %swap3A_20 = arith.constant 0 : index
    %swap3A_21 = arith.constant 0 : index
    %swap3A_22 = vector.load %arg7[%swap3A_19, %swap3A_20, %swap3A_21] : memref<2x1000x128xf32, #tpu.memory_space<vmem>>, vector<1x1000x128xf32>
    %swap3A_23 = vector.shape_cast %swap3A_22 : vector<1x1000x128xf32> to vector<1000x128xf32>
    %swap3A_24 = vector.shape_cast %dot_general3A_18 : vector<1000x128xf32> to vector<1x1000x128xf32>
    tpu.vector_store %arg7[%swap3A_19, %swap3A_20, %swap3A_21], %swap3A_24 {strides = array<i32>} : memref<2x1000x128xf32, #tpu.memory_space<vmem>>, vector<1x1000x128xf32>,
    %get3A_25 = arith.constant 0 : index
    %get3A_26 = arith.constant 0 : index
    %get3A_27 = vector.load %arg4[%get3A_25, %get3A_26] : memref<128x128xf32, #tpu.memory_space<vmem>>, vector<128x128xf32>
    %dot_general3A_28 = arith.constant dense<0.000000e+00> : vector<1000x128xf32>
    %dot_general3A_29 = tpu.matmul %get3A_4, %get3A_27, %dot_general3A_28 {dimension_numbers = #tpu.dot_dimension_numbers<[1], [0], [0], [1], [0, 0, 1, 1], [], []>, transpose_lhs_hint = false} : vector<1000x128xf32>, vector<128x128xf32>, vector<1000x128xf32> -> vector<1000x128xf32>
    %swap3A_30 = arith.constant 0 : index
    %swap3A_31 = arith.constant 0 : index
    %swap3A_32 = vector.load %arg8[%swap3A_30, %swap3A_31] : memref<1000x128xf32, #tpu.memory_space<vmem>>, vector<1000x128xf32>
    tpu.vector_store %arg8[%swap3A_30, %swap3A_31], %dot_general3A_29 {strides = array<i32>} : memref<1000x128xf32, #tpu.memory_space<vmem>>, vector<1000x128xf32>,
    %get3A_33 = arith.constant 0 : index
    %get3A_34 = arith.constant 0 : index
    %get3A_35 = vector.load %arg6[%get3A_33, %get3A_34] : memref<128x128xf32, #tpu.memory_space<vmem>>, vector<128x128xf32>
    %dot_general3A_36 = arith.constant dense<0.000000e+00> : vector<1000x128xf32>
    %dot_general3A_37 = tpu.matmul %get3A_1, %get3A_35, %dot_general3A_36 {dimension_numbers = #tpu.dot_dimension_numbers<[1], [0], [0], [1], [0, 0, 1, 1], [], []>, transpose_lhs_hint = false} : vector<1000x128xf32>, vector<128x128xf32>, vector<1000x128xf32> -> vector<1000x128xf32>
    %swap3A_38 = arith.constant 0 : index
    %swap3A_39 = arith.constant 0 : index
    %swap3A_40 = vector.load %arg9[%swap3A_38, %swap3A_39] : memref<1000x128xf32, #tpu.memory_space<vmem>>, vector<1000x128xf32>
    tpu.vector_store %arg9[%swap3A_38, %swap3A_39], %dot_general3A_37 {strides = array<i32>} : memref<1000x128xf32, #tpu.memory_space<vmem>>, vector<1000x128xf32>,
    return
  }
  func.func @transform_0(%arg0: i32) -> (i32, i32) {
    %c0_i32 = arith.constant 0 : i32
    %c0_i32_0 = arith.constant 0 : i32
    return %arg0, %c0_i32 : i32, i32
  }
  func.func @transform_1(%arg0: i32) -> (i32, i32) {
    %c0_i32 = arith.constant 0 : i32
    %c0_i32_0 = arith.constant 0 : i32
    return %arg0, %c0_i32 : i32, i32
  }
  func.func @transform_2(%arg0: i32) -> (i32, i32) {
    %c0_i32 = arith.constant 0 : i32
    %c0_i32_0 = arith.constant 0 : i32
    %c0_i32_1 = arith.constant 0 : i32
    return %c0_i32, %c0_i32_0 : i32, i32
  }
  func.func @transform_3(%arg0: i32) -> (i32, i32) {
    %c0_i32 = arith.constant 0 : i32
    %c0_i32_0 = arith.constant 0 : i32
    %c0_i32_1 = arith.constant 0 : i32
    return %c0_i32, %c0_i32_0 : i32, i32
  }
  func.func @transform_4(%arg0: i32) -> (i32, i32) {
    %c0_i32 = arith.constant 0 : i32
    %c0_i32_0 = arith.constant 0 : i32
    %c0_i32_1 = arith.constant 0 : i32
    return %c0_i32, %c0_i32_0 : i32, i32
  }
  func.func @transform_5(%arg0: i32) -> (i32, i32) {
    %c0_i32 = arith.constant 0 : i32
    %c0_i32_0 = arith.constant 0 : i32
    %c0_i32_1 = arith.constant 0 : i32
    return %c0_i32, %c0_i32_0 : i32, i32
  }
  func.func @transform_6(%arg0: i32) -> (i32, i32, i32) {
    %c0_i32 = arith.constant 0 : i32
    %c0_i32_0 = arith.constant 0 : i32
    %c0_i32_1 = arith.constant 0 : i32
    return %c0_i32, %arg0, %c0_i32_0 : i32, i32, i32
  }
  func.func @transform_7(%arg0: i32) -> (i32, i32) {
    %c0_i32 = arith.constant 0 : i32
    %c0_i32_0 = arith.constant 0 : i32
    return %arg0, %c0_i32 : i32, i32
  }
  func.func @transform_8(%arg0: i32) -> (i32, i32) {
    %c0_i32 = arith.constant 0 : i32
    %c0_i32_0 = arith.constant 0 : i32
    return %arg0, %c0_i32 : i32, i32
  }
}

module attributes {stable_mosaic.version = 14 : i64} {
  func.func @_comb_body(%arg0: i32, %arg1: memref<2x1000x128xf32, #tpu.memory_space<vmem>>, %arg2: memref<2x1000x1xf32, #tpu.memory_space<vmem>>, %arg3: memref<1000x128xf32, #tpu.memory_space<vmem>>, %arg4: memref<1000x128xf32, #tpu.memory_space<vmem>>, %arg5: memref<128x128xf32, #tpu.memory_space<vmem>>, %arg6: memref<128x128xf32, #tpu.memory_space<vmem>>, %arg7: memref<128x128xf32, #tpu.memory_space<vmem>>, %arg8: memref<128x128xf32, #tpu.memory_space<vmem>>, %arg9: memref<2x1000x128xf32, #tpu.memory_space<vmem>>, %arg10: memref<1000x128xf32, #tpu.memory_space<vmem>>, %arg11: memref<1000x128xf32, #tpu.memory_space<vmem>>) attributes {dimension_semantics = [#tpu.dimension_semantics<arbitrary>], iteration_bounds = array<i64: 10>, scalar_prefetch = 0 : i64, scratch_operands = 0 : i64, tpu.core_type = #tpu.core_type<tc>, window_params = [{transform_indices = @transform_0, window_bounds = array<i64: 2, 1000, 128>}, {transform_indices = @transform_1, window_bounds = array<i64: 2, 1000, 1>}, {transform_indices = @transform_2, window_bounds = array<i64: 1000, 128>}, {transform_indices = @transform_3, window_bounds = array<i64: 1000, 128>}, {pipeline_mode = #tpu.pipeline_mode<synchronous>, transform_indices = @transform_4, window_bounds = array<i64: 128, 128>}, {pipeline_mode = #tpu.pipeline_mode<synchronous>, transform_indices = @transform_5, window_bounds = array<i64: 128, 128>}, {pipeline_mode = #tpu.pipeline_mode<synchronous>, transform_indices = @transform_6, window_bounds = array<i64: 128, 128>}, {pipeline_mode = #tpu.pipeline_mode<synchronous>, transform_indices = @transform_7, window_bounds = array<i64: 128, 128>}, {transform_indices = @transform_8, window_bounds = array<i64: 2, 1000, 128>}, {transform_indices = @transform_9, window_bounds = array<i64: 1000, 128>}, {transform_indices = @transform_10, window_bounds = array<i64: 1000, 128>}]} {
    %get3A = arith.constant 0 : index
    %get3A_0 = arith.constant 0 : index
    %get3A_1 = vector.load %arg3[%get3A, %get3A_0] : memref<1000x128xf32, #tpu.memory_space<vmem>>, vector<1000x128xf32>
    %get3A_2 = arith.constant 0 : index
    %get3A_3 = arith.constant 0 : index
    %get3A_4 = arith.constant 0 : index
    %get3A_5 = vector.load %arg1[%get3A_2, %get3A_3, %get3A_4] : memref<2x1000x128xf32, #tpu.memory_space<vmem>>, vector<1x1000x128xf32>
    %get3A_6 = vector.shape_cast %get3A_5 : vector<1x1000x128xf32> to vector<1000x128xf32>
    %get3A_7 = arith.constant 0 : index
    %get3A_8 = arith.constant 0 : index
    %get3A_9 = arith.constant 0 : index
    %get3A_10 = vector.load %arg2[%get3A_7, %get3A_8, %get3A_9] : memref<2x1000x1xf32, #tpu.memory_space<vmem>>, vector<1x1000x1xf32>
    %get3A_11 = vector.shape_cast %get3A_10 : vector<1x1000x1xf32> to vector<1000x1xf32>
    %max3A = arith.constant 1.000000e+00 : f32
    %max3A_12 = vector.broadcast %max3A : f32 to vector<1000x1xf32>
    %max3A_13 = arith.maximumf %get3A_11, %max3A_12 : vector<1000x1xf32>
    %div3A = vector.broadcast %max3A_13 : vector<1000x1xf32> to vector<1000x128xf32>
    %div3A_14 = arith.divf %get3A_6, %div3A : vector<1000x128xf32>
    %add3A = arith.addf %get3A_1, %div3A_14 : vector<1000x128xf32>
    %max3A_15 = arith.constant 0.000000e+00 : f32
    %max3A_16 = vector.broadcast %max3A_15 : f32 to vector<1000x128xf32>
    %max3A_17 = arith.maximumf %add3A, %max3A_16 : vector<1000x128xf32>
    %get3A_18 = arith.constant 0 : index
    %get3A_19 = arith.constant 0 : index
    %get3A_20 = vector.load %arg4[%get3A_18, %get3A_19] : memref<1000x128xf32, #tpu.memory_space<vmem>>, vector<1000x128xf32>
    %get3A_21 = arith.constant 1 : index
    %get3A_22 = arith.constant 0 : index
    %get3A_23 = arith.constant 0 : index
    %get3A_24 = vector.load %arg1[%get3A_21, %get3A_22, %get3A_23] : memref<2x1000x128xf32, #tpu.memory_space<vmem>>, vector<1x1000x128xf32>
    %get3A_25 = vector.shape_cast %get3A_24 : vector<1x1000x128xf32> to vector<1000x128xf32>
    %get3A_26 = arith.constant 1 : index
    %get3A_27 = arith.constant 0 : index
    %get3A_28 = arith.constant 0 : index
    %get3A_29 = vector.load %arg2[%get3A_26, %get3A_27, %get3A_28] : memref<2x1000x1xf32, #tpu.memory_space<vmem>>, vector<1x1000x1xf32>
    %get3A_30 = vector.shape_cast %get3A_29 : vector<1x1000x1xf32> to vector<1000x1xf32>
    %max3A_31 = arith.constant 1.000000e+00 : f32
    %max3A_32 = vector.broadcast %max3A_31 : f32 to vector<1000x1xf32>
    %max3A_33 = arith.maximumf %get3A_30, %max3A_32 : vector<1000x1xf32>
    %div3A_34 = vector.broadcast %max3A_33 : vector<1000x1xf32> to vector<1000x128xf32>
    %div3A_35 = arith.divf %get3A_25, %div3A_34 : vector<1000x128xf32>
    %add3A_36 = arith.addf %get3A_20, %div3A_35 : vector<1000x128xf32>
    %max3A_37 = arith.constant 0.000000e+00 : f32
    %max3A_38 = vector.broadcast %max3A_37 : f32 to vector<1000x128xf32>
    %max3A_39 = arith.maximumf %add3A_36, %max3A_38 : vector<1000x128xf32>
    %get3A_40 = arith.constant 0 : index
    %get3A_41 = arith.constant 0 : index
    %get3A_42 = vector.load %arg5[%get3A_40, %get3A_41] : memref<128x128xf32, #tpu.memory_space<vmem>>, vector<128x128xf32>
    %dot_general3A = arith.constant dense<0.000000e+00> : vector<1000x128xf32>
    %dot_general3A_43 = tpu.matmul %max3A_39, %get3A_42, %dot_general3A {dimension_numbers = #tpu.dot_dimension_numbers<[1], [0], [0], [1], [0, 0, 1, 1], [], []>, transpose_lhs_hint = false} : vector<1000x128xf32>, vector<128x128xf32>, vector<1000x128xf32> -> vector<1000x128xf32>
    %swap3A = arith.constant 0 : index
    %swap3A_44 = arith.constant 0 : index
    %swap3A_45 = arith.constant 0 : index
    %swap3A_46 = vector.load %arg9[%swap3A, %swap3A_44, %swap3A_45] : memref<2x1000x128xf32, #tpu.memory_space<vmem>>, vector<1x1000x128xf32>
    %swap3A_47 = vector.shape_cast %swap3A_46 : vector<1x1000x128xf32> to vector<1000x128xf32>
    %swap3A_48 = vector.shape_cast %dot_general3A_43 : vector<1000x128xf32> to vector<1x1000x128xf32>
    tpu.vector_store %arg9[%swap3A, %swap3A_44, %swap3A_45], %swap3A_48 {strides = array<i32>} : memref<2x1000x128xf32, #tpu.memory_space<vmem>>, vector<1x1000x128xf32>,
    %get3A_49 = arith.constant 0 : index
    %get3A_50 = arith.constant 0 : index
    %get3A_51 = vector.load %arg7[%get3A_49, %get3A_50] : memref<128x128xf32, #tpu.memory_space<vmem>>, vector<128x128xf32>
    %dot_general3A_52 = arith.constant dense<0.000000e+00> : vector<1000x128xf32>
    %dot_general3A_53 = tpu.matmul %max3A_17, %get3A_51, %dot_general3A_52 {dimension_numbers = #tpu.dot_dimension_numbers<[1], [0], [0], [1], [0, 0, 1, 1], [], []>, transpose_lhs_hint = false} : vector<1000x128xf32>, vector<128x128xf32>, vector<1000x128xf32> -> vector<1000x128xf32>
    %swap3A_54 = arith.constant 1 : index
    %swap3A_55 = arith.constant 0 : index
    %swap3A_56 = arith.constant 0 : index
    %swap3A_57 = vector.load %arg9[%swap3A_54, %swap3A_55, %swap3A_56] : memref<2x1000x128xf32, #tpu.memory_space<vmem>>, vector<1x1000x128xf32>
    %swap3A_58 = vector.shape_cast %swap3A_57 : vector<1x1000x128xf32> to vector<1000x128xf32>
    %swap3A_59 = vector.shape_cast %dot_general3A_53 : vector<1000x128xf32> to vector<1x1000x128xf32>
    tpu.vector_store %arg9[%swap3A_54, %swap3A_55, %swap3A_56], %swap3A_59 {strides = array<i32>} : memref<2x1000x128xf32, #tpu.memory_space<vmem>>, vector<1x1000x128xf32>,
    %get3A_60 = arith.constant 0 : index
    %get3A_61 = arith.constant 0 : index
    %get3A_62 = vector.load %arg6[%get3A_60, %get3A_61] : memref<128x128xf32, #tpu.memory_space<vmem>>, vector<128x128xf32>
    %dot_general3A_63 = arith.constant dense<0.000000e+00> : vector<1000x128xf32>
    %dot_general3A_64 = tpu.matmul %max3A_17, %get3A_62, %dot_general3A_63 {dimension_numbers = #tpu.dot_dimension_numbers<[1], [0], [0], [1], [0, 0, 1, 1], [], []>, transpose_lhs_hint = false} : vector<1000x128xf32>, vector<128x128xf32>, vector<1000x128xf32> -> vector<1000x128xf32>
    %swap3A_65 = arith.constant 0 : index
    %swap3A_66 = arith.constant 0 : index
    %swap3A_67 = vector.load %arg10[%swap3A_65, %swap3A_66] : memref<1000x128xf32, #tpu.memory_space<vmem>>, vector<1000x128xf32>
    tpu.vector_store %arg10[%swap3A_65, %swap3A_66], %dot_general3A_64 {strides = array<i32>} : memref<1000x128xf32, #tpu.memory_space<vmem>>, vector<1000x128xf32>,
    %get3A_68 = arith.constant 0 : index
    %get3A_69 = arith.constant 0 : index
    %get3A_70 = vector.load %arg8[%get3A_68, %get3A_69] : memref<128x128xf32, #tpu.memory_space<vmem>>, vector<128x128xf32>
    %dot_general3A_71 = arith.constant dense<0.000000e+00> : vector<1000x128xf32>
    %dot_general3A_72 = tpu.matmul %max3A_39, %get3A_70, %dot_general3A_71 {dimension_numbers = #tpu.dot_dimension_numbers<[1], [0], [0], [1], [0, 0, 1, 1], [], []>, transpose_lhs_hint = false} : vector<1000x128xf32>, vector<128x128xf32>, vector<1000x128xf32> -> vector<1000x128xf32>
    %swap3A_73 = arith.constant 0 : index
    %swap3A_74 = arith.constant 0 : index
    %swap3A_75 = vector.load %arg11[%swap3A_73, %swap3A_74] : memref<1000x128xf32, #tpu.memory_space<vmem>>, vector<1000x128xf32>
    tpu.vector_store %arg11[%swap3A_73, %swap3A_74], %dot_general3A_72 {strides = array<i32>} : memref<1000x128xf32, #tpu.memory_space<vmem>>, vector<1000x128xf32>,
    return
  }
  func.func @transform_0(%arg0: i32) -> (i32, i32, i32) {
    %c0_i32 = arith.constant 0 : i32
    %c0_i32_0 = arith.constant 0 : i32
    %c0_i32_1 = arith.constant 0 : i32
    return %c0_i32, %arg0, %c0_i32_0 : i32, i32, i32
  }
  func.func @transform_1(%arg0: i32) -> (i32, i32, i32) {
    %c0_i32 = arith.constant 0 : i32
    %c0_i32_0 = arith.constant 0 : i32
    %c0_i32_1 = arith.constant 0 : i32
    return %c0_i32, %arg0, %c0_i32_0 : i32, i32, i32
  }
  func.func @transform_2(%arg0: i32) -> (i32, i32) {
    %c0_i32 = arith.constant 0 : i32
    %c0_i32_0 = arith.constant 0 : i32
    return %arg0, %c0_i32 : i32, i32
  }
  func.func @transform_3(%arg0: i32) -> (i32, i32) {
    %c0_i32 = arith.constant 0 : i32
    %c0_i32_0 = arith.constant 0 : i32
    return %arg0, %c0_i32 : i32, i32
  }
  func.func @transform_4(%arg0: i32) -> (i32, i32) {
    %c0_i32 = arith.constant 0 : i32
    %c0_i32_0 = arith.constant 0 : i32
    %c0_i32_1 = arith.constant 0 : i32
    return %c0_i32, %c0_i32_0 : i32, i32
  }
  func.func @transform_5(%arg0: i32) -> (i32, i32) {
    %c0_i32 = arith.constant 0 : i32
    %c0_i32_0 = arith.constant 0 : i32
    %c0_i32_1 = arith.constant 0 : i32
    return %c0_i32, %c0_i32_0 : i32, i32
  }
  func.func @transform_6(%arg0: i32) -> (i32, i32) {
    %c0_i32 = arith.constant 0 : i32
    %c0_i32_0 = arith.constant 0 : i32
    %c0_i32_1 = arith.constant 0 : i32
    return %c0_i32, %c0_i32_0 : i32, i32
  }
  func.func @transform_7(%arg0: i32) -> (i32, i32) {
    %c0_i32 = arith.constant 0 : i32
    %c0_i32_0 = arith.constant 0 : i32
    %c0_i32_1 = arith.constant 0 : i32
    return %c0_i32, %c0_i32_0 : i32, i32
  }
  func.func @transform_8(%arg0: i32) -> (i32, i32, i32) {
    %c0_i32 = arith.constant 0 : i32
    %c0_i32_0 = arith.constant 0 : i32
    %c0_i32_1 = arith.constant 0 : i32
    return %c0_i32, %arg0, %c0_i32_0 : i32, i32, i32
  }
  func.func @transform_9(%arg0: i32) -> (i32, i32) {
    %c0_i32 = arith.constant 0 : i32
    %c0_i32_0 = arith.constant 0 : i32
    return %arg0, %c0_i32 : i32, i32
  }
  func.func @transform_10(%arg0: i32) -> (i32, i32) {
    %c0_i32 = arith.constant 0 : i32
    %c0_i32_0 = arith.constant 0 : i32
    return %arg0, %c0_i32 : i32, i32
  }
}

module attributes {stable_mosaic.version = 14 : i64} {
  func.func @_fin_body(%arg0: i32, %arg1: memref<2x1000x128xf32, #tpu.memory_space<vmem>>, %arg2: memref<2x1000x1xf32, #tpu.memory_space<vmem>>, %arg3: memref<1000x128xf32, #tpu.memory_space<vmem>>, %arg4: memref<1000x128xf32, #tpu.memory_space<vmem>>, %arg5: memref<128x1xf32, #tpu.memory_space<vmem>>, %arg6: memref<128x1xf32, #tpu.memory_space<vmem>>, %arg7: memref<1000x128xf32, #tpu.memory_space<vmem>>, %arg8: memref<1000x128xf32, #tpu.memory_space<vmem>>, %arg9: memref<1000x1xf32, #tpu.memory_space<vmem>>, %arg10: memref<1000x1xf32, #tpu.memory_space<vmem>>) attributes {dimension_semantics = [#tpu.dimension_semantics<arbitrary>], iteration_bounds = array<i64: 10>, scalar_prefetch = 0 : i64, scratch_operands = 0 : i64, tpu.core_type = #tpu.core_type<tc>, window_params = [{transform_indices = @transform_0, window_bounds = array<i64: 2, 1000, 128>}, {transform_indices = @transform_1, window_bounds = array<i64: 2, 1000, 1>}, {transform_indices = @transform_2, window_bounds = array<i64: 1000, 128>}, {transform_indices = @transform_3, window_bounds = array<i64: 1000, 128>}, {pipeline_mode = #tpu.pipeline_mode<synchronous>, transform_indices = @transform_4, window_bounds = array<i64: 128, 1>}, {pipeline_mode = #tpu.pipeline_mode<synchronous>, transform_indices = @transform_5, window_bounds = array<i64: 128, 1>}, {transform_indices = @transform_6, window_bounds = array<i64: 1000, 128>}, {transform_indices = @transform_7, window_bounds = array<i64: 1000, 128>}, {transform_indices = @transform_8, window_bounds = array<i64: 1000, 1>}, {transform_indices = @transform_9, window_bounds = array<i64: 1000, 1>}]} {
    %get3A = arith.constant 0 : index
    %get3A_0 = arith.constant 0 : index
    %get3A_1 = vector.load %arg3[%get3A, %get3A_0] : memref<1000x128xf32, #tpu.memory_space<vmem>>, vector<1000x128xf32>
    %get3A_2 = arith.constant 0 : index
    %get3A_3 = arith.constant 0 : index
    %get3A_4 = arith.constant 0 : index
    %get3A_5 = vector.load %arg1[%get3A_2, %get3A_3, %get3A_4] : memref<2x1000x128xf32, #tpu.memory_space<vmem>>, vector<1x1000x128xf32>
    %get3A_6 = vector.shape_cast %get3A_5 : vector<1x1000x128xf32> to vector<1000x128xf32>
    %get3A_7 = arith.constant 0 : index
    %get3A_8 = arith.constant 0 : index
    %get3A_9 = arith.constant 0 : index
    %get3A_10 = vector.load %arg2[%get3A_7, %get3A_8, %get3A_9] : memref<2x1000x1xf32, #tpu.memory_space<vmem>>, vector<1x1000x1xf32>
    %get3A_11 = vector.shape_cast %get3A_10 : vector<1x1000x1xf32> to vector<1000x1xf32>
    %max3A = arith.constant 1.000000e+00 : f32
    %max3A_12 = vector.broadcast %max3A : f32 to vector<1000x1xf32>
    %max3A_13 = arith.maximumf %get3A_11, %max3A_12 : vector<1000x1xf32>
    %div3A = vector.broadcast %max3A_13 : vector<1000x1xf32> to vector<1000x128xf32>
    %div3A_14 = arith.divf %get3A_6, %div3A : vector<1000x128xf32>
    %add3A = arith.addf %get3A_1, %div3A_14 : vector<1000x128xf32>
    %max3A_15 = arith.constant 0.000000e+00 : f32
    %max3A_16 = vector.broadcast %max3A_15 : f32 to vector<1000x128xf32>
    %max3A_17 = arith.maximumf %add3A, %max3A_16 : vector<1000x128xf32>
    %get3A_18 = arith.constant 0 : index
    %get3A_19 = arith.constant 0 : index
    %get3A_20 = vector.load %arg4[%get3A_18, %get3A_19] : memref<1000x128xf32, #tpu.memory_space<vmem>>, vector<1000x128xf32>
    %get3A_21 = arith.constant 1 : index
    %get3A_22 = arith.constant 0 : index
    %get3A_23 = arith.constant 0 : index
    %get3A_24 = vector.load %arg1[%get3A_21, %get3A_22, %get3A_23] : memref<2x1000x128xf32, #tpu.memory_space<vmem>>, vector<1x1000x128xf32>
    %get3A_25 = vector.shape_cast %get3A_24 : vector<1x1000x128xf32> to vector<1000x128xf32>
    %get3A_26 = arith.constant 1 : index
    %get3A_27 = arith.constant 0 : index
    %get3A_28 = arith.constant 0 : index
    %get3A_29 = vector.load %arg2[%get3A_26, %get3A_27, %get3A_28] : memref<2x1000x1xf32, #tpu.memory_space<vmem>>, vector<1x1000x1xf32>
    %get3A_30 = vector.shape_cast %get3A_29 : vector<1x1000x1xf32> to vector<1000x1xf32>
    %max3A_31 = arith.constant 1.000000e+00 : f32
    %max3A_32 = vector.broadcast %max3A_31 : f32 to vector<1000x1xf32>
    %max3A_33 = arith.maximumf %get3A_30, %max3A_32 : vector<1000x1xf32>
    %div3A_34 = vector.broadcast %max3A_33 : vector<1000x1xf32> to vector<1000x128xf32>
    %div3A_35 = arith.divf %get3A_25, %div3A_34 : vector<1000x128xf32>
    %add3A_36 = arith.addf %get3A_20, %div3A_35 : vector<1000x128xf32>
    %max3A_37 = arith.constant 0.000000e+00 : f32
    %max3A_38 = vector.broadcast %max3A_37 : f32 to vector<1000x128xf32>
    %max3A_39 = arith.maximumf %add3A_36, %max3A_38 : vector<1000x128xf32>
    %swap3A = arith.constant 0 : index
    %swap3A_40 = arith.constant 0 : index
    %swap3A_41 = vector.load %arg7[%swap3A, %swap3A_40] : memref<1000x128xf32, #tpu.memory_space<vmem>>, vector<1000x128xf32>
    tpu.vector_store %arg7[%swap3A, %swap3A_40], %max3A_39 {strides = array<i32>} : memref<1000x128xf32, #tpu.memory_space<vmem>>, vector<1000x128xf32>,
    %swap3A_42 = arith.constant 0 : index
    %swap3A_43 = arith.constant 0 : index
    %swap3A_44 = vector.load %arg8[%swap3A_42, %swap3A_43] : memref<1000x128xf32, #tpu.memory_space<vmem>>, vector<1000x128xf32>
    tpu.vector_store %arg8[%swap3A_42, %swap3A_43], %max3A_17 {strides = array<i32>} : memref<1000x128xf32, #tpu.memory_space<vmem>>, vector<1000x128xf32>,
    %get3A_45 = arith.constant 0 : index
    %get3A_46 = arith.constant 0 : index
    %get3A_47 = vector.load %arg5[%get3A_45, %get3A_46] : memref<128x1xf32, #tpu.memory_space<vmem>>, vector<128x1xf32>
    %dot_general3A = arith.constant dense<0.000000e+00> : vector<1000x1xf32>
    %dot_general3A_48 = tpu.matmul %max3A_39, %get3A_47, %dot_general3A {dimension_numbers = #tpu.dot_dimension_numbers<[1], [0], [0], [1], [0, 0, 1, 1], [], []>, transpose_lhs_hint = false} : vector<1000x128xf32>, vector<128x1xf32>, vector<1000x1xf32> -> vector<1000x1xf32>
    %swap3A_49 = arith.constant 0 : index
    %swap3A_50 = arith.constant 0 : index
    %swap3A_51 = vector.load %arg9[%swap3A_49, %swap3A_50] : memref<1000x1xf32, #tpu.memory_space<vmem>>, vector<1000x1xf32>
    tpu.vector_store %arg9[%swap3A_49, %swap3A_50], %dot_general3A_48 {strides = array<i32>} : memref<1000x1xf32, #tpu.memory_space<vmem>>, vector<1000x1xf32>,
    %get3A_52 = arith.constant 0 : index
    %get3A_53 = arith.constant 0 : index
    %get3A_54 = vector.load %arg6[%get3A_52, %get3A_53] : memref<128x1xf32, #tpu.memory_space<vmem>>, vector<128x1xf32>
    %dot_general3A_55 = arith.constant dense<0.000000e+00> : vector<1000x1xf32>
    %dot_general3A_56 = tpu.matmul %max3A_17, %get3A_54, %dot_general3A_55 {dimension_numbers = #tpu.dot_dimension_numbers<[1], [0], [0], [1], [0, 0, 1, 1], [], []>, transpose_lhs_hint = false} : vector<1000x128xf32>, vector<128x1xf32>, vector<1000x1xf32> -> vector<1000x1xf32>
    %swap3A_57 = arith.constant 0 : index
    %swap3A_58 = arith.constant 0 : index
    %swap3A_59 = vector.load %arg10[%swap3A_57, %swap3A_58] : memref<1000x1xf32, #tpu.memory_space<vmem>>, vector<1000x1xf32>
    tpu.vector_store %arg10[%swap3A_57, %swap3A_58], %dot_general3A_56 {strides = array<i32>} : memref<1000x1xf32, #tpu.memory_space<vmem>>, vector<1000x1xf32>,
    return
  }
  func.func @transform_0(%arg0: i32) -> (i32, i32, i32) {
    %c0_i32 = arith.constant 0 : i32
    %c0_i32_0 = arith.constant 0 : i32
    %c0_i32_1 = arith.constant 0 : i32
    return %c0_i32, %arg0, %c0_i32_0 : i32, i32, i32
  }
  func.func @transform_1(%arg0: i32) -> (i32, i32, i32) {
    %c0_i32 = arith.constant 0 : i32
    %c0_i32_0 = arith.constant 0 : i32
    %c0_i32_1 = arith.constant 0 : i32
    return %c0_i32, %arg0, %c0_i32_0 : i32, i32, i32
  }
  func.func @transform_2(%arg0: i32) -> (i32, i32) {
    %c0_i32 = arith.constant 0 : i32
    %c0_i32_0 = arith.constant 0 : i32
    return %arg0, %c0_i32 : i32, i32
  }
  func.func @transform_3(%arg0: i32) -> (i32, i32) {
    %c0_i32 = arith.constant 0 : i32
    %c0_i32_0 = arith.constant 0 : i32
    return %arg0, %c0_i32 : i32, i32
  }
  func.func @transform_4(%arg0: i32) -> (i32, i32) {
    %c0_i32 = arith.constant 0 : i32
    %c0_i32_0 = arith.constant 0 : i32
    %c0_i32_1 = arith.constant 0 : i32
    return %c0_i32, %c0_i32_0 : i32, i32
  }
  func.func @transform_5(%arg0: i32) -> (i32, i32) {
    %c0_i32 = arith.constant 0 : i32
    %c0_i32_0 = arith.constant 0 : i32
    %c0_i32_1 = arith.constant 0 : i32
    return %c0_i32, %c0_i32_0 : i32, i32
  }
  func.func @transform_6(%arg0: i32) -> (i32, i32) {
    %c0_i32 = arith.constant 0 : i32
    %c0_i32_0 = arith.constant 0 : i32
    return %arg0, %c0_i32 : i32, i32
  }
  func.func @transform_7(%arg0: i32) -> (i32, i32) {
    %c0_i32 = arith.constant 0 : i32
    %c0_i32_0 = arith.constant 0 : i32
    return %arg0, %c0_i32 : i32, i32
  }
  func.func @transform_8(%arg0: i32) -> (i32, i32) {
    %c0_i32 = arith.constant 0 : i32
    %c0_i32_0 = arith.constant 0 : i32
    return %arg0, %c0_i32 : i32, i32
  }
  func.func @transform_9(%arg0: i32) -> (i32, i32) {
    %c0_i32 = arith.constant 0 : i32
    %c0_i32_0 = arith.constant 0 : i32
    return %arg0, %c0_i32 : i32, i32
  }
}

</mosaic_0001>

<sc_bundles>
// kernel: kernel.10.cloned.1.call-start
scs
__scs_entry_jumppad:
0x0: {  	(pc) =	sbr.rel $0x88, $3  }
0x1: {  	(tag) =	ssettag $0x0;
	lr =	simm.s32 $0x1  }
0x2: {  	[smem:$0x3F91] =	sst lr;
	_ =	strace $0xD0000000  }
0x3: {  	_ = 	snop  }
0x4: {  	_ = 	snop  }
0x5: {  	_ = 	snop  }
0x6: {  	_ = 	snop  }
0x7: {  	_ = 	snop  }
__scs_overlays_trampoline_lowered:
0x8: {  	[smem:$0x3FA0] =	sst s0  }
0x9: {  	[smem:$0x3FA1] =	sst s1  }
0xa: {  	[smem:$0x3FA2] =	sst s2  }
0xb: {  	[smem:$0x3FA3] =	sst s3  }
0xc: {  	[smem:$0x3FA4] =	sst s4  }
0xd: {  	[smem:$0x3FA5] =	sst s5  }
0xe: {  	[smem:$0x3FA6] =	sst s6  }
0xf: {  	[smem:$0x3FA7] =	sst s7  }
0x10: {  	[smem:$0x3FA8] =	sst s8  }
0x11: {  	[smem:$0x3FA9] =	sst s9;
	s0 =	simm.s32 @!p0 $0x0  }
0x12: {  	s1 =	sld [smem:$0x3F8F];
	s0 =	simm.s32 @p0 $0x1  }
0x13: {  	[smem:$0x3FAA] =	sst s0;
	s0 =	simm.s32 @!p1 $0x0  }
0x14: {  	s2 =	sld [smem:$0x3F8E];
	s0 =	simm.s32 @p1 $0x1  }
0x15: {  	[smem:$0x3FAB] =	sst s0;
	s0 =	simm.s32 @!p2 $0x0  }
0x16: {  	s3 =	sld [smem:$0x3FDB];
	s0 =	simm.s32 @p2 $0x1  }
0x17: {  	s4 =	simm.s32 $0x1BF5;
	[smem:$0x3FAD] =	sst s0  }
0x18: {  	s0 =	sld [smem:$0x3F90];
	_ =	swait.ge [sflag:s4], $0x0  }
0x19: {  	s7 =	sld [smem:$0x3F91]  }
0x1a: {  	s8 =	sadd.s32 $0xFFFFE003, lr  }
0x1b: {  	s9 =	sadd.s32 $0xFFFFFEF7, lr;
	s5 =	simm.s32 $0xFFFFFFFF;
	p2 =	slt.u32 s8, $0xFFFFF086  }
0x1c: {  	p1 =	slt.u32 s9, $0xF7A;
	s5 =	simm.s32 @!p2 $0x0  }
0x1d: {  	s5 =	simm.s32 @p1 $0x1;
	p0 =	seq.s32 s7, s2  }
0x1e: {  	s7 =	smul.u32 @!p0 $0xF7A, s2;
	p2 =	seq.s32 @!p0 s5, $0x0  }
0x1f: {  	s9 =	smul.u32 $0xF7A, s1;
	s8 =	simm.s32 @!p0 $0x1BF5;
	p2 =	por !p2, p0  }
0x20: {  	[sflag:s8] =	ssyncset.s32 @!p0 $0xFFFFF086;
	s6 =	sadd.s32 @!p0 s3, s7;
	s7 =	simm.s32 @!p0 $0x108  }
0x21: {  	s3 =	sadd.s32 s3, s9;
	s6 =	sadd.s32 @!p0 $0x88, s6;
	s7 =	simm.s32 @p2 $0x1082  }
0x22: {  	[simem:s7], [sflag:s8] =	dma.local @!p0 [hbm:s6], $0xF7A  }
0x23: {  	s9 =	sor.u32 $0xD0000000, s2;
	s6 =	simm.s32 $0x108;
	_ =	swait.ge @!p0 [sflag:s8], $0x0  }
0x24: {  	s3 =	sadd.s32 $0x88, s3;
	s6 =	simm.s32 @!p1 $0x1082;
	[sflag:s4] =	ssyncset.s32 $0xFFFFF086  }
0x25: {  	[simem:s6], [sflag:s4] =	dma.local [hbm:s3], $0xF7A  }
0x26: {  	[smem:$0x3F91] =	sst s1;
	(tag) =	ssettag s2;
	_ =	strace s9  }
0x27: {  	s1 =	sld [smem:$0x3FA1]  }
0x28: {  	s2 =	sld [smem:$0x3FA2]  }
0x29: {  	s4 =	sld [smem:$0x3FA4]  }
0x2a: {  	p0 =	seq.s32 s5, $0x0;
	s5 =	sld [smem:$0x3FA5]  }
0x2b: {  	s6 =	sld [smem:$0x3FA6]  }
0x2c: {  	s7 =	sld [smem:$0x3FA7]  }
0x2d: {  	s3 =	simm.s32 $0x108;
	s8 =	sld [smem:$0x3FA8]  }
0x2e: {  	s3 =	simm.s32 @!p0 $0x1082;
	s9 =	sld [smem:$0x3FA9]  }
0x2f: {  	lr =	sadd.s32 s0, s3;
	s0 =	sld [smem:$0x3FA0]  }
0x30: {  	s3 =	sld [smem:$0x3FA3]  }
0x31: {  	[smem:$0x3FAC] =	sst s10  }
0x32: {  	s10 =	sld [smem:$0x3FAA];
	_ =	sdelay $0x3  }
0x33: {  	p0 =	seq.s32 s10, $0x1;
	s10 =	sld [smem:$0x3FAC];
	_ =	sdelay $0x3  }
0x34: {  	[smem:$0x3FAC] =	sst s10  }
0x35: {  	s10 =	sld [smem:$0x3FAB];
	_ =	sdelay $0x3  }
0x36: {  	p1 =	seq.s32 s10, $0x1;
	s10 =	sld [smem:$0x3FAC];
	_ =	sdelay $0x3  }
0x37: {  	[smem:$0x3FAC] =	sst s10  }
0x38: {  	s10 =	sld [smem:$0x3FAD]  }
0x39: {  	_ = 	snop;
	(pc) =	sbr.ind lr, $3  }
0x3a: {  	_ = 	snop  }
0x3b: {  	_ = 	snop  }
0x3c: {  	p2 =	seq.s32 s10, $0x1;
	s10 =	sld [smem:$0x3FAC]  }
0x3d: {  	_ =	shalt  }
0x3e: {  	_ =	shalt  }
0x3f: {  	_ =	shalt  }
0x40: {  	_ =	shalt  }
0x41: {  	_ =	shalt  }
0x42: {  	_ =	shalt  }
0x43: {  	_ =	shalt  }
0x44: {  	_ =	shalt  }
0x45: {  	_ =	shalt  }
0x46: {  	_ =	shalt  }
0x47: {  	_ =	shalt  }
0x48: {  	_ =	shalt  }
0x49: {  	_ =	shalt  }
0x4a: {  	_ =	shalt  }
0x4b: {  	_ =	shalt  }
0x4c: {  	_ =	shalt  }
0x4d: {  	_ =	shalt  }
0x4e: {  	_ =	shalt  }
0x4f: {  	_ =	shalt  }
0x50: {  	_ =	shalt  }
0x51: {  	_ =	shalt  }
0x52: {  	_ =	shalt  }
0x53: {  	_ =	shalt  }
0x54: {  	_ =	shalt  }
0x55: {  	_ =	shalt  }
0x56: {  	_ =	shalt  }
0x57: {  	_ =	shalt  }
0x58: {  	_ =	shalt  }
0x59: {  	_ =	shalt  }
0x5a: {  	_ =	shalt  }
0x5b: {  	_ =	shalt  }
0x5c: {  	_ =	shalt  }
0x5d: {  	_ =	shalt  }
0x5e: {  	_ =	shalt  }
0x5f: {  	_ =	shalt  }
0x60: {  	_ =	shalt  }
0x61: {  	_ =	shalt  }
0x62: {  	_ =	shalt  }
0x63: {  	_ =	shalt  }
0x64: {  	_ =	shalt  }
0x65: {  	_ =	shalt  }
0x66: {  	_ =	shalt  }
0x67: {  	_ =	shalt  }
0x68: {  	_ =	shalt  }
0x69: {  	_ =	shalt  }
0x6a: {  	_ =	shalt  }
0x6b: {  	_ =	shalt  }
0x6c: {  	_ =	shalt  }
0x6d: {  	_ =	shalt  }
0x6e: {  	_ =	shalt  }
0x6f: {  	_ =	shalt  }
0x70: {  	_ =	shalt  }
0x71: {  	_ =	shalt  }
0x72: {  	_ =	shalt  }
0x73: {  	_ =	shalt  }
0x74: {  	_ =	shalt  }
0x75: {  	_ =	shalt  }
0x76: {  	_ =	shalt  }
0x77: {  	_ =	shalt  }
0x78: {  	_ =	shalt  }
0x79: {  	_ =	shalt  }
0x7a: {  	_ =	shalt  }
0x7b: {  	_ =	shalt  }
0x7c: {  	_ =	shalt  }
0x7d: {  	_ =	shalt  }
0x7e: {  	_ =	shalt  }
0x7f: {  	_ =	shalt  }
0x80: {  	_ =	shalt  }
0x81: {  	_ =	shalt  }
0x82: {  	_ =	shalt  }
0x83: {  	_ =	shalt  }
0x84: {  	_ =	shalt  }
0x85: {  	_ =	shalt  }
0x86: {  	_ =	shalt  }
0x87: {  	_ =	shalt  }
.Lfunc_end0:
.L_simem_size_0:
called_computation.1_lowered:
.L_overlay_start_0:
0x88: {  	s2 =	sld [smem:$0x3FD9]  }
0x89: {  	s3 =	sld [smem:$0x3FFE];
	_ =	sdelay $0x1  }
0x8a: {  	s1 =	srdreg.scid  }
0x8b: {  	s0 =	sand.u32 $0x1, s1  }
0x8c: {  	s14 =	sshll.u32 s0, $0xA;
	s2 =	sadd.s32 s3, s2  }
0x8d: {  	s2 =	sadd.s32 s2, s14  }
0x8e: {  	[smem:$0x3FB8] =	sst s2  }
0x8f: {  	_ = 	snop  }
0x90: {  	s2 =	sld [smem:$0x3FD0];
	_ =	sdelay $0x2  }
0x91: {  	s15 =	simm.s32 $0xA;
	s4 =	simm.s32 $0x10  }
0x92: {  	[smem:s4], [sflag:s15] =	dma.local [hbm:s2], $0x1  }
0x93: {  	_ =	swait.eq [sflag:s15], $0x1  }
0x94: {  	[sflag:s15] =	ssyncset.done $0x0  }
0x95: {  	s16 =	sld [smem:$0x10];
	[sflag:s15] =	ssyncadd.s32 $0xFFFFFFFF  }
0x96: {  	s17 =	sld [smem:$0x11];
	(tm) =	ssettm $0x1  }
0x97: {  	s18 =	sld [smem:$0x3FFB];
	_ =	sdelay $0x3  }
0x98: {  	_ =	strace s18  }
0x99: {  	s4 =	sld [smem:$0x3FFC];
	_ =	sdelay $0x3  }
0x9a: {  	_ =	strace s4  }
0x9b: {  	s4 =	sld [smem:$0x3FFD];
	_ =	sdelay $0x3  }
0x9c: {  	_ =	strace s4  }
0x9d: {  	_ =	strace $0x8FFFFFFF  }
0x9e: {  	s19 =	sld [smem:$0x3FDB];
	_ =	sdelay $0x1  }
0x9f: {  	s5 =	simm.s32 $_scs_section_size  }
0xa0: {  	s6 =	simm.s32 $_size__tile_overlayer_lowered;
	s7 =	simm.s32 $_tile_overlayer_lowered  }
0xa1: {  	s22 =	simm.s32 $0x1BFF;
	s21 =	sshll.u32 s7, $0x1;
	s4 =	sadd.s32 s5, s19  }
0xa2: {  	s8 =	simm.s32 $0x0;
	s20 =	sshll.u32 s6, $0x1;
	s6 =	sadd.s32 s21, s4  }
0xa3: {  	[timem:s8], [sflag:s22] =	dma.local [hbm:s6], s20  }
0xa4: {  	_ =	swait.ge [sflag:s22], s20  }
0xa5: {  	s5 =	ssub.s32 $0x0, s20;
	[sflag:s22] =	ssyncset.done $0x0  }
0xa6: {  	[sflag:s22] =	ssyncadd.s32 s5;
	_ =	sdelay $0x1  }
0xa7: {  	s23 =	simm.s32 $0x1B8B  }
0xa8: {  	_ =	swait.ge [sflag:s23], $0x1  }
0xa9: {  	[sflag:s23] =	ssyncset.done $0x0  }
0xaa: {  	s25 =	simm.s32 $0x1B8E;
	s24 =	sld [smem:$0x3FFE];
	[sflag:s23] =	ssyncadd.s32 $0xFFFFFFFF  }
0xab: {  	s26 =	simm.s32 $execute0_lowered;
	[smem:$0x3FD2] =	sst s25  }
0xac: {  	s6 =	sshll.u32 s26, $0x1;
	_ =	strace $0x80000049;
	[dreg:$0x1] =	wrdreg $0xFFFFFFFF  }
0xad: {  	s28 =	simm.s32 $_size_execute0_lowered;
	s4 =	sadd.s32 s4, s6;
	[dreg:$0x0] =	wrdreg $0x0  }
0xae: {  	s6 =	sshll.u32 s28, $0x1;
	[dreg:$0x2] =	wrdreg s4  }
0xaf: {  	[dreg:$0x3] =	wrdreg s6  }
0xb0: {  	[dreg:$0x4] =	wrdreg $0xC0  }
0xb1: {  	_ =	task [dreg:s8], $0x5FFFF  }
0xb2: {  	[dreg:$0x1] =	wrdreg $0xFFFFFFFF  }
0xb3: {  	[dreg:$0x0] =	wrdreg $0x60  }
0xb4: {  	[dreg:$0x2] =	wrdreg s24  }
0xb5: {  	[dreg:$0x3] =	wrdreg s17  }
0xb6: {  	[dreg:$0x4] =	wrdreg s16  }
0xb7: {  	[dreg:$0x5] =	wrdreg $0x0  }
0xb8: {  	[dreg:$0x6] =	wrdreg $0x9  }
0xb9: {  	_ =	task.clear_ibuf [dreg:s8], $0x7FFFF;
	_ =	strace $0x90000049  }
0xba: {  	s29 =	simm.s32 $0x9;
	_ =	strace $0x8000004B  }
0xbb: {  	_ =	swait.ge [sflag:s29], $0x1  }
0xbc: {  	[sflag:s29] =	ssyncadd.s32 $0xFFFFFFFF  }
0xbd: {  	_ =	strace $0x9000004B  }
0xbe: {  	_ =	sfence  }
0xbf: {  	s30 =	sld [smem:$0x0];
	_ =	sdelay $0x2  }
0xc0: {  	s31 =	sshll.u32 s1, $0xD;
	s1 =	sshrl.u32 s1, $0x2  }
0xc1: {  	s3 =	sand.u32 $0x4000, s31;
	s1 =	sadd.s32 s1, s30  }
0xc2: {  	s0 =	sor.u32 s3, s0;
	s1 =	sshll.u32 s1, $0x11  }
0xc3: {  	s0 =	sor.u32 s1, s0  }
0xc4: {  	s0 =	sadd.s32 $0x8F2B, s0  }
0xc5: {  	[sflag:s0] =	ssyncadd.remote.s32 $0x1  }
0xc6: {  	_ =	sfence.sel $0xFFFF  }
0xc7: {  	[dreg:$0x0] =	wrdreg $0xFFFFFFFF;
	(pc) =	sbr.abs _section_cstart, $3  }
0xc8: {  	[dreg:$0x1] =	wrdreg $0xFFFFFFFF  }
0xc9: {  	_ =	task.clear_ibuf [dreg:s8], $0x2FFFF;
	_ =	strace $0x9FFFFFFF  }
0xca: {  	(tm) =	ssettm $0x7FFFFFFF  }
0xcb: {  	_ =	shalt  }
tec
execute0_lowered:
.L_overlay_start_1:
0x0: {  	(tag) =	ssettag $0x1  }
0x1: {  	s0 =	rddreg [dreg:$0x0]  }
0x2: {  	s2 =	rddreg [dreg:$0x1]  }
0x3: {  	s17 =	rddreg [dreg:$0x2]  }
0x4: {  	s1 =	rddreg [dreg:$0x3]  }
0x5: {  	s3 =	srdreg.scid;
	s10 =	stileid.u32;
	s20 =	simm.s32 $0x16800  }
0x6: {  	s21 =	simm.s32 $0x3;
	s22 =	simm.s32 $0x14000;
	s23 =	simm.s32 $0x15400  }
0x7: {  	s28 =	simm.s32 $0x1;
	s29 =	simm.s32 $0x2;
	s7 =	smul.u32 $0x14000, s10  }
0x8: {  	s30 =	simm.s32 $0x16700;
	s31 =	simm.s32 $0x16780;
	s24 =	smul.u32 $0x50000, s10  }
0x9: {  	s5 =	sand.u32 $0x1, s3;
	s3 =	simm.s32 $0x0;
	s10 =	smul.u32 $0x5000, s10  }
0xa: {  	s4 =	sadd.s32 $0x2800, s0;
	s6 =	smul.u32 $0x140000, s5;
	[smem:$0x7FF] =	sst s3  }
0xb: {  	s8 =	ssub.s32 $0x2, s5;
	s9 =	smul.u32 $0x50000, s5;
	_ =	strace $0x8000004A  }
0xc: {  	s25 =	sshrl.u32 s8, $0x1;
	s6 =	sadd.s32 s7, s6;
	s7 =	sshrl.u32 s24, $0x2  }
0xd: {  	s19 =	ssub.s32 s8, s25;
	s10 =	sadd.s32 s10, s9;
	s24 =	simm.s32 $0x80  }
0xe: {  	s25 =	simm.s32 $0x14080;
	s6 =	sshrl.u32 s6, $0x3;
	s5 =	sadd.s32 s7, s1  }
0xf: {  	s16 =	sshrl.u32 s10, $0x3;
	s19 =	smax.u32 s19, $0x1;
	s0 =	sadd.s32 s6, s0  }
0x10: {  	s26 =	sadd.s32 $0x4000, s5;
	s7 =	sadd.s32 $0x8000, s5;
	s8 =	sadd.s32 $0xC000, s5  }
0x11: {  	s9 =	sadd.s32 $0x10000, s5;
	s10 =	sadd.s32 s2, s16;
	s11 =	sadd.s32 s17, s16  }
0x12: {  	s13 =	sadd.s32 $0x280, s16;
	s15 =	sadd.s32 $0x500, s16;
	s18 =	sadd.s32 $0x780, s16  }
0x13: {  	[dreg:$0x5] =	wrdreg s26;
	s12 =	sadd.s32 s2, s13;
	s13 =	sadd.s32 s17, s13  }
0x14: {  	s14 =	sadd.s32 s2, s15;
	s15 =	sadd.s32 s17, s15;
	s16 =	sadd.s32 s2, s18  }
0x15: {  	v0 =	vimm.f32 $0.0e+00;
	s17 =	sadd.s32 s17, s18;
	s18 =	sadd.s32 $0x50A00, s0;
	s26 =	simm.s32 $0x1A800  }
.LBB2_1:
0x16: {  	s0 =	simm.s32 $0x0;
	s2 =	simm.s32 $0x200  }
.LBB2_2:
0x17: {  	p0 =	sne.s32 s2, $0xFE00;
	[tilespmem:s0+$0x16870] =	vst v0  }
0x18: {  	[tilespmem:s0+$0x16800] =	vst v0  }
0x19: {  	[tilespmem:s0+$0x16810] =	vst v0  }
.Ltmp0:
0x1a: {  	[tilespmem:s0+$0x16820] =	vst v0;
	(pc) =	sbr.rel @p0 .LBB2_2-.Ltmp0, $4  }
0x1b: {  	[tilespmem:s0+$0x16830] =	vst v0  }
0x1c: {  	[tilespmem:s0+$0x16840] =	vst v0  }
0x1d: {  	[tilespmem:s0+$0x16850] =	vst v0  }
0x1e: {  	[tilespmem:s0+$0x16860] =	vst v0;
	s0 =	sshra.s32 s2, $0x2;
	s2 =	sadd.s32 $0x200, s2  }
0x1f: {  	[tilespmem:s0+$0x16870] =	vst v0  }
0x20: {  	[tilespmem:s0+$0x16800] =	vst v0  }
0x21: {  	[tilespmem:s0+$0x16810] =	vst v0  }
0x22: {  	[tilespmem:s0+$0x16820] =	vst v0  }
0x23: {  	[tilespmem:s0+$0x16830] =	vst v0  }
0x24: {  	[tilespmem:s0+$0x16840] =	vst v0  }
0x25: {  	[tilespmem:s0+$0x16850] =	vst v0  }
0x26: {  	[tilespmem:s0+$0x16860] =	vst v0  }
0x27: {  	[spmem:s5] =	stream.linear.scatter [tilespmem:s20], [sflag:$0x3], $0x4000, $0x38;
	[tilespmem:$0x1E800] =	vst v63  }
0x28: {  	_ =	swait.ge [sflag:s21], $0x4000  }
0x29: {  	[sflag:s21] =	ssyncset.done $0x0  }
0x2a: {  	s6 =	rddreg [dreg:$0x5];
	[sflag:s21] =	ssyncadd.s32 $0xFFFFC000  }
0x2b: {  	[spmem:s6] =	stream.linear.scatter [tilespmem:s20], [sflag:$0x3], $0x4000, $0x38;
	[tilespmem:$0x1E800] =	vst v63  }
0x2c: {  	_ =	swait.ge [sflag:s21], $0x4000  }
0x2d: {  	[sflag:s21] =	ssyncset.done $0x0  }
0x2e: {  	[sflag:s21] =	ssyncadd.s32 $0xFFFFC000  }
0x2f: {  	[spmem:s7] =	stream.linear.scatter [tilespmem:s20], [sflag:$0x3], $0x4000, $0x38;
	[tilespmem:$0x1E800] =	vst v63  }
0x30: {  	_ =	swait.ge [sflag:s21], $0x4000  }
0x31: {  	[sflag:s21] =	ssyncset.done $0x0  }
0x32: {  	[sflag:s21] =	ssyncadd.s32 $0xFFFFC000  }
0x33: {  	[spmem:s8] =	stream.linear.scatter [tilespmem:s20], [sflag:$0x3], $0x4000, $0x38;
	[tilespmem:$0x1E800] =	vst v63  }
0x34: {  	_ =	swait.ge [sflag:s21], $0x4000  }
0x35: {  	[sflag:s21] =	ssyncset.done $0x0  }
0x36: {  	[sflag:s21] =	ssyncadd.s32 $0xFFFFC000  }
0x37: {  	[spmem:s9] =	stream.linear.scatter [tilespmem:s20], [sflag:$0x3], $0x4000, $0x38;
	[tilespmem:$0x1E800] =	vst v63  }
0x38: {  	_ =	swait.ge [sflag:s21], $0x4000  }
0x39: {  	[sflag:s21] =	ssyncset.done $0x0  }
0x3a: {  	[sflag:s21] =	ssyncadd.s32 $0xFFFFC000  }
0x3b: {  	s2 =	simm.s32 $0x0;
	[bflag:$0x0] =	sbarrier.arrive $0xFFFF  }
0x3c: {  	[tilespmem:s22], [sflag:$0x3] =	stream.linear.gather [hbm4b:s10+s2], $0x1400, $0x38;
	[tilespmem:$0x1E800] =	vst v63  }
0x3d: {  	_ =	swait.ge [sflag:s21], $0x1400  }
0x3e: {  	[sflag:s21] =	ssyncset.done $0x0  }
0x3f: {  	[sflag:s21] =	ssyncadd.s32 $0xFFFFEC00  }
0x40: {  	[tilespmem:s23], [sflag:$0x3] =	stream.linear.gather [hbm4b:s11+s2], $0x1400, $0x38;
	[tilespmem:$0x1E800] =	vst v63  }
0x41: {  	_ =	swait.ge [sflag:s21], $0x1400  }
0x42: {  	[sflag:s21] =	ssyncset.done $0x0  }
0x43: {  	[sflag:s21] =	ssyncadd.s32 $0xFFFFEC00  }
0x44: {  	[tilespmem:s20], [sflag:$0x1] =	stream.indirect.gather [hbm4b:s4+s24], $0x80, s22, s24, $0xb8;
	[tilespmem:$0x1E800] =	vst v63  }
0x45: {  	_ = 	snop  }
0x46: {  	[tilespmem:s26], [sflag:$0x2] =	stream.indirect.gather [hbm4b:s4+s24], $0x80, s25, s24, $0xb8;
	[tilespmem:$0x1E800] =	vst v63  }
0x47: {  	_ =	swait.ge [sflag:s28], $0x4000  }
0x48: {  	[sflag:s28] =	ssyncset.done $0x0  }
0x49: {  	s6 =	simm.s32 $0x15400;
	[sflag:s28] =	ssyncadd.s32 $0xFFFFC000  }
0x4a: {  	[spmem:s1] =	stream.indirect.scatter.add.f32 [tilespmem:s20], [sflag:$0x3], $0x80, s6, s24, $0xb8;
	[tilespmem:$0x1E800] =	vst v63  }
0x4b: {  	_ =	swait.ge [sflag:s21], $0x4000  }
0x4c: {  	[sflag:s21] =	ssyncset.done $0x0  }
0x4d: {  	s2 =	simm.s32 $0x14100;
	[sflag:s21] =	ssyncadd.s32 $0xFFFFC000  }
0x4e: {  	[tilespmem:s20], [sflag:$0x1] =	stream.indirect.gather [hbm4b:s4+s24], $0x80, s2, s24, $0xb8;
	[tilespmem:$0x1E800] =	vst v63  }
0x4f: {  	_ =	swait.ge [sflag:s29], $0x4000  }
0x50: {  	[sflag:s29] =	ssyncset.done $0x0  }
0x51: {  	s6 =	simm.s32 $0x15480;
	[sflag:s29] =	ssyncadd.s32 $0xFFFFC000  }
0x52: {  	[spmem:s1] =	stream.indirect.scatter.add.f32 [tilespmem:s26], [sflag:$0x3], $0x80, s6, s24, $0xb8;
	[tilespmem:$0x1E800] =	vst v63  }
0x53: {  	_ =	swait.ge [sflag:s21], $0x4000  }
0x54: {  	[sflag:s21] =	ssyncset.done $0x0  }
0x55: {  	s0 =	simm.s32 $0x400;
	s2 =	simm.s32 $0x14180;
	[sflag:s21] =	ssyncadd.s32 $0xFFFFC000  }
.LBB2_4:
0x56: {  	[tilespmem:s26], [sflag:$0x2] =	stream.indirect.gather [hbm4b:s4+s24], $0x80, s2, s24, $0xb8;
	[tilespmem:$0x1E800] =	vst v63  }
0x57: {  	s2 =	smov.u32 s0  }
0x58: {  	p0 =	sne.s32 s0, $0x4800;
	s0 =	sadd.s32 $0x400, s0;
	_ =	swait.ge [sflag:s28], $0x4000  }
0x59: {  	s2 =	sshra.s32 s2, $0x2;
	[sflag:s28] =	ssyncset.done $0x0  }
0x5a: {  	s6 =	sadd.s32 $0x15400, s2;
	[sflag:s28] =	ssyncadd.s32 $0xFFFFC000  }
0x5b: {  	[spmem:s1] =	stream.indirect.scatter.add.f32 [tilespmem:s20], [sflag:$0x3], $0x80, s6, s24, $0xb8;
	[tilespmem:$0x1E800] =	vst v63  }
0x5c: {  	_ =	swait.ge [sflag:s21], $0x4000  }
0x5d: {  	[sflag:s21] =	ssyncset.done $0x0  }
0x5e: {  	s6 =	sadd.s32 $0x14100, s2;
	[sflag:s21] =	ssyncadd.s32 $0xFFFFC000  }
0x5f: {  	[tilespmem:s20], [sflag:$0x1] =	stream.indirect.gather [hbm4b:s4+s24], $0x80, s6, s24, $0xb8;
	[tilespmem:$0x1E800] =	vst v63  }
0x60: {  	_ =	swait.ge [sflag:s29], $0x4000  }
0x61: {  	[sflag:s29] =	ssyncset.done $0x0  }
.Ltmp1:
0x62: {  	s6 =	sadd.s32 $0x15480, s2;
	[sflag:s29] =	ssyncadd.s32 $0xFFFFC000;
	(pc) =	sbr.rel @p0 .LBB2_4-.Ltmp1, $4  }
0x63: {  	[spmem:s1] =	stream.indirect.scatter.add.f32 [tilespmem:s26], [sflag:$0x3], $0x80, s6, s24, $0xb8;
	[tilespmem:$0x1E800] =	vst v63  }
0x64: {  	_ =	swait.ge [sflag:s21], $0x4000  }
0x65: {  	[sflag:s21] =	ssyncset.done $0x0  }
0x66: {  	s2 =	sadd.s32 $0x14180, s2;
	[sflag:s21] =	ssyncadd.s32 $0xFFFFC000  }
0x67: {  	[tilespmem:s26], [sflag:$0x2] =	stream.indirect.gather [hbm4b:s4+s24], $0x80, s2, s24, $0xb8;
	[tilespmem:$0x1E800] =	vst v63  }
0x68: {  	_ =	swait.ge [sflag:s28], $0x4000  }
0x69: {  	[sflag:s28] =	ssyncset.done $0x0  }
0x6a: {  	[sflag:s28] =	ssyncadd.s32 $0xFFFFC000  }
0x6b: {  	[spmem:s1] =	stream.indirect.scatter.add.f32 [tilespmem:s20], [sflag:$0x3], $0x80, s30, s24, $0xb8;
	[tilespmem:$0x1E800] =	vst v63  }
0x6c: {  	_ =	swait.ge [sflag:s21], $0x4000  }
0x6d: {  	[sflag:s21] =	ssyncset.done $0x0  }
0x6e: {  	[sflag:s21] =	ssyncadd.s32 $0xFFFFC000  }
0x6f: {  	_ =	swait.ge [sflag:s29], $0x4000  }
0x70: {  	[sflag:s29] =	ssyncset.done $0x0  }
0x71: {  	[sflag:s29] =	ssyncadd.s32 $0xFFFFC000  }
0x72: {  	[spmem:s1] =	stream.indirect.scatter.add.f32 [tilespmem:s26], [sflag:$0x3], $0x80, s31, s24, $0xb8;
	[tilespmem:$0x1E800] =	vst v63  }
0x73: {  	_ =	swait.ge [sflag:s21], $0x4000  }
0x74: {  	[sflag:s21] =	ssyncset.done $0x0  }
0x75: {  	s0 =	simm.s32 $0x0;
	[sflag:s21] =	ssyncadd.s32 $0xFFFFC000  }
0x76: {  	[tilespmem:s22], [sflag:$0x3] =	stream.linear.gather [hbm4b:s12+s0], $0x1400, $0x38;
	[tilespmem:$0x1E800] =	vst v63  }
0x77: {  	_ =	swait.ge [sflag:s21], $0x1400  }
0x78: {  	[sflag:s21] =	ssyncset.done $0x0  }
0x79: {  	[sflag:s21] =	ssyncadd.s32 $0xFFFFEC00  }
0x7a: {  	[tilespmem:s23], [sflag:$0x3] =	stream.linear.gather [hbm4b:s13+s0], $0x1400, $0x38;
	[tilespmem:$0x1E800] =	vst v63  }
0x7b: {  	_ =	swait.ge [sflag:s21], $0x1400  }
0x7c: {  	[sflag:s21] =	ssyncset.done $0x0  }
0x7d: {  	[sflag:s21] =	ssyncadd.s32 $0xFFFFEC00  }
0x7e: {  	[tilespmem:s20], [sflag:$0x1] =	stream.indirect.gather [hbm4b:s4+s24], $0x80, s22, s24, $0xb8;
	[tilespmem:$0x1E800] =	vst v63  }
0x7f: {  	_ = 	snop  }
0x80: {  	[tilespmem:s26], [sflag:$0x2] =	stream.indirect.gather [hbm4b:s4+s24], $0x80, s25, s24, $0xb8;
	[tilespmem:$0x1E800] =	vst v63  }
0x81: {  	_ =	swait.ge [sflag:s28], $0x4000  }
0x82: {  	[sflag:s28] =	ssyncset.done $0x0  }
0x83: {  	s6 =	simm.s32 $0x15400;
	[sflag:s28] =	ssyncadd.s32 $0xFFFFC000  }
0x84: {  	[spmem:s1] =	stream.indirect.scatter.add.f32 [tilespmem:s20], [sflag:$0x3], $0x80, s6, s24, $0xb8;
	[tilespmem:$0x1E800] =	vst v63  }
0x85: {  	_ =	swait.ge [sflag:s21], $0x4000  }
0x86: {  	[sflag:s21] =	ssyncset.done $0x0  }
0x87: {  	s2 =	simm.s32 $0x14100;
	[sflag:s21] =	ssyncadd.s32 $0xFFFFC000  }
0x88: {  	[tilespmem:s20], [sflag:$0x1] =	stream.indirect.gather [hbm4b:s4+s24], $0x80, s2, s24, $0xb8;
	[tilespmem:$0x1E800] =	vst v63  }
0x89: {  	_ =	swait.ge [sflag:s29], $0x4000  }
0x8a: {  	[sflag:s29] =	ssyncset.done $0x0  }
0x8b: {  	s6 =	simm.s32 $0x15480;
	[sflag:s29] =	ssyncadd.s32 $0xFFFFC000  }
0x8c: {  	[spmem:s1] =	stream.indirect.scatter.add.f32 [tilespmem:s26], [sflag:$0x3], $0x80, s6, s24, $0xb8;
	[tilespmem:$0x1E800] =	vst v63  }
0x8d: {  	_ =	swait.ge [sflag:s21], $0x4000  }
0x8e: {  	[sflag:s21] =	ssyncset.done $0x0  }
0x8f: {  	s0 =	simm.s32 $0x400;
	s2 =	simm.s32 $0x14180;
	[sflag:s21] =	ssyncadd.s32 $0xFFFFC000  }
.LBB2_6:
0x90: {  	[tilespmem:s26], [sflag:$0x2] =	stream.indirect.gather [hbm4b:s4+s24], $0x80, s2, s24, $0xb8;
	[tilespmem:$0x1E800] =	vst v63  }
0x91: {  	s2 =	smov.u32 s0  }
0x92: {  	p0 =	sne.s32 s0, $0x4800;
	s0 =	sadd.s32 $0x400, s0;
	_ =	swait.ge [sflag:s28], $0x4000  }
0x93: {  	s2 =	sshra.s32 s2, $0x2;
	[sflag:s28] =	ssyncset.done $0x0  }
0x94: {  	s6 =	sadd.s32 $0x15400, s2;
	[sflag:s28] =	ssyncadd.s32 $0xFFFFC000  }
0x95: {  	[spmem:s1] =	stream.indirect.scatter.add.f32 [tilespmem:s20], [sflag:$0x3], $0x80, s6, s24, $0xb8;
	[tilespmem:$0x1E800] =	vst v63  }
0x96: {  	_ =	swait.ge [sflag:s21], $0x4000  }
0x97: {  	[sflag:s21] =	ssyncset.done $0x0  }
0x98: {  	s6 =	sadd.s32 $0x14100, s2;
	[sflag:s21] =	ssyncadd.s32 $0xFFFFC000  }
0x99: {  	[tilespmem:s20], [sflag:$0x1] =	stream.indirect.gather [hbm4b:s4+s24], $0x80, s6, s24, $0xb8;
	[tilespmem:$0x1E800] =	vst v63  }
0x9a: {  	_ =	swait.ge [sflag:s29], $0x4000  }
0x9b: {  	[sflag:s29] =	ssyncset.done $0x0  }
.Ltmp2:
0x9c: {  	s6 =	sadd.s32 $0x15480, s2;
	[sflag:s29] =	ssyncadd.s32 $0xFFFFC000;
	(pc) =	sbr.rel @p0 .LBB2_6-.Ltmp2, $4  }
0x9d: {  	[spmem:s1] =	stream.indirect.scatter.add.f32 [tilespmem:s26], [sflag:$0x3], $0x80, s6, s24, $0xb8;
	[tilespmem:$0x1E800] =	vst v63  }
0x9e: {  	_ =	swait.ge [sflag:s21], $0x4000  }
0x9f: {  	[sflag:s21] =	ssyncset.done $0x0  }
0xa0: {  	s2 =	sadd.s32 $0x14180, s2;
	[sflag:s21] =	ssyncadd.s32 $0xFFFFC000  }
0xa1: {  	[tilespmem:s26], [sflag:$0x2] =	stream.indirect.gather [hbm4b:s4+s24], $0x80, s2, s24, $0xb8;
	[tilespmem:$0x1E800] =	vst v63  }
0xa2: {  	_ =	swait.ge [sflag:s28], $0x4000  }
0xa3: {  	[sflag:s28] =	ssyncset.done $0x0  }
0xa4: {  	[sflag:s28] =	ssyncadd.s32 $0xFFFFC000  }
0xa5: {  	[spmem:s1] =	stream.indirect.scatter.add.f32 [tilespmem:s20], [sflag:$0x3], $0x80, s30, s24, $0xb8;
	[tilespmem:$0x1E800] =	vst v63  }
0xa6: {  	_ =	swait.ge [sflag:s21], $0x4000  }
0xa7: {  	[sflag:s21] =	ssyncset.done $0x0  }
0xa8: {  	[sflag:s21] =	ssyncadd.s32 $0xFFFFC000  }
0xa9: {  	_ =	swait.ge [sflag:s29], $0x4000  }
0xaa: {  	[sflag:s29] =	ssyncset.done $0x0  }
0xab: {  	[sflag:s29] =	ssyncadd.s32 $0xFFFFC000  }
0xac: {  	[spmem:s1] =	stream.indirect.scatter.add.f32 [tilespmem:s26], [sflag:$0x3], $0x80, s31, s24, $0xb8;
	[tilespmem:$0x1E800] =	vst v63  }
0xad: {  	_ =	swait.ge [sflag:s21], $0x4000  }
0xae: {  	[sflag:s21] =	ssyncset.done $0x0  }
0xaf: {  	s0 =	simm.s32 $0x0;
	[sflag:s21] =	ssyncadd.s32 $0xFFFFC000  }
0xb0: {  	[tilespmem:s22], [sflag:$0x3] =	stream.linear.gather [hbm4b:s14+s0], $0x1400, $0x38;
	[tilespmem:$0x1E800] =	vst v63  }
0xb1: {  	_ =	swait.ge [sflag:s21], $0x1400  }
0xb2: {  	[sflag:s21] =	ssyncset.done $0x0  }
0xb3: {  	[sflag:s21] =	ssyncadd.s32 $0xFFFFEC00  }
0xb4: {  	[tilespmem:s23], [sflag:$0x3] =	stream.linear.gather [hbm4b:s15+s0], $0x1400, $0x38;
	[tilespmem:$0x1E800] =	vst v63  }
0xb5: {  	_ =	swait.ge [sflag:s21], $0x1400  }
0xb6: {  	[sflag:s21] =	ssyncset.done $0x0  }
0xb7: {  	[sflag:s21] =	ssyncadd.s32 $0xFFFFEC00  }
0xb8: {  	[tilespmem:s20], [sflag:$0x1] =	stream.indirect.gather [hbm4b:s4+s24], $0x80, s22, s24, $0xb8;
	[tilespmem:$0x1E800] =	vst v63  }
0xb9: {  	_ = 	snop  }
0xba: {  	[tilespmem:s26], [sflag:$0x2] =	stream.indirect.gather [hbm4b:s4+s24], $0x80, s25, s24, $0xb8;
	[tilespmem:$0x1E800] =	vst v63  }
0xbb: {  	_ =	swait.ge [sflag:s28], $0x4000  }
0xbc: {  	[sflag:s28] =	ssyncset.done $0x0  }
0xbd: {  	s6 =	simm.s32 $0x15400;
	[sflag:s28] =	ssyncadd.s32 $0xFFFFC000  }
0xbe: {  	[spmem:s1] =	stream.indirect.scatter.add.f32 [tilespmem:s20], [sflag:$0x3], $0x80, s6, s24, $0xb8;
	[tilespmem:$0x1E800] =	vst v63  }
0xbf: {  	_ =	swait.ge [sflag:s21], $0x4000  }
0xc0: {  	[sflag:s21] =	ssyncset.done $0x0  }
0xc1: {  	s2 =	simm.s32 $0x14100;
	[sflag:s21] =	ssyncadd.s32 $0xFFFFC000  }
0xc2: {  	[tilespmem:s20], [sflag:$0x1] =	stream.indirect.gather [hbm4b:s4+s24], $0x80, s2, s24, $0xb8;
	[tilespmem:$0x1E800] =	vst v63  }
0xc3: {  	_ =	swait.ge [sflag:s29], $0x4000  }
0xc4: {  	[sflag:s29] =	ssyncset.done $0x0  }
0xc5: {  	s6 =	simm.s32 $0x15480;
	[sflag:s29] =	ssyncadd.s32 $0xFFFFC000  }
0xc6: {  	[spmem:s1] =	stream.indirect.scatter.add.f32 [tilespmem:s26], [sflag:$0x3], $0x80, s6, s24, $0xb8;
	[tilespmem:$0x1E800] =	vst v63  }
0xc7: {  	_ =	swait.ge [sflag:s21], $0x4000  }
0xc8: {  	[sflag:s21] =	ssyncset.done $0x0  }
0xc9: {  	s0 =	simm.s32 $0x400;
	s2 =	simm.s32 $0x14180;
	[sflag:s21] =	ssyncadd.s32 $0xFFFFC000  }
.LBB2_8:
0xca: {  	[tilespmem:s26], [sflag:$0x2] =	stream.indirect.gather [hbm4b:s4+s24], $0x80, s2, s24, $0xb8;
	[tilespmem:$0x1E800] =	vst v63  }
0xcb: {  	s2 =	smov.u32 s0  }
0xcc: {  	p0 =	sne.s32 s0, $0x4800;
	s0 =	sadd.s32 $0x400, s0;
	_ =	swait.ge [sflag:s28], $0x4000  }
0xcd: {  	s2 =	sshra.s32 s2, $0x2;
	[sflag:s28] =	ssyncset.done $0x0  }
0xce: {  	s6 =	sadd.s32 $0x15400, s2;
	[sflag:s28] =	ssyncadd.s32 $0xFFFFC000  }
0xcf: {  	[spmem:s1] =	stream.indirect.scatter.add.f32 [tilespmem:s20], [sflag:$0x3], $0x80, s6, s24, $0xb8;
	[tilespmem:$0x1E800] =	vst v63  }
0xd0: {  	_ =	swait.ge [sflag:s21], $0x4000  }
0xd1: {  	[sflag:s21] =	ssyncset.done $0x0  }
0xd2: {  	s6 =	sadd.s32 $0x14100, s2;
	[sflag:s21] =	ssyncadd.s32 $0xFFFFC000  }
0xd3: {  	[tilespmem:s20], [sflag:$0x1] =	stream.indirect.gather [hbm4b:s4+s24], $0x80, s6, s24, $0xb8;
	[tilespmem:$0x1E800] =	vst v63  }
0xd4: {  	_ =	swait.ge [sflag:s29], $0x4000  }
0xd5: {  	[sflag:s29] =	ssyncset.done $0x0  }
.Ltmp3:
0xd6: {  	s6 =	sadd.s32 $0x15480, s2;
	[sflag:s29] =	ssyncadd.s32 $0xFFFFC000;
	(pc) =	sbr.rel @p0 .LBB2_8-.Ltmp3, $4  }
0xd7: {  	[spmem:s1] =	stream.indirect.scatter.add.f32 [tilespmem:s26], [sflag:$0x3], $0x80, s6, s24, $0xb8;
	[tilespmem:$0x1E800] =	vst v63  }
0xd8: {  	_ =	swait.ge [sflag:s21], $0x4000  }
0xd9: {  	[sflag:s21] =	ssyncset.done $0x0  }
0xda: {  	s2 =	sadd.s32 $0x14180, s2;
	[sflag:s21] =	ssyncadd.s32 $0xFFFFC000  }
0xdb: {  	[tilespmem:s26], [sflag:$0x2] =	stream.indirect.gather [hbm4b:s4+s24], $0x80, s2, s24, $0xb8;
	[tilespmem:$0x1E800] =	vst v63  }
0xdc: {  	_ =	swait.ge [sflag:s28], $0x4000  }
0xdd: {  	[sflag:s28] =	ssyncset.done $0x0  }
0xde: {  	[sflag:s28] =	ssyncadd.s32 $0xFFFFC000  }
0xdf: {  	[spmem:s1] =	stream.indirect.scatter.add.f32 [tilespmem:s20], [sflag:$0x3], $0x80, s30, s24, $0xb8;
	[tilespmem:$0x1E800] =	vst v63  }
0xe0: {  	_ =	swait.ge [sflag:s21], $0x4000  }
0xe1: {  	[sflag:s21] =	ssyncset.done $0x0  }
0xe2: {  	[sflag:s21] =	ssyncadd.s32 $0xFFFFC000  }
0xe3: {  	_ =	swait.ge [sflag:s29], $0x4000  }
0xe4: {  	[sflag:s29] =	ssyncset.done $0x0  }
0xe5: {  	[sflag:s29] =	ssyncadd.s32 $0xFFFFC000  }
0xe6: {  	[spmem:s1] =	stream.indirect.scatter.add.f32 [tilespmem:s26], [sflag:$0x3], $0x80, s31, s24, $0xb8;
	[tilespmem:$0x1E800] =	vst v63  }
0xe7: {  	_ =	swait.ge [sflag:s21], $0x4000  }
0xe8: {  	[sflag:s21] =	ssyncset.done $0x0  }
0xe9: {  	s0 =	simm.s32 $0x0;
	[sflag:s21] =	ssyncadd.s32 $0xFFFFC000  }
0xea: {  	[tilespmem:s22], [sflag:$0x3] =	stream.linear.gather [hbm4b:s16+s0], $0x1400, $0x38;
	[tilespmem:$0x1E800] =	vst v63  }
0xeb: {  	_ =	swait.ge [sflag:s21], $0x1400  }
0xec: {  	[sflag:s21] =	ssyncset.done $0x0  }
0xed: {  	[sflag:s21] =	ssyncadd.s32 $0xFFFFEC00  }
0xee: {  	[tilespmem:s23], [sflag:$0x3] =	stream.linear.gather [hbm4b:s17+s0], $0x1400, $0x38;
	[tilespmem:$0x1E800] =	vst v63  }
0xef: {  	_ =	swait.ge [sflag:s21], $0x1400  }
0xf0: {  	[sflag:s21] =	ssyncset.done $0x0  }
0xf1: {  	[sflag:s21] =	ssyncadd.s32 $0xFFFFEC00  }
0xf2: {  	[tilespmem:s20], [sflag:$0x1] =	stream.indirect.gather [hbm4b:s4+s24], $0x80, s22, s24, $0xb8;
	[tilespmem:$0x1E800] =	vst v63  }
0xf3: {  	_ = 	snop  }
0xf4: {  	[tilespmem:s26], [sflag:$0x2] =	stream.indirect.gather [hbm4b:s4+s24], $0x80, s25, s24, $0xb8;
	[tilespmem:$0x1E800] =	vst v63  }
0xf5: {  	_ =	swait.ge [sflag:s28], $0x4000  }
0xf6: {  	[sflag:s28] =	ssyncset.done $0x0  }
0xf7: {  	s6 =	simm.s32 $0x15400;
	[sflag:s28] =	ssyncadd.s32 $0xFFFFC000  }
0xf8: {  	[spmem:s1] =	stream.indirect.scatter.add.f32 [tilespmem:s20], [sflag:$0x3], $0x80, s6, s24, $0xb8;
	[tilespmem:$0x1E800] =	vst v63  }
0xf9: {  	_ =	swait.ge [sflag:s21], $0x4000  }
0xfa: {  	[sflag:s21] =	ssyncset.done $0x0  }
0xfb: {  	s2 =	simm.s32 $0x14100;
	[sflag:s21] =	ssyncadd.s32 $0xFFFFC000  }
0xfc: {  	[tilespmem:s20], [sflag:$0x1] =	stream.indirect.gather [hbm4b:s4+s24], $0x80, s2, s24, $0xb8;
	[tilespmem:$0x1E800] =	vst v63  }
0xfd: {  	_ =	swait.ge [sflag:s29], $0x4000  }
0xfe: {  	[sflag:s29] =	ssyncset.done $0x0  }
0xff: {  	s6 =	simm.s32 $0x15480;
	[sflag:s29] =	ssyncadd.s32 $0xFFFFC000  }
0x100: {  	[spmem:s1] =	stream.indirect.scatter.add.f32 [tilespmem:s26], [sflag:$0x3], $0x80, s6, s24, $0xb8;
	[tilespmem:$0x1E800] =	vst v63  }
0x101: {  	_ =	swait.ge [sflag:s21], $0x4000  }
0x102: {  	[sflag:s21] =	ssyncset.done $0x0  }
0x103: {  	s0 =	simm.s32 $0x400;
	s2 =	simm.s32 $0x14180;
	[sflag:s21] =	ssyncadd.s32 $0xFFFFC000  }
.LBB2_10:
0x104: {  	[tilespmem:s26], [sflag:$0x2] =	stream.indirect.gather [hbm4b:s4+s24], $0x80, s2, s24, $0xb8;
	[tilespmem:$0x1E800] =	vst v63  }
0x105: {  	s2 =	smov.u32 s0  }
0x106: {  	p0 =	sne.s32 s0, $0x4800;
	s0 =	sadd.s32 $0x400, s0;
	_ =	swait.ge [sflag:s28], $0x4000  }
0x107: {  	s2 =	sshra.s32 s2, $0x2;
	[sflag:s28] =	ssyncset.done $0x0  }
0x108: {  	s6 =	sadd.s32 $0x15400, s2;
	[sflag:s28] =	ssyncadd.s32 $0xFFFFC000  }
0x109: {  	[spmem:s1] =	stream.indirect.scatter.add.f32 [tilespmem:s20], [sflag:$0x3], $0x80, s6, s24, $0xb8;
	[tilespmem:$0x1E800] =	vst v63  }
0x10a: {  	_ =	swait.ge [sflag:s21], $0x4000  }
0x10b: {  	[sflag:s21] =	ssyncset.done $0x0  }
0x10c: {  	s6 =	sadd.s32 $0x14100, s2;
	[sflag:s21] =	ssyncadd.s32 $0xFFFFC000  }
0x10d: {  	[tilespmem:s20], [sflag:$0x1] =	stream.indirect.gather [hbm4b:s4+s24], $0x80, s6, s24, $0xb8;
	[tilespmem:$0x1E800] =	vst v63  }
0x10e: {  	_ =	swait.ge [sflag:s29], $0x4000  }
0x10f: {  	[sflag:s29] =	ssyncset.done $0x0  }
.Ltmp4:
0x110: {  	s6 =	sadd.s32 $0x15480, s2;
	[sflag:s29] =	ssyncadd.s32 $0xFFFFC000;
	(pc) =	sbr.rel @p0 .LBB2_10-.Ltmp4, $4  }
0x111: {  	[spmem:s1] =	stream.indirect.scatter.add.f32 [tilespmem:s26], [sflag:$0x3], $0x80, s6, s24, $0xb8;
	[tilespmem:$0x1E800] =	vst v63  }
0x112: {  	_ =	swait.ge [sflag:s21], $0x4000  }
0x113: {  	[sflag:s21] =	ssyncset.done $0x0  }
0x114: {  	s2 =	sadd.s32 $0x14180, s2;
	[sflag:s21] =	ssyncadd.s32 $0xFFFFC000  }
0x115: {  	[tilespmem:s26], [sflag:$0x2] =	stream.indirect.gather [hbm4b:s4+s24], $0x80, s2, s24, $0xb8;
	[tilespmem:$0x1E800] =	vst v63  }
0x116: {  	_ =	swait.ge [sflag:s28], $0x4000  }
0x117: {  	[sflag:s28] =	ssyncset.done $0x0  }
0x118: {  	[sflag:s28] =	ssyncadd.s32 $0xFFFFC000  }
0x119: {  	[spmem:s1] =	stream.indirect.scatter.add.f32 [tilespmem:s20], [sflag:$0x3], $0x80, s30, s24, $0xb8;
	[tilespmem:$0x1E800] =	vst v63  }
0x11a: {  	_ =	swait.ge [sflag:s21], $0x4000  }
0x11b: {  	[sflag:s21] =	ssyncset.done $0x0  }
0x11c: {  	[sflag:s21] =	ssyncadd.s32 $0xFFFFC000  }
0x11d: {  	_ =	swait.ge [sflag:s29], $0x4000  }
0x11e: {  	[sflag:s29] =	ssyncset.done $0x0  }
0x11f: {  	[sflag:s29] =	ssyncadd.s32 $0xFFFFC000  }
0x120: {  	[spmem:s1] =	stream.indirect.scatter.add.f32 [tilespmem:s26], [sflag:$0x3], $0x80, s31, s24, $0xb8;
	[tilespmem:$0x1E800] =	vst v63  }
0x121: {  	s0 =	stileid.u32;
	_ =	swait.ge [sflag:s21], $0x4000  }
0x122: {  	s6 =	sshrl.u32 s5, $0x3;
	s3 =	sadd.s32 $0x1, s3;
	[sflag:s21] =	ssyncset.done $0x0  }
0x123: {  	s0 =	sshll.u32 s0, $0x6;
	p0 =	sne.s32 s3, s19;
	[sflag:s21] =	ssyncadd.s32 $0xFFFFC000  }
.Ltmp5:
0x124: {  	s0 =	sor.u32 $0x1C03, s0;
	[bflag:$0x0] =	sbarrier.arrive $0xFFFF;
	(pc) =	sbr.rel @p0 .LBB2_1-.Ltmp5, $4  }
0x125: {  	[hbm:s18], [sflag:s0] =	dma.local [spmem:s6], $0x2800  }
0x126: {  	_ =	swait.ge [sflag:s21], $0x2800  }
0x127: {  	[sflag:s21] =	ssyncset.done $0x0  }
0x128: {  	[sflag:s21] =	ssyncadd.s32 $0xFFFFD800  }
0x129: {  	_ =	sfence.sel $0x180000  }
0x12a: {  	[bflag:$0x0] =	sbarrier.arrive $0xFFFF  }
0x12b: {  	_ =	strace $0x9000004A  }
0x12c: {  	s0 =	stileid.u32;
	[bflag:$0x2] =	sbarrier.arrive $0xFFFF  }
0x12d: {  	p0 =	sne.s32 s0, $0x0;
	s0 =	rddreg [dreg:$0x4]  }
0x12e: {  	s0 =	sadd.s32 @!p0 $0x100000, s0  }
0x12f: {  	[sflag:s0] =	ssyncadd.tile.s32 @!p0 $0x1;
	_ =	shalt  }
.Lfunc_end2:
_tile_overlayer_lowered:
.L_overlay_start_2:
0x130: {  	(tag) =	ssettag $0x2  }
0x131: {  	s0 =	rddreg [dreg:$0x0];
	s2 =	stileid.u32  }
0x132: {  	s1 =	rddreg [dreg:$0x1];
	p0 =	sne.s32 s2, $0x0  }
0x133: {  	s3 =	rddreg [dreg:$0x2];
	[bflag:$0x3] =	sbarrier.arrive $0xFFFF;
	s2 =	simm.s32 @!p0 $0x1C03  }
0x134: {  	[timem:s3], [sflag:s2] =	dma.local @!p0 [hbm:s0], s1  }
0x135: {  	s0 =	simm.s32 @!p0 $0x3  }
0x136: {  	_ =	swait.ge @!p0 [sflag:s0], s1  }
0x137: {  	s1 =	ssub.s32 @!p0 $0x0, s1;
	[sflag:s0] =	ssyncset.done @!p0 $0x0  }
0x138: {  	[sflag:s0] =	ssyncadd.s32 @!p0 s1  }
0x139: {  	[bflag:$0x3] =	sbarrier.arrive $0xFFFF  }
0x13a: {  	_ =	shalt  }

// kernel: kernel.7.cloned.1.call-start
scs
__scs_entry_jumppad:
0x0: {  	(pc) =	sbr.rel $0x88, $3  }
0x1: {  	(tag) =	ssettag $0x0;
	lr =	simm.s32 $0x1  }
0x2: {  	[smem:$0x3F91] =	sst lr;
	_ =	strace $0xD0000000  }
0x3: {  	_ = 	snop  }
0x4: {  	_ = 	snop  }
0x5: {  	_ = 	snop  }
0x6: {  	_ = 	snop  }
0x7: {  	_ = 	snop  }
__scs_overlays_trampoline_lowered:
0x8: {  	[smem:$0x3FA0] =	sst s0  }
0x9: {  	[smem:$0x3FA1] =	sst s1  }
0xa: {  	[smem:$0x3FA2] =	sst s2  }
0xb: {  	[smem:$0x3FA3] =	sst s3  }
0xc: {  	[smem:$0x3FA4] =	sst s4  }
0xd: {  	[smem:$0x3FA5] =	sst s5  }
0xe: {  	[smem:$0x3FA6] =	sst s6  }
0xf: {  	[smem:$0x3FA7] =	sst s7  }
0x10: {  	[smem:$0x3FA8] =	sst s8  }
0x11: {  	[smem:$0x3FA9] =	sst s9;
	s0 =	simm.s32 @!p0 $0x0  }
0x12: {  	s1 =	sld [smem:$0x3F8F];
	s0 =	simm.s32 @p0 $0x1  }
0x13: {  	[smem:$0x3FAA] =	sst s0;
	s0 =	simm.s32 @!p1 $0x0  }
0x14: {  	s2 =	sld [smem:$0x3F8E];
	s0 =	simm.s32 @p1 $0x1  }
0x15: {  	[smem:$0x3FAB] =	sst s0;
	s0 =	simm.s32 @!p2 $0x0  }
0x16: {  	s3 =	sld [smem:$0x3FDB];
	s0 =	simm.s32 @p2 $0x1  }
0x17: {  	s4 =	simm.s32 $0x1BF5;
	[smem:$0x3FAD] =	sst s0  }
0x18: {  	s0 =	sld [smem:$0x3F90];
	_ =	swait.ge [sflag:s4], $0x0  }
0x19: {  	s7 =	sld [smem:$0x3F91]  }
0x1a: {  	s8 =	sadd.s32 $0xFFFFE003, lr  }
0x1b: {  	s9 =	sadd.s32 $0xFFFFFEF7, lr;
	s5 =	simm.s32 $0xFFFFFFFF;
	p2 =	slt.u32 s8, $0xFFFFF086  }
0x1c: {  	p1 =	slt.u32 s9, $0xF7A;
	s5 =	simm.s32 @!p2 $0x0  }
0x1d: {  	s5 =	simm.s32 @p1 $0x1;
	p0 =	seq.s32 s7, s2  }
0x1e: {  	s7 =	smul.u32 @!p0 $0xF7A, s2;
	p2 =	seq.s32 @!p0 s5, $0x0  }
0x1f: {  	s9 =	smul.u32 $0xF7A, s1;
	s8 =	simm.s32 @!p0 $0x1BF5;
	p2 =	por !p2, p0  }
0x20: {  	[sflag:s8] =	ssyncset.s32 @!p0 $0xFFFFF086;
	s6 =	sadd.s32 @!p0 s3, s7;
	s7 =	simm.s32 @!p0 $0x108  }
0x21: {  	s3 =	sadd.s32 s3, s9;
	s6 =	sadd.s32 @!p0 $0x88, s6;
	s7 =	simm.s32 @p2 $0x1082  }
0x22: {  	[simem:s7], [sflag:s8] =	dma.local @!p0 [hbm:s6], $0xF7A  }
0x23: {  	s9 =	sor.u32 $0xD0000000, s2;
	s6 =	simm.s32 $0x108;
	_ =	swait.ge @!p0 [sflag:s8], $0x0  }
0x24: {  	s3 =	sadd.s32 $0x88, s3;
	s6 =	simm.s32 @!p1 $0x1082;
	[sflag:s4] =	ssyncset.s32 $0xFFFFF086  }
0x25: {  	[simem:s6], [sflag:s4] =	dma.local [hbm:s3], $0xF7A  }
0x26: {  	[smem:$0x3F91] =	sst s1;
	(tag) =	ssettag s2;
	_ =	strace s9  }
0x27: {  	s1 =	sld [smem:$0x3FA1]  }
0x28: {  	s2 =	sld [smem:$0x3FA2]  }
0x29: {  	s4 =	sld [smem:$0x3FA4]  }
0x2a: {  	p0 =	seq.s32 s5, $0x0;
	s5 =	sld [smem:$0x3FA5]  }
0x2b: {  	s6 =	sld [smem:$0x3FA6]  }
0x2c: {  	s7 =	sld [smem:$0x3FA7]  }
0x2d: {  	s3 =	simm.s32 $0x108;
	s8 =	sld [smem:$0x3FA8]  }
0x2e: {  	s3 =	simm.s32 @!p0 $0x1082;
	s9 =	sld [smem:$0x3FA9]  }
0x2f: {  	lr =	sadd.s32 s0, s3;
	s0 =	sld [smem:$0x3FA0]  }
0x30: {  	s3 =	sld [smem:$0x3FA3]  }
0x31: {  	[smem:$0x3FAC] =	sst s10  }
0x32: {  	s10 =	sld [smem:$0x3FAA];
	_ =	sdelay $0x3  }
0x33: {  	p0 =	seq.s32 s10, $0x1;
	s10 =	sld [smem:$0x3FAC];
	_ =	sdelay $0x3  }
0x34: {  	[smem:$0x3FAC] =	sst s10  }
0x35: {  	s10 =	sld [smem:$0x3FAB];
	_ =	sdelay $0x3  }
0x36: {  	p1 =	seq.s32 s10, $0x1;
	s10 =	sld [smem:$0x3FAC];
	_ =	sdelay $0x3  }
0x37: {  	[smem:$0x3FAC] =	sst s10  }
0x38: {  	s10 =	sld [smem:$0x3FAD]  }
0x39: {  	_ = 	snop;
	(pc) =	sbr.ind lr, $3  }
0x3a: {  	_ = 	snop  }
0x3b: {  	_ = 	snop  }
0x3c: {  	p2 =	seq.s32 s10, $0x1;
	s10 =	sld [smem:$0x3FAC]  }
0x3d: {  	_ =	shalt  }
0x3e: {  	_ =	shalt  }
0x3f: {  	_ =	shalt  }
0x40: {  	_ =	shalt  }
0x41: {  	_ =	shalt  }
0x42: {  	_ =	shalt  }
0x43: {  	_ =	shalt  }
0x44: {  	_ =	shalt  }
0x45: {  	_ =	shalt  }
0x46: {  	_ =	shalt  }
0x47: {  	_ =	shalt  }
0x48: {  	_ =	shalt  }
0x49: {  	_ =	shalt  }
0x4a: {  	_ =	shalt  }
0x4b: {  	_ =	shalt  }
0x4c: {  	_ =	shalt  }
0x4d: {  	_ =	shalt  }
0x4e: {  	_ =	shalt  }
0x4f: {  	_ =	shalt  }
0x50: {  	_ =	shalt  }
0x51: {  	_ =	shalt  }
0x52: {  	_ =	shalt  }
0x53: {  	_ =	shalt  }
0x54: {  	_ =	shalt  }
0x55: {  	_ =	shalt  }
0x56: {  	_ =	shalt  }
0x57: {  	_ =	shalt  }
0x58: {  	_ =	shalt  }
0x59: {  	_ =	shalt  }
0x5a: {  	_ =	shalt  }
0x5b: {  	_ =	shalt  }
0x5c: {  	_ =	shalt  }
0x5d: {  	_ =	shalt  }
0x5e: {  	_ =	shalt  }
0x5f: {  	_ =	shalt  }
0x60: {  	_ =	shalt  }
0x61: {  	_ =	shalt  }
0x62: {  	_ =	shalt  }
0x63: {  	_ =	shalt  }
0x64: {  	_ =	shalt  }
0x65: {  	_ =	shalt  }
0x66: {  	_ =	shalt  }
0x67: {  	_ =	shalt  }
0x68: {  	_ =	shalt  }
0x69: {  	_ =	shalt  }
0x6a: {  	_ =	shalt  }
0x6b: {  	_ =	shalt  }
0x6c: {  	_ =	shalt  }
0x6d: {  	_ =	shalt  }
0x6e: {  	_ =	shalt  }
0x6f: {  	_ =	shalt  }
0x70: {  	_ =	shalt  }
0x71: {  	_ =	shalt  }
0x72: {  	_ =	shalt  }
0x73: {  	_ =	shalt  }
0x74: {  	_ =	shalt  }
0x75: {  	_ =	shalt  }
0x76: {  	_ =	shalt  }
0x77: {  	_ =	shalt  }
0x78: {  	_ =	shalt  }
0x79: {  	_ =	shalt  }
0x7a: {  	_ =	shalt  }
0x7b: {  	_ =	shalt  }
0x7c: {  	_ =	shalt  }
0x7d: {  	_ =	shalt  }
0x7e: {  	_ =	shalt  }
0x7f: {  	_ =	shalt  }
0x80: {  	_ =	shalt  }
0x81: {  	_ =	shalt  }
0x82: {  	_ =	shalt  }
0x83: {  	_ =	shalt  }
0x84: {  	_ =	shalt  }
0x85: {  	_ =	shalt  }
0x86: {  	_ =	shalt  }
0x87: {  	_ =	shalt  }
.Lfunc_end0:
.L_simem_size_0:
called_computation_lowered:
.L_overlay_start_0:
0x88: {  	s2 =	sld [smem:$0x3FD9]  }
0x89: {  	s3 =	sld [smem:$0x3FFE];
	_ =	sdelay $0x1  }
0x8a: {  	s1 =	srdreg.scid  }
0x8b: {  	s0 =	sand.u32 $0x1, s1  }
0x8c: {  	s14 =	sshll.u32 s0, $0xA;
	s2 =	sadd.s32 s3, s2  }
0x8d: {  	s2 =	sadd.s32 s2, s14  }
0x8e: {  	[smem:$0x3FB8] =	sst s2  }
0x8f: {  	_ = 	snop  }
0x90: {  	s2 =	sld [smem:$0x3FD0];
	_ =	sdelay $0x2  }
0x91: {  	s15 =	simm.s32 $0xA;
	s4 =	simm.s32 $0x10  }
0x92: {  	[smem:s4], [sflag:s15] =	dma.local [hbm:s2], $0x1  }
0x93: {  	_ =	swait.eq [sflag:s15], $0x1  }
0x94: {  	[sflag:s15] =	ssyncset.done $0x0  }
0x95: {  	s16 =	sld [smem:$0x10];
	[sflag:s15] =	ssyncadd.s32 $0xFFFFFFFF  }
0x96: {  	s17 =	sld [smem:$0x11];
	(tm) =	ssettm $0x1  }
0x97: {  	s18 =	sld [smem:$0x3FFB];
	_ =	sdelay $0x3  }
0x98: {  	_ =	strace s18  }
0x99: {  	s4 =	sld [smem:$0x3FFC];
	_ =	sdelay $0x3  }
0x9a: {  	_ =	strace s4  }
0x9b: {  	s4 =	sld [smem:$0x3FFD];
	_ =	sdelay $0x3  }
0x9c: {  	_ =	strace s4  }
0x9d: {  	_ =	strace $0x8FFFFFFF  }
0x9e: {  	s19 =	sld [smem:$0x3FDB];
	_ =	sdelay $0x1  }
0x9f: {  	s5 =	simm.s32 $_scs_section_size  }
0xa0: {  	s6 =	simm.s32 $_size__tile_overlayer_lowered;
	s7 =	simm.s32 $_tile_overlayer_lowered  }
0xa1: {  	s22 =	simm.s32 $0x1BFF;
	s21 =	sshll.u32 s7, $0x1;
	s4 =	sadd.s32 s5, s19  }
0xa2: {  	s8 =	simm.s32 $0x0;
	s20 =	sshll.u32 s6, $0x1;
	s6 =	sadd.s32 s21, s4  }
0xa3: {  	[timem:s8], [sflag:s22] =	dma.local [hbm:s6], s20  }
0xa4: {  	_ =	swait.ge [sflag:s22], s20  }
0xa5: {  	s5 =	ssub.s32 $0x0, s20;
	[sflag:s22] =	ssyncset.done $0x0  }
0xa6: {  	[sflag:s22] =	ssyncadd.s32 s5;
	_ =	sdelay $0x1  }
0xa7: {  	s23 =	simm.s32 $0x1B8B  }
0xa8: {  	_ =	swait.ge [sflag:s23], $0x1  }
0xa9: {  	[sflag:s23] =	ssyncset.done $0x0  }
0xaa: {  	s25 =	simm.s32 $0x1B8E;
	s24 =	sld [smem:$0x3FFE];
	[sflag:s23] =	ssyncadd.s32 $0xFFFFFFFF  }
0xab: {  	s26 =	simm.s32 $execute0_lowered;
	[smem:$0x3FD2] =	sst s25  }
0xac: {  	s6 =	sshll.u32 s26, $0x1;
	_ =	strace $0x80000046;
	[dreg:$0x1] =	wrdreg $0xFFFFFFFF  }
0xad: {  	s28 =	simm.s32 $_size_execute0_lowered;
	s4 =	sadd.s32 s4, s6;
	[dreg:$0x0] =	wrdreg $0x0  }
0xae: {  	s6 =	sshll.u32 s28, $0x1;
	[dreg:$0x2] =	wrdreg s4  }
0xaf: {  	[dreg:$0x3] =	wrdreg s6  }
0xb0: {  	[dreg:$0x4] =	wrdreg $0xC0  }
0xb1: {  	_ =	task [dreg:s8], $0x5FFFF  }
0xb2: {  	[dreg:$0x1] =	wrdreg $0xFFFFFFFF  }
0xb3: {  	[dreg:$0x0] =	wrdreg $0x60  }
0xb4: {  	[dreg:$0x2] =	wrdreg s24  }
0xb5: {  	[dreg:$0x3] =	wrdreg s17  }
0xb6: {  	[dreg:$0x4] =	wrdreg s16  }
0xb7: {  	[dreg:$0x5] =	wrdreg $0x0  }
0xb8: {  	[dreg:$0x6] =	wrdreg $0x140000  }
0xb9: {  	[dreg:$0x7] =	wrdreg $0x9  }
0xba: {  	_ =	task.clear_ibuf [dreg:s8], $0x8FFFF;
	_ =	strace $0x90000046  }
0xbb: {  	s29 =	simm.s32 $0x9;
	_ =	strace $0x80000048  }
0xbc: {  	_ =	swait.ge [sflag:s29], $0x1  }
0xbd: {  	[sflag:s29] =	ssyncadd.s32 $0xFFFFFFFF  }
0xbe: {  	_ =	strace $0x90000048  }
0xbf: {  	_ =	sfence  }
0xc0: {  	s30 =	sld [smem:$0x0];
	_ =	sdelay $0x2  }
0xc1: {  	s31 =	sshll.u32 s1, $0xD;
	s1 =	sshrl.u32 s1, $0x2  }
0xc2: {  	s3 =	sand.u32 $0x4000, s31;
	s1 =	sadd.s32 s1, s30  }
0xc3: {  	s0 =	sor.u32 s3, s0;
	s1 =	sshll.u32 s1, $0x11  }
0xc4: {  	s0 =	sor.u32 s1, s0  }
0xc5: {  	s0 =	sadd.s32 $0x8F2B, s0  }
0xc6: {  	[sflag:s0] =	ssyncadd.remote.s32 $0x1  }
0xc7: {  	_ =	sfence.sel $0xFFFF  }
0xc8: {  	[dreg:$0x0] =	wrdreg $0xFFFFFFFF;
	(pc) =	sbr.abs _section_cstart, $3  }
0xc9: {  	[dreg:$0x1] =	wrdreg $0xFFFFFFFF  }
0xca: {  	_ =	task.clear_ibuf [dreg:s8], $0x2FFFF;
	_ =	strace $0x9FFFFFFF  }
0xcb: {  	(tm) =	ssettm $0x7FFFFFFF  }
tec
execute0_lowered:
.L_overlay_start_1:
0x0: {  	(tag) =	ssettag $0x1  }
0x1: {  	s0 =	rddreg [dreg:$0x0]  }
0x2: {  	s1 =	rddreg [dreg:$0x1]  }
0x3: {  	s7 =	rddreg [dreg:$0x2]  }
0x4: {  	s2 =	rddreg [dreg:$0x3]  }
0x5: {  	s4 =	srdreg.scid;
	s14 =	stileid.u32  }
0x6: {  	s3 =	rddreg [dreg:$0x4];
	s9 =	smul.u32 $0x14000, s14  }
0x7: {  	s28 =	simm.s32 $0x15680;
	s29 =	simm.s32 $0x80;
	s10 =	smul.u32 $0x500, s14  }
0x8: {  	s30 =	simm.s32 $0x14300;
	s31 =	simm.s32 $0x1AA80;
	s25 =	smul.u32 $0x50000, s14  }
0x9: {  	s6 =	sand.u32 $0x1, s4;
	s4 =	simm.s32 $0x0;
	s26 =	smul.u32 $0xA00, s14  }
0xa: {  	s5 =	sadd.s32 $0x2800, s0;
	s16 =	smul.u32 $0x5000, s14;
	s14 =	simm.s32 $0x10  }
0xb: {  	s8 =	smul.u32 $0x140000, s6;
	[smem:$0x7FF] =	sst s4;
	s11 =	sshll.u32 s6, $0x7  }
0xc: {  	s15 =	ssub.s32 $0x2, s6;
	s12 =	smul.u32 $0x50000, s6;
	_ =	strace $0x80000047  }
0xd: {  	s24 =	sor.u32 s11, s10;
	s10 =	sshrl.u32 s25, $0x2;
	s13 =	sshrl.u32 s15, $0x1  }
0xe: {  	s8 =	sadd.s32 s9, s8;
	s9 =	sshrl.u32 s24, $0x3;
	s6 =	sadd.s32 s10, s2  }
0xf: {  	s22 =	ssub.s32 s15, s13;
	s10 =	sadd.s32 s16, s12;
	s8 =	sshrl.u32 s8, $0x3  }
0x10: {  	s17 =	sadd.s32 $0x4000, s6;
	s18 =	sadd.s32 $0x8000, s6;
	s19 =	sadd.s32 $0xC000, s6  }
0x11: {  	s20 =	sadd.s32 $0x10000, s6;
	s21 =	sshrl.u32 s10, $0x3;
	[dreg:$0x6] =	wrdreg s17  }
0x12: {  	s22 =	smax.u32 s22, $0x1;
	s8 =	sadd.s32 s8, s0;
	[dreg:$0x7] =	wrdreg s18  }
0x13: {  	s0 =	sadd.s32 s9, s0;
	[dreg:$0x8] =	wrdreg s19;
	s9 =	sshrl.u32 s26, $0x2  }
0x14: {  	[dreg:$0x9] =	wrdreg s20;
	s10 =	sadd.s32 s1, s21;
	s23 =	sadd.s32 s7, s21  }
0x15: {  	s24 =	sadd.s32 $0x280, s21;
	s26 =	sadd.s32 $0x500, s21;
	[dreg:$0xa] =	wrdreg s10  }
0x16: {  	s11 =	sadd.s32 s9, s3;
	[dreg:$0xb] =	wrdreg s23;
	s25 =	sadd.s32 s1, s24  }
0x17: {  	s15 =	sadd.s32 s7, s24;
	s16 =	sadd.s32 s1, s26;
	s17 =	sadd.s32 s7, s26  }
0x18: {  	s9 =	sadd.s32 $0x780, s21;
	s20 =	sadd.s32 $0x51400, s8;
	s21 =	sadd.s32 $0x50A00, s0  }
0x19: {  	s23 =	simm.s32 $0x16A80;
	s24 =	simm.s32 $0x4;
	s26 =	simm.s32 $0x14280  }
0x1a: {  	s0 =	simm.s32 $0x1;
	s8 =	simm.s32 $0x16A00;
	[dreg:$0xc] =	wrdreg s25  }
0x1b: {  	s18 =	sadd.s32 s1, s9;
	s19 =	sadd.s32 s7, s9;
	s25 =	simm.s32 $0x1ED00  }
0x1c: {  	v0 =	vimm.f32 $0.0e+00;
	v1 =	vimm.f32 $1.000000000e+00;
	s1 =	simm.s32 $0x2;
	s7 =	simm.s32 $0x16980;
	s9 =	simm.s32 $0x3  }
.LBB2_1:
0x1d: {  	s10 =	simm.s32 $0x0;
	s12 =	simm.s32 $0x200  }
.LBB2_2:
0x1e: {  	p0 =	sne.s32 s12, $0xFE00;
	[tilespmem:s10+$0x16AF0] =	vst v0  }
0x1f: {  	[tilespmem:s10+$0x16A80] =	vst v0  }
0x20: {  	[tilespmem:s10+$0x16A90] =	vst v0  }
.Ltmp0:
0x21: {  	[tilespmem:s10+$0x16AA0] =	vst v0;
	(pc) =	sbr.rel @p0 .LBB2_2-.Ltmp0, $4  }
0x22: {  	[tilespmem:s10+$0x16AB0] =	vst v0  }
0x23: {  	[tilespmem:s10+$0x16AC0] =	vst v0  }
0x24: {  	[tilespmem:s10+$0x16AD0] =	vst v0  }
0x25: {  	[tilespmem:s10+$0x16AE0] =	vst v0;
	s10 =	sshra.s32 s12, $0x2;
	s12 =	sadd.s32 $0x200, s12  }
0x26: {  	[tilespmem:s10+$0x16AF0] =	vst v0  }
0x27: {  	[tilespmem:s10+$0x16A80] =	vst v0  }
0x28: {  	[tilespmem:s10+$0x16A90] =	vst v0  }
0x29: {  	[tilespmem:s10+$0x16AA0] =	vst v0  }
0x2a: {  	[tilespmem:s10+$0x16AB0] =	vst v0  }
0x2b: {  	[tilespmem:s10+$0x16AC0] =	vst v0  }
0x2c: {  	[tilespmem:s10+$0x16AD0] =	vst v0  }
0x2d: {  	[tilespmem:s10+$0x16AE0] =	vst v0  }
0x2e: {  	[spmem:s6] =	stream.linear.scatter [tilespmem:s23], [sflag:$0x4], $0x4000, $0x38;
	[tilespmem:$0x1ED80] =	vst v63  }
0x2f: {  	_ =	swait.ge [sflag:s24], $0x4000  }
0x30: {  	[sflag:s24] =	ssyncset.done $0x0  }
0x31: {  	s12 =	rddreg [dreg:$0x6];
	[sflag:s24] =	ssyncadd.s32 $0xFFFFC000  }
0x32: {  	[spmem:s12] =	stream.linear.scatter [tilespmem:s23], [sflag:$0x4], $0x4000, $0x38;
	[tilespmem:$0x1ED80] =	vst v63  }
0x33: {  	_ =	swait.ge [sflag:s24], $0x4000  }
0x34: {  	[sflag:s24] =	ssyncset.done $0x0  }
0x35: {  	s13 =	rddreg [dreg:$0x7];
	[sflag:s24] =	ssyncadd.s32 $0xFFFFC000  }
0x36: {  	[spmem:s13] =	stream.linear.scatter [tilespmem:s23], [sflag:$0x4], $0x4000, $0x38;
	[tilespmem:$0x1ED80] =	vst v63  }
0x37: {  	_ =	swait.ge [sflag:s24], $0x4000  }
0x38: {  	[sflag:s24] =	ssyncset.done $0x0  }
0x39: {  	s12 =	rddreg [dreg:$0x8];
	[sflag:s24] =	ssyncadd.s32 $0xFFFFC000  }
0x3a: {  	[spmem:s12] =	stream.linear.scatter [tilespmem:s23], [sflag:$0x4], $0x4000, $0x38;
	[tilespmem:$0x1ED80] =	vst v63  }
0x3b: {  	_ =	swait.ge [sflag:s24], $0x4000  }
0x3c: {  	[sflag:s24] =	ssyncset.done $0x0  }
0x3d: {  	s13 =	rddreg [dreg:$0x9];
	[sflag:s24] =	ssyncadd.s32 $0xFFFFC000  }
0x3e: {  	[spmem:s13] =	stream.linear.scatter [tilespmem:s23], [sflag:$0x4], $0x4000, $0x38;
	[tilespmem:$0x1ED80] =	vst v63  }
0x3f: {  	_ =	swait.ge [sflag:s24], $0x4000  }
0x40: {  	[sflag:s24] =	ssyncset.done $0x0  }
0x41: {  	[sflag:s24] =	ssyncadd.s32 $0xFFFFC000  }
0x42: {  	[tilespmem:$0x1EA80] =	vst v0  }
0x43: {  	[tilespmem:$0x1EA90] =	vst v0  }
0x44: {  	[tilespmem:$0x1EAA0] =	vst v0  }
0x45: {  	[tilespmem:$0x1EAB0] =	vst v0  }
0x46: {  	[tilespmem:$0x1EAC0] =	vst v0  }
0x47: {  	[tilespmem:$0x1EAD0] =	vst v0  }
0x48: {  	[tilespmem:$0x1EAE0] =	vst v0  }
0x49: {  	[tilespmem:$0x1EAF0] =	vst v0  }
0x4a: {  	[tilespmem:$0x1EB00] =	vst v0  }
0x4b: {  	[tilespmem:$0x1EB10] =	vst v0  }
0x4c: {  	[tilespmem:$0x1EB20] =	vst v0  }
0x4d: {  	[tilespmem:$0x1EB30] =	vst v0  }
0x4e: {  	[tilespmem:$0x1EB40] =	vst v0  }
0x4f: {  	[tilespmem:$0x1EB50] =	vst v0  }
0x50: {  	[tilespmem:$0x1EB60] =	vst v0  }
0x51: {  	[tilespmem:$0x1EB70] =	vst v0  }
0x52: {  	[tilespmem:$0x1EB80] =	vst v0  }
0x53: {  	[tilespmem:$0x1EB90] =	vst v0  }
0x54: {  	[tilespmem:$0x1EBA0] =	vst v0  }
0x55: {  	[tilespmem:$0x1EBB0] =	vst v0  }
0x56: {  	[tilespmem:$0x1EBC0] =	vst v0  }
0x57: {  	[tilespmem:$0x1EBD0] =	vst v0  }
0x58: {  	[tilespmem:$0x1EBE0] =	vst v0  }
0x59: {  	[tilespmem:$0x1EBF0] =	vst v0  }
0x5a: {  	[tilespmem:$0x1EC00] =	vst v0  }
0x5b: {  	[tilespmem:$0x1EC10] =	vst v0  }
0x5c: {  	[tilespmem:$0x1EC20] =	vst v0  }
0x5d: {  	[tilespmem:$0x1EC30] =	vst v0  }
0x5e: {  	[tilespmem:$0x1EC40] =	vst v0  }
0x5f: {  	[tilespmem:$0x1EC50] =	vst v0  }
0x60: {  	[tilespmem:$0x1EC60] =	vst v0  }
0x61: {  	[tilespmem:$0x1EC70] =	vst v0  }
0x62: {  	[tilespmem:$0x1EC80] =	vst v0  }
0x63: {  	[tilespmem:$0x1EC90] =	vst v0  }
0x64: {  	[tilespmem:$0x1ECA0] =	vst v0  }
0x65: {  	[tilespmem:$0x1ECB0] =	vst v0  }
0x66: {  	[tilespmem:$0x1ECC0] =	vst v0  }
0x67: {  	[tilespmem:$0x1ECD0] =	vst v0  }
0x68: {  	[tilespmem:$0x1ECE0] =	vst v0  }
0x69: {  	[tilespmem:$0x1ECF0] =	vst v0  }
0x6a: {  	[tilespmem:$0x1ED00] =	vst v1  }
0x6b: {  	[tilespmem:$0x1ED10] =	vst v1  }
0x6c: {  	[tilespmem:$0x1ED20] =	vst v1  }
0x6d: {  	[tilespmem:$0x1ED30] =	vst v1  }
0x6e: {  	[tilespmem:$0x1ED40] =	vst v1  }
0x6f: {  	[tilespmem:$0x1ED50] =	vst v1  }
0x70: {  	[tilespmem:$0x1ED60] =	vst v1  }
0x71: {  	s12 =	simm.s32 $0x1EA80;
	[tilespmem:$0x1ED70] =	vst v1  }
0x72: {  	[spmem:s11] =	stream.linear.scatter [tilespmem:s12], [sflag:$0x4], $0x280, $0x38;
	[tilespmem:$0x1ED80] =	vst v63  }
0x73: {  	_ =	swait.ge [sflag:s24], $0x280  }
0x74: {  	[sflag:s24] =	ssyncset.done $0x0  }
0x75: {  	[sflag:s24] =	ssyncadd.s32 $0xFFFFFD80  }
0x76: {  	[bflag:$0x0] =	sbarrier.arrive $0xFFFF  }
0x77: {  	s10 =	simm.s32 $0x0;
	s12 =	rddreg [dreg:$0xa]  }
0x78: {  	[tilespmem:s26], [sflag:$0x4] =	stream.linear.gather [hbm4b:s12+s10], $0x1400, $0x38;
	[tilespmem:$0x1ED80] =	vst v63  }
0x79: {  	_ =	swait.ge [sflag:s24], $0x1400  }
0x7a: {  	[sflag:s24] =	ssyncset.done $0x0  }
0x7b: {  	s13 =	rddreg [dreg:$0xb];
	[sflag:s24] =	ssyncadd.s32 $0xFFFFEC00  }
0x7c: {  	[tilespmem:s28], [sflag:$0x4] =	stream.linear.gather [hbm4b:s13+s10], $0x1400, $0x38;
	[tilespmem:$0x1ED80] =	vst v63  }
0x7d: {  	_ =	swait.ge [sflag:s24], $0x1400  }
0x7e: {  	[sflag:s24] =	ssyncset.done $0x0  }
0x7f: {  	[sflag:s24] =	ssyncadd.s32 $0xFFFFEC00  }
0x80: {  	[tilespmem:s23], [sflag:$0x1] =	stream.indirect.gather [hbm4b:s5+s29], $0x80, s26, s29, $0xb8;
	[tilespmem:$0x1ED80] =	vst v63  }
0x81: {  	_ = 	snop  }
0x82: {  	[tilespmem:s31], [sflag:$0x2] =	stream.indirect.gather [hbm4b:s5+s29], $0x80, s30, s29, $0xb8;
	[tilespmem:$0x1ED80] =	vst v63  }
0x83: {  	_ =	swait.ge [sflag:s0], $0x4000  }
0x84: {  	[sflag:s0] =	ssyncset.done $0x0  }
0x85: {  	s13 =	simm.s32 $0x15680;
	[sflag:s0] =	ssyncadd.s32 $0xFFFFC000  }
0x86: {  	[spmem:s3] =	stream.indirect.scatter.add.f32 [tilespmem:s25], [sflag:$0x3], $0x1, s13, s29, $0xb8;
	[tilespmem:$0x1ED80] =	vst v63  }
0x87: {  	_ = 	snop  }
0x88: {  	[spmem:s2] =	stream.indirect.scatter.add.f32 [tilespmem:s23], [sflag:$0x4], $0x80, s13, s29, $0xb8;
	[tilespmem:$0x1ED80] =	vst v63  }
0x89: {  	_ =	swait.ge [sflag:s24], $0x4000  }
0x8a: {  	[sflag:s24] =	ssyncset.done $0x0  }
0x8b: {  	s12 =	simm.s32 $0x14380;
	[sflag:s24] =	ssyncadd.s32 $0xFFFFC000  }
0x8c: {  	[tilespmem:s23], [sflag:$0x1] =	stream.indirect.gather [hbm4b:s5+s29], $0x80, s12, s29, $0xb8;
	[tilespmem:$0x1ED80] =	vst v63  }
0x8d: {  	_ =	swait.ge [sflag:s1], $0x4000  }
0x8e: {  	[sflag:s1] =	ssyncset.done $0x0  }
0x8f: {  	s13 =	simm.s32 $0x15700;
	[sflag:s1] =	ssyncadd.s32 $0xFFFFC000  }
0x90: {  	[spmem:s3] =	stream.indirect.scatter.add.f32 [tilespmem:s25], [sflag:$0x3], $0x1, s13, s29, $0xb8;
	[tilespmem:$0x1ED80] =	vst v63  }
0x91: {  	_ = 	snop  }
0x92: {  	[spmem:s2] =	stream.indirect.scatter.add.f32 [tilespmem:s31], [sflag:$0x4], $0x80, s13, s29, $0xb8;
	[tilespmem:$0x1ED80] =	vst v63  }
0x93: {  	_ =	swait.ge [sflag:s24], $0x4000  }
0x94: {  	[sflag:s24] =	ssyncset.done $0x0  }
0x95: {  	s10 =	simm.s32 $0x400;
	s12 =	simm.s32 $0x14400;
	[sflag:s24] =	ssyncadd.s32 $0xFFFFC000  }
.LBB2_4:
0x96: {  	[tilespmem:s31], [sflag:$0x2] =	stream.indirect.gather [hbm4b:s5+s29], $0x80, s12, s29, $0xb8;
	[tilespmem:$0x1ED80] =	vst v63  }
0x97: {  	s12 =	smov.u32 s10  }
0x98: {  	p0 =	sne.s32 s10, $0x4800;
	s10 =	sadd.s32 $0x400, s10;
	_ =	swait.ge [sflag:s0], $0x4000  }
0x99: {  	s12 =	sshra.s32 s12, $0x2;
	[sflag:s0] =	ssyncset.done $0x0  }
0x9a: {  	s13 =	sadd.s32 $0x15680, s12;
	[sflag:s0] =	ssyncadd.s32 $0xFFFFC000  }
0x9b: {  	[spmem:s3] =	stream.indirect.scatter.add.f32 [tilespmem:s25], [sflag:$0x3], $0x1, s13, s29, $0xb8;
	[tilespmem:$0x1ED80] =	vst v63  }
0x9c: {  	_ = 	snop  }
0x9d: {  	[spmem:s2] =	stream.indirect.scatter.add.f32 [tilespmem:s23], [sflag:$0x4], $0x80, s13, s29, $0xb8;
	[tilespmem:$0x1ED80] =	vst v63  }
0x9e: {  	_ =	swait.ge [sflag:s24], $0x4000  }
0x9f: {  	[sflag:s24] =	ssyncset.done $0x0  }
0xa0: {  	s13 =	sadd.s32 $0x14380, s12;
	[sflag:s24] =	ssyncadd.s32 $0xFFFFC000  }
0xa1: {  	[tilespmem:s23], [sflag:$0x1] =	stream.indirect.gather [hbm4b:s5+s29], $0x80, s13, s29, $0xb8;
	[tilespmem:$0x1ED80] =	vst v63  }
0xa2: {  	_ =	swait.ge [sflag:s1], $0x4000  }
0xa3: {  	[sflag:s1] =	ssyncset.done $0x0  }
0xa4: {  	s13 =	sadd.s32 $0x15700, s12;
	[sflag:s1] =	ssyncadd.s32 $0xFFFFC000  }
0xa5: {  	[spmem:s3] =	stream.indirect.scatter.add.f32 [tilespmem:s25], [sflag:$0x3], $0x1, s13, s29, $0xb8;
	[tilespmem:$0x1ED80] =	vst v63  }
.Ltmp1:
0xa6: {  	(pc) =	sbr.rel @p0 .LBB2_4-.Ltmp1, $4  }
0xa7: {  	[spmem:s2] =	stream.indirect.scatter.add.f32 [tilespmem:s31], [sflag:$0x4], $0x80, s13, s29, $0xb8;
	[tilespmem:$0x1ED80] =	vst v63  }
0xa8: {  	_ =	swait.ge [sflag:s24], $0x4000  }
0xa9: {  	[sflag:s24] =	ssyncset.done $0x0  }
0xaa: {  	s12 =	sadd.s32 $0x14400, s12;
	[sflag:s24] =	ssyncadd.s32 $0xFFFFC000  }
0xab: {  	[tilespmem:s31], [sflag:$0x2] =	stream.indirect.gather [hbm4b:s5+s29], $0x80, s12, s29, $0xb8;
	[tilespmem:$0x1ED80] =	vst v63  }
0xac: {  	_ =	swait.ge [sflag:s0], $0x4000  }
0xad: {  	[sflag:s0] =	ssyncset.done $0x0  }
0xae: {  	[sflag:s0] =	ssyncadd.s32 $0xFFFFC000  }
0xaf: {  	[spmem:s3] =	stream.indirect.scatter.add.f32 [tilespmem:s25], [sflag:$0x3], $0x1, s7, s29, $0xb8;
	[tilespmem:$0x1ED80] =	vst v63  }
0xb0: {  	_ = 	snop  }
0xb1: {  	[spmem:s2] =	stream.indirect.scatter.add.f32 [tilespmem:s23], [sflag:$0x4], $0x80, s7, s29, $0xb8;
	[tilespmem:$0x1ED80] =	vst v63  }
0xb2: {  	_ =	swait.ge [sflag:s24], $0x4000  }
0xb3: {  	[sflag:s24] =	ssyncset.done $0x0  }
0xb4: {  	[sflag:s24] =	ssyncadd.s32 $0xFFFFC000  }
0xb5: {  	_ =	swait.ge [sflag:s1], $0x4000  }
0xb6: {  	[sflag:s1] =	ssyncset.done $0x0  }
0xb7: {  	[sflag:s1] =	ssyncadd.s32 $0xFFFFC000  }
0xb8: {  	[spmem:s3] =	stream.indirect.scatter.add.f32 [tilespmem:s25], [sflag:$0x3], $0x1, s8, s29, $0xb8;
	[tilespmem:$0x1ED80] =	vst v63  }
0xb9: {  	_ = 	snop  }
0xba: {  	[spmem:s2] =	stream.indirect.scatter.add.f32 [tilespmem:s31], [sflag:$0x4], $0x80, s8, s29, $0xb8;
	[tilespmem:$0x1ED80] =	vst v63  }
0xbb: {  	_ =	swait.ge [sflag:s24], $0x4000  }
0xbc: {  	[sflag:s24] =	ssyncset.done $0x0  }
0xbd: {  	[sflag:s24] =	ssyncadd.s32 $0xFFFFC000  }
0xbe: {  	_ =	swait.ge [sflag:s9], $0x1400  }
0xbf: {  	[sflag:s9] =	ssyncset.done $0x0  }
0xc0: {  	s10 =	simm.s32 $0x0;
	s13 =	rddreg [dreg:$0xc];
	[sflag:s9] =	ssyncadd.s32 $0xFFFFEC00  }
0xc1: {  	[tilespmem:s26], [sflag:$0x4] =	stream.linear.gather [hbm4b:s13+s10], $0x1400, $0x38;
	[tilespmem:$0x1ED80] =	vst v63  }
0xc2: {  	_ =	swait.ge [sflag:s24], $0x1400  }
0xc3: {  	[sflag:s24] =	ssyncset.done $0x0  }
0xc4: {  	[sflag:s24] =	ssyncadd.s32 $0xFFFFEC00  }
0xc5: {  	[tilespmem:s28], [sflag:$0x4] =	stream.linear.gather [hbm4b:s15+s10], $0x1400, $0x38;
	[tilespmem:$0x1ED80] =	vst v63  }
0xc6: {  	_ =	swait.ge [sflag:s24], $0x1400  }
0xc7: {  	[sflag:s24] =	ssyncset.done $0x0  }
0xc8: {  	[sflag:s24] =	ssyncadd.s32 $0xFFFFEC00  }
0xc9: {  	[tilespmem:s23], [sflag:$0x1] =	stream.indirect.gather [hbm4b:s5+s29], $0x80, s26, s29, $0xb8;
	[tilespmem:$0x1ED80] =	vst v63  }
0xca: {  	_ = 	snop  }
0xcb: {  	[tilespmem:s31], [sflag:$0x2] =	stream.indirect.gather [hbm4b:s5+s29], $0x80, s30, s29, $0xb8;
	[tilespmem:$0x1ED80] =	vst v63  }
0xcc: {  	_ =	swait.ge [sflag:s0], $0x4000  }
0xcd: {  	[sflag:s0] =	ssyncset.done $0x0  }
0xce: {  	s13 =	simm.s32 $0x15680;
	[sflag:s0] =	ssyncadd.s32 $0xFFFFC000  }
0xcf: {  	[spmem:s3] =	stream.indirect.scatter.add.f32 [tilespmem:s25], [sflag:$0x3], $0x1, s13, s29, $0xb8;
	[tilespmem:$0x1ED80] =	vst v63  }
0xd0: {  	_ = 	snop  }
0xd1: {  	[spmem:s2] =	stream.indirect.scatter.add.f32 [tilespmem:s23], [sflag:$0x4], $0x80, s13, s29, $0xb8;
	[tilespmem:$0x1ED80] =	vst v63  }
0xd2: {  	_ =	swait.ge [sflag:s24], $0x4000  }
0xd3: {  	[sflag:s24] =	ssyncset.done $0x0  }
0xd4: {  	s12 =	simm.s32 $0x14380;
	[sflag:s24] =	ssyncadd.s32 $0xFFFFC000  }
0xd5: {  	[tilespmem:s23], [sflag:$0x1] =	stream.indirect.gather [hbm4b:s5+s29], $0x80, s12, s29, $0xb8;
	[tilespmem:$0x1ED80] =	vst v63  }
0xd6: {  	_ =	swait.ge [sflag:s1], $0x4000  }
0xd7: {  	[sflag:s1] =	ssyncset.done $0x0  }
0xd8: {  	s13 =	simm.s32 $0x15700;
	[sflag:s1] =	ssyncadd.s32 $0xFFFFC000  }
0xd9: {  	[spmem:s3] =	stream.indirect.scatter.add.f32 [tilespmem:s25], [sflag:$0x3], $0x1, s13, s29, $0xb8;
	[tilespmem:$0x1ED80] =	vst v63  }
0xda: {  	_ = 	snop  }
0xdb: {  	[spmem:s2] =	stream.indirect.scatter.add.f32 [tilespmem:s31], [sflag:$0x4], $0x80, s13, s29, $0xb8;
	[tilespmem:$0x1ED80] =	vst v63  }
0xdc: {  	_ =	swait.ge [sflag:s24], $0x4000  }
0xdd: {  	[sflag:s24] =	ssyncset.done $0x0  }
0xde: {  	s10 =	simm.s32 $0x400;
	s12 =	simm.s32 $0x14400;
	[sflag:s24] =	ssyncadd.s32 $0xFFFFC000  }
.LBB2_6:
0xdf: {  	[tilespmem:s31], [sflag:$0x2] =	stream.indirect.gather [hbm4b:s5+s29], $0x80, s12, s29, $0xb8;
	[tilespmem:$0x1ED80] =	vst v63  }
0xe0: {  	s12 =	smov.u32 s10  }
0xe1: {  	p0 =	sne.s32 s10, $0x4800;
	s10 =	sadd.s32 $0x400, s10;
	_ =	swait.ge [sflag:s0], $0x4000  }
0xe2: {  	s12 =	sshra.s32 s12, $0x2;
	[sflag:s0] =	ssyncset.done $0x0  }
0xe3: {  	s13 =	sadd.s32 $0x15680, s12;
	[sflag:s0] =	ssyncadd.s32 $0xFFFFC000  }
0xe4: {  	[spmem:s3] =	stream.indirect.scatter.add.f32 [tilespmem:s25], [sflag:$0x3], $0x1, s13, s29, $0xb8;
	[tilespmem:$0x1ED80] =	vst v63  }
0xe5: {  	_ = 	snop  }
0xe6: {  	[spmem:s2] =	stream.indirect.scatter.add.f32 [tilespmem:s23], [sflag:$0x4], $0x80, s13, s29, $0xb8;
	[tilespmem:$0x1ED80] =	vst v63  }
0xe7: {  	_ =	swait.ge [sflag:s24], $0x4000  }
0xe8: {  	[sflag:s24] =	ssyncset.done $0x0  }
0xe9: {  	s13 =	sadd.s32 $0x14380, s12;
	[sflag:s24] =	ssyncadd.s32 $0xFFFFC000  }
0xea: {  	[tilespmem:s23], [sflag:$0x1] =	stream.indirect.gather [hbm4b:s5+s29], $0x80, s13, s29, $0xb8;
	[tilespmem:$0x1ED80] =	vst v63  }
0xeb: {  	_ =	swait.ge [sflag:s1], $0x4000  }
0xec: {  	[sflag:s1] =	ssyncset.done $0x0  }
0xed: {  	s13 =	sadd.s32 $0x15700, s12;
	[sflag:s1] =	ssyncadd.s32 $0xFFFFC000  }
0xee: {  	[spmem:s3] =	stream.indirect.scatter.add.f32 [tilespmem:s25], [sflag:$0x3], $0x1, s13, s29, $0xb8;
	[tilespmem:$0x1ED80] =	vst v63  }
.Ltmp2:
0xef: {  	(pc) =	sbr.rel @p0 .LBB2_6-.Ltmp2, $4  }
0xf0: {  	[spmem:s2] =	stream.indirect.scatter.add.f32 [tilespmem:s31], [sflag:$0x4], $0x80, s13, s29, $0xb8;
	[tilespmem:$0x1ED80] =	vst v63  }
0xf1: {  	_ =	swait.ge [sflag:s24], $0x4000  }
0xf2: {  	[sflag:s24] =	ssyncset.done $0x0  }
0xf3: {  	s12 =	sadd.s32 $0x14400, s12;
	[sflag:s24] =	ssyncadd.s32 $0xFFFFC000  }
0xf4: {  	[tilespmem:s31], [sflag:$0x2] =	stream.indirect.gather [hbm4b:s5+s29], $0x80, s12, s29, $0xb8;
	[tilespmem:$0x1ED80] =	vst v63  }
0xf5: {  	_ =	swait.ge [sflag:s0], $0x4000  }
0xf6: {  	[sflag:s0] =	ssyncset.done $0x0  }
0xf7: {  	[sflag:s0] =	ssyncadd.s32 $0xFFFFC000  }
0xf8: {  	[spmem:s3] =	stream.indirect.scatter.add.f32 [tilespmem:s25], [sflag:$0x3], $0x1, s7, s29, $0xb8;
	[tilespmem:$0x1ED80] =	vst v63  }
0xf9: {  	_ = 	snop  }
0xfa: {  	[spmem:s2] =	stream.indirect.scatter.add.f32 [tilespmem:s23], [sflag:$0x4], $0x80, s7, s29, $0xb8;
	[tilespmem:$0x1ED80] =	vst v63  }
0xfb: {  	_ =	swait.ge [sflag:s24], $0x4000  }
0xfc: {  	[sflag:s24] =	ssyncset.done $0x0  }
0xfd: {  	[sflag:s24] =	ssyncadd.s32 $0xFFFFC000  }
0xfe: {  	_ =	swait.ge [sflag:s1], $0x4000  }
0xff: {  	[sflag:s1] =	ssyncset.done $0x0  }
0x100: {  	[sflag:s1] =	ssyncadd.s32 $0xFFFFC000  }
0x101: {  	[spmem:s3] =	stream.indirect.scatter.add.f32 [tilespmem:s25], [sflag:$0x3], $0x1, s8, s29, $0xb8;
	[tilespmem:$0x1ED80] =	vst v63  }
0x102: {  	_ = 	snop  }
0x103: {  	[spmem:s2] =	stream.indirect.scatter.add.f32 [tilespmem:s31], [sflag:$0x4], $0x80, s8, s29, $0xb8;
	[tilespmem:$0x1ED80] =	vst v63  }
0x104: {  	_ =	swait.ge [sflag:s24], $0x4000  }
0x105: {  	[sflag:s24] =	ssyncset.done $0x0  }
0x106: {  	[sflag:s24] =	ssyncadd.s32 $0xFFFFC000  }
0x107: {  	_ =	swait.ge [sflag:s9], $0x1400  }
0x108: {  	[sflag:s9] =	ssyncset.done $0x0  }
0x109: {  	s10 =	simm.s32 $0x0;
	[sflag:s9] =	ssyncadd.s32 $0xFFFFEC00  }
0x10a: {  	[tilespmem:s26], [sflag:$0x4] =	stream.linear.gather [hbm4b:s16+s10], $0x1400, $0x38;
	[tilespmem:$0x1ED80] =	vst v63  }
0x10b: {  	_ =	swait.ge [sflag:s24], $0x1400  }
0x10c: {  	[sflag:s24] =	ssyncset.done $0x0  }
0x10d: {  	[sflag:s24] =	ssyncadd.s32 $0xFFFFEC00  }
0x10e: {  	[tilespmem:s28], [sflag:$0x4] =	stream.linear.gather [hbm4b:s17+s10], $0x1400, $0x38;
	[tilespmem:$0x1ED80] =	vst v63  }
0x10f: {  	_ =	swait.ge [sflag:s24], $0x1400  }
0x110: {  	[sflag:s24] =	ssyncset.done $0x0  }
0x111: {  	[sflag:s24] =	ssyncadd.s32 $0xFFFFEC00  }
0x112: {  	[tilespmem:s23], [sflag:$0x1] =	stream.indirect.gather [hbm4b:s5+s29], $0x80, s26, s29, $0xb8;
	[tilespmem:$0x1ED80] =	vst v63  }
0x113: {  	_ = 	snop  }
0x114: {  	[tilespmem:s31], [sflag:$0x2] =	stream.indirect.gather [hbm4b:s5+s29], $0x80, s30, s29, $0xb8;
	[tilespmem:$0x1ED80] =	vst v63  }
0x115: {  	_ =	swait.ge [sflag:s0], $0x4000  }
0x116: {  	[sflag:s0] =	ssyncset.done $0x0  }
0x117: {  	s13 =	simm.s32 $0x15680;
	[sflag:s0] =	ssyncadd.s32 $0xFFFFC000  }
0x118: {  	[spmem:s3] =	stream.indirect.scatter.add.f32 [tilespmem:s25], [sflag:$0x3], $0x1, s13, s29, $0xb8;
	[tilespmem:$0x1ED80] =	vst v63  }
0x119: {  	_ = 	snop  }
0x11a: {  	[spmem:s2] =	stream.indirect.scatter.add.f32 [tilespmem:s23], [sflag:$0x4], $0x80, s13, s29, $0xb8;
	[tilespmem:$0x1ED80] =	vst v63  }
0x11b: {  	_ =	swait.ge [sflag:s24], $0x4000  }
0x11c: {  	[sflag:s24] =	ssyncset.done $0x0  }
0x11d: {  	s12 =	simm.s32 $0x14380;
	[sflag:s24] =	ssyncadd.s32 $0xFFFFC000  }
0x11e: {  	[tilespmem:s23], [sflag:$0x1] =	stream.indirect.gather [hbm4b:s5+s29], $0x80, s12, s29, $0xb8;
	[tilespmem:$0x1ED80] =	vst v63  }
0x11f: {  	_ =	swait.ge [sflag:s1], $0x4000  }
0x120: {  	[sflag:s1] =	ssyncset.done $0x0  }
0x121: {  	s13 =	simm.s32 $0x15700;
	[sflag:s1] =	ssyncadd.s32 $0xFFFFC000  }
0x122: {  	[spmem:s3] =	stream.indirect.scatter.add.f32 [tilespmem:s25], [sflag:$0x3], $0x1, s13, s29, $0xb8;
	[tilespmem:$0x1ED80] =	vst v63  }
0x123: {  	_ = 	snop  }
0x124: {  	[spmem:s2] =	stream.indirect.scatter.add.f32 [tilespmem:s31], [sflag:$0x4], $0x80, s13, s29, $0xb8;
	[tilespmem:$0x1ED80] =	vst v63  }
0x125: {  	_ =	swait.ge [sflag:s24], $0x4000  }
0x126: {  	[sflag:s24] =	ssyncset.done $0x0  }
0x127: {  	s10 =	simm.s32 $0x400;
	s12 =	simm.s32 $0x14400;
	[sflag:s24] =	ssyncadd.s32 $0xFFFFC000  }
.LBB2_8:
0x128: {  	[tilespmem:s31], [sflag:$0x2] =	stream.indirect.gather [hbm4b:s5+s29], $0x80, s12, s29, $0xb8;
	[tilespmem:$0x1ED80] =	vst v63  }
0x129: {  	s12 =	smov.u32 s10  }
0x12a: {  	p0 =	sne.s32 s10, $0x4800;
	s10 =	sadd.s32 $0x400, s10;
	_ =	swait.ge [sflag:s0], $0x4000  }
0x12b: {  	s12 =	sshra.s32 s12, $0x2;
	[sflag:s0] =	ssyncset.done $0x0  }
0x12c: {  	s13 =	sadd.s32 $0x15680, s12;
	[sflag:s0] =	ssyncadd.s32 $0xFFFFC000  }
0x12d: {  	[spmem:s3] =	stream.indirect.scatter.add.f32 [tilespmem:s25], [sflag:$0x3], $0x1, s13, s29, $0xb8;
	[tilespmem:$0x1ED80] =	vst v63  }
0x12e: {  	_ = 	snop  }
0x12f: {  	[spmem:s2] =	stream.indirect.scatter.add.f32 [tilespmem:s23], [sflag:$0x4], $0x80, s13, s29, $0xb8;
	[tilespmem:$0x1ED80] =	vst v63  }
0x130: {  	_ =	swait.ge [sflag:s24], $0x4000  }
0x131: {  	[sflag:s24] =	ssyncset.done $0x0  }
0x132: {  	s13 =	sadd.s32 $0x14380, s12;
	[sflag:s24] =	ssyncadd.s32 $0xFFFFC000  }
0x133: {  	[tilespmem:s23], [sflag:$0x1] =	stream.indirect.gather [hbm4b:s5+s29], $0x80, s13, s29, $0xb8;
	[tilespmem:$0x1ED80] =	vst v63  }
0x134: {  	_ =	swait.ge [sflag:s1], $0x4000  }
0x135: {  	[sflag:s1] =	ssyncset.done $0x0  }
0x136: {  	s13 =	sadd.s32 $0x15700, s12;
	[sflag:s1] =	ssyncadd.s32 $0xFFFFC000  }
0x137: {  	[spmem:s3] =	stream.indirect.scatter.add.f32 [tilespmem:s25], [sflag:$0x3], $0x1, s13, s29, $0xb8;
	[tilespmem:$0x1ED80] =	vst v63  }
.Ltmp3:
0x138: {  	(pc) =	sbr.rel @p0 .LBB2_8-.Ltmp3, $4  }
0x139: {  	[spmem:s2] =	stream.indirect.scatter.add.f32 [tilespmem:s31], [sflag:$0x4], $0x80, s13, s29, $0xb8;
	[tilespmem:$0x1ED80] =	vst v63  }
0x13a: {  	_ =	swait.ge [sflag:s24], $0x4000  }
0x13b: {  	[sflag:s24] =	ssyncset.done $0x0  }
0x13c: {  	s12 =	sadd.s32 $0x14400, s12;
	[sflag:s24] =	ssyncadd.s32 $0xFFFFC000  }
0x13d: {  	[tilespmem:s31], [sflag:$0x2] =	stream.indirect.gather [hbm4b:s5+s29], $0x80, s12, s29, $0xb8;
	[tilespmem:$0x1ED80] =	vst v63  }
0x13e: {  	_ =	swait.ge [sflag:s0], $0x4000  }
0x13f: {  	[sflag:s0] =	ssyncset.done $0x0  }
0x140: {  	[sflag:s0] =	ssyncadd.s32 $0xFFFFC000  }
0x141: {  	[spmem:s3] =	stream.indirect.scatter.add.f32 [tilespmem:s25], [sflag:$0x3], $0x1, s7, s29, $0xb8;
	[tilespmem:$0x1ED80] =	vst v63  }
0x142: {  	_ = 	snop  }
0x143: {  	[spmem:s2] =	stream.indirect.scatter.add.f32 [tilespmem:s23], [sflag:$0x4], $0x80, s7, s29, $0xb8;
	[tilespmem:$0x1ED80] =	vst v63  }
0x144: {  	_ =	swait.ge [sflag:s24], $0x4000  }
0x145: {  	[sflag:s24] =	ssyncset.done $0x0  }
0x146: {  	[sflag:s24] =	ssyncadd.s32 $0xFFFFC000  }
0x147: {  	_ =	swait.ge [sflag:s1], $0x4000  }
0x148: {  	[sflag:s1] =	ssyncset.done $0x0  }
0x149: {  	[sflag:s1] =	ssyncadd.s32 $0xFFFFC000  }
0x14a: {  	[spmem:s3] =	stream.indirect.scatter.add.f32 [tilespmem:s25], [sflag:$0x3], $0x1, s8, s29, $0xb8;
	[tilespmem:$0x1ED80] =	vst v63  }
0x14b: {  	_ = 	snop  }
0x14c: {  	[spmem:s2] =	stream.indirect.scatter.add.f32 [tilespmem:s31], [sflag:$0x4], $0x80, s8, s29, $0xb8;
	[tilespmem:$0x1ED80] =	vst v63  }
0x14d: {  	_ =	swait.ge [sflag:s24], $0x4000  }
0x14e: {  	[sflag:s24] =	ssyncset.done $0x0  }
0x14f: {  	[sflag:s24] =	ssyncadd.s32 $0xFFFFC000  }
0x150: {  	_ =	swait.ge [sflag:s9], $0x1400  }
0x151: {  	[sflag:s9] =	ssyncset.done $0x0  }
0x152: {  	s10 =	simm.s32 $0x0;
	[sflag:s9] =	ssyncadd.s32 $0xFFFFEC00  }
0x153: {  	[tilespmem:s26], [sflag:$0x4] =	stream.linear.gather [hbm4b:s18+s10], $0x1400, $0x38;
	[tilespmem:$0x1ED80] =	vst v63  }
0x154: {  	_ =	swait.ge [sflag:s24], $0x1400  }
0x155: {  	[sflag:s24] =	ssyncset.done $0x0  }
0x156: {  	[sflag:s24] =	ssyncadd.s32 $0xFFFFEC00  }
0x157: {  	[tilespmem:s28], [sflag:$0x4] =	stream.linear.gather [hbm4b:s19+s10], $0x1400, $0x38;
	[tilespmem:$0x1ED80] =	vst v63  }
0x158: {  	_ =	swait.ge [sflag:s24], $0x1400  }
0x159: {  	[sflag:s24] =	ssyncset.done $0x0  }
0x15a: {  	[sflag:s24] =	ssyncadd.s32 $0xFFFFEC00  }
0x15b: {  	[tilespmem:s23], [sflag:$0x1] =	stream.indirect.gather [hbm4b:s5+s29], $0x80, s26, s29, $0xb8;
	[tilespmem:$0x1ED80] =	vst v63  }
0x15c: {  	_ = 	snop  }
0x15d: {  	[tilespmem:s31], [sflag:$0x2] =	stream.indirect.gather [hbm4b:s5+s29], $0x80, s30, s29, $0xb8;
	[tilespmem:$0x1ED80] =	vst v63  }
0x15e: {  	_ =	swait.ge [sflag:s0], $0x4000  }
0x15f: {  	[sflag:s0] =	ssyncset.done $0x0  }
0x160: {  	s13 =	simm.s32 $0x15680;
	[sflag:s0] =	ssyncadd.s32 $0xFFFFC000  }
0x161: {  	[spmem:s3] =	stream.indirect.scatter.add.f32 [tilespmem:s25], [sflag:$0x3], $0x1, s13, s29, $0xb8;
	[tilespmem:$0x1ED80] =	vst v63  }
0x162: {  	_ = 	snop  }
0x163: {  	[spmem:s2] =	stream.indirect.scatter.add.f32 [tilespmem:s23], [sflag:$0x4], $0x80, s13, s29, $0xb8;
	[tilespmem:$0x1ED80] =	vst v63  }
0x164: {  	_ =	swait.ge [sflag:s24], $0x4000  }
0x165: {  	[sflag:s24] =	ssyncset.done $0x0  }
0x166: {  	s12 =	simm.s32 $0x14380;
	[sflag:s24] =	ssyncadd.s32 $0xFFFFC000  }
0x167: {  	[tilespmem:s23], [sflag:$0x1] =	stream.indirect.gather [hbm4b:s5+s29], $0x80, s12, s29, $0xb8;
	[tilespmem:$0x1ED80] =	vst v63  }
0x168: {  	_ =	swait.ge [sflag:s1], $0x4000  }
0x169: {  	[sflag:s1] =	ssyncset.done $0x0  }
0x16a: {  	s13 =	simm.s32 $0x15700;
	[sflag:s1] =	ssyncadd.s32 $0xFFFFC000  }
0x16b: {  	[spmem:s3] =	stream.indirect.scatter.add.f32 [tilespmem:s25], [sflag:$0x3], $0x1, s13, s29, $0xb8;
	[tilespmem:$0x1ED80] =	vst v63  }
0x16c: {  	_ = 	snop  }
0x16d: {  	[spmem:s2] =	stream.indirect.scatter.add.f32 [tilespmem:s31], [sflag:$0x4], $0x80, s13, s29, $0xb8;
	[tilespmem:$0x1ED80] =	vst v63  }
0x16e: {  	_ =	swait.ge [sflag:s24], $0x4000  }
0x16f: {  	[sflag:s24] =	ssyncset.done $0x0  }
0x170: {  	s10 =	simm.s32 $0x400;
	s12 =	simm.s32 $0x14400;
	[sflag:s24] =	ssyncadd.s32 $0xFFFFC000  }
.LBB2_10:
0x171: {  	[tilespmem:s31], [sflag:$0x2] =	stream.indirect.gather [hbm4b:s5+s29], $0x80, s12, s29, $0xb8;
	[tilespmem:$0x1ED80] =	vst v63  }
0x172: {  	s12 =	smov.u32 s10  }
0x173: {  	p0 =	sne.s32 s10, $0x4800;
	s10 =	sadd.s32 $0x400, s10;
	_ =	swait.ge [sflag:s0], $0x4000  }
0x174: {  	s12 =	sshra.s32 s12, $0x2;
	[sflag:s0] =	ssyncset.done $0x0  }
0x175: {  	s13 =	sadd.s32 $0x15680, s12;
	[sflag:s0] =	ssyncadd.s32 $0xFFFFC000  }
0x176: {  	[spmem:s3] =	stream.indirect.scatter.add.f32 [tilespmem:s25], [sflag:$0x3], $0x1, s13, s29, $0xb8;
	[tilespmem:$0x1ED80] =	vst v63  }
0x177: {  	_ = 	snop  }
0x178: {  	[spmem:s2] =	stream.indirect.scatter.add.f32 [tilespmem:s23], [sflag:$0x4], $0x80, s13, s29, $0xb8;
	[tilespmem:$0x1ED80] =	vst v63  }
0x179: {  	_ =	swait.ge [sflag:s24], $0x4000  }
0x17a: {  	[sflag:s24] =	ssyncset.done $0x0  }
0x17b: {  	s13 =	sadd.s32 $0x14380, s12;
	[sflag:s24] =	ssyncadd.s32 $0xFFFFC000  }
0x17c: {  	[tilespmem:s23], [sflag:$0x1] =	stream.indirect.gather [hbm4b:s5+s29], $0x80, s13, s29, $0xb8;
	[tilespmem:$0x1ED80] =	vst v63  }
0x17d: {  	_ =	swait.ge [sflag:s1], $0x4000  }
0x17e: {  	[sflag:s1] =	ssyncset.done $0x0  }
0x17f: {  	s13 =	sadd.s32 $0x15700, s12;
	[sflag:s1] =	ssyncadd.s32 $0xFFFFC000  }
0x180: {  	[spmem:s3] =	stream.indirect.scatter.add.f32 [tilespmem:s25], [sflag:$0x3], $0x1, s13, s29, $0xb8;
	[tilespmem:$0x1ED80] =	vst v63  }
.Ltmp4:
0x181: {  	(pc) =	sbr.rel @p0 .LBB2_10-.Ltmp4, $4  }
0x182: {  	[spmem:s2] =	stream.indirect.scatter.add.f32 [tilespmem:s31], [sflag:$0x4], $0x80, s13, s29, $0xb8;
	[tilespmem:$0x1ED80] =	vst v63  }
0x183: {  	_ =	swait.ge [sflag:s24], $0x4000  }
0x184: {  	[sflag:s24] =	ssyncset.done $0x0  }
0x185: {  	s12 =	sadd.s32 $0x14400, s12;
	[sflag:s24] =	ssyncadd.s32 $0xFFFFC000  }
0x186: {  	[tilespmem:s31], [sflag:$0x2] =	stream.indirect.gather [hbm4b:s5+s29], $0x80, s12, s29, $0xb8;
	[tilespmem:$0x1ED80] =	vst v63  }
0x187: {  	_ =	swait.ge [sflag:s0], $0x4000  }
0x188: {  	[sflag:s0] =	ssyncset.done $0x0  }
0x189: {  	[sflag:s0] =	ssyncadd.s32 $0xFFFFC000  }
0x18a: {  	[spmem:s3] =	stream.indirect.scatter.add.f32 [tilespmem:s25], [sflag:$0x3], $0x1, s7, s29, $0xb8;
	[tilespmem:$0x1ED80] =	vst v63  }
0x18b: {  	_ = 	snop  }
0x18c: {  	[spmem:s2] =	stream.indirect.scatter.add.f32 [tilespmem:s23], [sflag:$0x4], $0x80, s7, s29, $0xb8;
	[tilespmem:$0x1ED80] =	vst v63  }
0x18d: {  	_ =	swait.ge [sflag:s24], $0x4000  }
0x18e: {  	[sflag:s24] =	ssyncset.done $0x0  }
0x18f: {  	[sflag:s24] =	ssyncadd.s32 $0xFFFFC000  }
0x190: {  	_ =	swait.ge [sflag:s1], $0x4000  }
0x191: {  	[sflag:s1] =	ssyncset.done $0x0  }
0x192: {  	[sflag:s1] =	ssyncadd.s32 $0xFFFFC000  }
0x193: {  	[spmem:s3] =	stream.indirect.scatter.add.f32 [tilespmem:s25], [sflag:$0x3], $0x1, s8, s29, $0xb8;
	[tilespmem:$0x1ED80] =	vst v63  }
0x194: {  	_ = 	snop  }
0x195: {  	[spmem:s2] =	stream.indirect.scatter.add.f32 [tilespmem:s31], [sflag:$0x4], $0x80, s8, s29, $0xb8;
	[tilespmem:$0x1ED80] =	vst v63  }
0x196: {  	_ =	swait.ge [sflag:s24], $0x4000  }
0x197: {  	[sflag:s24] =	ssyncset.done $0x0  }
0x198: {  	[sflag:s24] =	ssyncadd.s32 $0xFFFFC000  }
0x199: {  	_ =	swait.ge [sflag:s9], $0x1400  }
0x19a: {  	s10 =	stileid.u32;
	[sflag:s9] =	ssyncset.done $0x0  }
0x19b: {  	s10 =	sshll.u32 s10, $0x6;
	[sflag:s9] =	ssyncadd.s32 $0xFFFFEC00  }
0x19c: {  	s13 =	sshrl.u32 s6, $0x3;
	s10 =	sor.u32 $0x1C04, s10;
	[bflag:$0x0] =	sbarrier.arrive $0xFFFF  }
0x19d: {  	[hbm:s20], [sflag:s10] =	dma.local [spmem:s13], $0x2800  }
0x19e: {  	s4 =	sadd.s32 $0x1, s4;
	_ =	swait.ge [sflag:s24], $0x2800  }
0x19f: {  	s12 =	sshrl.u32 s11, $0x3;
	p0 =	sne.s32 s4, s22;
	[sflag:s24] =	ssyncset.done $0x0  }
.Ltmp5:
0x1a0: {  	s13 =	simm.s32 $0x20;
	[sflag:s24] =	ssyncadd.s32 $0xFFFFD800;
	(pc) =	sbr.rel @p0 .LBB2_1-.Ltmp5, $4  }
0x1a1: {  	[hbm:s21@s13], [sflag:s10] =	dma.strided [spmem:s12@s14], $0x50, s0, $0x10   }
0x1a2: {  	_ =	swait.ge [sflag:s24], $0x50  }
0x1a3: {  	[sflag:s24] =	ssyncset.done $0x0  }
0x1a4: {  	[sflag:s24] =	ssyncadd.s32 $0xFFFFFFB0  }
0x1a5: {  	_ =	sfence.sel $0x180000  }
0x1a6: {  	[bflag:$0x0] =	sbarrier.arrive $0xFFFF  }
0x1a7: {  	_ =	strace $0x90000047  }
0x1a8: {  	s0 =	stileid.u32;
	[bflag:$0x2] =	sbarrier.arrive $0xFFFF  }
0x1a9: {  	p0 =	sne.s32 s0, $0x0;
	s0 =	rddreg [dreg:$0x5]  }
0x1aa: {  	s0 =	sadd.s32 @!p0 $0x100000, s0  }
0x1ab: {  	[sflag:s0] =	ssyncadd.tile.s32 @!p0 $0x1;
	_ =	shalt  }
.Lfunc_end2:
_tile_overlayer_lowered:
.L_overlay_start_2:
0x1ac: {  	(tag) =	ssettag $0x2  }
0x1ad: {  	s0 =	rddreg [dreg:$0x0];
	s2 =	stileid.u32  }
0x1ae: {  	s1 =	rddreg [dreg:$0x1];
	p0 =	sne.s32 s2, $0x0  }
0x1af: {  	s3 =	rddreg [dreg:$0x2];
	[bflag:$0x3] =	sbarrier.arrive $0xFFFF;
	s2 =	simm.s32 @!p0 $0x1C04  }
0x1b0: {  	[timem:s3], [sflag:s2] =	dma.local @!p0 [hbm:s0], s1  }
0x1b1: {  	s0 =	simm.s32 @!p0 $0x4  }
0x1b2: {  	_ =	swait.ge @!p0 [sflag:s0], s1  }
0x1b3: {  	s1 =	ssub.s32 @!p0 $0x0, s1;
	[sflag:s0] =	ssyncset.done @!p0 $0x0  }
0x1b4: {  	[sflag:s0] =	ssyncadd.s32 @!p0 s1  }
0x1b5: {  	[bflag:$0x3] =	sbarrier.arrive $0xFFFF  }
0x1b6: {  	_ =	shalt  }

</sc_bundles>
